<compile_context>
chip_gen: v7x
topology: tpu7x:2x2x1
jax: 0.10.2.dev20260603
libtpu: 0.0.44.dev20260713+nightly
codegen_flags: <defaults>
</compile_context>

<pallas_src>
import functools
import math

import jax
import jax.numpy as jnp
from jax import lax
from jax.experimental import pallas as pl
from jax.experimental.pallas import tpu as pltpu
from jax.experimental.pallas import tpu_sc as plsc

_NC = 80
_NA = 3
_ANCHOR_T = 4.0
_ANCHORS = (
    ((1.25, 1.625), (2.0, 3.75), (4.125, 2.875)),
    ((1.875, 3.8125), (3.875, 2.8125), (3.6875, 7.4375)),
    ((3.625, 2.8125), (4.875, 6.1875), (11.65625, 10.1875)),
)
_BAL = (4.0, 1.0, 0.4)
_P = 3072
_NW = 32
_PW = _P // _NW
_DB = 4096


def _softplus(x):
    return jnp.maximum(x, 0.0) + jnp.log1p(jnp.exp(-jnp.abs(x)))


def _atan_pos(x):
    t1 = x > 2.414213562373095
    t2 = x > 0.4142135623730951
    xr = jnp.where(t1, -1.0 / jnp.maximum(x, 1e-30),
                   jnp.where(t2, (x - 1.0) / (x + 1.0), x))
    y0 = jnp.where(t1, math.pi / 2, jnp.where(t2, math.pi / 4, 0.0))
    z = xr * xr
    p = (((8.05374449538e-2 * z - 1.38776856032e-1) * z
          + 1.99777106478e-1) * z - 3.33329491539e-1) * z * xr + xr
    return y0 + p


_CH = 24


def _sc_gather(t0, t1, t2, i0, i1, i2):
    mesh = plsc.VectorSubcoreMesh(core_axis_name="c", subcore_axis_name="s")

    @functools.partial(
        pl.kernel,
        out_type=tuple(jax.ShapeDtypeStruct((_P, 85), jnp.float32) for _ in range(3)),
        mesh=mesh,
        scratch_types=(
            pltpu.VMEM((_PW,), jnp.int32),
            pltpu.VMEM((_PW, 85), jnp.float32),
            pltpu.SemaphoreType.DMA,
        ),
        compiler_params=pltpu.CompilerParams(needs_layout_passes=False),
    )
    def gather_k(t0r, t1r, t2r, i0r, i1r, i2r, o0r, o1r, o2r,
                 idx_v, rows, sem):
        wid = lax.axis_index("s") * 2 + lax.axis_index("c")
        base = wid * _PW
        tabs = (t0r, t1r, t2r)
        idxs = (i0r, i1r, i2r)
        outs = (o0r, o1r, o2r)
        lanes = lax.iota(jnp.int32, 16)
        for l in range(3):
            pltpu.sync_copy(idxs[l].at[pl.ds(base, _PW)], idx_v)
            for g in range(_PW // 16):
                vec = idx_v[pl.ds(g * 16, 16)]

                def issue(c, _, l=l, g=g, vec=vec):
                    k = jnp.sum(jnp.where(lanes == c, vec, 0))
                    pltpu.async_copy(
                        tabs[l].at[pl.ds(k, 1)],
                        rows.at[pl.ds(g * 16 + c, 1)], sem)
                    return 0

                lax.fori_loop(0, 16, issue, 0)
                pltpu.make_async_copy(
                    tabs[l].at[pl.ds(0, 16)],
                    rows.at[pl.ds(g * 16, 16)], sem).wait()
            pltpu.sync_copy(rows, outs[l].at[pl.ds(base, _PW)])

    return gather_k(t0, t1, t2, i0, i1, i2)


def _dense_obj_sums(f0, f1, f2):
    nblocks = f0.shape[0] // _DB

    def body(x0_ref, x1_ref, x2_ref, o_ref):
        i = pl.program_id(0)

        @pl.when(i == 0)
        def _():
            o_ref[...] = jnp.zeros_like(o_ref)

        r = lax.broadcasted_iota(jnp.int32, (8, 128), 0)
        c = lax.broadcasted_iota(jnp.int32, (8, 128), 1)

        def accum(x_ref, lvl):
            x = x_ref[:, 4:5].reshape(_DB // 128, 128)
            s = jnp.sum(_softplus(x))
            o_ref[...] += jnp.where((r == lvl) & (c == 0), s, 0.0)

        accum(x0_ref, 0)

        @pl.when(i % 4 == 0)
        def _():
            accum(x1_ref, 1)

        @pl.when(i % 16 == 0)
        def _():
            accum(x2_ref, 2)

    return pl.pallas_call(
        body,
        grid=(nblocks,),
        in_specs=[
            pl.BlockSpec((_DB, 85), lambda i: (i, 0)),
            pl.BlockSpec((_DB, 85), lambda i: (i // 4, 0)),
            pl.BlockSpec((_DB, 85), lambda i: (i // 16, 0)),
        ],
        out_specs=pl.BlockSpec((8, 128), lambda i: (0, 0)),
        out_shape=jax.ShapeDtypeStruct((8, 128), jnp.float32),
        compiler_params=pltpu.CompilerParams(
            dimension_semantics=("arbitrary",)),
    )(f0, f1, f2)


def _cand_stats(psT, meta):
    def body(ps_ref, mt_ref, o_ref):
        eps = 1e-7
        cls_full = mt_ref[7]
        acc_sp = [jnp.zeros((72, 128), jnp.float32) for _ in range(4)]
        acc_cl = [jnp.zeros((72, 128), jnp.float32) for _ in range(4)]
        for c in range(_NC):
            x = ps_ref[5 + c]
            acc_sp[c % 4] = acc_sp[c % 4] + _softplus(x)
            acc_cl[c % 4] = acc_cl[c % 4] + jnp.where(cls_full == float(c), x, 0.0)
        lcls_full = ((acc_sp[0] + acc_sp[1]) + (acc_sp[2] + acc_sp[3])
                     - ((acc_cl[0] + acc_cl[1]) + (acc_cl[2] + acc_cl[3])))

        rows = []
        for l in range(3):
            r0 = 24 * l

            def mt(c):
                return mt_ref[c, r0:r0 + 24, :]

            def ps(c):
                return ps_ref[c, r0:r0 + 24, :]

            mf = mt(6)
            sig0 = 1.0 / (1.0 + jnp.exp(-ps(0)))
            sig1 = 1.0 / (1.0 + jnp.exp(-ps(1)))
            sig2 = 1.0 / (1.0 + jnp.exp(-ps(2)))
            sig3 = 1.0 / (1.0 + jnp.exp(-ps(3)))
            pxw = sig0 * 2.0 - 0.5
            pyw = sig1 * 2.0 - 0.5
            pww = (sig2 * 2.0) ** 2 * mt(4)
            phw = (sig3 * 2.0) ** 2 * mt(5)
            b1x1 = pxw - pww / 2
            b1x2 = pxw + pww / 2
            b1y1 = pyw - phw / 2
            b1y2 = pyw + phw / 2
            b2x1 = mt(0) - mt(2) / 2
            b2x2 = mt(0) + mt(2) / 2
            b2y1 = mt(1) - mt(3) / 2
            b2y2 = mt(1) + mt(3) / 2
            inter = (jnp.clip(jnp.minimum(b1x2, b2x2) - jnp.maximum(b1x1, b2x1), 0.0, None)
                     * jnp.clip(jnp.minimum(b1y2, b2y2) - jnp.maximum(b1y1, b2y1), 0.0, None))
            w1 = b1x2 - b1x1
            h1 = b1y2 - b1y1 + eps
            w2 = b2x2 - b2x1
            h2 = b2y2 - b2y1 + eps
            union = w1 * h1 + w2 * h2 - inter + eps
            iou = inter / union
            cw = jnp.maximum(b1x2, b2x2) - jnp.minimum(b1x1, b2x1)
            ch = jnp.maximum(b1y2, b2y2) - jnp.minimum(b1y1, b2y1)
            c2 = cw ** 2 + ch ** 2 + eps
            rho2 = ((b2x1 + b2x2 - b1x1 - b1x2) ** 2
                    + (b2y1 + b2y2 - b1y1 - b1y2) ** 2) / 4.0
            v = (4.0 / math.pi ** 2) * (_atan_pos(w2 / h2) - _atan_pos(w1 / h1)) ** 2
            alpha = v / (v - iou + (1.0 + eps))
            ciou = iou - (rho2 / c2 + v * alpha)

            rows.append(jnp.sum(mf, axis=0, keepdims=True))
            rows.append(jnp.sum((1.0 - ciou) * mf, axis=0, keepdims=True))
            rows.append(jnp.sum(lcls_full[r0:r0 + 24, :] * mf,
                                axis=0, keepdims=True))
            rows.append(jnp.sum(ps(4) * jnp.clip(iou, 0.0, None) * mf,
                                axis=0, keepdims=True))
        o_ref[...] = jnp.concatenate(rows + [jnp.zeros((4, 128), jnp.float32)],
                                     axis=0)

    return pl.pallas_call(
        body,
        out_shape=jax.ShapeDtypeStruct((16, 128), jnp.float32),
    )(psT, meta)


def _build_candidates(targets, shapes):
    nt = targets.shape[0]
    ai = jnp.tile(jnp.arange(_NA, dtype=jnp.float32)[:, None], (1, nt))
    t_all = jnp.concatenate(
        [jnp.tile(targets[None], (_NA, 1, 1)), ai[..., None]], axis=2)
    g = 0.5
    off = jnp.array([[0, 0], [1, 0], [0, 1], [-1, 0], [0, -1]],
                    dtype=jnp.float32) * g
    out = []
    for i in range(3):
        anchors = jnp.array(_ANCHORS[i], dtype=jnp.float32)
        H, W = shapes[i][2], shapes[i][3]
        gain = jnp.array([1, 1, W, H, W, H, 1], dtype=jnp.float32)
        t = t_all * gain
        r = t[..., 4:6] / anchors[:, None, :]
        j = jnp.max(jnp.maximum(r, 1.0 / r), axis=-1) < _ANCHOR_T
        t_f = t.reshape(_NA * nt, 7)
        j_f = j.reshape(_NA * nt)
        gxy = t_f[:, 2:4]
        gxi = gain[2:4] - gxy
        jj, kk = ((gxy % 1.0 < g) & (gxy > 1.0)).T
        ll, mm = ((gxi % 1.0 < g) & (gxi > 1.0)).T
        jmask = jnp.stack([jnp.ones_like(jj), jj, kk, ll, mm]) & j_f[None]
        n5 = 5 * _NA * nt
        t_rep = jnp.tile(t_f[None], (5, 1, 1)).reshape(n5, 7)
        offsets = (jnp.zeros_like(gxy)[None] + off[:, None, :]).reshape(n5, 2)
        m_rep = jmask.reshape(n5)
        b = t_rep[:, 0].astype(jnp.int32)
        c = t_rep[:, 1]
        gxy = t_rep[:, 2:4]
        gwh = t_rep[:, 4:6]
        gij = (gxy - offsets).astype(jnp.int32)
        gi = jnp.clip(gij[:, 0], 0, W - 1)
        gj = jnp.clip(gij[:, 1], 0, H - 1)
        a = t_rep[:, 6].astype(jnp.int32)
        lin = ((b * _NA + a) * H + gj) * W + gi
        tb = jnp.concatenate([gxy - gij.astype(jnp.float32), gwh], axis=1)
        anch = anchors[a]
        pad = _P - n5

        def padded(x):
            return jnp.pad(x, ((0, pad),) + ((0, 0),) * (x.ndim - 1))

        out.append(dict(
            idx=padded(lin),
            tbox=padded(tb),
            anch=padded(anch),
            cls=padded(c),
            mask=padded(m_rep.astype(jnp.float32)),
        ))
    return out


def kernel(pred0, pred1, pred2, targets):
    preds = (pred0, pred1, pred2)
    shapes = [p.shape for p in preds]
    flats = [p.reshape(-1, 85) for p in preds]
    cands = _build_candidates(targets, shapes)

    ps0, ps1, ps2 = _sc_gather(
        flats[0], flats[1], flats[2],
        cands[0]["idx"], cands[1]["idx"], cands[2]["idx"])

    dsums = _dense_obj_sums(flats[0], flats[1], flats[2])
    dense = [dsums[l, 0] for l in range(3)]

    ps_all = jnp.concatenate([ps0, ps1, ps2], axis=0)
    psT = ps_all.reshape(85, 72, 128)
    meta = jnp.stack([
        jnp.concatenate([c["tbox"][:, 0] for c in cands]),
        jnp.concatenate([c["tbox"][:, 1] for c in cands]),
        jnp.concatenate([c["tbox"][:, 2] for c in cands]),
        jnp.concatenate([c["tbox"][:, 3] for c in cands]),
        jnp.concatenate([c["anch"][:, 0] for c in cands]),
        jnp.concatenate([c["anch"][:, 1] for c in cands]),
        jnp.concatenate([c["mask"] for c in cands]),
        jnp.concatenate([c["cls"] for c in cands]),
    ]).reshape(8, 72, 128)

    stats = jnp.sum(_cand_stats(psT, meta), axis=1)

    loss = jnp.float32(0.0)
    for l in range(3):
        cnt = jnp.maximum(stats[4 * l + 0], 1.0)
        lbox = stats[4 * l + 1]
        lcls = stats[4 * l + 2]
        xval = stats[4 * l + 3]
        n_l = flats[l].shape[0]
        lobj = (dense[l] - xval) / n_l * _BAL[l]
        loss = loss + lbox / cnt + 0.5 * lobj + 0.05 * lcls / (cnt * _NC)
    return loss

# --- scband reference (transcript-rebuilt; emitter-appended) ---
"""Pipeline reference for scband-multi-head-loss-54829552501134 (READ-ONLY COPY).

The authoritative reference and input builder live on the scoring server;
editing this copy changes nothing except your own understanding.
"""

import jax, jax.numpy as jnp
import numpy as np
import math

NC = 80
GR = 1.0
NA = 3
ANCHOR_T = 4.0
ANCHORS = [
    jnp.array([[1.25, 1.625], [2.0, 3.75], [4.125, 2.875]], dtype=jnp.float32),
    jnp.array([[1.875, 3.8125], [3.875, 2.8125], [3.6875, 7.4375]], dtype=jnp.float32),
    jnp.array([[3.625, 2.8125], [4.875, 6.1875], [11.65625, 10.1875]], dtype=jnp.float32),
]


def setup_inputs(seed: int = 0) -> dict:
    key = jax.random.key(seed)
    k1, k2, k3, k4, k5, k6, k7 = jax.random.split(key, 7)
    B = 16
    pred0 = jax.random.normal(k1, (B, 3, 64, 64, 85), dtype=jnp.float32)
    pred1 = jax.random.normal(k2, (B, 3, 32, 32, 85), dtype=jnp.float32)
    pred2 = jax.random.normal(k3, (B, 3, 16, 16, 85), dtype=jnp.float32)
    nt = 200
    img = jax.random.randint(k4, (nt,), 0, B).astype(jnp.float32)
    cls = jax.random.randint(k5, (nt,), 0, NC).astype(jnp.float32)
    xy = jax.random.uniform(k6, (nt, 2), minval=0.05, maxval=0.95, dtype=jnp.float32)
    wh = jax.random.uniform(k7, (nt, 2), minval=0.02, maxval=0.3, dtype=jnp.float32)
    targets = jnp.concatenate([img[:, None], cls[:, None], xy, wh], axis=1)
    return {"pred0": pred0, "pred1": pred1, "pred2": pred2, "targets": targets}


def bce_with_logits_mean(x, t):
    return jnp.mean(jnp.maximum(x, 0.0) - x * t + jnp.log1p(jnp.exp(-jnp.abs(x))))


def bbox_iou_ciou(box1, box2, eps=1e-7):
    # box1: [4, n] xywh; box2: [n, 4] xywh; CIoU (yolov5 style)
    b1_x1 = box1[0] - box1[2] / 2
    b1_x2 = box1[0] + box1[2] / 2
    b1_y1 = box1[1] - box1[3] / 2
    b1_y2 = box1[1] + box1[3] / 2
    b2_x1 = box2[:, 0] - box2[:, 2] / 2
    b2_x2 = box2[:, 0] + box2[:, 2] / 2
    b2_y1 = box2[:, 1] - box2[:, 3] / 2
    b2_y2 = box2[:, 1] + box2[:, 3] / 2
    inter = jnp.clip(jnp.minimum(b1_x2, b2_x2) - jnp.maximum(b1_x1, b2_x1), 0.0, None) * \
            jnp.clip(jnp.minimum(b1_y2, b2_y2) - jnp.maximum(b1_y1, b2_y1), 0.0, None)
    w1, h1 = b1_x2 - b1_x1, b1_y2 - b1_y1 + eps
    w2, h2 = b2_x2 - b2_x1, b2_y2 - b2_y1 + eps
    union = w1 * h1 + w2 * h2 - inter + eps
    iou = inter / union
    cw = jnp.maximum(b1_x2, b2_x2) - jnp.minimum(b1_x1, b2_x1)
    ch = jnp.maximum(b1_y2, b2_y2) - jnp.minimum(b1_y1, b2_y1)
    c2 = cw ** 2 + ch ** 2 + eps
    rho2 = ((b2_x1 + b2_x2 - b1_x1 - b1_x2) ** 2 + (b2_y1 + b2_y2 - b1_y1 - b1_y2) ** 2) / 4.0
    v = (4.0 / math.pi ** 2) * (jnp.arctan(w2 / h2) - jnp.arctan(w1 / h1)) ** 2
    alpha = jax.lax.stop_gradient(v / (v - iou + (1.0 + eps)))
    return iou - (rho2 / c2 + v * alpha)


def build_targets(pred_shapes, targets):
    # Standard YOLOv5 build_targets. targets: [nt, 6] = (img, cls, x, y, w, h) normalized.
    nt = targets.shape[0]
    tcls, tbox, indices, anch, masks = [], [], [], [], []
    ai = jnp.tile(jnp.arange(NA, dtype=jnp.float32)[:, None], (1, nt))
    t_all = jnp.concatenate([jnp.tile(targets[None], (NA, 1, 1)), ai[..., None]], axis=2)  # [na, nt, 7]
    g = 0.5
    off = jnp.array([[0, 0], [1, 0], [0, 1], [-1, 0], [0, -1]], dtype=jnp.float32) * g
    for i in range(3):
        anchors = ANCHORS[i]
        shape = pred_shapes[i]
        gain = jnp.ones(7, dtype=jnp.float32)
        gain = gain.at[2:6].set(jnp.array([shape[3], shape[2], shape[3], shape[2]], dtype=jnp.float32))
        t = t_all * gain
        if nt:
            r = t[..., 4:6] / anchors[:, None, :]
            j = jnp.max(jnp.maximum(r, 1.0 / r), axis=-1) < ANCHOR_T  # [na, nt]
            t_f = t.reshape(NA * nt, 7)
            j_f = j.reshape(NA * nt)
            gxy = t_f[:, 2:4]
            gxi = gain[2:4] - gxy
            jj, kk = ((gxy % 1.0 < g) & (gxy > 1.0)).T
            ll, mm = ((gxi % 1.0 < g) & (gxi > 1.0)).T
            jmask = jnp.stack([jnp.ones_like(jj), jj, kk, ll, mm]) & j_f[None]
            t_rep = jnp.tile(t_f[None], (5, 1, 1)).reshape(5 * NA * nt, 7)
            offsets = (jnp.zeros_like(gxy)[None] + off[:, None, :]).reshape(5 * NA * nt, 2)
            m_rep = jmask.reshape(5 * NA * nt)
        else:
            t_rep = jnp.zeros((0, 7), dtype=jnp.float32)
            offsets = jnp.zeros((0, 2), dtype=jnp.float32)
            m_rep = jnp.zeros((0,), dtype=bool)
        b = t_rep[:, 0].astype(jnp.int32)
        c = t_rep[:, 1].astype(jnp.int32)
        gxy = t_rep[:, 2:4]
        gwh = t_rep[:, 4:6]
        gij = (gxy - offsets).astype(jnp.int32)
        gi, gj = gij[:, 0], gij[:, 1]
        a = t_rep[:, 6].astype(jnp.int32)
        indices.append((b, a, jnp.clip(gj, 0, shape[2] - 1), jnp.clip(gi, 0, shape[3] - 1)))
        tbox.append(jnp.concatenate([gxy - gij.astype(jnp.float32), gwh], axis=1))
        anch.append(anchors[a])
        tcls.append(c)
        masks.append(m_rep)
    return tcls, tbox, indices, anch, masks


def multihead_loss(preds, targets):
    lambdas = [1.0, 1.0, 1.0]
    box_gain, cls_gain, obj_gain = 0.05, 0.5, 1.0
    cp, cn = 1.0, 0.0  # smooth_BCE(eps=0.0)
    tcls, tbox, indices, anchors, masks = build_targets([p.shape for p in preds], targets)
    lcls = 0.0
    lbox = 0.0
    lobj = 0.0
    no = len(preds)
    balance = [4.0, 1.0, 0.4] if no == 3 else [4.0, 1.0, 0.4, 0.1]
    for i, pi in enumerate(preds):
        b, a, gj, gi = indices[i]
        m = masks[i]
        tobj = jnp.zeros(pi.shape[:-1], dtype=pi.dtype)
        n = int(b.shape[0])
        if n:
            mf = m.astype(pi.dtype)
            cnt = jnp.maximum(jnp.sum(mf), 1.0)
            ps = pi[b, a, gj, gi]
            pxy = jax.nn.sigmoid(ps[:, :2]) * 2.0 - 0.5
            pwh = (jax.nn.sigmoid(ps[:, 2:4]) * 2.0) ** 2 * anchors[i]
            pbox = jnp.concatenate([pxy, pwh], axis=1)
            iou = bbox_iou_ciou(pbox.T, tbox[i])
            lbox = lbox + jnp.sum((1.0 - iou) * mf) / cnt
            val = (1.0 - GR + GR * jnp.clip(jax.lax.stop_gradient(iou), 0.0, None)).astype(tobj.dtype)
            b_s = jnp.where(m, b, pi.shape[0])
            tobj = tobj.at[b_s, a, gj, gi].set(val)
            if NC > 1:
                t = jnp.full(ps[:, 5:].shape, cn, dtype=ps.dtype)
                t = t.at[jnp.arange(n), tcls[i]].set(cp)
                x = ps[:, 5:]
                e = jnp.maximum(x, 0.0) - x * t + jnp.log1p(jnp.exp(-jnp.abs(x)))
                lcls = lcls + jnp.sum(e * mf[:, None]) / (cnt * (ps.shape[1] - 5))
        lobj = lobj + bce_with_logits_mean(pi[..., 4], tobj) * balance[i]
    s = 3.0 / no
    lcls = lcls * box_gain * s * lambdas[0]
    lobj = lobj * cls_gain * s * (1.4 if no == 4 else 1.0) * lambdas[1]
    lbox = lbox * obj_gain * s * lambdas[2]
    return lbox + lobj + lcls


def reference(pred0, pred1, pred2, targets):
    return multihead_loss([pred0, pred1, pred2], targets)

if __name__ == "__main__":
    import jax
    _d = setup_inputs()
    print(jax.jit(kernel)(*tuple(_d.values())))

</pallas_src>

<mosaic_0001>
#map = affine_map<(d0, d1) -> (0, 0)>
#map1 = affine_map<(d0, d1) -> (0)>
module attributes {stable_mosaic.version = 14 : i64} {
  func.func @gather_k(%arg0: i32, %arg1: i32, %arg2: memref<196608x85xf32, #tpu.memory_space<hbm>>, %arg3: memref<49152x85xf32, #tpu.memory_space<hbm>>, %arg4: memref<12288x85xf32, #tpu.memory_space<hbm>>, %arg5: memref<3072xi32, #tpu.memory_space<hbm>>, %arg6: memref<3072xi32, #tpu.memory_space<hbm>>, %arg7: memref<3072xi32, #tpu.memory_space<hbm>>, %arg8: memref<3072x85xf32, #tpu.memory_space<hbm>>, %arg9: memref<3072x85xf32, #tpu.memory_space<hbm>>, %arg10: memref<3072x85xf32, #tpu.memory_space<hbm>>, %arg11: memref<96xi32, #tpu.memory_space<vmem>>, %arg12: memref<96x85xf32, #tpu.memory_space<vmem>>, %arg13: memref<!tpu.dma_semaphore, #tpu.memory_space<semaphore_mem>>) attributes {dimension_semantics = [#tpu.dimension_semantics<core_parallel>, #tpu.dimension_semantics<subcore_parallel>], iteration_bounds = array<i64: 2, 16>, scalar_prefetch = 0 : i64, scratch_operands = 3 : i64, tpu.core_type = #tpu.core_type<sc_vector_subcore>, window_params = [{transform_indices = #map}, {transform_indices = #map}, {transform_indices = #map}, {transform_indices = #map1}, {transform_indices = #map1}, {transform_indices = #map1}, {transform_indices = #map}, {transform_indices = #map}, {transform_indices = #map}]} {
    %mul3A = arith.constant 2 : i32
    %mul3A_0 = arith.muli %arg1, %mul3A : i32
    %add3A = arith.addi %mul3A_0, %arg0 : i32
    %mul3A_1 = arith.constant 96 : i32
    %mul3A_2 = arith.muli %add3A, %mul3A_1 : i32
    %iota3A = tpu.iota {dimensions = array<i32: 0>} : vector<16xi32>
    "tpu.region"() ({
      %run_scoped3A = tpu.sem_alloc : memref<!tpu.dma_semaphore, #tpu.memory_space<semaphore_mem>>
      %dma_start3A = tpu.memref_slice %arg5[%mul3A_2] : memref<3072xi32, #tpu.memory_space<hbm>> -> memref<96xi32, #tpu.memory_space<hbm>>
      %dma_start3A_378 = tpu.memref_slice %arg5[%mul3A_2] : memref<3072xi32, #tpu.memory_space<hbm>> -> memref<96xi32, #tpu.memory_space<hbm>>
      tpu.enqueue_dma source(%dma_start3A_378 : memref<96xi32, #tpu.memory_space<hbm>>) target(%arg11 : memref<96xi32, #tpu.memory_space<vmem>>) target_semaphore(%run_scoped3A : memref<!tpu.dma_semaphore, #tpu.memory_space<semaphore_mem>>)
      %dma_wait3A_379 = tpu.memref_slice %arg5[%mul3A_2] : memref<3072xi32, #tpu.memory_space<hbm>> -> memref<96xi32, #tpu.memory_space<hbm>>
      %dma_wait3A_380 = tpu.memref_slice %arg5[%mul3A_2] : memref<3072xi32, #tpu.memory_space<hbm>> -> memref<96xi32, #tpu.memory_space<hbm>>
      tpu.wait_dma2 semaphore(%run_scoped3A : memref<!tpu.dma_semaphore, #tpu.memory_space<semaphore_mem>>) src(%dma_wait3A_380 : memref<96xi32, #tpu.memory_space<hbm>>) dst(%arg11 : memref<96xi32, #tpu.memory_space<vmem>>)
      tpu.yield
    }) : () -> ()
    %get3A = arith.constant 0 : index
    %get3A_3 = tpu.vector_load %arg11[%get3A] {strides = array<i32>} : memref<96xi32, #tpu.memory_space<vmem>>, vector<16xi32>,
    %scan3A = arith.constant 0 : i32
    %scan3A_4 = arith.constant 0 : i32
    %scan3A_5 = arith.constant 16 : i32
    %scan3A_6 = arith.addi %scan3A_4, %scan3A_5 : i32
    %scan3A_7 = arith.constant 1 : i32
    %scan3A_8 = scf.for %scan3A_378 = %scan3A_4 to %scan3A_6 step %scan3A_7 iter_args(%scan3A_379 = %scan3A) -> (i32)  : i32 {
      %eq3A = vector.broadcast %scan3A_378 : i32 to vector<16xi32>
      %eq3A_380 = arith.cmpi eq, %iota3A, %eq3A : vector<16xi32>
      %jit3A = arith.constant 0 : i32
      %broadcast_in_dim3A = vector.broadcast %jit3A : i32 to vector<16xi32>
      %select_n3A = arith.select %eq3A_380, %get3A_3, %broadcast_in_dim3A : vector<16xi1>, vector<16xi32>
      %reduce_sum3A = arith.constant true
      %reduce_sum3A_381 = vector.broadcast %reduce_sum3A : i1 to vector<16xi1>
      %reduce_sum3A_382 = tpu.scan <sum>, %select_n3A masked %reduce_sum3A_381 : vector<16xi32>, vector<16xi1> -> vector<16xi32>
      %reduce_sum3A_383 = vector.extract %reduce_sum3A_382[15] : i32 from vector<16xi32>
      %add3A_384 = arith.constant 0 : i32
      %add3A_385 = arith.addi %add3A_384, %scan3A_378 : i32
      %dma_start3A = arith.constant 0 : i32
      %dma_start3A_386 = tpu.memref_slice %arg12[%add3A_385, %dma_start3A] : memref<96x85xf32, #tpu.memory_space<vmem>> -> memref<1x85xf32, #tpu.memory_space<vmem>>
      %dma_start3A_387 = arith.constant 0 : i32
      %dma_start3A_388 = tpu.memref_slice %arg2[%reduce_sum3A_383, %dma_start3A_387] : memref<196608x85xf32, #tpu.memory_space<hbm>> -> memref<1x85xf32, #tpu.memory_space<hbm>>
      %dma_start3A_389 = arith.constant 0 : i32
      %dma_start3A_390 = tpu.memref_slice %arg12[%add3A_385, %dma_start3A_389] : memref<96x85xf32, #tpu.memory_space<vmem>> -> memref<1x85xf32, #tpu.memory_space<vmem>>
      %dma_start3A_391 = arith.constant 0 : i32
      %dma_start3A_392 = tpu.memref_slice %arg2[%reduce_sum3A_383, %dma_start3A_391] : memref<196608x85xf32, #tpu.memory_space<hbm>> -> memref<1x85xf32, #tpu.memory_space<hbm>>
      tpu.enqueue_dma source(%dma_start3A_392 : memref<1x85xf32, #tpu.memory_space<hbm>>) target(%dma_start3A_390 : memref<1x85xf32, #tpu.memory_space<vmem>>) target_semaphore(%arg13 : memref<!tpu.dma_semaphore, #tpu.memory_space<semaphore_mem>>)
      %scan3A_393 = arith.constant 0 : i32
      scf.yield %scan3A_393 : i32
    }
    %scan3A_9 = arith.constant 16 : i32
    %dma_wait3A = arith.constant 0 : i32
    %dma_wait3A_10 = arith.constant 0 : i32
    %dma_wait3A_11 = tpu.memref_slice %arg12[%dma_wait3A, %dma_wait3A_10] : memref<96x85xf32, #tpu.memory_space<vmem>> -> memref<16x85xf32, #tpu.memory_space<vmem>>
    %dma_wait3A_12 = arith.constant 0 : i32
    %dma_wait3A_13 = arith.constant 0 : i32
    %dma_wait3A_14 = tpu.memref_slice %arg2[%dma_wait3A_12, %dma_wait3A_13] : memref<196608x85xf32, #tpu.memory_space<hbm>> -> memref<16x85xf32, #tpu.memory_space<hbm>>
    %dma_wait3A_15 = arith.constant 0 : i32
    %dma_wait3A_16 = arith.constant 0 : i32
    %dma_wait3A_17 = tpu.memref_slice %arg12[%dma_wait3A_15, %dma_wait3A_16] : memref<96x85xf32, #tpu.memory_space<vmem>> -> memref<16x85xf32, #tpu.memory_space<vmem>>
    %dma_wait3A_18 = arith.constant 0 : i32
    %dma_wait3A_19 = arith.constant 0 : i32
    %dma_wait3A_20 = tpu.memref_slice %arg2[%dma_wait3A_18, %dma_wait3A_19] : memref<196608x85xf32, #tpu.memory_space<hbm>> -> memref<16x85xf32, #tpu.memory_space<hbm>>
    tpu.wait_dma2 semaphore(%arg13 : memref<!tpu.dma_semaphore, #tpu.memory_space<semaphore_mem>>) src(%dma_wait3A_20 : memref<16x85xf32, #tpu.memory_space<hbm>>) dst(%dma_wait3A_17 : memref<16x85xf32, #tpu.memory_space<vmem>>)
    %get3A_21 = arith.constant 16 : index
    %get3A_22 = tpu.vector_load %arg11[%get3A_21] {strides = array<i32>} : memref<96xi32, #tpu.memory_space<vmem>>, vector<16xi32>,
    %scan3A_23 = arith.constant 0 : i32
    %scan3A_24 = arith.constant 0 : i32
    %scan3A_25 = arith.constant 16 : i32
    %scan3A_26 = arith.addi %scan3A_24, %scan3A_25 : i32
    %scan3A_27 = arith.constant 1 : i32
    %scan3A_28 = scf.for %scan3A_378 = %scan3A_24 to %scan3A_26 step %scan3A_27 iter_args(%scan3A_379 = %scan3A_23) -> (i32)  : i32 {
      %eq3A = vector.broadcast %scan3A_378 : i32 to vector<16xi32>
      %eq3A_380 = arith.cmpi eq, %iota3A, %eq3A : vector<16xi32>
      %jit3A = arith.constant 0 : i32
      %broadcast_in_dim3A = vector.broadcast %jit3A : i32 to vector<16xi32>
      %select_n3A = arith.select %eq3A_380, %get3A_22, %broadcast_in_dim3A : vector<16xi1>, vector<16xi32>
      %reduce_sum3A = arith.constant true
      %reduce_sum3A_381 = vector.broadcast %reduce_sum3A : i1 to vector<16xi1>
      %reduce_sum3A_382 = tpu.scan <sum>, %select_n3A masked %reduce_sum3A_381 : vector<16xi32>, vector<16xi1> -> vector<16xi32>
      %reduce_sum3A_383 = vector.extract %reduce_sum3A_382[15] : i32 from vector<16xi32>
      %add3A_384 = arith.constant 16 : i32
      %add3A_385 = arith.addi %add3A_384, %scan3A_378 : i32
      %dma_start3A = arith.constant 0 : i32
      %dma_start3A_386 = tpu.memref_slice %arg12[%add3A_385, %dma_start3A] : memref<96x85xf32, #tpu.memory_space<vmem>> -> memref<1x85xf32, #tpu.memory_space<vmem>>
      %dma_start3A_387 = arith.constant 0 : i32
      %dma_start3A_388 = tpu.memref_slice %arg2[%reduce_sum3A_383, %dma_start3A_387] : memref<196608x85xf32, #tpu.memory_space<hbm>> -> memref<1x85xf32, #tpu.memory_space<hbm>>
      %dma_start3A_389 = arith.constant 0 : i32
      %dma_start3A_390 = tpu.memref_slice %arg12[%add3A_385, %dma_start3A_389] : memref<96x85xf32, #tpu.memory_space<vmem>> -> memref<1x85xf32, #tpu.memory_space<vmem>>
      %dma_start3A_391 = arith.constant 0 : i32
      %dma_start3A_392 = tpu.memref_slice %arg2[%reduce_sum3A_383, %dma_start3A_391] : memref<196608x85xf32, #tpu.memory_space<hbm>> -> memref<1x85xf32, #tpu.memory_space<hbm>>
      tpu.enqueue_dma source(%dma_start3A_392 : memref<1x85xf32, #tpu.memory_space<hbm>>) target(%dma_start3A_390 : memref<1x85xf32, #tpu.memory_space<vmem>>) target_semaphore(%arg13 : memref<!tpu.dma_semaphore, #tpu.memory_space<semaphore_mem>>)
      %scan3A_393 = arith.constant 0 : i32
      scf.yield %scan3A_393 : i32
    }
    %scan3A_29 = arith.constant 16 : i32
    %dma_wait3A_30 = arith.constant 16 : i32
    %dma_wait3A_31 = arith.constant 0 : i32
    %dma_wait3A_32 = tpu.memref_slice %arg12[%dma_wait3A_30, %dma_wait3A_31] : memref<96x85xf32, #tpu.memory_space<vmem>> -> memref<16x85xf32, #tpu.memory_space<vmem>>
    %dma_wait3A_33 = arith.constant 0 : i32
    %dma_wait3A_34 = arith.constant 0 : i32
    %dma_wait3A_35 = tpu.memref_slice %arg2[%dma_wait3A_33, %dma_wait3A_34] : memref<196608x85xf32, #tpu.memory_space<hbm>> -> memref<16x85xf32, #tpu.memory_space<hbm>>
    %dma_wait3A_36 = arith.constant 16 : i32
    %dma_wait3A_37 = arith.constant 0 : i32
    %dma_wait3A_38 = tpu.memref_slice %arg12[%dma_wait3A_36, %dma_wait3A_37] : memref<96x85xf32, #tpu.memory_space<vmem>> -> memref<16x85xf32, #tpu.memory_space<vmem>>
    %dma_wait3A_39 = arith.constant 0 : i32
    %dma_wait3A_40 = arith.constant 0 : i32
    %dma_wait3A_41 = tpu.memref_slice %arg2[%dma_wait3A_39, %dma_wait3A_40] : memref<196608x85xf32, #tpu.memory_space<hbm>> -> memref<16x85xf32, #tpu.memory_space<hbm>>
    tpu.wait_dma2 semaphore(%arg13 : memref<!tpu.dma_semaphore, #tpu.memory_space<semaphore_mem>>) src(%dma_wait3A_41 : memref<16x85xf32, #tpu.memory_space<hbm>>) dst(%dma_wait3A_38 : memref<16x85xf32, #tpu.memory_space<vmem>>)
    %get3A_42 = arith.constant 32 : index
    %get3A_43 = tpu.vector_load %arg11[%get3A_42] {strides = array<i32>} : memref<96xi32, #tpu.memory_space<vmem>>, vector<16xi32>,
    %scan3A_44 = arith.constant 0 : i32
    %scan3A_45 = arith.constant 0 : i32
    %scan3A_46 = arith.constant 16 : i32
    %scan3A_47 = arith.addi %scan3A_45, %scan3A_46 : i32
    %scan3A_48 = arith.constant 1 : i32
    %scan3A_49 = scf.for %scan3A_378 = %scan3A_45 to %scan3A_47 step %scan3A_48 iter_args(%scan3A_379 = %scan3A_44) -> (i32)  : i32 {
      %eq3A = vector.broadcast %scan3A_378 : i32 to vector<16xi32>
      %eq3A_380 = arith.cmpi eq, %iota3A, %eq3A : vector<16xi32>
      %jit3A = arith.constant 0 : i32
      %broadcast_in_dim3A = vector.broadcast %jit3A : i32 to vector<16xi32>
      %select_n3A = arith.select %eq3A_380, %get3A_43, %broadcast_in_dim3A : vector<16xi1>, vector<16xi32>
      %reduce_sum3A = arith.constant true
      %reduce_sum3A_381 = vector.broadcast %reduce_sum3A : i1 to vector<16xi1>
      %reduce_sum3A_382 = tpu.scan <sum>, %select_n3A masked %reduce_sum3A_381 : vector<16xi32>, vector<16xi1> -> vector<16xi32>
      %reduce_sum3A_383 = vector.extract %reduce_sum3A_382[15] : i32 from vector<16xi32>
      %add3A_384 = arith.constant 32 : i32
      %add3A_385 = arith.addi %add3A_384, %scan3A_378 : i32
      %dma_start3A = arith.constant 0 : i32
      %dma_start3A_386 = tpu.memref_slice %arg12[%add3A_385, %dma_start3A] : memref<96x85xf32, #tpu.memory_space<vmem>> -> memref<1x85xf32, #tpu.memory_space<vmem>>
      %dma_start3A_387 = arith.constant 0 : i32
      %dma_start3A_388 = tpu.memref_slice %arg2[%reduce_sum3A_383, %dma_start3A_387] : memref<196608x85xf32, #tpu.memory_space<hbm>> -> memref<1x85xf32, #tpu.memory_space<hbm>>
      %dma_start3A_389 = arith.constant 0 : i32
      %dma_start3A_390 = tpu.memref_slice %arg12[%add3A_385, %dma_start3A_389] : memref<96x85xf32, #tpu.memory_space<vmem>> -> memref<1x85xf32, #tpu.memory_space<vmem>>
      %dma_start3A_391 = arith.constant 0 : i32
      %dma_start3A_392 = tpu.memref_slice %arg2[%reduce_sum3A_383, %dma_start3A_391] : memref<196608x85xf32, #tpu.memory_space<hbm>> -> memref<1x85xf32, #tpu.memory_space<hbm>>
      tpu.enqueue_dma source(%dma_start3A_392 : memref<1x85xf32, #tpu.memory_space<hbm>>) target(%dma_start3A_390 : memref<1x85xf32, #tpu.memory_space<vmem>>) target_semaphore(%arg13 : memref<!tpu.dma_semaphore, #tpu.memory_space<semaphore_mem>>)
      %scan3A_393 = arith.constant 0 : i32
      scf.yield %scan3A_393 : i32
    }
    %scan3A_50 = arith.constant 16 : i32
    %dma_wait3A_51 = arith.constant 32 : i32
    %dma_wait3A_52 = arith.constant 0 : i32
    %dma_wait3A_53 = tpu.memref_slice %arg12[%dma_wait3A_51, %dma_wait3A_52] : memref<96x85xf32, #tpu.memory_space<vmem>> -> memref<16x85xf32, #tpu.memory_space<vmem>>
    %dma_wait3A_54 = arith.constant 0 : i32
    %dma_wait3A_55 = arith.constant 0 : i32
    %dma_wait3A_56 = tpu.memref_slice %arg2[%dma_wait3A_54, %dma_wait3A_55] : memref<196608x85xf32, #tpu.memory_space<hbm>> -> memref<16x85xf32, #tpu.memory_space<hbm>>
    %dma_wait3A_57 = arith.constant 32 : i32
    %dma_wait3A_58 = arith.constant 0 : i32
    %dma_wait3A_59 = tpu.memref_slice %arg12[%dma_wait3A_57, %dma_wait3A_58] : memref<96x85xf32, #tpu.memory_space<vmem>> -> memref<16x85xf32, #tpu.memory_space<vmem>>
    %dma_wait3A_60 = arith.constant 0 : i32
    %dma_wait3A_61 = arith.constant 0 : i32
    %dma_wait3A_62 = tpu.memref_slice %arg2[%dma_wait3A_60, %dma_wait3A_61] : memref<196608x85xf32, #tpu.memory_space<hbm>> -> memref<16x85xf32, #tpu.memory_space<hbm>>
    tpu.wait_dma2 semaphore(%arg13 : memref<!tpu.dma_semaphore, #tpu.memory_space<semaphore_mem>>) src(%dma_wait3A_62 : memref<16x85xf32, #tpu.memory_space<hbm>>) dst(%dma_wait3A_59 : memref<16x85xf32, #tpu.memory_space<vmem>>)
    %get3A_63 = arith.constant 48 : index
    %get3A_64 = tpu.vector_load %arg11[%get3A_63] {strides = array<i32>} : memref<96xi32, #tpu.memory_space<vmem>>, vector<16xi32>,
    %scan3A_65 = arith.constant 0 : i32
    %scan3A_66 = arith.constant 0 : i32
    %scan3A_67 = arith.constant 16 : i32
    %scan3A_68 = arith.addi %scan3A_66, %scan3A_67 : i32
    %scan3A_69 = arith.constant 1 : i32
    %scan3A_70 = scf.for %scan3A_378 = %scan3A_66 to %scan3A_68 step %scan3A_69 iter_args(%scan3A_379 = %scan3A_65) -> (i32)  : i32 {
      %eq3A = vector.broadcast %scan3A_378 : i32 to vector<16xi32>
      %eq3A_380 = arith.cmpi eq, %iota3A, %eq3A : vector<16xi32>
      %jit3A = arith.constant 0 : i32
      %broadcast_in_dim3A = vector.broadcast %jit3A : i32 to vector<16xi32>
      %select_n3A = arith.select %eq3A_380, %get3A_64, %broadcast_in_dim3A : vector<16xi1>, vector<16xi32>
      %reduce_sum3A = arith.constant true
      %reduce_sum3A_381 = vector.broadcast %reduce_sum3A : i1 to vector<16xi1>
      %reduce_sum3A_382 = tpu.scan <sum>, %select_n3A masked %reduce_sum3A_381 : vector<16xi32>, vector<16xi1> -> vector<16xi32>
      %reduce_sum3A_383 = vector.extract %reduce_sum3A_382[15] : i32 from vector<16xi32>
      %add3A_384 = arith.constant 48 : i32
      %add3A_385 = arith.addi %add3A_384, %scan3A_378 : i32
      %dma_start3A = arith.constant 0 : i32
      %dma_start3A_386 = tpu.memref_slice %arg12[%add3A_385, %dma_start3A] : memref<96x85xf32, #tpu.memory_space<vmem>> -> memref<1x85xf32, #tpu.memory_space<vmem>>
      %dma_start3A_387 = arith.constant 0 : i32
      %dma_start3A_388 = tpu.memref_slice %arg2[%reduce_sum3A_383, %dma_start3A_387] : memref<196608x85xf32, #tpu.memory_space<hbm>> -> memref<1x85xf32, #tpu.memory_space<hbm>>
      %dma_start3A_389 = arith.constant 0 : i32
      %dma_start3A_390 = tpu.memref_slice %arg12[%add3A_385, %dma_start3A_389] : memref<96x85xf32, #tpu.memory_space<vmem>> -> memref<1x85xf32, #tpu.memory_space<vmem>>
      %dma_start3A_391 = arith.constant 0 : i32
      %dma_start3A_392 = tpu.memref_slice %arg2[%reduce_sum3A_383, %dma_start3A_391] : memref<196608x85xf32, #tpu.memory_space<hbm>> -> memref<1x85xf32, #tpu.memory_space<hbm>>
      tpu.enqueue_dma source(%dma_start3A_392 : memref<1x85xf32, #tpu.memory_space<hbm>>) target(%dma_start3A_390 : memref<1x85xf32, #tpu.memory_space<vmem>>) target_semaphore(%arg13 : memref<!tpu.dma_semaphore, #tpu.memory_space<semaphore_mem>>)
      %scan3A_393 = arith.constant 0 : i32
      scf.yield %scan3A_393 : i32
    }
    %scan3A_71 = arith.constant 16 : i32
    %dma_wait3A_72 = arith.constant 48 : i32
    %dma_wait3A_73 = arith.constant 0 : i32
    %dma_wait3A_74 = tpu.memref_slice %arg12[%dma_wait3A_72, %dma_wait3A_73] : memref<96x85xf32, #tpu.memory_space<vmem>> -> memref<16x85xf32, #tpu.memory_space<vmem>>
    %dma_wait3A_75 = arith.constant 0 : i32
    %dma_wait3A_76 = arith.constant 0 : i32
    %dma_wait3A_77 = tpu.memref_slice %arg2[%dma_wait3A_75, %dma_wait3A_76] : memref<196608x85xf32, #tpu.memory_space<hbm>> -> memref<16x85xf32, #tpu.memory_space<hbm>>
    %dma_wait3A_78 = arith.constant 48 : i32
    %dma_wait3A_79 = arith.constant 0 : i32
    %dma_wait3A_80 = tpu.memref_slice %arg12[%dma_wait3A_78, %dma_wait3A_79] : memref<96x85xf32, #tpu.memory_space<vmem>> -> memref<16x85xf32, #tpu.memory_space<vmem>>
    %dma_wait3A_81 = arith.constant 0 : i32
    %dma_wait3A_82 = arith.constant 0 : i32
    %dma_wait3A_83 = tpu.memref_slice %arg2[%dma_wait3A_81, %dma_wait3A_82] : memref<196608x85xf32, #tpu.memory_space<hbm>> -> memref<16x85xf32, #tpu.memory_space<hbm>>
    tpu.wait_dma2 semaphore(%arg13 : memref<!tpu.dma_semaphore, #tpu.memory_space<semaphore_mem>>) src(%dma_wait3A_83 : memref<16x85xf32, #tpu.memory_space<hbm>>) dst(%dma_wait3A_80 : memref<16x85xf32, #tpu.memory_space<vmem>>)
    %get3A_84 = arith.constant 64 : index
    %get3A_85 = tpu.vector_load %arg11[%get3A_84] {strides = array<i32>} : memref<96xi32, #tpu.memory_space<vmem>>, vector<16xi32>,
    %scan3A_86 = arith.constant 0 : i32
    %scan3A_87 = arith.constant 0 : i32
    %scan3A_88 = arith.constant 16 : i32
    %scan3A_89 = arith.addi %scan3A_87, %scan3A_88 : i32
    %scan3A_90 = arith.constant 1 : i32
    %scan3A_91 = scf.for %scan3A_378 = %scan3A_87 to %scan3A_89 step %scan3A_90 iter_args(%scan3A_379 = %scan3A_86) -> (i32)  : i32 {
      %eq3A = vector.broadcast %scan3A_378 : i32 to vector<16xi32>
      %eq3A_380 = arith.cmpi eq, %iota3A, %eq3A : vector<16xi32>
      %jit3A = arith.constant 0 : i32
      %broadcast_in_dim3A = vector.broadcast %jit3A : i32 to vector<16xi32>
      %select_n3A = arith.select %eq3A_380, %get3A_85, %broadcast_in_dim3A : vector<16xi1>, vector<16xi32>
      %reduce_sum3A = arith.constant true
      %reduce_sum3A_381 = vector.broadcast %reduce_sum3A : i1 to vector<16xi1>
      %reduce_sum3A_382 = tpu.scan <sum>, %select_n3A masked %reduce_sum3A_381 : vector<16xi32>, vector<16xi1> -> vector<16xi32>
      %reduce_sum3A_383 = vector.extract %reduce_sum3A_382[15] : i32 from vector<16xi32>
      %add3A_384 = arith.constant 64 : i32
      %add3A_385 = arith.addi %add3A_384, %scan3A_378 : i32
      %dma_start3A = arith.constant 0 : i32
      %dma_start3A_386 = tpu.memref_slice %arg12[%add3A_385, %dma_start3A] : memref<96x85xf32, #tpu.memory_space<vmem>> -> memref<1x85xf32, #tpu.memory_space<vmem>>
      %dma_start3A_387 = arith.constant 0 : i32
      %dma_start3A_388 = tpu.memref_slice %arg2[%reduce_sum3A_383, %dma_start3A_387] : memref<196608x85xf32, #tpu.memory_space<hbm>> -> memref<1x85xf32, #tpu.memory_space<hbm>>
      %dma_start3A_389 = arith.constant 0 : i32
      %dma_start3A_390 = tpu.memref_slice %arg12[%add3A_385, %dma_start3A_389] : memref<96x85xf32, #tpu.memory_space<vmem>> -> memref<1x85xf32, #tpu.memory_space<vmem>>
      %dma_start3A_391 = arith.constant 0 : i32
      %dma_start3A_392 = tpu.memref_slice %arg2[%reduce_sum3A_383, %dma_start3A_391] : memref<196608x85xf32, #tpu.memory_space<hbm>> -> memref<1x85xf32, #tpu.memory_space<hbm>>
      tpu.enqueue_dma source(%dma_start3A_392 : memref<1x85xf32, #tpu.memory_space<hbm>>) target(%dma_start3A_390 : memref<1x85xf32, #tpu.memory_space<vmem>>) target_semaphore(%arg13 : memref<!tpu.dma_semaphore, #tpu.memory_space<semaphore_mem>>)
      %scan3A_393 = arith.constant 0 : i32
      scf.yield %scan3A_393 : i32
    }
    %scan3A_92 = arith.constant 16 : i32
    %dma_wait3A_93 = arith.constant 64 : i32
    %dma_wait3A_94 = arith.constant 0 : i32
    %dma_wait3A_95 = tpu.memref_slice %arg12[%dma_wait3A_93, %dma_wait3A_94] : memref<96x85xf32, #tpu.memory_space<vmem>> -> memref<16x85xf32, #tpu.memory_space<vmem>>
    %dma_wait3A_96 = arith.constant 0 : i32
    %dma_wait3A_97 = arith.constant 0 : i32
    %dma_wait3A_98 = tpu.memref_slice %arg2[%dma_wait3A_96, %dma_wait3A_97] : memref<196608x85xf32, #tpu.memory_space<hbm>> -> memref<16x85xf32, #tpu.memory_space<hbm>>
    %dma_wait3A_99 = arith.constant 64 : i32
    %dma_wait3A_100 = arith.constant 0 : i32
    %dma_wait3A_101 = tpu.memref_slice %arg12[%dma_wait3A_99, %dma_wait3A_100] : memref<96x85xf32, #tpu.memory_space<vmem>> -> memref<16x85xf32, #tpu.memory_space<vmem>>
    %dma_wait3A_102 = arith.constant 0 : i32
    %dma_wait3A_103 = arith.constant 0 : i32
    %dma_wait3A_104 = tpu.memref_slice %arg2[%dma_wait3A_102, %dma_wait3A_103] : memref<196608x85xf32, #tpu.memory_space<hbm>> -> memref<16x85xf32, #tpu.memory_space<hbm>>
    tpu.wait_dma2 semaphore(%arg13 : memref<!tpu.dma_semaphore, #tpu.memory_space<semaphore_mem>>) src(%dma_wait3A_104 : memref<16x85xf32, #tpu.memory_space<hbm>>) dst(%dma_wait3A_101 : memref<16x85xf32, #tpu.memory_space<vmem>>)
    %get3A_105 = arith.constant 80 : index
    %get3A_106 = tpu.vector_load %arg11[%get3A_105] {strides = array<i32>} : memref<96xi32, #tpu.memory_space<vmem>>, vector<16xi32>,
    %scan3A_107 = arith.constant 0 : i32
    %scan3A_108 = arith.constant 0 : i32
    %scan3A_109 = arith.constant 16 : i32
    %scan3A_110 = arith.addi %scan3A_108, %scan3A_109 : i32
    %scan3A_111 = arith.constant 1 : i32
    %scan3A_112 = scf.for %scan3A_378 = %scan3A_108 to %scan3A_110 step %scan3A_111 iter_args(%scan3A_379 = %scan3A_107) -> (i32)  : i32 {
      %eq3A = vector.broadcast %scan3A_378 : i32 to vector<16xi32>
      %eq3A_380 = arith.cmpi eq, %iota3A, %eq3A : vector<16xi32>
      %jit3A = arith.constant 0 : i32
      %broadcast_in_dim3A = vector.broadcast %jit3A : i32 to vector<16xi32>
      %select_n3A = arith.select %eq3A_380, %get3A_106, %broadcast_in_dim3A : vector<16xi1>, vector<16xi32>
      %reduce_sum3A = arith.constant true
      %reduce_sum3A_381 = vector.broadcast %reduce_sum3A : i1 to vector<16xi1>
      %reduce_sum3A_382 = tpu.scan <sum>, %select_n3A masked %reduce_sum3A_381 : vector<16xi32>, vector<16xi1> -> vector<16xi32>
      %reduce_sum3A_383 = vector.extract %reduce_sum3A_382[15] : i32 from vector<16xi32>
      %add3A_384 = arith.constant 80 : i32
      %add3A_385 = arith.addi %add3A_384, %scan3A_378 : i32
      %dma_start3A = arith.constant 0 : i32
      %dma_start3A_386 = tpu.memref_slice %arg12[%add3A_385, %dma_start3A] : memref<96x85xf32, #tpu.memory_space<vmem>> -> memref<1x85xf32, #tpu.memory_space<vmem>>
      %dma_start3A_387 = arith.constant 0 : i32
      %dma_start3A_388 = tpu.memref_slice %arg2[%reduce_sum3A_383, %dma_start3A_387] : memref<196608x85xf32, #tpu.memory_space<hbm>> -> memref<1x85xf32, #tpu.memory_space<hbm>>
      %dma_start3A_389 = arith.constant 0 : i32
      %dma_start3A_390 = tpu.memref_slice %arg12[%add3A_385, %dma_start3A_389] : memref<96x85xf32, #tpu.memory_space<vmem>> -> memref<1x85xf32, #tpu.memory_space<vmem>>
      %dma_start3A_391 = arith.constant 0 : i32
      %dma_start3A_392 = tpu.memref_slice %arg2[%reduce_sum3A_383, %dma_start3A_391] : memref<196608x85xf32, #tpu.memory_space<hbm>> -> memref<1x85xf32, #tpu.memory_space<hbm>>
      tpu.enqueue_dma source(%dma_start3A_392 : memref<1x85xf32, #tpu.memory_space<hbm>>) target(%dma_start3A_390 : memref<1x85xf32, #tpu.memory_space<vmem>>) target_semaphore(%arg13 : memref<!tpu.dma_semaphore, #tpu.memory_space<semaphore_mem>>)
      %scan3A_393 = arith.constant 0 : i32
      scf.yield %scan3A_393 : i32
    }
    %scan3A_113 = arith.constant 16 : i32
    %dma_wait3A_114 = arith.constant 80 : i32
    %dma_wait3A_115 = arith.constant 0 : i32
    %dma_wait3A_116 = tpu.memref_slice %arg12[%dma_wait3A_114, %dma_wait3A_115] : memref<96x85xf32, #tpu.memory_space<vmem>> -> memref<16x85xf32, #tpu.memory_space<vmem>>
    %dma_wait3A_117 = arith.constant 0 : i32
    %dma_wait3A_118 = arith.constant 0 : i32
    %dma_wait3A_119 = tpu.memref_slice %arg2[%dma_wait3A_117, %dma_wait3A_118] : memref<196608x85xf32, #tpu.memory_space<hbm>> -> memref<16x85xf32, #tpu.memory_space<hbm>>
    %dma_wait3A_120 = arith.constant 80 : i32
    %dma_wait3A_121 = arith.constant 0 : i32
    %dma_wait3A_122 = tpu.memref_slice %arg12[%dma_wait3A_120, %dma_wait3A_121] : memref<96x85xf32, #tpu.memory_space<vmem>> -> memref<16x85xf32, #tpu.memory_space<vmem>>
    %dma_wait3A_123 = arith.constant 0 : i32
    %dma_wait3A_124 = arith.constant 0 : i32
    %dma_wait3A_125 = tpu.memref_slice %arg2[%dma_wait3A_123, %dma_wait3A_124] : memref<196608x85xf32, #tpu.memory_space<hbm>> -> memref<16x85xf32, #tpu.memory_space<hbm>>
    tpu.wait_dma2 semaphore(%arg13 : memref<!tpu.dma_semaphore, #tpu.memory_space<semaphore_mem>>) src(%dma_wait3A_125 : memref<16x85xf32, #tpu.memory_space<hbm>>) dst(%dma_wait3A_122 : memref<16x85xf32, #tpu.memory_space<vmem>>)
    "tpu.region"() ({
      %run_scoped3A = tpu.sem_alloc : memref<!tpu.dma_semaphore, #tpu.memory_space<semaphore_mem>>
      %dma_start3A = arith.constant 0 : i32
      %dma_start3A_378 = tpu.memref_slice %arg8[%mul3A_2, %dma_start3A] : memref<3072x85xf32, #tpu.memory_space<hbm>> -> memref<96x85xf32, #tpu.memory_space<hbm>>
      %dma_start3A_379 = arith.constant 0 : i32
      %dma_start3A_380 = tpu.memref_slice %arg8[%mul3A_2, %dma_start3A_379] : memref<3072x85xf32, #tpu.memory_space<hbm>> -> memref<96x85xf32, #tpu.memory_space<hbm>>
      tpu.enqueue_dma source(%arg12 : memref<96x85xf32, #tpu.memory_space<vmem>>) target(%dma_start3A_380 : memref<96x85xf32, #tpu.memory_space<hbm>>) target_semaphore(%run_scoped3A : memref<!tpu.dma_semaphore, #tpu.memory_space<semaphore_mem>>)
      %dma_wait3A_381 = arith.constant 0 : i32
      %dma_wait3A_382 = tpu.memref_slice %arg8[%mul3A_2, %dma_wait3A_381] : memref<3072x85xf32, #tpu.memory_space<hbm>> -> memref<96x85xf32, #tpu.memory_space<hbm>>
      %dma_wait3A_383 = arith.constant 0 : i32
      %dma_wait3A_384 = tpu.memref_slice %arg8[%mul3A_2, %dma_wait3A_383] : memref<3072x85xf32, #tpu.memory_space<hbm>> -> memref<96x85xf32, #tpu.memory_space<hbm>>
      tpu.wait_dma2 semaphore(%run_scoped3A : memref<!tpu.dma_semaphore, #tpu.memory_space<semaphore_mem>>) src(%arg12 : memref<96x85xf32, #tpu.memory_space<vmem>>) dst(%dma_wait3A_384 : memref<96x85xf32, #tpu.memory_space<hbm>>)
      tpu.yield
    }) : () -> ()
    "tpu.region"() ({
      %run_scoped3A = tpu.sem_alloc : memref<!tpu.dma_semaphore, #tpu.memory_space<semaphore_mem>>
      %dma_start3A = tpu.memref_slice %arg6[%mul3A_2] : memref<3072xi32, #tpu.memory_space<hbm>> -> memref<96xi32, #tpu.memory_space<hbm>>
      %dma_start3A_378 = tpu.memref_slice %arg6[%mul3A_2] : memref<3072xi32, #tpu.memory_space<hbm>> -> memref<96xi32, #tpu.memory_space<hbm>>
      tpu.enqueue_dma source(%dma_start3A_378 : memref<96xi32, #tpu.memory_space<hbm>>) target(%arg11 : memref<96xi32, #tpu.memory_space<vmem>>) target_semaphore(%run_scoped3A : memref<!tpu.dma_semaphore, #tpu.memory_space<semaphore_mem>>)
      %dma_wait3A_379 = tpu.memref_slice %arg6[%mul3A_2] : memref<3072xi32, #tpu.memory_space<hbm>> -> memref<96xi32, #tpu.memory_space<hbm>>
      %dma_wait3A_380 = tpu.memref_slice %arg6[%mul3A_2] : memref<3072xi32, #tpu.memory_space<hbm>> -> memref<96xi32, #tpu.memory_space<hbm>>
      tpu.wait_dma2 semaphore(%run_scoped3A : memref<!tpu.dma_semaphore, #tpu.memory_space<semaphore_mem>>) src(%dma_wait3A_380 : memref<96xi32, #tpu.memory_space<hbm>>) dst(%arg11 : memref<96xi32, #tpu.memory_space<vmem>>)
      tpu.yield
    }) : () -> ()
    %get3A_126 = arith.constant 0 : index
    %get3A_127 = tpu.vector_load %arg11[%get3A_126] {strides = array<i32>} : memref<96xi32, #tpu.memory_space<vmem>>, vector<16xi32>,
    %scan3A_128 = arith.constant 0 : i32
    %scan3A_129 = arith.constant 0 : i32
    %scan3A_130 = arith.constant 16 : i32
    %scan3A_131 = arith.addi %scan3A_129, %scan3A_130 : i32
    %scan3A_132 = arith.constant 1 : i32
    %scan3A_133 = scf.for %scan3A_378 = %scan3A_129 to %scan3A_131 step %scan3A_132 iter_args(%scan3A_379 = %scan3A_128) -> (i32)  : i32 {
      %eq3A = vector.broadcast %scan3A_378 : i32 to vector<16xi32>
      %eq3A_380 = arith.cmpi eq, %iota3A, %eq3A : vector<16xi32>
      %jit3A = arith.constant 0 : i32
      %broadcast_in_dim3A = vector.broadcast %jit3A : i32 to vector<16xi32>
      %select_n3A = arith.select %eq3A_380, %get3A_127, %broadcast_in_dim3A : vector<16xi1>, vector<16xi32>
      %reduce_sum3A = arith.constant true
      %reduce_sum3A_381 = vector.broadcast %reduce_sum3A : i1 to vector<16xi1>
      %reduce_sum3A_382 = tpu.scan <sum>, %select_n3A masked %reduce_sum3A_381 : vector<16xi32>, vector<16xi1> -> vector<16xi32>
      %reduce_sum3A_383 = vector.extract %reduce_sum3A_382[15] : i32 from vector<16xi32>
      %add3A_384 = arith.constant 0 : i32
      %add3A_385 = arith.addi %add3A_384, %scan3A_378 : i32
      %dma_start3A = arith.constant 0 : i32
      %dma_start3A_386 = tpu.memref_slice %arg12[%add3A_385, %dma_start3A] : memref<96x85xf32, #tpu.memory_space<vmem>> -> memref<1x85xf32, #tpu.memory_space<vmem>>
      %dma_start3A_387 = arith.constant 0 : i32
      %dma_start3A_388 = tpu.memref_slice %arg3[%reduce_sum3A_383, %dma_start3A_387] : memref<49152x85xf32, #tpu.memory_space<hbm>> -> memref<1x85xf32, #tpu.memory_space<hbm>>
      %dma_start3A_389 = arith.constant 0 : i32
      %dma_start3A_390 = tpu.memref_slice %arg12[%add3A_385, %dma_start3A_389] : memref<96x85xf32, #tpu.memory_space<vmem>> -> memref<1x85xf32, #tpu.memory_space<vmem>>
      %dma_start3A_391 = arith.constant 0 : i32
      %dma_start3A_392 = tpu.memref_slice %arg3[%reduce_sum3A_383, %dma_start3A_391] : memref<49152x85xf32, #tpu.memory_space<hbm>> -> memref<1x85xf32, #tpu.memory_space<hbm>>
      tpu.enqueue_dma source(%dma_start3A_392 : memref<1x85xf32, #tpu.memory_space<hbm>>) target(%dma_start3A_390 : memref<1x85xf32, #tpu.memory_space<vmem>>) target_semaphore(%arg13 : memref<!tpu.dma_semaphore, #tpu.memory_space<semaphore_mem>>)
      %scan3A_393 = arith.constant 0 : i32
      scf.yield %scan3A_393 : i32
    }
    %scan3A_134 = arith.constant 16 : i32
    %dma_wait3A_135 = arith.constant 0 : i32
    %dma_wait3A_136 = arith.constant 0 : i32
    %dma_wait3A_137 = tpu.memref_slice %arg12[%dma_wait3A_135, %dma_wait3A_136] : memref<96x85xf32, #tpu.memory_space<vmem>> -> memref<16x85xf32, #tpu.memory_space<vmem>>
    %dma_wait3A_138 = arith.constant 0 : i32
    %dma_wait3A_139 = arith.constant 0 : i32
    %dma_wait3A_140 = tpu.memref_slice %arg3[%dma_wait3A_138, %dma_wait3A_139] : memref<49152x85xf32, #tpu.memory_space<hbm>> -> memref<16x85xf32, #tpu.memory_space<hbm>>
    %dma_wait3A_141 = arith.constant 0 : i32
    %dma_wait3A_142 = arith.constant 0 : i32
    %dma_wait3A_143 = tpu.memref_slice %arg12[%dma_wait3A_141, %dma_wait3A_142] : memref<96x85xf32, #tpu.memory_space<vmem>> -> memref<16x85xf32, #tpu.memory_space<vmem>>
    %dma_wait3A_144 = arith.constant 0 : i32
    %dma_wait3A_145 = arith.constant 0 : i32
    %dma_wait3A_146 = tpu.memref_slice %arg3[%dma_wait3A_144, %dma_wait3A_145] : memref<49152x85xf32, #tpu.memory_space<hbm>> -> memref<16x85xf32, #tpu.memory_space<hbm>>
    tpu.wait_dma2 semaphore(%arg13 : memref<!tpu.dma_semaphore, #tpu.memory_space<semaphore_mem>>) src(%dma_wait3A_146 : memref<16x85xf32, #tpu.memory_space<hbm>>) dst(%dma_wait3A_143 : memref<16x85xf32, #tpu.memory_space<vmem>>)
    %get3A_147 = arith.constant 16 : index
    %get3A_148 = tpu.vector_load %arg11[%get3A_147] {strides = array<i32>} : memref<96xi32, #tpu.memory_space<vmem>>, vector<16xi32>,
    %scan3A_149 = arith.constant 0 : i32
    %scan3A_150 = arith.constant 0 : i32
    %scan3A_151 = arith.constant 16 : i32
    %scan3A_152 = arith.addi %scan3A_150, %scan3A_151 : i32
    %scan3A_153 = arith.constant 1 : i32
    %scan3A_154 = scf.for %scan3A_378 = %scan3A_150 to %scan3A_152 step %scan3A_153 iter_args(%scan3A_379 = %scan3A_149) -> (i32)  : i32 {
      %eq3A = vector.broadcast %scan3A_378 : i32 to vector<16xi32>
      %eq3A_380 = arith.cmpi eq, %iota3A, %eq3A : vector<16xi32>
      %jit3A = arith.constant 0 : i32
      %broadcast_in_dim3A = vector.broadcast %jit3A : i32 to vector<16xi32>
      %select_n3A = arith.select %eq3A_380, %get3A_148, %broadcast_in_dim3A : vector<16xi1>, vector<16xi32>
      %reduce_sum3A = arith.constant true
      %reduce_sum3A_381 = vector.broadcast %reduce_sum3A : i1 to vector<16xi1>
      %reduce_sum3A_382 = tpu.scan <sum>, %select_n3A masked %reduce_sum3A_381 : vector<16xi32>, vector<16xi1> -> vector<16xi32>
      %reduce_sum3A_383 = vector.extract %reduce_sum3A_382[15] : i32 from vector<16xi32>
      %add3A_384 = arith.constant 16 : i32
      %add3A_385 = arith.addi %add3A_384, %scan3A_378 : i32
      %dma_start3A = arith.constant 0 : i32
      %dma_start3A_386 = tpu.memref_slice %arg12[%add3A_385, %dma_start3A] : memref<96x85xf32, #tpu.memory_space<vmem>> -> memref<1x85xf32, #tpu.memory_space<vmem>>
      %dma_start3A_387 = arith.constant 0 : i32
      %dma_start3A_388 = tpu.memref_slice %arg3[%reduce_sum3A_383, %dma_start3A_387] : memref<49152x85xf32, #tpu.memory_space<hbm>> -> memref<1x85xf32, #tpu.memory_space<hbm>>
      %dma_start3A_389 = arith.constant 0 : i32
      %dma_start3A_390 = tpu.memref_slice %arg12[%add3A_385, %dma_start3A_389] : memref<96x85xf32, #tpu.memory_space<vmem>> -> memref<1x85xf32, #tpu.memory_space<vmem>>
      %dma_start3A_391 = arith.constant 0 : i32
      %dma_start3A_392 = tpu.memref_slice %arg3[%reduce_sum3A_383, %dma_start3A_391] : memref<49152x85xf32, #tpu.memory_space<hbm>> -> memref<1x85xf32, #tpu.memory_space<hbm>>
      tpu.enqueue_dma source(%dma_start3A_392 : memref<1x85xf32, #tpu.memory_space<hbm>>) target(%dma_start3A_390 : memref<1x85xf32, #tpu.memory_space<vmem>>) target_semaphore(%arg13 : memref<!tpu.dma_semaphore, #tpu.memory_space<semaphore_mem>>)
      %scan3A_393 = arith.constant 0 : i32
      scf.yield %scan3A_393 : i32
    }
    %scan3A_155 = arith.constant 16 : i32
    %dma_wait3A_156 = arith.constant 16 : i32
    %dma_wait3A_157 = arith.constant 0 : i32
    %dma_wait3A_158 = tpu.memref_slice %arg12[%dma_wait3A_156, %dma_wait3A_157] : memref<96x85xf32, #tpu.memory_space<vmem>> -> memref<16x85xf32, #tpu.memory_space<vmem>>
    %dma_wait3A_159 = arith.constant 0 : i32
    %dma_wait3A_160 = arith.constant 0 : i32
    %dma_wait3A_161 = tpu.memref_slice %arg3[%dma_wait3A_159, %dma_wait3A_160] : memref<49152x85xf32, #tpu.memory_space<hbm>> -> memref<16x85xf32, #tpu.memory_space<hbm>>
    %dma_wait3A_162 = arith.constant 16 : i32
    %dma_wait3A_163 = arith.constant 0 : i32
    %dma_wait3A_164 = tpu.memref_slice %arg12[%dma_wait3A_162, %dma_wait3A_163] : memref<96x85xf32, #tpu.memory_space<vmem>> -> memref<16x85xf32, #tpu.memory_space<vmem>>
    %dma_wait3A_165 = arith.constant 0 : i32
    %dma_wait3A_166 = arith.constant 0 : i32
    %dma_wait3A_167 = tpu.memref_slice %arg3[%dma_wait3A_165, %dma_wait3A_166] : memref<49152x85xf32, #tpu.memory_space<hbm>> -> memref<16x85xf32, #tpu.memory_space<hbm>>
    tpu.wait_dma2 semaphore(%arg13 : memref<!tpu.dma_semaphore, #tpu.memory_space<semaphore_mem>>) src(%dma_wait3A_167 : memref<16x85xf32, #tpu.memory_space<hbm>>) dst(%dma_wait3A_164 : memref<16x85xf32, #tpu.memory_space<vmem>>)
    %get3A_168 = arith.constant 32 : index
    %get3A_169 = tpu.vector_load %arg11[%get3A_168] {strides = array<i32>} : memref<96xi32, #tpu.memory_space<vmem>>, vector<16xi32>,
    %scan3A_170 = arith.constant 0 : i32
    %scan3A_171 = arith.constant 0 : i32
    %scan3A_172 = arith.constant 16 : i32
    %scan3A_173 = arith.addi %scan3A_171, %scan3A_172 : i32
    %scan3A_174 = arith.constant 1 : i32
    %scan3A_175 = scf.for %scan3A_378 = %scan3A_171 to %scan3A_173 step %scan3A_174 iter_args(%scan3A_379 = %scan3A_170) -> (i32)  : i32 {
      %eq3A = vector.broadcast %scan3A_378 : i32 to vector<16xi32>
      %eq3A_380 = arith.cmpi eq, %iota3A, %eq3A : vector<16xi32>
      %jit3A = arith.constant 0 : i32
      %broadcast_in_dim3A = vector.broadcast %jit3A : i32 to vector<16xi32>
      %select_n3A = arith.select %eq3A_380, %get3A_169, %broadcast_in_dim3A : vector<16xi1>, vector<16xi32>
      %reduce_sum3A = arith.constant true
      %reduce_sum3A_381 = vector.broadcast %reduce_sum3A : i1 to vector<16xi1>
      %reduce_sum3A_382 = tpu.scan <sum>, %select_n3A masked %reduce_sum3A_381 : vector<16xi32>, vector<16xi1> -> vector<16xi32>
      %reduce_sum3A_383 = vector.extract %reduce_sum3A_382[15] : i32 from vector<16xi32>
      %add3A_384 = arith.constant 32 : i32
      %add3A_385 = arith.addi %add3A_384, %scan3A_378 : i32
      %dma_start3A = arith.constant 0 : i32
      %dma_start3A_386 = tpu.memref_slice %arg12[%add3A_385, %dma_start3A] : memref<96x85xf32, #tpu.memory_space<vmem>> -> memref<1x85xf32, #tpu.memory_space<vmem>>
      %dma_start3A_387 = arith.constant 0 : i32
      %dma_start3A_388 = tpu.memref_slice %arg3[%reduce_sum3A_383, %dma_start3A_387] : memref<49152x85xf32, #tpu.memory_space<hbm>> -> memref<1x85xf32, #tpu.memory_space<hbm>>
      %dma_start3A_389 = arith.constant 0 : i32
      %dma_start3A_390 = tpu.memref_slice %arg12[%add3A_385, %dma_start3A_389] : memref<96x85xf32, #tpu.memory_space<vmem>> -> memref<1x85xf32, #tpu.memory_space<vmem>>
      %dma_start3A_391 = arith.constant 0 : i32
      %dma_start3A_392 = tpu.memref_slice %arg3[%reduce_sum3A_383, %dma_start3A_391] : memref<49152x85xf32, #tpu.memory_space<hbm>> -> memref<1x85xf32, #tpu.memory_space<hbm>>
      tpu.enqueue_dma source(%dma_start3A_392 : memref<1x85xf32, #tpu.memory_space<hbm>>) target(%dma_start3A_390 : memref<1x85xf32, #tpu.memory_space<vmem>>) target_semaphore(%arg13 : memref<!tpu.dma_semaphore, #tpu.memory_space<semaphore_mem>>)
      %scan3A_393 = arith.constant 0 : i32
      scf.yield %scan3A_393 : i32
    }
    %scan3A_176 = arith.constant 16 : i32
    %dma_wait3A_177 = arith.constant 32 : i32
    %dma_wait3A_178 = arith.constant 0 : i32
    %dma_wait3A_179 = tpu.memref_slice %arg12[%dma_wait3A_177, %dma_wait3A_178] : memref<96x85xf32, #tpu.memory_space<vmem>> -> memref<16x85xf32, #tpu.memory_space<vmem>>
    %dma_wait3A_180 = arith.constant 0 : i32
    %dma_wait3A_181 = arith.constant 0 : i32
    %dma_wait3A_182 = tpu.memref_slice %arg3[%dma_wait3A_180, %dma_wait3A_181] : memref<49152x85xf32, #tpu.memory_space<hbm>> -> memref<16x85xf32, #tpu.memory_space<hbm>>
    %dma_wait3A_183 = arith.constant 32 : i32
    %dma_wait3A_184 = arith.constant 0 : i32
    %dma_wait3A_185 = tpu.memref_slice %arg12[%dma_wait3A_183, %dma_wait3A_184] : memref<96x85xf32, #tpu.memory_space<vmem>> -> memref<16x85xf32, #tpu.memory_space<vmem>>
    %dma_wait3A_186 = arith.constant 0 : i32
    %dma_wait3A_187 = arith.constant 0 : i32
    %dma_wait3A_188 = tpu.memref_slice %arg3[%dma_wait3A_186, %dma_wait3A_187] : memref<49152x85xf32, #tpu.memory_space<hbm>> -> memref<16x85xf32, #tpu.memory_space<hbm>>
    tpu.wait_dma2 semaphore(%arg13 : memref<!tpu.dma_semaphore, #tpu.memory_space<semaphore_mem>>) src(%dma_wait3A_188 : memref<16x85xf32, #tpu.memory_space<hbm>>) dst(%dma_wait3A_185 : memref<16x85xf32, #tpu.memory_space<vmem>>)
    %get3A_189 = arith.constant 48 : index
    %get3A_190 = tpu.vector_load %arg11[%get3A_189] {strides = array<i32>} : memref<96xi32, #tpu.memory_space<vmem>>, vector<16xi32>,
    %scan3A_191 = arith.constant 0 : i32
    %scan3A_192 = arith.constant 0 : i32
    %scan3A_193 = arith.constant 16 : i32
    %scan3A_194 = arith.addi %scan3A_192, %scan3A_193 : i32
    %scan3A_195 = arith.constant 1 : i32
    %scan3A_196 = scf.for %scan3A_378 = %scan3A_192 to %scan3A_194 step %scan3A_195 iter_args(%scan3A_379 = %scan3A_191) -> (i32)  : i32 {
      %eq3A = vector.broadcast %scan3A_378 : i32 to vector<16xi32>
      %eq3A_380 = arith.cmpi eq, %iota3A, %eq3A : vector<16xi32>
      %jit3A = arith.constant 0 : i32
      %broadcast_in_dim3A = vector.broadcast %jit3A : i32 to vector<16xi32>
      %select_n3A = arith.select %eq3A_380, %get3A_190, %broadcast_in_dim3A : vector<16xi1>, vector<16xi32>
      %reduce_sum3A = arith.constant true
      %reduce_sum3A_381 = vector.broadcast %reduce_sum3A : i1 to vector<16xi1>
      %reduce_sum3A_382 = tpu.scan <sum>, %select_n3A masked %reduce_sum3A_381 : vector<16xi32>, vector<16xi1> -> vector<16xi32>
      %reduce_sum3A_383 = vector.extract %reduce_sum3A_382[15] : i32 from vector<16xi32>
      %add3A_384 = arith.constant 48 : i32
      %add3A_385 = arith.addi %add3A_384, %scan3A_378 : i32
      %dma_start3A = arith.constant 0 : i32
      %dma_start3A_386 = tpu.memref_slice %arg12[%add3A_385, %dma_start3A] : memref<96x85xf32, #tpu.memory_space<vmem>> -> memref<1x85xf32, #tpu.memory_space<vmem>>
      %dma_start3A_387 = arith.constant 0 : i32
      %dma_start3A_388 = tpu.memref_slice %arg3[%reduce_sum3A_383, %dma_start3A_387] : memref<49152x85xf32, #tpu.memory_space<hbm>> -> memref<1x85xf32, #tpu.memory_space<hbm>>
      %dma_start3A_389 = arith.constant 0 : i32
      %dma_start3A_390 = tpu.memref_slice %arg12[%add3A_385, %dma_start3A_389] : memref<96x85xf32, #tpu.memory_space<vmem>> -> memref<1x85xf32, #tpu.memory_space<vmem>>
      %dma_start3A_391 = arith.constant 0 : i32
      %dma_start3A_392 = tpu.memref_slice %arg3[%reduce_sum3A_383, %dma_start3A_391] : memref<49152x85xf32, #tpu.memory_space<hbm>> -> memref<1x85xf32, #tpu.memory_space<hbm>>
      tpu.enqueue_dma source(%dma_start3A_392 : memref<1x85xf32, #tpu.memory_space<hbm>>) target(%dma_start3A_390 : memref<1x85xf32, #tpu.memory_space<vmem>>) target_semaphore(%arg13 : memref<!tpu.dma_semaphore, #tpu.memory_space<semaphore_mem>>)
      %scan3A_393 = arith.constant 0 : i32
      scf.yield %scan3A_393 : i32
    }
    %scan3A_197 = arith.constant 16 : i32
    %dma_wait3A_198 = arith.constant 48 : i32
    %dma_wait3A_199 = arith.constant 0 : i32
    %dma_wait3A_200 = tpu.memref_slice %arg12[%dma_wait3A_198, %dma_wait3A_199] : memref<96x85xf32, #tpu.memory_space<vmem>> -> memref<16x85xf32, #tpu.memory_space<vmem>>
    %dma_wait3A_201 = arith.constant 0 : i32
    %dma_wait3A_202 = arith.constant 0 : i32
    %dma_wait3A_203 = tpu.memref_slice %arg3[%dma_wait3A_201, %dma_wait3A_202] : memref<49152x85xf32, #tpu.memory_space<hbm>> -> memref<16x85xf32, #tpu.memory_space<hbm>>
    %dma_wait3A_204 = arith.constant 48 : i32
    %dma_wait3A_205 = arith.constant 0 : i32
    %dma_wait3A_206 = tpu.memref_slice %arg12[%dma_wait3A_204, %dma_wait3A_205] : memref<96x85xf32, #tpu.memory_space<vmem>> -> memref<16x85xf32, #tpu.memory_space<vmem>>
    %dma_wait3A_207 = arith.constant 0 : i32
    %dma_wait3A_208 = arith.constant 0 : i32
    %dma_wait3A_209 = tpu.memref_slice %arg3[%dma_wait3A_207, %dma_wait3A_208] : memref<49152x85xf32, #tpu.memory_space<hbm>> -> memref<16x85xf32, #tpu.memory_space<hbm>>
    tpu.wait_dma2 semaphore(%arg13 : memref<!tpu.dma_semaphore, #tpu.memory_space<semaphore_mem>>) src(%dma_wait3A_209 : memref<16x85xf32, #tpu.memory_space<hbm>>) dst(%dma_wait3A_206 : memref<16x85xf32, #tpu.memory_space<vmem>>)
    %get3A_210 = arith.constant 64 : index
    %get3A_211 = tpu.vector_load %arg11[%get3A_210] {strides = array<i32>} : memref<96xi32, #tpu.memory_space<vmem>>, vector<16xi32>,
    %scan3A_212 = arith.constant 0 : i32
    %scan3A_213 = arith.constant 0 : i32
    %scan3A_214 = arith.constant 16 : i32
    %scan3A_215 = arith.addi %scan3A_213, %scan3A_214 : i32
    %scan3A_216 = arith.constant 1 : i32
    %scan3A_217 = scf.for %scan3A_378 = %scan3A_213 to %scan3A_215 step %scan3A_216 iter_args(%scan3A_379 = %scan3A_212) -> (i32)  : i32 {
      %eq3A = vector.broadcast %scan3A_378 : i32 to vector<16xi32>
      %eq3A_380 = arith.cmpi eq, %iota3A, %eq3A : vector<16xi32>
      %jit3A = arith.constant 0 : i32
      %broadcast_in_dim3A = vector.broadcast %jit3A : i32 to vector<16xi32>
      %select_n3A = arith.select %eq3A_380, %get3A_211, %broadcast_in_dim3A : vector<16xi1>, vector<16xi32>
      %reduce_sum3A = arith.constant true
      %reduce_sum3A_381 = vector.broadcast %reduce_sum3A : i1 to vector<16xi1>
      %reduce_sum3A_382 = tpu.scan <sum>, %select_n3A masked %reduce_sum3A_381 : vector<16xi32>, vector<16xi1> -> vector<16xi32>
      %reduce_sum3A_383 = vector.extract %reduce_sum3A_382[15] : i32 from vector<16xi32>
      %add3A_384 = arith.constant 64 : i32
      %add3A_385 = arith.addi %add3A_384, %scan3A_378 : i32
      %dma_start3A = arith.constant 0 : i32
      %dma_start3A_386 = tpu.memref_slice %arg12[%add3A_385, %dma_start3A] : memref<96x85xf32, #tpu.memory_space<vmem>> -> memref<1x85xf32, #tpu.memory_space<vmem>>
      %dma_start3A_387 = arith.constant 0 : i32
      %dma_start3A_388 = tpu.memref_slice %arg3[%reduce_sum3A_383, %dma_start3A_387] : memref<49152x85xf32, #tpu.memory_space<hbm>> -> memref<1x85xf32, #tpu.memory_space<hbm>>
      %dma_start3A_389 = arith.constant 0 : i32
      %dma_start3A_390 = tpu.memref_slice %arg12[%add3A_385, %dma_start3A_389] : memref<96x85xf32, #tpu.memory_space<vmem>> -> memref<1x85xf32, #tpu.memory_space<vmem>>
      %dma_start3A_391 = arith.constant 0 : i32
      %dma_start3A_392 = tpu.memref_slice %arg3[%reduce_sum3A_383, %dma_start3A_391] : memref<49152x85xf32, #tpu.memory_space<hbm>> -> memref<1x85xf32, #tpu.memory_space<hbm>>
      tpu.enqueue_dma source(%dma_start3A_392 : memref<1x85xf32, #tpu.memory_space<hbm>>) target(%dma_start3A_390 : memref<1x85xf32, #tpu.memory_space<vmem>>) target_semaphore(%arg13 : memref<!tpu.dma_semaphore, #tpu.memory_space<semaphore_mem>>)
      %scan3A_393 = arith.constant 0 : i32
      scf.yield %scan3A_393 : i32
    }
    %scan3A_218 = arith.constant 16 : i32
    %dma_wait3A_219 = arith.constant 64 : i32
    %dma_wait3A_220 = arith.constant 0 : i32
    %dma_wait3A_221 = tpu.memref_slice %arg12[%dma_wait3A_219, %dma_wait3A_220] : memref<96x85xf32, #tpu.memory_space<vmem>> -> memref<16x85xf32, #tpu.memory_space<vmem>>
    %dma_wait3A_222 = arith.constant 0 : i32
    %dma_wait3A_223 = arith.constant 0 : i32
    %dma_wait3A_224 = tpu.memref_slice %arg3[%dma_wait3A_222, %dma_wait3A_223] : memref<49152x85xf32, #tpu.memory_space<hbm>> -> memref<16x85xf32, #tpu.memory_space<hbm>>
    %dma_wait3A_225 = arith.constant 64 : i32
    %dma_wait3A_226 = arith.constant 0 : i32
    %dma_wait3A_227 = tpu.memref_slice %arg12[%dma_wait3A_225, %dma_wait3A_226] : memref<96x85xf32, #tpu.memory_space<vmem>> -> memref<16x85xf32, #tpu.memory_space<vmem>>
    %dma_wait3A_228 = arith.constant 0 : i32
    %dma_wait3A_229 = arith.constant 0 : i32
    %dma_wait3A_230 = tpu.memref_slice %arg3[%dma_wait3A_228, %dma_wait3A_229] : memref<49152x85xf32, #tpu.memory_space<hbm>> -> memref<16x85xf32, #tpu.memory_space<hbm>>
    tpu.wait_dma2 semaphore(%arg13 : memref<!tpu.dma_semaphore, #tpu.memory_space<semaphore_mem>>) src(%dma_wait3A_230 : memref<16x85xf32, #tpu.memory_space<hbm>>) dst(%dma_wait3A_227 : memref<16x85xf32, #tpu.memory_space<vmem>>)
    %get3A_231 = arith.constant 80 : index
    %get3A_232 = tpu.vector_load %arg11[%get3A_231] {strides = array<i32>} : memref<96xi32, #tpu.memory_space<vmem>>, vector<16xi32>,
    %scan3A_233 = arith.constant 0 : i32
    %scan3A_234 = arith.constant 0 : i32
    %scan3A_235 = arith.constant 16 : i32
    %scan3A_236 = arith.addi %scan3A_234, %scan3A_235 : i32
    %scan3A_237 = arith.constant 1 : i32
    %scan3A_238 = scf.for %scan3A_378 = %scan3A_234 to %scan3A_236 step %scan3A_237 iter_args(%scan3A_379 = %scan3A_233) -> (i32)  : i32 {
      %eq3A = vector.broadcast %scan3A_378 : i32 to vector<16xi32>
      %eq3A_380 = arith.cmpi eq, %iota3A, %eq3A : vector<16xi32>
      %jit3A = arith.constant 0 : i32
      %broadcast_in_dim3A = vector.broadcast %jit3A : i32 to vector<16xi32>
      %select_n3A = arith.select %eq3A_380, %get3A_232, %broadcast_in_dim3A : vector<16xi1>, vector<16xi32>
      %reduce_sum3A = arith.constant true
      %reduce_sum3A_381 = vector.broadcast %reduce_sum3A : i1 to vector<16xi1>
      %reduce_sum3A_382 = tpu.scan <sum>, %select_n3A masked %reduce_sum3A_381 : vector<16xi32>, vector<16xi1> -> vector<16xi32>
      %reduce_sum3A_383 = vector.extract %reduce_sum3A_382[15] : i32 from vector<16xi32>
      %add3A_384 = arith.constant 80 : i32
      %add3A_385 = arith.addi %add3A_384, %scan3A_378 : i32
      %dma_start3A = arith.constant 0 : i32
      %dma_start3A_386 = tpu.memref_slice %arg12[%add3A_385, %dma_start3A] : memref<96x85xf32, #tpu.memory_space<vmem>> -> memref<1x85xf32, #tpu.memory_space<vmem>>
      %dma_start3A_387 = arith.constant 0 : i32
      %dma_start3A_388 = tpu.memref_slice %arg3[%reduce_sum3A_383, %dma_start3A_387] : memref<49152x85xf32, #tpu.memory_space<hbm>> -> memref<1x85xf32, #tpu.memory_space<hbm>>
      %dma_start3A_389 = arith.constant 0 : i32
      %dma_start3A_390 = tpu.memref_slice %arg12[%add3A_385, %dma_start3A_389] : memref<96x85xf32, #tpu.memory_space<vmem>> -> memref<1x85xf32, #tpu.memory_space<vmem>>
      %dma_start3A_391 = arith.constant 0 : i32
      %dma_start3A_392 = tpu.memref_slice %arg3[%reduce_sum3A_383, %dma_start3A_391] : memref<49152x85xf32, #tpu.memory_space<hbm>> -> memref<1x85xf32, #tpu.memory_space<hbm>>
      tpu.enqueue_dma source(%dma_start3A_392 : memref<1x85xf32, #tpu.memory_space<hbm>>) target(%dma_start3A_390 : memref<1x85xf32, #tpu.memory_space<vmem>>) target_semaphore(%arg13 : memref<!tpu.dma_semaphore, #tpu.memory_space<semaphore_mem>>)
      %scan3A_393 = arith.constant 0 : i32
      scf.yield %scan3A_393 : i32
    }
    %scan3A_239 = arith.constant 16 : i32
    %dma_wait3A_240 = arith.constant 80 : i32
    %dma_wait3A_241 = arith.constant 0 : i32
    %dma_wait3A_242 = tpu.memref_slice %arg12[%dma_wait3A_240, %dma_wait3A_241] : memref<96x85xf32, #tpu.memory_space<vmem>> -> memref<16x85xf32, #tpu.memory_space<vmem>>
    %dma_wait3A_243 = arith.constant 0 : i32
    %dma_wait3A_244 = arith.constant 0 : i32
    %dma_wait3A_245 = tpu.memref_slice %arg3[%dma_wait3A_243, %dma_wait3A_244] : memref<49152x85xf32, #tpu.memory_space<hbm>> -> memref<16x85xf32, #tpu.memory_space<hbm>>
    %dma_wait3A_246 = arith.constant 80 : i32
    %dma_wait3A_247 = arith.constant 0 : i32
    %dma_wait3A_248 = tpu.memref_slice %arg12[%dma_wait3A_246, %dma_wait3A_247] : memref<96x85xf32, #tpu.memory_space<vmem>> -> memref<16x85xf32, #tpu.memory_space<vmem>>
    %dma_wait3A_249 = arith.constant 0 : i32
    %dma_wait3A_250 = arith.constant 0 : i32
    %dma_wait3A_251 = tpu.memref_slice %arg3[%dma_wait3A_249, %dma_wait3A_250] : memref<49152x85xf32, #tpu.memory_space<hbm>> -> memref<16x85xf32, #tpu.memory_space<hbm>>
    tpu.wait_dma2 semaphore(%arg13 : memref<!tpu.dma_semaphore, #tpu.memory_space<semaphore_mem>>) src(%dma_wait3A_251 : memref<16x85xf32, #tpu.memory_space<hbm>>) dst(%dma_wait3A_248 : memref<16x85xf32, #tpu.memory_space<vmem>>)
    "tpu.region"() ({
      %run_scoped3A = tpu.sem_alloc : memref<!tpu.dma_semaphore, #tpu.memory_space<semaphore_mem>>
      %dma_start3A = arith.constant 0 : i32
      %dma_start3A_378 = tpu.memref_slice %arg9[%mul3A_2, %dma_start3A] : memref<3072x85xf32, #tpu.memory_space<hbm>> -> memref<96x85xf32, #tpu.memory_space<hbm>>
      %dma_start3A_379 = arith.constant 0 : i32
      %dma_start3A_380 = tpu.memref_slice %arg9[%mul3A_2, %dma_start3A_379] : memref<3072x85xf32, #tpu.memory_space<hbm>> -> memref<96x85xf32, #tpu.memory_space<hbm>>
      tpu.enqueue_dma source(%arg12 : memref<96x85xf32, #tpu.memory_space<vmem>>) target(%dma_start3A_380 : memref<96x85xf32, #tpu.memory_space<hbm>>) target_semaphore(%run_scoped3A : memref<!tpu.dma_semaphore, #tpu.memory_space<semaphore_mem>>)
      %dma_wait3A_381 = arith.constant 0 : i32
      %dma_wait3A_382 = tpu.memref_slice %arg9[%mul3A_2, %dma_wait3A_381] : memref<3072x85xf32, #tpu.memory_space<hbm>> -> memref<96x85xf32, #tpu.memory_space<hbm>>
      %dma_wait3A_383 = arith.constant 0 : i32
      %dma_wait3A_384 = tpu.memref_slice %arg9[%mul3A_2, %dma_wait3A_383] : memref<3072x85xf32, #tpu.memory_space<hbm>> -> memref<96x85xf32, #tpu.memory_space<hbm>>
      tpu.wait_dma2 semaphore(%run_scoped3A : memref<!tpu.dma_semaphore, #tpu.memory_space<semaphore_mem>>) src(%arg12 : memref<96x85xf32, #tpu.memory_space<vmem>>) dst(%dma_wait3A_384 : memref<96x85xf32, #tpu.memory_space<hbm>>)
      tpu.yield
    }) : () -> ()
    "tpu.region"() ({
      %run_scoped3A = tpu.sem_alloc : memref<!tpu.dma_semaphore, #tpu.memory_space<semaphore_mem>>
      %dma_start3A = tpu.memref_slice %arg7[%mul3A_2] : memref<3072xi32, #tpu.memory_space<hbm>> -> memref<96xi32, #tpu.memory_space<hbm>>
      %dma_start3A_378 = tpu.memref_slice %arg7[%mul3A_2] : memref<3072xi32, #tpu.memory_space<hbm>> -> memref<96xi32, #tpu.memory_space<hbm>>
      tpu.enqueue_dma source(%dma_start3A_378 : memref<96xi32, #tpu.memory_space<hbm>>) target(%arg11 : memref<96xi32, #tpu.memory_space<vmem>>) target_semaphore(%run_scoped3A : memref<!tpu.dma_semaphore, #tpu.memory_space<semaphore_mem>>)
      %dma_wait3A_379 = tpu.memref_slice %arg7[%mul3A_2] : memref<3072xi32, #tpu.memory_space<hbm>> -> memref<96xi32, #tpu.memory_space<hbm>>
      %dma_wait3A_380 = tpu.memref_slice %arg7[%mul3A_2] : memref<3072xi32, #tpu.memory_space<hbm>> -> memref<96xi32, #tpu.memory_space<hbm>>
      tpu.wait_dma2 semaphore(%run_scoped3A : memref<!tpu.dma_semaphore, #tpu.memory_space<semaphore_mem>>) src(%dma_wait3A_380 : memref<96xi32, #tpu.memory_space<hbm>>) dst(%arg11 : memref<96xi32, #tpu.memory_space<vmem>>)
      tpu.yield
    }) : () -> ()
    %get3A_252 = arith.constant 0 : index
    %get3A_253 = tpu.vector_load %arg11[%get3A_252] {strides = array<i32>} : memref<96xi32, #tpu.memory_space<vmem>>, vector<16xi32>,
    %scan3A_254 = arith.constant 0 : i32
    %scan3A_255 = arith.constant 0 : i32
    %scan3A_256 = arith.constant 16 : i32
    %scan3A_257 = arith.addi %scan3A_255, %scan3A_256 : i32
    %scan3A_258 = arith.constant 1 : i32
    %scan3A_259 = scf.for %scan3A_378 = %scan3A_255 to %scan3A_257 step %scan3A_258 iter_args(%scan3A_379 = %scan3A_254) -> (i32)  : i32 {
      %eq3A = vector.broadcast %scan3A_378 : i32 to vector<16xi32>
      %eq3A_380 = arith.cmpi eq, %iota3A, %eq3A : vector<16xi32>
      %jit3A = arith.constant 0 : i32
      %broadcast_in_dim3A = vector.broadcast %jit3A : i32 to vector<16xi32>
      %select_n3A = arith.select %eq3A_380, %get3A_253, %broadcast_in_dim3A : vector<16xi1>, vector<16xi32>
      %reduce_sum3A = arith.constant true
      %reduce_sum3A_381 = vector.broadcast %reduce_sum3A : i1 to vector<16xi1>
      %reduce_sum3A_382 = tpu.scan <sum>, %select_n3A masked %reduce_sum3A_381 : vector<16xi32>, vector<16xi1> -> vector<16xi32>
      %reduce_sum3A_383 = vector.extract %reduce_sum3A_382[15] : i32 from vector<16xi32>
      %add3A_384 = arith.constant 0 : i32
      %add3A_385 = arith.addi %add3A_384, %scan3A_378 : i32
      %dma_start3A = arith.constant 0 : i32
      %dma_start3A_386 = tpu.memref_slice %arg12[%add3A_385, %dma_start3A] : memref<96x85xf32, #tpu.memory_space<vmem>> -> memref<1x85xf32, #tpu.memory_space<vmem>>
      %dma_start3A_387 = arith.constant 0 : i32
      %dma_start3A_388 = tpu.memref_slice %arg4[%reduce_sum3A_383, %dma_start3A_387] : memref<12288x85xf32, #tpu.memory_space<hbm>> -> memref<1x85xf32, #tpu.memory_space<hbm>>
      %dma_start3A_389 = arith.constant 0 : i32
      %dma_start3A_390 = tpu.memref_slice %arg12[%add3A_385, %dma_start3A_389] : memref<96x85xf32, #tpu.memory_space<vmem>> -> memref<1x85xf32, #tpu.memory_space<vmem>>
      %dma_start3A_391 = arith.constant 0 : i32
      %dma_start3A_392 = tpu.memref_slice %arg4[%reduce_sum3A_383, %dma_start3A_391] : memref<12288x85xf32, #tpu.memory_space<hbm>> -> memref<1x85xf32, #tpu.memory_space<hbm>>
      tpu.enqueue_dma source(%dma_start3A_392 : memref<1x85xf32, #tpu.memory_space<hbm>>) target(%dma_start3A_390 : memref<1x85xf32, #tpu.memory_space<vmem>>) target_semaphore(%arg13 : memref<!tpu.dma_semaphore, #tpu.memory_space<semaphore_mem>>)
      %scan3A_393 = arith.constant 0 : i32
      scf.yield %scan3A_393 : i32
    }
    %scan3A_260 = arith.constant 16 : i32
    %dma_wait3A_261 = arith.constant 0 : i32
    %dma_wait3A_262 = arith.constant 0 : i32
    %dma_wait3A_263 = tpu.memref_slice %arg12[%dma_wait3A_261, %dma_wait3A_262] : memref<96x85xf32, #tpu.memory_space<vmem>> -> memref<16x85xf32, #tpu.memory_space<vmem>>
    %dma_wait3A_264 = arith.constant 0 : i32
    %dma_wait3A_265 = arith.constant 0 : i32
    %dma_wait3A_266 = tpu.memref_slice %arg4[%dma_wait3A_264, %dma_wait3A_265] : memref<12288x85xf32, #tpu.memory_space<hbm>> -> memref<16x85xf32, #tpu.memory_space<hbm>>
    %dma_wait3A_267 = arith.constant 0 : i32
    %dma_wait3A_268 = arith.constant 0 : i32
    %dma_wait3A_269 = tpu.memref_slice %arg12[%dma_wait3A_267, %dma_wait3A_268] : memref<96x85xf32, #tpu.memory_space<vmem>> -> memref<16x85xf32, #tpu.memory_space<vmem>>
    %dma_wait3A_270 = arith.constant 0 : i32
    %dma_wait3A_271 = arith.constant 0 : i32
    %dma_wait3A_272 = tpu.memref_slice %arg4[%dma_wait3A_270, %dma_wait3A_271] : memref<12288x85xf32, #tpu.memory_space<hbm>> -> memref<16x85xf32, #tpu.memory_space<hbm>>
    tpu.wait_dma2 semaphore(%arg13 : memref<!tpu.dma_semaphore, #tpu.memory_space<semaphore_mem>>) src(%dma_wait3A_272 : memref<16x85xf32, #tpu.memory_space<hbm>>) dst(%dma_wait3A_269 : memref<16x85xf32, #tpu.memory_space<vmem>>)
    %get3A_273 = arith.constant 16 : index
    %get3A_274 = tpu.vector_load %arg11[%get3A_273] {strides = array<i32>} : memref<96xi32, #tpu.memory_space<vmem>>, vector<16xi32>,
    %scan3A_275 = arith.constant 0 : i32
    %scan3A_276 = arith.constant 0 : i32
    %scan3A_277 = arith.constant 16 : i32
    %scan3A_278 = arith.addi %scan3A_276, %scan3A_277 : i32
    %scan3A_279 = arith.constant 1 : i32
    %scan3A_280 = scf.for %scan3A_378 = %scan3A_276 to %scan3A_278 step %scan3A_279 iter_args(%scan3A_379 = %scan3A_275) -> (i32)  : i32 {
      %eq3A = vector.broadcast %scan3A_378 : i32 to vector<16xi32>
      %eq3A_380 = arith.cmpi eq, %iota3A, %eq3A : vector<16xi32>
      %jit3A = arith.constant 0 : i32
      %broadcast_in_dim3A = vector.broadcast %jit3A : i32 to vector<16xi32>
      %select_n3A = arith.select %eq3A_380, %get3A_274, %broadcast_in_dim3A : vector<16xi1>, vector<16xi32>
      %reduce_sum3A = arith.constant true
      %reduce_sum3A_381 = vector.broadcast %reduce_sum3A : i1 to vector<16xi1>
      %reduce_sum3A_382 = tpu.scan <sum>, %select_n3A masked %reduce_sum3A_381 : vector<16xi32>, vector<16xi1> -> vector<16xi32>
      %reduce_sum3A_383 = vector.extract %reduce_sum3A_382[15] : i32 from vector<16xi32>
      %add3A_384 = arith.constant 16 : i32
      %add3A_385 = arith.addi %add3A_384, %scan3A_378 : i32
      %dma_start3A = arith.constant 0 : i32
      %dma_start3A_386 = tpu.memref_slice %arg12[%add3A_385, %dma_start3A] : memref<96x85xf32, #tpu.memory_space<vmem>> -> memref<1x85xf32, #tpu.memory_space<vmem>>
      %dma_start3A_387 = arith.constant 0 : i32
      %dma_start3A_388 = tpu.memref_slice %arg4[%reduce_sum3A_383, %dma_start3A_387] : memref<12288x85xf32, #tpu.memory_space<hbm>> -> memref<1x85xf32, #tpu.memory_space<hbm>>
      %dma_start3A_389 = arith.constant 0 : i32
      %dma_start3A_390 = tpu.memref_slice %arg12[%add3A_385, %dma_start3A_389] : memref<96x85xf32, #tpu.memory_space<vmem>> -> memref<1x85xf32, #tpu.memory_space<vmem>>
      %dma_start3A_391 = arith.constant 0 : i32
      %dma_start3A_392 = tpu.memref_slice %arg4[%reduce_sum3A_383, %dma_start3A_391] : memref<12288x85xf32, #tpu.memory_space<hbm>> -> memref<1x85xf32, #tpu.memory_space<hbm>>
      tpu.enqueue_dma source(%dma_start3A_392 : memref<1x85xf32, #tpu.memory_space<hbm>>) target(%dma_start3A_390 : memref<1x85xf32, #tpu.memory_space<vmem>>) target_semaphore(%arg13 : memref<!tpu.dma_semaphore, #tpu.memory_space<semaphore_mem>>)
      %scan3A_393 = arith.constant 0 : i32
      scf.yield %scan3A_393 : i32
    }
    %scan3A_281 = arith.constant 16 : i32
    %dma_wait3A_282 = arith.constant 16 : i32
    %dma_wait3A_283 = arith.constant 0 : i32
    %dma_wait3A_284 = tpu.memref_slice %arg12[%dma_wait3A_282, %dma_wait3A_283] : memref<96x85xf32, #tpu.memory_space<vmem>> -> memref<16x85xf32, #tpu.memory_space<vmem>>
    %dma_wait3A_285 = arith.constant 0 : i32
    %dma_wait3A_286 = arith.constant 0 : i32
    %dma_wait3A_287 = tpu.memref_slice %arg4[%dma_wait3A_285, %dma_wait3A_286] : memref<12288x85xf32, #tpu.memory_space<hbm>> -> memref<16x85xf32, #tpu.memory_space<hbm>>
    %dma_wait3A_288 = arith.constant 16 : i32
    %dma_wait3A_289 = arith.constant 0 : i32
    %dma_wait3A_290 = tpu.memref_slice %arg12[%dma_wait3A_288, %dma_wait3A_289] : memref<96x85xf32, #tpu.memory_space<vmem>> -> memref<16x85xf32, #tpu.memory_space<vmem>>
    %dma_wait3A_291 = arith.constant 0 : i32
    %dma_wait3A_292 = arith.constant 0 : i32
    %dma_wait3A_293 = tpu.memref_slice %arg4[%dma_wait3A_291, %dma_wait3A_292] : memref<12288x85xf32, #tpu.memory_space<hbm>> -> memref<16x85xf32, #tpu.memory_space<hbm>>
    tpu.wait_dma2 semaphore(%arg13 : memref<!tpu.dma_semaphore, #tpu.memory_space<semaphore_mem>>) src(%dma_wait3A_293 : memref<16x85xf32, #tpu.memory_space<hbm>>) dst(%dma_wait3A_290 : memref<16x85xf32, #tpu.memory_space<vmem>>)
    %get3A_294 = arith.constant 32 : index
    %get3A_295 = tpu.vector_load %arg11[%get3A_294] {strides = array<i32>} : memref<96xi32, #tpu.memory_space<vmem>>, vector<16xi32>,
    %scan3A_296 = arith.constant 0 : i32
    %scan3A_297 = arith.constant 0 : i32
    %scan3A_298 = arith.constant 16 : i32
    %scan3A_299 = arith.addi %scan3A_297, %scan3A_298 : i32
    %scan3A_300 = arith.constant 1 : i32
    %scan3A_301 = scf.for %scan3A_378 = %scan3A_297 to %scan3A_299 step %scan3A_300 iter_args(%scan3A_379 = %scan3A_296) -> (i32)  : i32 {
      %eq3A = vector.broadcast %scan3A_378 : i32 to vector<16xi32>
      %eq3A_380 = arith.cmpi eq, %iota3A, %eq3A : vector<16xi32>
      %jit3A = arith.constant 0 : i32
      %broadcast_in_dim3A = vector.broadcast %jit3A : i32 to vector<16xi32>
      %select_n3A = arith.select %eq3A_380, %get3A_295, %broadcast_in_dim3A : vector<16xi1>, vector<16xi32>
      %reduce_sum3A = arith.constant true
      %reduce_sum3A_381 = vector.broadcast %reduce_sum3A : i1 to vector<16xi1>
      %reduce_sum3A_382 = tpu.scan <sum>, %select_n3A masked %reduce_sum3A_381 : vector<16xi32>, vector<16xi1> -> vector<16xi32>
      %reduce_sum3A_383 = vector.extract %reduce_sum3A_382[15] : i32 from vector<16xi32>
      %add3A_384 = arith.constant 32 : i32
      %add3A_385 = arith.addi %add3A_384, %scan3A_378 : i32
      %dma_start3A = arith.constant 0 : i32
      %dma_start3A_386 = tpu.memref_slice %arg12[%add3A_385, %dma_start3A] : memref<96x85xf32, #tpu.memory_space<vmem>> -> memref<1x85xf32, #tpu.memory_space<vmem>>
      %dma_start3A_387 = arith.constant 0 : i32
      %dma_start3A_388 = tpu.memref_slice %arg4[%reduce_sum3A_383, %dma_start3A_387] : memref<12288x85xf32, #tpu.memory_space<hbm>> -> memref<1x85xf32, #tpu.memory_space<hbm>>
      %dma_start3A_389 = arith.constant 0 : i32
      %dma_start3A_390 = tpu.memref_slice %arg12[%add3A_385, %dma_start3A_389] : memref<96x85xf32, #tpu.memory_space<vmem>> -> memref<1x85xf32, #tpu.memory_space<vmem>>
      %dma_start3A_391 = arith.constant 0 : i32
      %dma_start3A_392 = tpu.memref_slice %arg4[%reduce_sum3A_383, %dma_start3A_391] : memref<12288x85xf32, #tpu.memory_space<hbm>> -> memref<1x85xf32, #tpu.memory_space<hbm>>
      tpu.enqueue_dma source(%dma_start3A_392 : memref<1x85xf32, #tpu.memory_space<hbm>>) target(%dma_start3A_390 : memref<1x85xf32, #tpu.memory_space<vmem>>) target_semaphore(%arg13 : memref<!tpu.dma_semaphore, #tpu.memory_space<semaphore_mem>>)
      %scan3A_393 = arith.constant 0 : i32
      scf.yield %scan3A_393 : i32
    }
    %scan3A_302 = arith.constant 16 : i32
    %dma_wait3A_303 = arith.constant 32 : i32
    %dma_wait3A_304 = arith.constant 0 : i32
    %dma_wait3A_305 = tpu.memref_slice %arg12[%dma_wait3A_303, %dma_wait3A_304] : memref<96x85xf32, #tpu.memory_space<vmem>> -> memref<16x85xf32, #tpu.memory_space<vmem>>
    %dma_wait3A_306 = arith.constant 0 : i32
    %dma_wait3A_307 = arith.constant 0 : i32
    %dma_wait3A_308 = tpu.memref_slice %arg4[%dma_wait3A_306, %dma_wait3A_307] : memref<12288x85xf32, #tpu.memory_space<hbm>> -> memref<16x85xf32, #tpu.memory_space<hbm>>
    %dma_wait3A_309 = arith.constant 32 : i32
    %dma_wait3A_310 = arith.constant 0 : i32
    %dma_wait3A_311 = tpu.memref_slice %arg12[%dma_wait3A_309, %dma_wait3A_310] : memref<96x85xf32, #tpu.memory_space<vmem>> -> memref<16x85xf32, #tpu.memory_space<vmem>>
    %dma_wait3A_312 = arith.constant 0 : i32
    %dma_wait3A_313 = arith.constant 0 : i32
    %dma_wait3A_314 = tpu.memref_slice %arg4[%dma_wait3A_312, %dma_wait3A_313] : memref<12288x85xf32, #tpu.memory_space<hbm>> -> memref<16x85xf32, #tpu.memory_space<hbm>>
    tpu.wait_dma2 semaphore(%arg13 : memref<!tpu.dma_semaphore, #tpu.memory_space<semaphore_mem>>) src(%dma_wait3A_314 : memref<16x85xf32, #tpu.memory_space<hbm>>) dst(%dma_wait3A_311 : memref<16x85xf32, #tpu.memory_space<vmem>>)
    %get3A_315 = arith.constant 48 : index
    %get3A_316 = tpu.vector_load %arg11[%get3A_315] {strides = array<i32>} : memref<96xi32, #tpu.memory_space<vmem>>, vector<16xi32>,
    %scan3A_317 = arith.constant 0 : i32
    %scan3A_318 = arith.constant 0 : i32
    %scan3A_319 = arith.constant 16 : i32
    %scan3A_320 = arith.addi %scan3A_318, %scan3A_319 : i32
    %scan3A_321 = arith.constant 1 : i32
    %scan3A_322 = scf.for %scan3A_378 = %scan3A_318 to %scan3A_320 step %scan3A_321 iter_args(%scan3A_379 = %scan3A_317) -> (i32)  : i32 {
      %eq3A = vector.broadcast %scan3A_378 : i32 to vector<16xi32>
      %eq3A_380 = arith.cmpi eq, %iota3A, %eq3A : vector<16xi32>
      %jit3A = arith.constant 0 : i32
      %broadcast_in_dim3A = vector.broadcast %jit3A : i32 to vector<16xi32>
      %select_n3A = arith.select %eq3A_380, %get3A_316, %broadcast_in_dim3A : vector<16xi1>, vector<16xi32>
      %reduce_sum3A = arith.constant true
      %reduce_sum3A_381 = vector.broadcast %reduce_sum3A : i1 to vector<16xi1>
      %reduce_sum3A_382 = tpu.scan <sum>, %select_n3A masked %reduce_sum3A_381 : vector<16xi32>, vector<16xi1> -> vector<16xi32>
      %reduce_sum3A_383 = vector.extract %reduce_sum3A_382[15] : i32 from vector<16xi32>
      %add3A_384 = arith.constant 48 : i32
      %add3A_385 = arith.addi %add3A_384, %scan3A_378 : i32
      %dma_start3A = arith.constant 0 : i32
      %dma_start3A_386 = tpu.memref_slice %arg12[%add3A_385, %dma_start3A] : memref<96x85xf32, #tpu.memory_space<vmem>> -> memref<1x85xf32, #tpu.memory_space<vmem>>
      %dma_start3A_387 = arith.constant 0 : i32
      %dma_start3A_388 = tpu.memref_slice %arg4[%reduce_sum3A_383, %dma_start3A_387] : memref<12288x85xf32, #tpu.memory_space<hbm>> -> memref<1x85xf32, #tpu.memory_space<hbm>>
      %dma_start3A_389 = arith.constant 0 : i32
      %dma_start3A_390 = tpu.memref_slice %arg12[%add3A_385, %dma_start3A_389] : memref<96x85xf32, #tpu.memory_space<vmem>> -> memref<1x85xf32, #tpu.memory_space<vmem>>
      %dma_start3A_391 = arith.constant 0 : i32
      %dma_start3A_392 = tpu.memref_slice %arg4[%reduce_sum3A_383, %dma_start3A_391] : memref<12288x85xf32, #tpu.memory_space<hbm>> -> memref<1x85xf32, #tpu.memory_space<hbm>>
      tpu.enqueue_dma source(%dma_start3A_392 : memref<1x85xf32, #tpu.memory_space<hbm>>) target(%dma_start3A_390 : memref<1x85xf32, #tpu.memory_space<vmem>>) target_semaphore(%arg13 : memref<!tpu.dma_semaphore, #tpu.memory_space<semaphore_mem>>)
      %scan3A_393 = arith.constant 0 : i32
      scf.yield %scan3A_393 : i32
    }
    %scan3A_323 = arith.constant 16 : i32
    %dma_wait3A_324 = arith.constant 48 : i32
    %dma_wait3A_325 = arith.constant 0 : i32
    %dma_wait3A_326 = tpu.memref_slice %arg12[%dma_wait3A_324, %dma_wait3A_325] : memref<96x85xf32, #tpu.memory_space<vmem>> -> memref<16x85xf32, #tpu.memory_space<vmem>>
    %dma_wait3A_327 = arith.constant 0 : i32
    %dma_wait3A_328 = arith.constant 0 : i32
    %dma_wait3A_329 = tpu.memref_slice %arg4[%dma_wait3A_327, %dma_wait3A_328] : memref<12288x85xf32, #tpu.memory_space<hbm>> -> memref<16x85xf32, #tpu.memory_space<hbm>>
    %dma_wait3A_330 = arith.constant 48 : i32
    %dma_wait3A_331 = arith.constant 0 : i32
    %dma_wait3A_332 = tpu.memref_slice %arg12[%dma_wait3A_330, %dma_wait3A_331] : memref<96x85xf32, #tpu.memory_space<vmem>> -> memref<16x85xf32, #tpu.memory_space<vmem>>
    %dma_wait3A_333 = arith.constant 0 : i32
    %dma_wait3A_334 = arith.constant 0 : i32
    %dma_wait3A_335 = tpu.memref_slice %arg4[%dma_wait3A_333, %dma_wait3A_334] : memref<12288x85xf32, #tpu.memory_space<hbm>> -> memref<16x85xf32, #tpu.memory_space<hbm>>
    tpu.wait_dma2 semaphore(%arg13 : memref<!tpu.dma_semaphore, #tpu.memory_space<semaphore_mem>>) src(%dma_wait3A_335 : memref<16x85xf32, #tpu.memory_space<hbm>>) dst(%dma_wait3A_332 : memref<16x85xf32, #tpu.memory_space<vmem>>)
    %get3A_336 = arith.constant 64 : index
    %get3A_337 = tpu.vector_load %arg11[%get3A_336] {strides = array<i32>} : memref<96xi32, #tpu.memory_space<vmem>>, vector<16xi32>,
    %scan3A_338 = arith.constant 0 : i32
    %scan3A_339 = arith.constant 0 : i32
    %scan3A_340 = arith.constant 16 : i32
    %scan3A_341 = arith.addi %scan3A_339, %scan3A_340 : i32
    %scan3A_342 = arith.constant 1 : i32
    %scan3A_343 = scf.for %scan3A_378 = %scan3A_339 to %scan3A_341 step %scan3A_342 iter_args(%scan3A_379 = %scan3A_338) -> (i32)  : i32 {
      %eq3A = vector.broadcast %scan3A_378 : i32 to vector<16xi32>
      %eq3A_380 = arith.cmpi eq, %iota3A, %eq3A : vector<16xi32>
      %jit3A = arith.constant 0 : i32
      %broadcast_in_dim3A = vector.broadcast %jit3A : i32 to vector<16xi32>
      %select_n3A = arith.select %eq3A_380, %get3A_337, %broadcast_in_dim3A : vector<16xi1>, vector<16xi32>
      %reduce_sum3A = arith.constant true
      %reduce_sum3A_381 = vector.broadcast %reduce_sum3A : i1 to vector<16xi1>
      %reduce_sum3A_382 = tpu.scan <sum>, %select_n3A masked %reduce_sum3A_381 : vector<16xi32>, vector<16xi1> -> vector<16xi32>
      %reduce_sum3A_383 = vector.extract %reduce_sum3A_382[15] : i32 from vector<16xi32>
      %add3A_384 = arith.constant 64 : i32
      %add3A_385 = arith.addi %add3A_384, %scan3A_378 : i32
      %dma_start3A = arith.constant 0 : i32
      %dma_start3A_386 = tpu.memref_slice %arg12[%add3A_385, %dma_start3A] : memref<96x85xf32, #tpu.memory_space<vmem>> -> memref<1x85xf32, #tpu.memory_space<vmem>>
      %dma_start3A_387 = arith.constant 0 : i32
      %dma_start3A_388 = tpu.memref_slice %arg4[%reduce_sum3A_383, %dma_start3A_387] : memref<12288x85xf32, #tpu.memory_space<hbm>> -> memref<1x85xf32, #tpu.memory_space<hbm>>
      %dma_start3A_389 = arith.constant 0 : i32
      %dma_start3A_390 = tpu.memref_slice %arg12[%add3A_385, %dma_start3A_389] : memref<96x85xf32, #tpu.memory_space<vmem>> -> memref<1x85xf32, #tpu.memory_space<vmem>>
      %dma_start3A_391 = arith.constant 0 : i32
      %dma_start3A_392 = tpu.memref_slice %arg4[%reduce_sum3A_383, %dma_start3A_391] : memref<12288x85xf32, #tpu.memory_space<hbm>> -> memref<1x85xf32, #tpu.memory_space<hbm>>
      tpu.enqueue_dma source(%dma_start3A_392 : memref<1x85xf32, #tpu.memory_space<hbm>>) target(%dma_start3A_390 : memref<1x85xf32, #tpu.memory_space<vmem>>) target_semaphore(%arg13 : memref<!tpu.dma_semaphore, #tpu.memory_space<semaphore_mem>>)
      %scan3A_393 = arith.constant 0 : i32
      scf.yield %scan3A_393 : i32
    }
    %scan3A_344 = arith.constant 16 : i32
    %dma_wait3A_345 = arith.constant 64 : i32
    %dma_wait3A_346 = arith.constant 0 : i32
    %dma_wait3A_347 = tpu.memref_slice %arg12[%dma_wait3A_345, %dma_wait3A_346] : memref<96x85xf32, #tpu.memory_space<vmem>> -> memref<16x85xf32, #tpu.memory_space<vmem>>
    %dma_wait3A_348 = arith.constant 0 : i32
    %dma_wait3A_349 = arith.constant 0 : i32
    %dma_wait3A_350 = tpu.memref_slice %arg4[%dma_wait3A_348, %dma_wait3A_349] : memref<12288x85xf32, #tpu.memory_space<hbm>> -> memref<16x85xf32, #tpu.memory_space<hbm>>
    %dma_wait3A_351 = arith.constant 64 : i32
    %dma_wait3A_352 = arith.constant 0 : i32
    %dma_wait3A_353 = tpu.memref_slice %arg12[%dma_wait3A_351, %dma_wait3A_352] : memref<96x85xf32, #tpu.memory_space<vmem>> -> memref<16x85xf32, #tpu.memory_space<vmem>>
    %dma_wait3A_354 = arith.constant 0 : i32
    %dma_wait3A_355 = arith.constant 0 : i32
    %dma_wait3A_356 = tpu.memref_slice %arg4[%dma_wait3A_354, %dma_wait3A_355] : memref<12288x85xf32, #tpu.memory_space<hbm>> -> memref<16x85xf32, #tpu.memory_space<hbm>>
    tpu.wait_dma2 semaphore(%arg13 : memref<!tpu.dma_semaphore, #tpu.memory_space<semaphore_mem>>) src(%dma_wait3A_356 : memref<16x85xf32, #tpu.memory_space<hbm>>) dst(%dma_wait3A_353 : memref<16x85xf32, #tpu.memory_space<vmem>>)
    %get3A_357 = arith.constant 80 : index
    %get3A_358 = tpu.vector_load %arg11[%get3A_357] {strides = array<i32>} : memref<96xi32, #tpu.memory_space<vmem>>, vector<16xi32>,
    %scan3A_359 = arith.constant 0 : i32
    %scan3A_360 = arith.constant 0 : i32
    %scan3A_361 = arith.constant 16 : i32
    %scan3A_362 = arith.addi %scan3A_360, %scan3A_361 : i32
    %scan3A_363 = arith.constant 1 : i32
    %scan3A_364 = scf.for %scan3A_378 = %scan3A_360 to %scan3A_362 step %scan3A_363 iter_args(%scan3A_379 = %scan3A_359) -> (i32)  : i32 {
      %eq3A = vector.broadcast %scan3A_378 : i32 to vector<16xi32>
      %eq3A_380 = arith.cmpi eq, %iota3A, %eq3A : vector<16xi32>
      %jit3A = arith.constant 0 : i32
      %broadcast_in_dim3A = vector.broadcast %jit3A : i32 to vector<16xi32>
      %select_n3A = arith.select %eq3A_380, %get3A_358, %broadcast_in_dim3A : vector<16xi1>, vector<16xi32>
      %reduce_sum3A = arith.constant true
      %reduce_sum3A_381 = vector.broadcast %reduce_sum3A : i1 to vector<16xi1>
      %reduce_sum3A_382 = tpu.scan <sum>, %select_n3A masked %reduce_sum3A_381 : vector<16xi32>, vector<16xi1> -> vector<16xi32>
      %reduce_sum3A_383 = vector.extract %reduce_sum3A_382[15] : i32 from vector<16xi32>
      %add3A_384 = arith.constant 80 : i32
      %add3A_385 = arith.addi %add3A_384, %scan3A_378 : i32
      %dma_start3A = arith.constant 0 : i32
      %dma_start3A_386 = tpu.memref_slice %arg12[%add3A_385, %dma_start3A] : memref<96x85xf32, #tpu.memory_space<vmem>> -> memref<1x85xf32, #tpu.memory_space<vmem>>
      %dma_start3A_387 = arith.constant 0 : i32
      %dma_start3A_388 = tpu.memref_slice %arg4[%reduce_sum3A_383, %dma_start3A_387] : memref<12288x85xf32, #tpu.memory_space<hbm>> -> memref<1x85xf32, #tpu.memory_space<hbm>>
      %dma_start3A_389 = arith.constant 0 : i32
      %dma_start3A_390 = tpu.memref_slice %arg12[%add3A_385, %dma_start3A_389] : memref<96x85xf32, #tpu.memory_space<vmem>> -> memref<1x85xf32, #tpu.memory_space<vmem>>
      %dma_start3A_391 = arith.constant 0 : i32
      %dma_start3A_392 = tpu.memref_slice %arg4[%reduce_sum3A_383, %dma_start3A_391] : memref<12288x85xf32, #tpu.memory_space<hbm>> -> memref<1x85xf32, #tpu.memory_space<hbm>>
      tpu.enqueue_dma source(%dma_start3A_392 : memref<1x85xf32, #tpu.memory_space<hbm>>) target(%dma_start3A_390 : memref<1x85xf32, #tpu.memory_space<vmem>>) target_semaphore(%arg13 : memref<!tpu.dma_semaphore, #tpu.memory_space<semaphore_mem>>)
      %scan3A_393 = arith.constant 0 : i32
      scf.yield %scan3A_393 : i32
    }
    %scan3A_365 = arith.constant 16 : i32
    %dma_wait3A_366 = arith.constant 80 : i32
    %dma_wait3A_367 = arith.constant 0 : i32
    %dma_wait3A_368 = tpu.memref_slice %arg12[%dma_wait3A_366, %dma_wait3A_367] : memref<96x85xf32, #tpu.memory_space<vmem>> -> memref<16x85xf32, #tpu.memory_space<vmem>>
    %dma_wait3A_369 = arith.constant 0 : i32
    %dma_wait3A_370 = arith.constant 0 : i32
    %dma_wait3A_371 = tpu.memref_slice %arg4[%dma_wait3A_369, %dma_wait3A_370] : memref<12288x85xf32, #tpu.memory_space<hbm>> -> memref<16x85xf32, #tpu.memory_space<hbm>>
    %dma_wait3A_372 = arith.constant 80 : i32
    %dma_wait3A_373 = arith.constant 0 : i32
    %dma_wait3A_374 = tpu.memref_slice %arg12[%dma_wait3A_372, %dma_wait3A_373] : memref<96x85xf32, #tpu.memory_space<vmem>> -> memref<16x85xf32, #tpu.memory_space<vmem>>
    %dma_wait3A_375 = arith.constant 0 : i32
    %dma_wait3A_376 = arith.constant 0 : i32
    %dma_wait3A_377 = tpu.memref_slice %arg4[%dma_wait3A_375, %dma_wait3A_376] : memref<12288x85xf32, #tpu.memory_space<hbm>> -> memref<16x85xf32, #tpu.memory_space<hbm>>
    tpu.wait_dma2 semaphore(%arg13 : memref<!tpu.dma_semaphore, #tpu.memory_space<semaphore_mem>>) src(%dma_wait3A_377 : memref<16x85xf32, #tpu.memory_space<hbm>>) dst(%dma_wait3A_374 : memref<16x85xf32, #tpu.memory_space<vmem>>)
    "tpu.region"() ({
      %run_scoped3A = tpu.sem_alloc : memref<!tpu.dma_semaphore, #tpu.memory_space<semaphore_mem>>
      %dma_start3A = arith.constant 0 : i32
      %dma_start3A_378 = tpu.memref_slice %arg10[%mul3A_2, %dma_start3A] : memref<3072x85xf32, #tpu.memory_space<hbm>> -> memref<96x85xf32, #tpu.memory_space<hbm>>
      %dma_start3A_379 = arith.constant 0 : i32
      %dma_start3A_380 = tpu.memref_slice %arg10[%mul3A_2, %dma_start3A_379] : memref<3072x85xf32, #tpu.memory_space<hbm>> -> memref<96x85xf32, #tpu.memory_space<hbm>>
      tpu.enqueue_dma source(%arg12 : memref<96x85xf32, #tpu.memory_space<vmem>>) target(%dma_start3A_380 : memref<96x85xf32, #tpu.memory_space<hbm>>) target_semaphore(%run_scoped3A : memref<!tpu.dma_semaphore, #tpu.memory_space<semaphore_mem>>)
      %dma_wait3A_381 = arith.constant 0 : i32
      %dma_wait3A_382 = tpu.memref_slice %arg10[%mul3A_2, %dma_wait3A_381] : memref<3072x85xf32, #tpu.memory_space<hbm>> -> memref<96x85xf32, #tpu.memory_space<hbm>>
      %dma_wait3A_383 = arith.constant 0 : i32
      %dma_wait3A_384 = tpu.memref_slice %arg10[%mul3A_2, %dma_wait3A_383] : memref<3072x85xf32, #tpu.memory_space<hbm>> -> memref<96x85xf32, #tpu.memory_space<hbm>>
      tpu.wait_dma2 semaphore(%run_scoped3A : memref<!tpu.dma_semaphore, #tpu.memory_space<semaphore_mem>>) src(%arg12 : memref<96x85xf32, #tpu.memory_space<vmem>>) dst(%dma_wait3A_384 : memref<96x85xf32, #tpu.memory_space<hbm>>)
      tpu.yield
    }) : () -> ()
    return
  }
}

module attributes {stable_mosaic.version = 14 : i64} {
  func.func @body(%arg0: i32, %arg1: memref<4096x85xf32, #tpu.memory_space<vmem>>, %arg2: memref<4096x85xf32, #tpu.memory_space<vmem>>, %arg3: memref<4096x85xf32, #tpu.memory_space<vmem>>, %arg4: memref<8x128xf32, #tpu.memory_space<vmem>>) attributes {dimension_semantics = [#tpu.dimension_semantics<arbitrary>], iteration_bounds = array<i64: 48>, scalar_prefetch = 0 : i64, scratch_operands = 0 : i64, tpu.core_type = #tpu.core_type<tc>, window_params = [{transform_indices = @transform_0, window_bounds = array<i64: 4096, 85>}, {transform_indices = @transform_1, window_bounds = array<i64: 4096, 85>}, {transform_indices = @transform_2, window_bounds = array<i64: 4096, 85>}, {pipeline_mode = #tpu.pipeline_mode<synchronous>, transform_indices = @transform_3, window_bounds = array<i64: 8, 128>}]} {
    %eq3A = arith.constant 0 : i32
    %eq3A_0 = arith.cmpi eq, %arg0, %eq3A : i32
    %convert_element_type3A = arith.extui %eq3A_0 : i1 to i32
    %cond3A = arith.constant 0 : i32
    %cond3A_1 = arith.cmpi ne, %convert_element_type3A, %cond3A : i32
    scf.if %cond3A_1 {
      %broadcast_in_dim3A_65 = arith.constant 0.000000e+00 : f32
      %broadcast_in_dim3A_66 = vector.broadcast %broadcast_in_dim3A_65 : f32 to vector<8x128xf32>
      %swap3A_67 = arith.constant 0 : index
      %swap3A_68 = arith.constant 0 : index
      %swap3A_69 = vector.load %arg4[%swap3A_67, %swap3A_68] : memref<8x128xf32, #tpu.memory_space<vmem>>, vector<8x128xf32>
      tpu.vector_store %arg4[%swap3A_67, %swap3A_68], %broadcast_in_dim3A_66 {strides = array<i32>} : memref<8x128xf32, #tpu.memory_space<vmem>>, vector<8x128xf32>,
    } else {
    }
    %iota3A = tpu.iota {dimensions = array<i32: 0>} : vector<8x128xi32>
    %iota3A_2 = tpu.iota {dimensions = array<i32: 1>} : vector<8x128xi32>
    %get3A = arith.constant 0 : index
    %get3A_3 = arith.constant 4 : index
    %get3A_4 = vector.load %arg1[%get3A, %get3A_3] : memref<4096x85xf32, #tpu.memory_space<vmem>>, vector<4096x1xf32>
    %reshape3A = vector.shape_cast %get3A_4 : vector<4096x1xf32> to vector<32x128xf32>
    %max3A = arith.constant 0.000000e+00 : f32
    %max3A_5 = vector.broadcast %max3A : f32 to vector<32x128xf32>
    %max3A_6 = arith.maximumf %reshape3A, %max3A_5 : vector<32x128xf32>
    %abs3A = math.absf %reshape3A : vector<32x128xf32>
    %neg3A = arith.constant 0.000000e+00 : f32
    %neg3A_7 = vector.broadcast %neg3A : f32 to vector<32x128xf32>
    %neg3A_8 = arith.subf %neg3A_7, %abs3A : vector<32x128xf32>
    %exp3A = math.exp %neg3A_8 : vector<32x128xf32>
    %log1p3A = math.log1p %exp3A : vector<32x128xf32>
    %add3A = arith.addf %max3A_6, %log1p3A : vector<32x128xf32>
    %reduce_sum3A = vector.shape_cast %add3A : vector<32x128xf32> to vector<1x32x128xf32>
    %reduce_sum3A_9 = arith.constant dense<0.000000e+00> : vector<1xf32>
    %reduce_sum3A_10 = vector.multi_reduction <add>, %reduce_sum3A, %reduce_sum3A_9 [1, 2] : vector<1x32x128xf32> to vector<1xf32>
    %reduce_sum3A_11 = vector.shape_cast %reduce_sum3A_10 : vector<1xf32> to vector<1x1x1xf32>
    %reduce_sum3A_12 = vector.extract %reduce_sum3A_11[0, 0, 0] : f32 from vector<1x1x1xf32>
    %get3A_13 = arith.constant 0 : index
    %get3A_14 = arith.constant 0 : index
    %get3A_15 = vector.load %arg4[%get3A_13, %get3A_14] : memref<8x128xf32, #tpu.memory_space<vmem>>, vector<8x128xf32>
    %eq3A_16 = arith.constant 0 : i32
    %eq3A_17 = vector.broadcast %eq3A_16 : i32 to vector<8x128xi32>
    %eq3A_18 = arith.cmpi eq, %iota3A, %eq3A_17 : vector<8x128xi32>
    %eq3A_19 = arith.constant 0 : i32
    %eq3A_20 = vector.broadcast %eq3A_19 : i32 to vector<8x128xi32>
    %eq3A_21 = arith.cmpi eq, %iota3A_2, %eq3A_20 : vector<8x128xi32>
    %and3A = arith.andi %eq3A_18, %eq3A_21 : vector<8x128xi1>
    %jit3A = arith.constant 0.000000e+00 : f32
    %broadcast_in_dim3A = vector.broadcast %reduce_sum3A_12 : f32 to vector<8x128xf32>
    %broadcast_in_dim3A_22 = vector.broadcast %jit3A : f32 to vector<8x128xf32>
    %select_n3A = arith.select %and3A, %broadcast_in_dim3A, %broadcast_in_dim3A_22 : vector<8x128xi1>, vector<8x128xf32>
    %add3A_23 = arith.addf %get3A_15, %select_n3A : vector<8x128xf32>
    %swap3A = arith.constant 0 : index
    %swap3A_24 = arith.constant 0 : index
    %swap3A_25 = vector.load %arg4[%swap3A, %swap3A_24] : memref<8x128xf32, #tpu.memory_space<vmem>>, vector<8x128xf32>
    tpu.vector_store %arg4[%swap3A, %swap3A_24], %add3A_23 {strides = array<i32>} : memref<8x128xf32, #tpu.memory_space<vmem>>, vector<8x128xf32>,
    %jit3A_26 = arith.constant 4 : i32
    %eq3A_27 = arith.constant 0 : i32
    %eq3A_28 = arith.cmpi eq, %jit3A_26, %eq3A_27 : i32
    %jit3A_29 = arith.constant 1 : i32
    %select_n3A_30 = arith.select %eq3A_28, %jit3A_29, %jit3A_26 : i32
    %rem3A = arith.remsi %arg0, %select_n3A_30 : i32
    %ne3A = arith.constant 0 : i32
    %ne3A_31 = arith.cmpi ne, %rem3A, %ne3A : i32
    %lt3A = arith.constant 0 : i32
    %lt3A_32 = arith.cmpi slt, %rem3A, %lt3A : i32
    %lt3A_33 = arith.constant 0 : i32
    %lt3A_34 = arith.cmpi slt, %select_n3A_30, %lt3A_33 : i32
    %ne3A_35 = arith.xori %lt3A_32, %lt3A_34 : i1
    %and3A_36 = arith.andi %ne3A_35, %ne3A_31 : i1
    %add3A_37 = arith.addi %rem3A, %select_n3A_30 : i32
    %select_n3A_38 = arith.select %and3A_36, %add3A_37, %rem3A : i32
    %eq3A_39 = arith.constant 0 : i32
    %eq3A_40 = arith.cmpi eq, %select_n3A_38, %eq3A_39 : i32
    %convert_element_type3A_41 = arith.extui %eq3A_40 : i1 to i32
    %cond3A_42 = arith.constant 0 : i32
    %cond3A_43 = arith.cmpi ne, %convert_element_type3A_41, %cond3A_42 : i32
    scf.if %cond3A_43 {
      %get3A_65 = arith.constant 0 : index
      %get3A_66 = arith.constant 4 : index
      %get3A_67 = vector.load %arg2[%get3A_65, %get3A_66] : memref<4096x85xf32, #tpu.memory_space<vmem>>, vector<4096x1xf32>
      %reshape3A_68 = vector.shape_cast %get3A_67 : vector<4096x1xf32> to vector<32x128xf32>
      %max3A_69 = arith.constant 0.000000e+00 : f32
      %max3A_70 = vector.broadcast %max3A_69 : f32 to vector<32x128xf32>
      %max3A_71 = arith.maximumf %reshape3A_68, %max3A_70 : vector<32x128xf32>
      %abs3A_72 = math.absf %reshape3A_68 : vector<32x128xf32>
      %neg3A_73 = arith.constant 0.000000e+00 : f32
      %neg3A_74 = vector.broadcast %neg3A_73 : f32 to vector<32x128xf32>
      %neg3A_75 = arith.subf %neg3A_74, %abs3A_72 : vector<32x128xf32>
      %exp3A_76 = math.exp %neg3A_75 : vector<32x128xf32>
      %log1p3A_77 = math.log1p %exp3A_76 : vector<32x128xf32>
      %add3A_78 = arith.addf %max3A_71, %log1p3A_77 : vector<32x128xf32>
      %reduce_sum3A_79 = vector.shape_cast %add3A_78 : vector<32x128xf32> to vector<1x32x128xf32>
      %reduce_sum3A_80 = arith.constant dense<0.000000e+00> : vector<1xf32>
      %reduce_sum3A_81 = vector.multi_reduction <add>, %reduce_sum3A_79, %reduce_sum3A_80 [1, 2] : vector<1x32x128xf32> to vector<1xf32>
      %reduce_sum3A_82 = vector.shape_cast %reduce_sum3A_81 : vector<1xf32> to vector<1x1x1xf32>
      %reduce_sum3A_83 = vector.extract %reduce_sum3A_82[0, 0, 0] : f32 from vector<1x1x1xf32>
      %get3A_84 = arith.constant 0 : index
      %get3A_85 = arith.constant 0 : index
      %get3A_86 = vector.load %arg4[%get3A_84, %get3A_85] : memref<8x128xf32, #tpu.memory_space<vmem>>, vector<8x128xf32>
      %eq3A_87 = arith.constant 1 : i32
      %eq3A_88 = vector.broadcast %eq3A_87 : i32 to vector<8x128xi32>
      %eq3A_89 = arith.cmpi eq, %iota3A, %eq3A_88 : vector<8x128xi32>
      %eq3A_90 = arith.constant 0 : i32
      %eq3A_91 = vector.broadcast %eq3A_90 : i32 to vector<8x128xi32>
      %eq3A_92 = arith.cmpi eq, %iota3A_2, %eq3A_91 : vector<8x128xi32>
      %and3A_93 = arith.andi %eq3A_89, %eq3A_92 : vector<8x128xi1>
      %jit3A_94 = arith.constant 0.000000e+00 : f32
      %broadcast_in_dim3A_95 = vector.broadcast %reduce_sum3A_83 : f32 to vector<8x128xf32>
      %broadcast_in_dim3A_96 = vector.broadcast %jit3A_94 : f32 to vector<8x128xf32>
      %select_n3A_97 = arith.select %and3A_93, %broadcast_in_dim3A_95, %broadcast_in_dim3A_96 : vector<8x128xi1>, vector<8x128xf32>
      %add3A_98 = arith.addf %get3A_86, %select_n3A_97 : vector<8x128xf32>
      %swap3A_99 = arith.constant 0 : index
      %swap3A_100 = arith.constant 0 : index
      %swap3A_101 = vector.load %arg4[%swap3A_99, %swap3A_100] : memref<8x128xf32, #tpu.memory_space<vmem>>, vector<8x128xf32>
      tpu.vector_store %arg4[%swap3A_99, %swap3A_100], %add3A_98 {strides = array<i32>} : memref<8x128xf32, #tpu.memory_space<vmem>>, vector<8x128xf32>,
    } else {
    }
    %jit3A_44 = arith.constant 16 : i32
    %eq3A_45 = arith.constant 0 : i32
    %eq3A_46 = arith.cmpi eq, %jit3A_44, %eq3A_45 : i32
    %jit3A_47 = arith.constant 1 : i32
    %select_n3A_48 = arith.select %eq3A_46, %jit3A_47, %jit3A_44 : i32
    %rem3A_49 = arith.remsi %arg0, %select_n3A_48 : i32
    %ne3A_50 = arith.constant 0 : i32
    %ne3A_51 = arith.cmpi ne, %rem3A_49, %ne3A_50 : i32
    %lt3A_52 = arith.constant 0 : i32
    %lt3A_53 = arith.cmpi slt, %rem3A_49, %lt3A_52 : i32
    %lt3A_54 = arith.constant 0 : i32
    %lt3A_55 = arith.cmpi slt, %select_n3A_48, %lt3A_54 : i32
    %ne3A_56 = arith.xori %lt3A_53, %lt3A_55 : i1
    %and3A_57 = arith.andi %ne3A_56, %ne3A_51 : i1
    %add3A_58 = arith.addi %rem3A_49, %select_n3A_48 : i32
    %select_n3A_59 = arith.select %and3A_57, %add3A_58, %rem3A_49 : i32
    %eq3A_60 = arith.constant 0 : i32
    %eq3A_61 = arith.cmpi eq, %select_n3A_59, %eq3A_60 : i32
    %convert_element_type3A_62 = arith.extui %eq3A_61 : i1 to i32
    %cond3A_63 = arith.constant 0 : i32
    %cond3A_64 = arith.cmpi ne, %convert_element_type3A_62, %cond3A_63 : i32
    scf.if %cond3A_64 {
      %get3A_65 = arith.constant 0 : index
      %get3A_66 = arith.constant 4 : index
      %get3A_67 = vector.load %arg3[%get3A_65, %get3A_66] : memref<4096x85xf32, #tpu.memory_space<vmem>>, vector<4096x1xf32>
      %reshape3A_68 = vector.shape_cast %get3A_67 : vector<4096x1xf32> to vector<32x128xf32>
      %max3A_69 = arith.constant 0.000000e+00 : f32
      %max3A_70 = vector.broadcast %max3A_69 : f32 to vector<32x128xf32>
      %max3A_71 = arith.maximumf %reshape3A_68, %max3A_70 : vector<32x128xf32>
      %abs3A_72 = math.absf %reshape3A_68 : vector<32x128xf32>
      %neg3A_73 = arith.constant 0.000000e+00 : f32
      %neg3A_74 = vector.broadcast %neg3A_73 : f32 to vector<32x128xf32>
      %neg3A_75 = arith.subf %neg3A_74, %abs3A_72 : vector<32x128xf32>
      %exp3A_76 = math.exp %neg3A_75 : vector<32x128xf32>
      %log1p3A_77 = math.log1p %exp3A_76 : vector<32x128xf32>
      %add3A_78 = arith.addf %max3A_71, %log1p3A_77 : vector<32x128xf32>
      %reduce_sum3A_79 = vector.shape_cast %add3A_78 : vector<32x128xf32> to vector<1x32x128xf32>
      %reduce_sum3A_80 = arith.constant dense<0.000000e+00> : vector<1xf32>
      %reduce_sum3A_81 = vector.multi_reduction <add>, %reduce_sum3A_79, %reduce_sum3A_80 [1, 2] : vector<1x32x128xf32> to vector<1xf32>
      %reduce_sum3A_82 = vector.shape_cast %reduce_sum3A_81 : vector<1xf32> to vector<1x1x1xf32>
      %reduce_sum3A_83 = vector.extract %reduce_sum3A_82[0, 0, 0] : f32 from vector<1x1x1xf32>
      %get3A_84 = arith.constant 0 : index
      %get3A_85 = arith.constant 0 : index
      %get3A_86 = vector.load %arg4[%get3A_84, %get3A_85] : memref<8x128xf32, #tpu.memory_space<vmem>>, vector<8x128xf32>
      %eq3A_87 = arith.constant 2 : i32
      %eq3A_88 = vector.broadcast %eq3A_87 : i32 to vector<8x128xi32>
      %eq3A_89 = arith.cmpi eq, %iota3A, %eq3A_88 : vector<8x128xi32>
      %eq3A_90 = arith.constant 0 : i32
      %eq3A_91 = vector.broadcast %eq3A_90 : i32 to vector<8x128xi32>
      %eq3A_92 = arith.cmpi eq, %iota3A_2, %eq3A_91 : vector<8x128xi32>
      %and3A_93 = arith.andi %eq3A_89, %eq3A_92 : vector<8x128xi1>
      %jit3A_94 = arith.constant 0.000000e+00 : f32
      %broadcast_in_dim3A_95 = vector.broadcast %reduce_sum3A_83 : f32 to vector<8x128xf32>
      %broadcast_in_dim3A_96 = vector.broadcast %jit3A_94 : f32 to vector<8x128xf32>
      %select_n3A_97 = arith.select %and3A_93, %broadcast_in_dim3A_95, %broadcast_in_dim3A_96 : vector<8x128xi1>, vector<8x128xf32>
      %add3A_98 = arith.addf %get3A_86, %select_n3A_97 : vector<8x128xf32>
      %swap3A_99 = arith.constant 0 : index
      %swap3A_100 = arith.constant 0 : index
      %swap3A_101 = vector.load %arg4[%swap3A_99, %swap3A_100] : memref<8x128xf32, #tpu.memory_space<vmem>>, vector<8x128xf32>
      tpu.vector_store %arg4[%swap3A_99, %swap3A_100], %add3A_98 {strides = array<i32>} : memref<8x128xf32, #tpu.memory_space<vmem>>, vector<8x128xf32>,
    } else {
    }
    return
  }
  func.func @transform_0(%arg0: i32) -> (i32, i32) {
    %c0_i32 = arith.constant 0 : i32
    %c0_i32_0 = arith.constant 0 : i32
    return %arg0, %c0_i32 : i32, i32
  }
  func.func @transform_1(%arg0: i32) -> (i32, i32) {
    %jit3A = arith.constant 4 : i32
    %div3A = arith.divsi %arg0, %jit3A : i32
    %sign3A = arith.constant 0 : i32
    %sign3A_0 = arith.cmpi sgt, %arg0, %sign3A : i32
    %sign3A_1 = arith.extui %sign3A_0 : i1 to i32
    %sign3A_2 = arith.constant 0 : i32
    %sign3A_3 = arith.cmpi slt, %arg0, %sign3A_2 : i32
    %sign3A_4 = arith.extui %sign3A_3 : i1 to i32
    %sign3A_5 = arith.subi %sign3A_1, %sign3A_4 : i32
    %sign3A_6 = arith.constant 0 : i32
    %sign3A_7 = arith.cmpi sgt, %jit3A, %sign3A_6 : i32
    %sign3A_8 = arith.extui %sign3A_7 : i1 to i32
    %sign3A_9 = arith.constant 0 : i32
    %sign3A_10 = arith.cmpi slt, %jit3A, %sign3A_9 : i32
    %sign3A_11 = arith.extui %sign3A_10 : i1 to i32
    %sign3A_12 = arith.subi %sign3A_8, %sign3A_11 : i32
    %ne3A = arith.cmpi ne, %sign3A_5, %sign3A_12 : i32
    %rem3A = arith.remsi %arg0, %jit3A : i32
    %ne3A_13 = arith.constant 0 : i32
    %ne3A_14 = arith.cmpi ne, %rem3A, %ne3A_13 : i32
    %and3A = arith.andi %ne3A, %ne3A_14 : i1
    %sub3A = arith.constant 1 : i32
    %sub3A_15 = arith.subi %div3A, %sub3A : i32
    %select_n3A = arith.select %and3A, %sub3A_15, %div3A : i32
    %c0_i32 = arith.constant 0 : i32
    %c0_i32_16 = arith.constant 0 : i32
    return %select_n3A, %c0_i32 : i32, i32
  }
  func.func @transform_2(%arg0: i32) -> (i32, i32) {
    %jit3A = arith.constant 16 : i32
    %div3A = arith.divsi %arg0, %jit3A : i32
    %sign3A = arith.constant 0 : i32
    %sign3A_0 = arith.cmpi sgt, %arg0, %sign3A : i32
    %sign3A_1 = arith.extui %sign3A_0 : i1 to i32
    %sign3A_2 = arith.constant 0 : i32
    %sign3A_3 = arith.cmpi slt, %arg0, %sign3A_2 : i32
    %sign3A_4 = arith.extui %sign3A_3 : i1 to i32
    %sign3A_5 = arith.subi %sign3A_1, %sign3A_4 : i32
    %sign3A_6 = arith.constant 0 : i32
    %sign3A_7 = arith.cmpi sgt, %jit3A, %sign3A_6 : i32
    %sign3A_8 = arith.extui %sign3A_7 : i1 to i32
    %sign3A_9 = arith.constant 0 : i32
    %sign3A_10 = arith.cmpi slt, %jit3A, %sign3A_9 : i32
    %sign3A_11 = arith.extui %sign3A_10 : i1 to i32
    %sign3A_12 = arith.subi %sign3A_8, %sign3A_11 : i32
    %ne3A = arith.cmpi ne, %sign3A_5, %sign3A_12 : i32
    %rem3A = arith.remsi %arg0, %jit3A : i32
    %ne3A_13 = arith.constant 0 : i32
    %ne3A_14 = arith.cmpi ne, %rem3A, %ne3A_13 : i32
    %and3A = arith.andi %ne3A, %ne3A_14 : i1
    %sub3A = arith.constant 1 : i32
    %sub3A_15 = arith.subi %div3A, %sub3A : i32
    %select_n3A = arith.select %and3A, %sub3A_15, %div3A : i32
    %c0_i32 = arith.constant 0 : i32
    %c0_i32_16 = arith.constant 0 : i32
    return %select_n3A, %c0_i32 : i32, i32
  }
  func.func @transform_3(%arg0: i32) -> (i32, i32) {
    %c0_i32 = arith.constant 0 : i32
    %c0_i32_0 = arith.constant 0 : i32
    %c0_i32_1 = arith.constant 0 : i32
    return %c0_i32, %c0_i32_0 : i32, i32
  }
}

module attributes {stable_mosaic.version = 14 : i64} {
  func.func @body(%arg0: memref<85x72x128xf32, #tpu.memory_space<vmem>>, %arg1: memref<8x72x128xf32, #tpu.memory_space<vmem>>, %arg2: memref<16x128xf32, #tpu.memory_space<vmem>>) attributes {dimension_semantics = [], scalar_prefetch = 0 : i64, scratch_operands = 0 : i64, tpu.core_type = #tpu.core_type<tc>} {
    %get3A = arith.constant 7 : index
    %get3A_0 = arith.constant 0 : index
    %get3A_1 = arith.constant 0 : index
    %get3A_2 = vector.load %arg1[%get3A, %get3A_0, %get3A_1] : memref<8x72x128xf32, #tpu.memory_space<vmem>>, vector<1x72x128xf32>
    %get3A_3 = vector.shape_cast %get3A_2 : vector<1x72x128xf32> to vector<72x128xf32>
    %broadcast_in_dim3A = arith.constant 0.000000e+00 : f32
    %broadcast_in_dim3A_4 = vector.broadcast %broadcast_in_dim3A : f32 to vector<72x128xf32>
    %broadcast_in_dim3A_5 = arith.constant 0.000000e+00 : f32
    %broadcast_in_dim3A_6 = vector.broadcast %broadcast_in_dim3A_5 : f32 to vector<72x128xf32>
    %broadcast_in_dim3A_7 = arith.constant 0.000000e+00 : f32
    %broadcast_in_dim3A_8 = vector.broadcast %broadcast_in_dim3A_7 : f32 to vector<72x128xf32>
    %broadcast_in_dim3A_9 = arith.constant 0.000000e+00 : f32
    %broadcast_in_dim3A_10 = vector.broadcast %broadcast_in_dim3A_9 : f32 to vector<72x128xf32>
    %broadcast_in_dim3A_11 = arith.constant 0.000000e+00 : f32
    %broadcast_in_dim3A_12 = vector.broadcast %broadcast_in_dim3A_11 : f32 to vector<72x128xf32>
    %broadcast_in_dim3A_13 = arith.constant 0.000000e+00 : f32
    %broadcast_in_dim3A_14 = vector.broadcast %broadcast_in_dim3A_13 : f32 to vector<72x128xf32>
    %broadcast_in_dim3A_15 = arith.constant 0.000000e+00 : f32
    %broadcast_in_dim3A_16 = vector.broadcast %broadcast_in_dim3A_15 : f32 to vector<72x128xf32>
    %broadcast_in_dim3A_17 = arith.constant 0.000000e+00 : f32
    %broadcast_in_dim3A_18 = vector.broadcast %broadcast_in_dim3A_17 : f32 to vector<72x128xf32>
    %get3A_19 = arith.constant 5 : index
    %get3A_20 = arith.constant 0 : index
    %get3A_21 = arith.constant 0 : index
    %get3A_22 = vector.load %arg0[%get3A_19, %get3A_20, %get3A_21] : memref<85x72x128xf32, #tpu.memory_space<vmem>>, vector<1x72x128xf32>
    %get3A_23 = vector.shape_cast %get3A_22 : vector<1x72x128xf32> to vector<72x128xf32>
    %max3A = arith.constant 0.000000e+00 : f32
    %max3A_24 = vector.broadcast %max3A : f32 to vector<72x128xf32>
    %max3A_25 = arith.maximumf %get3A_23, %max3A_24 : vector<72x128xf32>
    %abs3A = math.absf %get3A_23 : vector<72x128xf32>
    %neg3A = arith.constant 0.000000e+00 : f32
    %neg3A_26 = vector.broadcast %neg3A : f32 to vector<72x128xf32>
    %neg3A_27 = arith.subf %neg3A_26, %abs3A : vector<72x128xf32>
    %exp3A = math.exp %neg3A_27 : vector<72x128xf32>
    %log1p3A = math.log1p %exp3A : vector<72x128xf32>
    %add3A = arith.addf %max3A_25, %log1p3A : vector<72x128xf32>
    %add3A_28 = arith.addf %broadcast_in_dim3A_4, %add3A : vector<72x128xf32>
    %eq3A = arith.constant 0.000000e+00 : f32
    %eq3A_29 = vector.broadcast %eq3A : f32 to vector<72x128xf32>
    %eq3A_30 = arith.cmpf oeq, %get3A_3, %eq3A_29 : vector<72x128xf32>
    %jit3A = arith.constant 0.000000e+00 : f32
    %broadcast_in_dim3A_31 = vector.broadcast %jit3A : f32 to vector<72x128xf32>
    %select_n3A = arith.select %eq3A_30, %get3A_23, %broadcast_in_dim3A_31 : vector<72x128xi1>, vector<72x128xf32>
    %add3A_32 = arith.addf %broadcast_in_dim3A_12, %select_n3A : vector<72x128xf32>
    %get3A_33 = arith.constant 6 : index
    %get3A_34 = arith.constant 0 : index
    %get3A_35 = arith.constant 0 : index
    %get3A_36 = vector.load %arg0[%get3A_33, %get3A_34, %get3A_35] : memref<85x72x128xf32, #tpu.memory_space<vmem>>, vector<1x72x128xf32>
    %get3A_37 = vector.shape_cast %get3A_36 : vector<1x72x128xf32> to vector<72x128xf32>
    %max3A_38 = arith.constant 0.000000e+00 : f32
    %max3A_39 = vector.broadcast %max3A_38 : f32 to vector<72x128xf32>
    %max3A_40 = arith.maximumf %get3A_37, %max3A_39 : vector<72x128xf32>
    %abs3A_41 = math.absf %get3A_37 : vector<72x128xf32>
    %neg3A_42 = arith.constant 0.000000e+00 : f32
    %neg3A_43 = vector.broadcast %neg3A_42 : f32 to vector<72x128xf32>
    %neg3A_44 = arith.subf %neg3A_43, %abs3A_41 : vector<72x128xf32>
    %exp3A_45 = math.exp %neg3A_44 : vector<72x128xf32>
    %log1p3A_46 = math.log1p %exp3A_45 : vector<72x128xf32>
    %add3A_47 = arith.addf %max3A_40, %log1p3A_46 : vector<72x128xf32>
    %add3A_48 = arith.addf %broadcast_in_dim3A_6, %add3A_47 : vector<72x128xf32>
    %eq3A_49 = arith.constant 1.000000e+00 : f32
    %eq3A_50 = vector.broadcast %eq3A_49 : f32 to vector<72x128xf32>
    %eq3A_51 = arith.cmpf oeq, %get3A_3, %eq3A_50 : vector<72x128xf32>
    %jit3A_52 = arith.constant 0.000000e+00 : f32
    %broadcast_in_dim3A_53 = vector.broadcast %jit3A_52 : f32 to vector<72x128xf32>
    %select_n3A_54 = arith.select %eq3A_51, %get3A_37, %broadcast_in_dim3A_53 : vector<72x128xi1>, vector<72x128xf32>
    %add3A_55 = arith.addf %broadcast_in_dim3A_14, %select_n3A_54 : vector<72x128xf32>
    %get3A_56 = arith.constant 7 : index
    %get3A_57 = arith.constant 0 : index
    %get3A_58 = arith.constant 0 : index
    %get3A_59 = vector.load %arg0[%get3A_56, %get3A_57, %get3A_58] : memref<85x72x128xf32, #tpu.memory_space<vmem>>, vector<1x72x128xf32>
    %get3A_60 = vector.shape_cast %get3A_59 : vector<1x72x128xf32> to vector<72x128xf32>
    %max3A_61 = arith.constant 0.000000e+00 : f32
    %max3A_62 = vector.broadcast %max3A_61 : f32 to vector<72x128xf32>
    %max3A_63 = arith.maximumf %get3A_60, %max3A_62 : vector<72x128xf32>
    %abs3A_64 = math.absf %get3A_60 : vector<72x128xf32>
    %neg3A_65 = arith.constant 0.000000e+00 : f32
    %neg3A_66 = vector.broadcast %neg3A_65 : f32 to vector<72x128xf32>
    %neg3A_67 = arith.subf %neg3A_66, %abs3A_64 : vector<72x128xf32>
    %exp3A_68 = math.exp %neg3A_67 : vector<72x128xf32>
    %log1p3A_69 = math.log1p %exp3A_68 : vector<72x128xf32>
    %add3A_70 = arith.addf %max3A_63, %log1p3A_69 : vector<72x128xf32>
    %add3A_71 = arith.addf %broadcast_in_dim3A_8, %add3A_70 : vector<72x128xf32>
    %eq3A_72 = arith.constant 2.000000e+00 : f32
    %eq3A_73 = vector.broadcast %eq3A_72 : f32 to vector<72x128xf32>
    %eq3A_74 = arith.cmpf oeq, %get3A_3, %eq3A_73 : vector<72x128xf32>
    %jit3A_75 = arith.constant 0.000000e+00 : f32
    %broadcast_in_dim3A_76 = vector.broadcast %jit3A_75 : f32 to vector<72x128xf32>
    %select_n3A_77 = arith.select %eq3A_74, %get3A_60, %broadcast_in_dim3A_76 : vector<72x128xi1>, vector<72x128xf32>
    %add3A_78 = arith.addf %broadcast_in_dim3A_16, %select_n3A_77 : vector<72x128xf32>
    %get3A_79 = arith.constant 8 : index
    %get3A_80 = arith.constant 0 : index
    %get3A_81 = arith.constant 0 : index
    %get3A_82 = vector.load %arg0[%get3A_79, %get3A_80, %get3A_81] : memref<85x72x128xf32, #tpu.memory_space<vmem>>, vector<1x72x128xf32>
    %get3A_83 = vector.shape_cast %get3A_82 : vector<1x72x128xf32> to vector<72x128xf32>
    %max3A_84 = arith.constant 0.000000e+00 : f32
    %max3A_85 = vector.broadcast %max3A_84 : f32 to vector<72x128xf32>
    %max3A_86 = arith.maximumf %get3A_83, %max3A_85 : vector<72x128xf32>
    %abs3A_87 = math.absf %get3A_83 : vector<72x128xf32>
    %neg3A_88 = arith.constant 0.000000e+00 : f32
    %neg3A_89 = vector.broadcast %neg3A_88 : f32 to vector<72x128xf32>
    %neg3A_90 = arith.subf %neg3A_89, %abs3A_87 : vector<72x128xf32>
    %exp3A_91 = math.exp %neg3A_90 : vector<72x128xf32>
    %log1p3A_92 = math.log1p %exp3A_91 : vector<72x128xf32>
    %add3A_93 = arith.addf %max3A_86, %log1p3A_92 : vector<72x128xf32>
    %add3A_94 = arith.addf %broadcast_in_dim3A_10, %add3A_93 : vector<72x128xf32>
    %eq3A_95 = arith.constant 3.000000e+00 : f32
    %eq3A_96 = vector.broadcast %eq3A_95 : f32 to vector<72x128xf32>
    %eq3A_97 = arith.cmpf oeq, %get3A_3, %eq3A_96 : vector<72x128xf32>
    %jit3A_98 = arith.constant 0.000000e+00 : f32
    %broadcast_in_dim3A_99 = vector.broadcast %jit3A_98 : f32 to vector<72x128xf32>
    %select_n3A_100 = arith.select %eq3A_97, %get3A_83, %broadcast_in_dim3A_99 : vector<72x128xi1>, vector<72x128xf32>
    %add3A_101 = arith.addf %broadcast_in_dim3A_18, %select_n3A_100 : vector<72x128xf32>
    %get3A_102 = arith.constant 9 : index
    %get3A_103 = arith.constant 0 : index
    %get3A_104 = arith.constant 0 : index
    %get3A_105 = vector.load %arg0[%get3A_102, %get3A_103, %get3A_104] : memref<85x72x128xf32, #tpu.memory_space<vmem>>, vector<1x72x128xf32>
    %get3A_106 = vector.shape_cast %get3A_105 : vector<1x72x128xf32> to vector<72x128xf32>
    %max3A_107 = arith.constant 0.000000e+00 : f32
    %max3A_108 = vector.broadcast %max3A_107 : f32 to vector<72x128xf32>
    %max3A_109 = arith.maximumf %get3A_106, %max3A_108 : vector<72x128xf32>
    %abs3A_110 = math.absf %get3A_106 : vector<72x128xf32>
    %neg3A_111 = arith.constant 0.000000e+00 : f32
    %neg3A_112 = vector.broadcast %neg3A_111 : f32 to vector<72x128xf32>
    %neg3A_113 = arith.subf %neg3A_112, %abs3A_110 : vector<72x128xf32>
    %exp3A_114 = math.exp %neg3A_113 : vector<72x128xf32>
    %log1p3A_115 = math.log1p %exp3A_114 : vector<72x128xf32>
    %add3A_116 = arith.addf %max3A_109, %log1p3A_115 : vector<72x128xf32>
    %add3A_117 = arith.addf %add3A_28, %add3A_116 : vector<72x128xf32>
    %eq3A_118 = arith.constant 4.000000e+00 : f32
    %eq3A_119 = vector.broadcast %eq3A_118 : f32 to vector<72x128xf32>
    %eq3A_120 = arith.cmpf oeq, %get3A_3, %eq3A_119 : vector<72x128xf32>
    %jit3A_121 = arith.constant 0.000000e+00 : f32
    %broadcast_in_dim3A_122 = vector.broadcast %jit3A_121 : f32 to vector<72x128xf32>
    %select_n3A_123 = arith.select %eq3A_120, %get3A_106, %broadcast_in_dim3A_122 : vector<72x128xi1>, vector<72x128xf32>
    %add3A_124 = arith.addf %add3A_32, %select_n3A_123 : vector<72x128xf32>
    %get3A_125 = arith.constant 10 : index
    %get3A_126 = arith.constant 0 : index
    %get3A_127 = arith.constant 0 : index
    %get3A_128 = vector.load %arg0[%get3A_125, %get3A_126, %get3A_127] : memref<85x72x128xf32, #tpu.memory_space<vmem>>, vector<1x72x128xf32>
    %get3A_129 = vector.shape_cast %get3A_128 : vector<1x72x128xf32> to vector<72x128xf32>
    %max3A_130 = arith.constant 0.000000e+00 : f32
    %max3A_131 = vector.broadcast %max3A_130 : f32 to vector<72x128xf32>
    %max3A_132 = arith.maximumf %get3A_129, %max3A_131 : vector<72x128xf32>
    %abs3A_133 = math.absf %get3A_129 : vector<72x128xf32>
    %neg3A_134 = arith.constant 0.000000e+00 : f32
    %neg3A_135 = vector.broadcast %neg3A_134 : f32 to vector<72x128xf32>
    %neg3A_136 = arith.subf %neg3A_135, %abs3A_133 : vector<72x128xf32>
    %exp3A_137 = math.exp %neg3A_136 : vector<72x128xf32>
    %log1p3A_138 = math.log1p %exp3A_137 : vector<72x128xf32>
    %add3A_139 = arith.addf %max3A_132, %log1p3A_138 : vector<72x128xf32>
    %add3A_140 = arith.addf %add3A_48, %add3A_139 : vector<72x128xf32>
    %eq3A_141 = arith.constant 5.000000e+00 : f32
    %eq3A_142 = vector.broadcast %eq3A_141 : f32 to vector<72x128xf32>
    %eq3A_143 = arith.cmpf oeq, %get3A_3, %eq3A_142 : vector<72x128xf32>
    %jit3A_144 = arith.constant 0.000000e+00 : f32
    %broadcast_in_dim3A_145 = vector.broadcast %jit3A_144 : f32 to vector<72x128xf32>
    %select_n3A_146 = arith.select %eq3A_143, %get3A_129, %broadcast_in_dim3A_145 : vector<72x128xi1>, vector<72x128xf32>
    %add3A_147 = arith.addf %add3A_55, %select_n3A_146 : vector<72x128xf32>
    %get3A_148 = arith.constant 11 : index
    %get3A_149 = arith.constant 0 : index
    %get3A_150 = arith.constant 0 : index
    %get3A_151 = vector.load %arg0[%get3A_148, %get3A_149, %get3A_150] : memref<85x72x128xf32, #tpu.memory_space<vmem>>, vector<1x72x128xf32>
    %get3A_152 = vector.shape_cast %get3A_151 : vector<1x72x128xf32> to vector<72x128xf32>
    %max3A_153 = arith.constant 0.000000e+00 : f32
    %max3A_154 = vector.broadcast %max3A_153 : f32 to vector<72x128xf32>
    %max3A_155 = arith.maximumf %get3A_152, %max3A_154 : vector<72x128xf32>
    %abs3A_156 = math.absf %get3A_152 : vector<72x128xf32>
    %neg3A_157 = arith.constant 0.000000e+00 : f32
    %neg3A_158 = vector.broadcast %neg3A_157 : f32 to vector<72x128xf32>
    %neg3A_159 = arith.subf %neg3A_158, %abs3A_156 : vector<72x128xf32>
    %exp3A_160 = math.exp %neg3A_159 : vector<72x128xf32>
    %log1p3A_161 = math.log1p %exp3A_160 : vector<72x128xf32>
    %add3A_162 = arith.addf %max3A_155, %log1p3A_161 : vector<72x128xf32>
    %add3A_163 = arith.addf %add3A_71, %add3A_162 : vector<72x128xf32>
    %eq3A_164 = arith.constant 6.000000e+00 : f32
    %eq3A_165 = vector.broadcast %eq3A_164 : f32 to vector<72x128xf32>
    %eq3A_166 = arith.cmpf oeq, %get3A_3, %eq3A_165 : vector<72x128xf32>
    %jit3A_167 = arith.constant 0.000000e+00 : f32
    %broadcast_in_dim3A_168 = vector.broadcast %jit3A_167 : f32 to vector<72x128xf32>
    %select_n3A_169 = arith.select %eq3A_166, %get3A_152, %broadcast_in_dim3A_168 : vector<72x128xi1>, vector<72x128xf32>
    %add3A_170 = arith.addf %add3A_78, %select_n3A_169 : vector<72x128xf32>
    %get3A_171 = arith.constant 12 : index
    %get3A_172 = arith.constant 0 : index
    %get3A_173 = arith.constant 0 : index
    %get3A_174 = vector.load %arg0[%get3A_171, %get3A_172, %get3A_173] : memref<85x72x128xf32, #tpu.memory_space<vmem>>, vector<1x72x128xf32>
    %get3A_175 = vector.shape_cast %get3A_174 : vector<1x72x128xf32> to vector<72x128xf32>
    %max3A_176 = arith.constant 0.000000e+00 : f32
    %max3A_177 = vector.broadcast %max3A_176 : f32 to vector<72x128xf32>
    %max3A_178 = arith.maximumf %get3A_175, %max3A_177 : vector<72x128xf32>
    %abs3A_179 = math.absf %get3A_175 : vector<72x128xf32>
    %neg3A_180 = arith.constant 0.000000e+00 : f32
    %neg3A_181 = vector.broadcast %neg3A_180 : f32 to vector<72x128xf32>
    %neg3A_182 = arith.subf %neg3A_181, %abs3A_179 : vector<72x128xf32>
    %exp3A_183 = math.exp %neg3A_182 : vector<72x128xf32>
    %log1p3A_184 = math.log1p %exp3A_183 : vector<72x128xf32>
    %add3A_185 = arith.addf %max3A_178, %log1p3A_184 : vector<72x128xf32>
    %add3A_186 = arith.addf %add3A_94, %add3A_185 : vector<72x128xf32>
    %eq3A_187 = arith.constant 7.000000e+00 : f32
    %eq3A_188 = vector.broadcast %eq3A_187 : f32 to vector<72x128xf32>
    %eq3A_189 = arith.cmpf oeq, %get3A_3, %eq3A_188 : vector<72x128xf32>
    %jit3A_190 = arith.constant 0.000000e+00 : f32
    %broadcast_in_dim3A_191 = vector.broadcast %jit3A_190 : f32 to vector<72x128xf32>
    %select_n3A_192 = arith.select %eq3A_189, %get3A_175, %broadcast_in_dim3A_191 : vector<72x128xi1>, vector<72x128xf32>
    %add3A_193 = arith.addf %add3A_101, %select_n3A_192 : vector<72x128xf32>
    %get3A_194 = arith.constant 13 : index
    %get3A_195 = arith.constant 0 : index
    %get3A_196 = arith.constant 0 : index
    %get3A_197 = vector.load %arg0[%get3A_194, %get3A_195, %get3A_196] : memref<85x72x128xf32, #tpu.memory_space<vmem>>, vector<1x72x128xf32>
    %get3A_198 = vector.shape_cast %get3A_197 : vector<1x72x128xf32> to vector<72x128xf32>
    %max3A_199 = arith.constant 0.000000e+00 : f32
    %max3A_200 = vector.broadcast %max3A_199 : f32 to vector<72x128xf32>
    %max3A_201 = arith.maximumf %get3A_198, %max3A_200 : vector<72x128xf32>
    %abs3A_202 = math.absf %get3A_198 : vector<72x128xf32>
    %neg3A_203 = arith.constant 0.000000e+00 : f32
    %neg3A_204 = vector.broadcast %neg3A_203 : f32 to vector<72x128xf32>
    %neg3A_205 = arith.subf %neg3A_204, %abs3A_202 : vector<72x128xf32>
    %exp3A_206 = math.exp %neg3A_205 : vector<72x128xf32>
    %log1p3A_207 = math.log1p %exp3A_206 : vector<72x128xf32>
    %add3A_208 = arith.addf %max3A_201, %log1p3A_207 : vector<72x128xf32>
    %add3A_209 = arith.addf %add3A_117, %add3A_208 : vector<72x128xf32>
    %eq3A_210 = arith.constant 8.000000e+00 : f32
    %eq3A_211 = vector.broadcast %eq3A_210 : f32 to vector<72x128xf32>
    %eq3A_212 = arith.cmpf oeq, %get3A_3, %eq3A_211 : vector<72x128xf32>
    %jit3A_213 = arith.constant 0.000000e+00 : f32
    %broadcast_in_dim3A_214 = vector.broadcast %jit3A_213 : f32 to vector<72x128xf32>
    %select_n3A_215 = arith.select %eq3A_212, %get3A_198, %broadcast_in_dim3A_214 : vector<72x128xi1>, vector<72x128xf32>
    %add3A_216 = arith.addf %add3A_124, %select_n3A_215 : vector<72x128xf32>
    %get3A_217 = arith.constant 14 : index
    %get3A_218 = arith.constant 0 : index
    %get3A_219 = arith.constant 0 : index
    %get3A_220 = vector.load %arg0[%get3A_217, %get3A_218, %get3A_219] : memref<85x72x128xf32, #tpu.memory_space<vmem>>, vector<1x72x128xf32>
    %get3A_221 = vector.shape_cast %get3A_220 : vector<1x72x128xf32> to vector<72x128xf32>
    %max3A_222 = arith.constant 0.000000e+00 : f32
    %max3A_223 = vector.broadcast %max3A_222 : f32 to vector<72x128xf32>
    %max3A_224 = arith.maximumf %get3A_221, %max3A_223 : vector<72x128xf32>
    %abs3A_225 = math.absf %get3A_221 : vector<72x128xf32>
    %neg3A_226 = arith.constant 0.000000e+00 : f32
    %neg3A_227 = vector.broadcast %neg3A_226 : f32 to vector<72x128xf32>
    %neg3A_228 = arith.subf %neg3A_227, %abs3A_225 : vector<72x128xf32>
    %exp3A_229 = math.exp %neg3A_228 : vector<72x128xf32>
    %log1p3A_230 = math.log1p %exp3A_229 : vector<72x128xf32>
    %add3A_231 = arith.addf %max3A_224, %log1p3A_230 : vector<72x128xf32>
    %add3A_232 = arith.addf %add3A_140, %add3A_231 : vector<72x128xf32>
    %eq3A_233 = arith.constant 9.000000e+00 : f32
    %eq3A_234 = vector.broadcast %eq3A_233 : f32 to vector<72x128xf32>
    %eq3A_235 = arith.cmpf oeq, %get3A_3, %eq3A_234 : vector<72x128xf32>
    %jit3A_236 = arith.constant 0.000000e+00 : f32
    %broadcast_in_dim3A_237 = vector.broadcast %jit3A_236 : f32 to vector<72x128xf32>
    %select_n3A_238 = arith.select %eq3A_235, %get3A_221, %broadcast_in_dim3A_237 : vector<72x128xi1>, vector<72x128xf32>
    %add3A_239 = arith.addf %add3A_147, %select_n3A_238 : vector<72x128xf32>
    %get3A_240 = arith.constant 15 : index
    %get3A_241 = arith.constant 0 : index
    %get3A_242 = arith.constant 0 : index
    %get3A_243 = vector.load %arg0[%get3A_240, %get3A_241, %get3A_242] : memref<85x72x128xf32, #tpu.memory_space<vmem>>, vector<1x72x128xf32>
    %get3A_244 = vector.shape_cast %get3A_243 : vector<1x72x128xf32> to vector<72x128xf32>
    %max3A_245 = arith.constant 0.000000e+00 : f32
    %max3A_246 = vector.broadcast %max3A_245 : f32 to vector<72x128xf32>
    %max3A_247 = arith.maximumf %get3A_244, %max3A_246 : vector<72x128xf32>
    %abs3A_248 = math.absf %get3A_244 : vector<72x128xf32>
    %neg3A_249 = arith.constant 0.000000e+00 : f32
    %neg3A_250 = vector.broadcast %neg3A_249 : f32 to vector<72x128xf32>
    %neg3A_251 = arith.subf %neg3A_250, %abs3A_248 : vector<72x128xf32>
    %exp3A_252 = math.exp %neg3A_251 : vector<72x128xf32>
    %log1p3A_253 = math.log1p %exp3A_252 : vector<72x128xf32>
    %add3A_254 = arith.addf %max3A_247, %log1p3A_253 : vector<72x128xf32>
    %add3A_255 = arith.addf %add3A_163, %add3A_254 : vector<72x128xf32>
    %eq3A_256 = arith.constant 1.000000e+01 : f32
    %eq3A_257 = vector.broadcast %eq3A_256 : f32 to vector<72x128xf32>
    %eq3A_258 = arith.cmpf oeq, %get3A_3, %eq3A_257 : vector<72x128xf32>
    %jit3A_259 = arith.constant 0.000000e+00 : f32
    %broadcast_in_dim3A_260 = vector.broadcast %jit3A_259 : f32 to vector<72x128xf32>
    %select_n3A_261 = arith.select %eq3A_258, %get3A_244, %broadcast_in_dim3A_260 : vector<72x128xi1>, vector<72x128xf32>
    %add3A_262 = arith.addf %add3A_170, %select_n3A_261 : vector<72x128xf32>
    %get3A_263 = arith.constant 16 : index
    %get3A_264 = arith.constant 0 : index
    %get3A_265 = arith.constant 0 : index
    %get3A_266 = vector.load %arg0[%get3A_263, %get3A_264, %get3A_265] : memref<85x72x128xf32, #tpu.memory_space<vmem>>, vector<1x72x128xf32>
    %get3A_267 = vector.shape_cast %get3A_266 : vector<1x72x128xf32> to vector<72x128xf32>
    %max3A_268 = arith.constant 0.000000e+00 : f32
    %max3A_269 = vector.broadcast %max3A_268 : f32 to vector<72x128xf32>
    %max3A_270 = arith.maximumf %get3A_267, %max3A_269 : vector<72x128xf32>
    %abs3A_271 = math.absf %get3A_267 : vector<72x128xf32>
    %neg3A_272 = arith.constant 0.000000e+00 : f32
    %neg3A_273 = vector.broadcast %neg3A_272 : f32 to vector<72x128xf32>
    %neg3A_274 = arith.subf %neg3A_273, %abs3A_271 : vector<72x128xf32>
    %exp3A_275 = math.exp %neg3A_274 : vector<72x128xf32>
    %log1p3A_276 = math.log1p %exp3A_275 : vector<72x128xf32>
    %add3A_277 = arith.addf %max3A_270, %log1p3A_276 : vector<72x128xf32>
    %add3A_278 = arith.addf %add3A_186, %add3A_277 : vector<72x128xf32>
    %eq3A_279 = arith.constant 1.100000e+01 : f32
    %eq3A_280 = vector.broadcast %eq3A_279 : f32 to vector<72x128xf32>
    %eq3A_281 = arith.cmpf oeq, %get3A_3, %eq3A_280 : vector<72x128xf32>
    %jit3A_282 = arith.constant 0.000000e+00 : f32
    %broadcast_in_dim3A_283 = vector.broadcast %jit3A_282 : f32 to vector<72x128xf32>
    %select_n3A_284 = arith.select %eq3A_281, %get3A_267, %broadcast_in_dim3A_283 : vector<72x128xi1>, vector<72x128xf32>
    %add3A_285 = arith.addf %add3A_193, %select_n3A_284 : vector<72x128xf32>
    %get3A_286 = arith.constant 17 : index
    %get3A_287 = arith.constant 0 : index
    %get3A_288 = arith.constant 0 : index
    %get3A_289 = vector.load %arg0[%get3A_286, %get3A_287, %get3A_288] : memref<85x72x128xf32, #tpu.memory_space<vmem>>, vector<1x72x128xf32>
    %get3A_290 = vector.shape_cast %get3A_289 : vector<1x72x128xf32> to vector<72x128xf32>
    %max3A_291 = arith.constant 0.000000e+00 : f32
    %max3A_292 = vector.broadcast %max3A_291 : f32 to vector<72x128xf32>
    %max3A_293 = arith.maximumf %get3A_290, %max3A_292 : vector<72x128xf32>
    %abs3A_294 = math.absf %get3A_290 : vector<72x128xf32>
    %neg3A_295 = arith.constant 0.000000e+00 : f32
    %neg3A_296 = vector.broadcast %neg3A_295 : f32 to vector<72x128xf32>
    %neg3A_297 = arith.subf %neg3A_296, %abs3A_294 : vector<72x128xf32>
    %exp3A_298 = math.exp %neg3A_297 : vector<72x128xf32>
    %log1p3A_299 = math.log1p %exp3A_298 : vector<72x128xf32>
    %add3A_300 = arith.addf %max3A_293, %log1p3A_299 : vector<72x128xf32>
    %add3A_301 = arith.addf %add3A_209, %add3A_300 : vector<72x128xf32>
    %eq3A_302 = arith.constant 1.200000e+01 : f32
    %eq3A_303 = vector.broadcast %eq3A_302 : f32 to vector<72x128xf32>
    %eq3A_304 = arith.cmpf oeq, %get3A_3, %eq3A_303 : vector<72x128xf32>
    %jit3A_305 = arith.constant 0.000000e+00 : f32
    %broadcast_in_dim3A_306 = vector.broadcast %jit3A_305 : f32 to vector<72x128xf32>
    %select_n3A_307 = arith.select %eq3A_304, %get3A_290, %broadcast_in_dim3A_306 : vector<72x128xi1>, vector<72x128xf32>
    %add3A_308 = arith.addf %add3A_216, %select_n3A_307 : vector<72x128xf32>
    %get3A_309 = arith.constant 18 : index
    %get3A_310 = arith.constant 0 : index
    %get3A_311 = arith.constant 0 : index
    %get3A_312 = vector.load %arg0[%get3A_309, %get3A_310, %get3A_311] : memref<85x72x128xf32, #tpu.memory_space<vmem>>, vector<1x72x128xf32>
    %get3A_313 = vector.shape_cast %get3A_312 : vector<1x72x128xf32> to vector<72x128xf32>
    %max3A_314 = arith.constant 0.000000e+00 : f32
    %max3A_315 = vector.broadcast %max3A_314 : f32 to vector<72x128xf32>
    %max3A_316 = arith.maximumf %get3A_313, %max3A_315 : vector<72x128xf32>
    %abs3A_317 = math.absf %get3A_313 : vector<72x128xf32>
    %neg3A_318 = arith.constant 0.000000e+00 : f32
    %neg3A_319 = vector.broadcast %neg3A_318 : f32 to vector<72x128xf32>
    %neg3A_320 = arith.subf %neg3A_319, %abs3A_317 : vector<72x128xf32>
    %exp3A_321 = math.exp %neg3A_320 : vector<72x128xf32>
    %log1p3A_322 = math.log1p %exp3A_321 : vector<72x128xf32>
    %add3A_323 = arith.addf %max3A_316, %log1p3A_322 : vector<72x128xf32>
    %add3A_324 = arith.addf %add3A_232, %add3A_323 : vector<72x128xf32>
    %eq3A_325 = arith.constant 1.300000e+01 : f32
    %eq3A_326 = vector.broadcast %eq3A_325 : f32 to vector<72x128xf32>
    %eq3A_327 = arith.cmpf oeq, %get3A_3, %eq3A_326 : vector<72x128xf32>
    %jit3A_328 = arith.constant 0.000000e+00 : f32
    %broadcast_in_dim3A_329 = vector.broadcast %jit3A_328 : f32 to vector<72x128xf32>
    %select_n3A_330 = arith.select %eq3A_327, %get3A_313, %broadcast_in_dim3A_329 : vector<72x128xi1>, vector<72x128xf32>
    %add3A_331 = arith.addf %add3A_239, %select_n3A_330 : vector<72x128xf32>
    %get3A_332 = arith.constant 19 : index
    %get3A_333 = arith.constant 0 : index
    %get3A_334 = arith.constant 0 : index
    %get3A_335 = vector.load %arg0[%get3A_332, %get3A_333, %get3A_334] : memref<85x72x128xf32, #tpu.memory_space<vmem>>, vector<1x72x128xf32>
    %get3A_336 = vector.shape_cast %get3A_335 : vector<1x72x128xf32> to vector<72x128xf32>
    %max3A_337 = arith.constant 0.000000e+00 : f32
    %max3A_338 = vector.broadcast %max3A_337 : f32 to vector<72x128xf32>
    %max3A_339 = arith.maximumf %get3A_336, %max3A_338 : vector<72x128xf32>
    %abs3A_340 = math.absf %get3A_336 : vector<72x128xf32>
    %neg3A_341 = arith.constant 0.000000e+00 : f32
    %neg3A_342 = vector.broadcast %neg3A_341 : f32 to vector<72x128xf32>
    %neg3A_343 = arith.subf %neg3A_342, %abs3A_340 : vector<72x128xf32>
    %exp3A_344 = math.exp %neg3A_343 : vector<72x128xf32>
    %log1p3A_345 = math.log1p %exp3A_344 : vector<72x128xf32>
    %add3A_346 = arith.addf %max3A_339, %log1p3A_345 : vector<72x128xf32>
    %add3A_347 = arith.addf %add3A_255, %add3A_346 : vector<72x128xf32>
    %eq3A_348 = arith.constant 1.400000e+01 : f32
    %eq3A_349 = vector.broadcast %eq3A_348 : f32 to vector<72x128xf32>
    %eq3A_350 = arith.cmpf oeq, %get3A_3, %eq3A_349 : vector<72x128xf32>
    %jit3A_351 = arith.constant 0.000000e+00 : f32
    %broadcast_in_dim3A_352 = vector.broadcast %jit3A_351 : f32 to vector<72x128xf32>
    %select_n3A_353 = arith.select %eq3A_350, %get3A_336, %broadcast_in_dim3A_352 : vector<72x128xi1>, vector<72x128xf32>
    %add3A_354 = arith.addf %add3A_262, %select_n3A_353 : vector<72x128xf32>
    %get3A_355 = arith.constant 20 : index
    %get3A_356 = arith.constant 0 : index
    %get3A_357 = arith.constant 0 : index
    %get3A_358 = vector.load %arg0[%get3A_355, %get3A_356, %get3A_357] : memref<85x72x128xf32, #tpu.memory_space<vmem>>, vector<1x72x128xf32>
    %get3A_359 = vector.shape_cast %get3A_358 : vector<1x72x128xf32> to vector<72x128xf32>
    %max3A_360 = arith.constant 0.000000e+00 : f32
    %max3A_361 = vector.broadcast %max3A_360 : f32 to vector<72x128xf32>
    %max3A_362 = arith.maximumf %get3A_359, %max3A_361 : vector<72x128xf32>
    %abs3A_363 = math.absf %get3A_359 : vector<72x128xf32>
    %neg3A_364 = arith.constant 0.000000e+00 : f32
    %neg3A_365 = vector.broadcast %neg3A_364 : f32 to vector<72x128xf32>
    %neg3A_366 = arith.subf %neg3A_365, %abs3A_363 : vector<72x128xf32>
    %exp3A_367 = math.exp %neg3A_366 : vector<72x128xf32>
    %log1p3A_368 = math.log1p %exp3A_367 : vector<72x128xf32>
    %add3A_369 = arith.addf %max3A_362, %log1p3A_368 : vector<72x128xf32>
    %add3A_370 = arith.addf %add3A_278, %add3A_369 : vector<72x128xf32>
    %eq3A_371 = arith.constant 1.500000e+01 : f32
    %eq3A_372 = vector.broadcast %eq3A_371 : f32 to vector<72x128xf32>
    %eq3A_373 = arith.cmpf oeq, %get3A_3, %eq3A_372 : vector<72x128xf32>
    %jit3A_374 = arith.constant 0.000000e+00 : f32
    %broadcast_in_dim3A_375 = vector.broadcast %jit3A_374 : f32 to vector<72x128xf32>
    %select_n3A_376 = arith.select %eq3A_373, %get3A_359, %broadcast_in_dim3A_375 : vector<72x128xi1>, vector<72x128xf32>
    %add3A_377 = arith.addf %add3A_285, %select_n3A_376 : vector<72x128xf32>
    %get3A_378 = arith.constant 21 : index
    %get3A_379 = arith.constant 0 : index
    %get3A_380 = arith.constant 0 : index
    %get3A_381 = vector.load %arg0[%get3A_378, %get3A_379, %get3A_380] : memref<85x72x128xf32, #tpu.memory_space<vmem>>, vector<1x72x128xf32>
    %get3A_382 = vector.shape_cast %get3A_381 : vector<1x72x128xf32> to vector<72x128xf32>
    %max3A_383 = arith.constant 0.000000e+00 : f32
    %max3A_384 = vector.broadcast %max3A_383 : f32 to vector<72x128xf32>
    %max3A_385 = arith.maximumf %get3A_382, %max3A_384 : vector<72x128xf32>
    %abs3A_386 = math.absf %get3A_382 : vector<72x128xf32>
    %neg3A_387 = arith.constant 0.000000e+00 : f32
    %neg3A_388 = vector.broadcast %neg3A_387 : f32 to vector<72x128xf32>
    %neg3A_389 = arith.subf %neg3A_388, %abs3A_386 : vector<72x128xf32>
    %exp3A_390 = math.exp %neg3A_389 : vector<72x128xf32>
    %log1p3A_391 = math.log1p %exp3A_390 : vector<72x128xf32>
    %add3A_392 = arith.addf %max3A_385, %log1p3A_391 : vector<72x128xf32>
    %add3A_393 = arith.addf %add3A_301, %add3A_392 : vector<72x128xf32>
    %eq3A_394 = arith.constant 1.600000e+01 : f32
    %eq3A_395 = vector.broadcast %eq3A_394 : f32 to vector<72x128xf32>
    %eq3A_396 = arith.cmpf oeq, %get3A_3, %eq3A_395 : vector<72x128xf32>
    %jit3A_397 = arith.constant 0.000000e+00 : f32
    %broadcast_in_dim3A_398 = vector.broadcast %jit3A_397 : f32 to vector<72x128xf32>
    %select_n3A_399 = arith.select %eq3A_396, %get3A_382, %broadcast_in_dim3A_398 : vector<72x128xi1>, vector<72x128xf32>
    %add3A_400 = arith.addf %add3A_308, %select_n3A_399 : vector<72x128xf32>
    %get3A_401 = arith.constant 22 : index
    %get3A_402 = arith.constant 0 : index
    %get3A_403 = arith.constant 0 : index
    %get3A_404 = vector.load %arg0[%get3A_401, %get3A_402, %get3A_403] : memref<85x72x128xf32, #tpu.memory_space<vmem>>, vector<1x72x128xf32>
    %get3A_405 = vector.shape_cast %get3A_404 : vector<1x72x128xf32> to vector<72x128xf32>
    %max3A_406 = arith.constant 0.000000e+00 : f32
    %max3A_407 = vector.broadcast %max3A_406 : f32 to vector<72x128xf32>
    %max3A_408 = arith.maximumf %get3A_405, %max3A_407 : vector<72x128xf32>
    %abs3A_409 = math.absf %get3A_405 : vector<72x128xf32>
    %neg3A_410 = arith.constant 0.000000e+00 : f32
    %neg3A_411 = vector.broadcast %neg3A_410 : f32 to vector<72x128xf32>
    %neg3A_412 = arith.subf %neg3A_411, %abs3A_409 : vector<72x128xf32>
    %exp3A_413 = math.exp %neg3A_412 : vector<72x128xf32>
    %log1p3A_414 = math.log1p %exp3A_413 : vector<72x128xf32>
    %add3A_415 = arith.addf %max3A_408, %log1p3A_414 : vector<72x128xf32>
    %add3A_416 = arith.addf %add3A_324, %add3A_415 : vector<72x128xf32>
    %eq3A_417 = arith.constant 1.700000e+01 : f32
    %eq3A_418 = vector.broadcast %eq3A_417 : f32 to vector<72x128xf32>
    %eq3A_419 = arith.cmpf oeq, %get3A_3, %eq3A_418 : vector<72x128xf32>
    %jit3A_420 = arith.constant 0.000000e+00 : f32
    %broadcast_in_dim3A_421 = vector.broadcast %jit3A_420 : f32 to vector<72x128xf32>
    %select_n3A_422 = arith.select %eq3A_419, %get3A_405, %broadcast_in_dim3A_421 : vector<72x128xi1>, vector<72x128xf32>
    %add3A_423 = arith.addf %add3A_331, %select_n3A_422 : vector<72x128xf32>
    %get3A_424 = arith.constant 23 : index
    %get3A_425 = arith.constant 0 : index
    %get3A_426 = arith.constant 0 : index
    %get3A_427 = vector.load %arg0[%get3A_424, %get3A_425, %get3A_426] : memref<85x72x128xf32, #tpu.memory_space<vmem>>, vector<1x72x128xf32>
    %get3A_428 = vector.shape_cast %get3A_427 : vector<1x72x128xf32> to vector<72x128xf32>
    %max3A_429 = arith.constant 0.000000e+00 : f32
    %max3A_430 = vector.broadcast %max3A_429 : f32 to vector<72x128xf32>
    %max3A_431 = arith.maximumf %get3A_428, %max3A_430 : vector<72x128xf32>
    %abs3A_432 = math.absf %get3A_428 : vector<72x128xf32>
    %neg3A_433 = arith.constant 0.000000e+00 : f32
    %neg3A_434 = vector.broadcast %neg3A_433 : f32 to vector<72x128xf32>
    %neg3A_435 = arith.subf %neg3A_434, %abs3A_432 : vector<72x128xf32>
    %exp3A_436 = math.exp %neg3A_435 : vector<72x128xf32>
    %log1p3A_437 = math.log1p %exp3A_436 : vector<72x128xf32>
    %add3A_438 = arith.addf %max3A_431, %log1p3A_437 : vector<72x128xf32>
    %add3A_439 = arith.addf %add3A_347, %add3A_438 : vector<72x128xf32>
    %eq3A_440 = arith.constant 1.800000e+01 : f32
    %eq3A_441 = vector.broadcast %eq3A_440 : f32 to vector<72x128xf32>
    %eq3A_442 = arith.cmpf oeq, %get3A_3, %eq3A_441 : vector<72x128xf32>
    %jit3A_443 = arith.constant 0.000000e+00 : f32
    %broadcast_in_dim3A_444 = vector.broadcast %jit3A_443 : f32 to vector<72x128xf32>
    %select_n3A_445 = arith.select %eq3A_442, %get3A_428, %broadcast_in_dim3A_444 : vector<72x128xi1>, vector<72x128xf32>
    %add3A_446 = arith.addf %add3A_354, %select_n3A_445 : vector<72x128xf32>
    %get3A_447 = arith.constant 24 : index
    %get3A_448 = arith.constant 0 : index
    %get3A_449 = arith.constant 0 : index
    %get3A_450 = vector.load %arg0[%get3A_447, %get3A_448, %get3A_449] : memref<85x72x128xf32, #tpu.memory_space<vmem>>, vector<1x72x128xf32>
    %get3A_451 = vector.shape_cast %get3A_450 : vector<1x72x128xf32> to vector<72x128xf32>
    %max3A_452 = arith.constant 0.000000e+00 : f32
    %max3A_453 = vector.broadcast %max3A_452 : f32 to vector<72x128xf32>
    %max3A_454 = arith.maximumf %get3A_451, %max3A_453 : vector<72x128xf32>
    %abs3A_455 = math.absf %get3A_451 : vector<72x128xf32>
    %neg3A_456 = arith.constant 0.000000e+00 : f32
    %neg3A_457 = vector.broadcast %neg3A_456 : f32 to vector<72x128xf32>
    %neg3A_458 = arith.subf %neg3A_457, %abs3A_455 : vector<72x128xf32>
    %exp3A_459 = math.exp %neg3A_458 : vector<72x128xf32>
    %log1p3A_460 = math.log1p %exp3A_459 : vector<72x128xf32>
    %add3A_461 = arith.addf %max3A_454, %log1p3A_460 : vector<72x128xf32>
    %add3A_462 = arith.addf %add3A_370, %add3A_461 : vector<72x128xf32>
    %eq3A_463 = arith.constant 1.900000e+01 : f32
    %eq3A_464 = vector.broadcast %eq3A_463 : f32 to vector<72x128xf32>
    %eq3A_465 = arith.cmpf oeq, %get3A_3, %eq3A_464 : vector<72x128xf32>
    %jit3A_466 = arith.constant 0.000000e+00 : f32
    %broadcast_in_dim3A_467 = vector.broadcast %jit3A_466 : f32 to vector<72x128xf32>
    %select_n3A_468 = arith.select %eq3A_465, %get3A_451, %broadcast_in_dim3A_467 : vector<72x128xi1>, vector<72x128xf32>
    %add3A_469 = arith.addf %add3A_377, %select_n3A_468 : vector<72x128xf32>
    %get3A_470 = arith.constant 25 : index
    %get3A_471 = arith.constant 0 : index
    %get3A_472 = arith.constant 0 : index
    %get3A_473 = vector.load %arg0[%get3A_470, %get3A_471, %get3A_472] : memref<85x72x128xf32, #tpu.memory_space<vmem>>, vector<1x72x128xf32>
    %get3A_474 = vector.shape_cast %get3A_473 : vector<1x72x128xf32> to vector<72x128xf32>
    %max3A_475 = arith.constant 0.000000e+00 : f32
    %max3A_476 = vector.broadcast %max3A_475 : f32 to vector<72x128xf32>
    %max3A_477 = arith.maximumf %get3A_474, %max3A_476 : vector<72x128xf32>
    %abs3A_478 = math.absf %get3A_474 : vector<72x128xf32>
    %neg3A_479 = arith.constant 0.000000e+00 : f32
    %neg3A_480 = vector.broadcast %neg3A_479 : f32 to vector<72x128xf32>
    %neg3A_481 = arith.subf %neg3A_480, %abs3A_478 : vector<72x128xf32>
    %exp3A_482 = math.exp %neg3A_481 : vector<72x128xf32>
    %log1p3A_483 = math.log1p %exp3A_482 : vector<72x128xf32>
    %add3A_484 = arith.addf %max3A_477, %log1p3A_483 : vector<72x128xf32>
    %add3A_485 = arith.addf %add3A_393, %add3A_484 : vector<72x128xf32>
    %eq3A_486 = arith.constant 2.000000e+01 : f32
    %eq3A_487 = vector.broadcast %eq3A_486 : f32 to vector<72x128xf32>
    %eq3A_488 = arith.cmpf oeq, %get3A_3, %eq3A_487 : vector<72x128xf32>
    %jit3A_489 = arith.constant 0.000000e+00 : f32
    %broadcast_in_dim3A_490 = vector.broadcast %jit3A_489 : f32 to vector<72x128xf32>
    %select_n3A_491 = arith.select %eq3A_488, %get3A_474, %broadcast_in_dim3A_490 : vector<72x128xi1>, vector<72x128xf32>
    %add3A_492 = arith.addf %add3A_400, %select_n3A_491 : vector<72x128xf32>
    %get3A_493 = arith.constant 26 : index
    %get3A_494 = arith.constant 0 : index
    %get3A_495 = arith.constant 0 : index
    %get3A_496 = vector.load %arg0[%get3A_493, %get3A_494, %get3A_495] : memref<85x72x128xf32, #tpu.memory_space<vmem>>, vector<1x72x128xf32>
    %get3A_497 = vector.shape_cast %get3A_496 : vector<1x72x128xf32> to vector<72x128xf32>
    %max3A_498 = arith.constant 0.000000e+00 : f32
    %max3A_499 = vector.broadcast %max3A_498 : f32 to vector<72x128xf32>
    %max3A_500 = arith.maximumf %get3A_497, %max3A_499 : vector<72x128xf32>
    %abs3A_501 = math.absf %get3A_497 : vector<72x128xf32>
    %neg3A_502 = arith.constant 0.000000e+00 : f32
    %neg3A_503 = vector.broadcast %neg3A_502 : f32 to vector<72x128xf32>
    %neg3A_504 = arith.subf %neg3A_503, %abs3A_501 : vector<72x128xf32>
    %exp3A_505 = math.exp %neg3A_504 : vector<72x128xf32>
    %log1p3A_506 = math.log1p %exp3A_505 : vector<72x128xf32>
    %add3A_507 = arith.addf %max3A_500, %log1p3A_506 : vector<72x128xf32>
    %add3A_508 = arith.addf %add3A_416, %add3A_507 : vector<72x128xf32>
    %eq3A_509 = arith.constant 2.100000e+01 : f32
    %eq3A_510 = vector.broadcast %eq3A_509 : f32 to vector<72x128xf32>
    %eq3A_511 = arith.cmpf oeq, %get3A_3, %eq3A_510 : vector<72x128xf32>
    %jit3A_512 = arith.constant 0.000000e+00 : f32
    %broadcast_in_dim3A_513 = vector.broadcast %jit3A_512 : f32 to vector<72x128xf32>
    %select_n3A_514 = arith.select %eq3A_511, %get3A_497, %broadcast_in_dim3A_513 : vector<72x128xi1>, vector<72x128xf32>
    %add3A_515 = arith.addf %add3A_423, %select_n3A_514 : vector<72x128xf32>
    %get3A_516 = arith.constant 27 : index
    %get3A_517 = arith.constant 0 : index
    %get3A_518 = arith.constant 0 : index
    %get3A_519 = vector.load %arg0[%get3A_516, %get3A_517, %get3A_518] : memref<85x72x128xf32, #tpu.memory_space<vmem>>, vector<1x72x128xf32>
    %get3A_520 = vector.shape_cast %get3A_519 : vector<1x72x128xf32> to vector<72x128xf32>
    %max3A_521 = arith.constant 0.000000e+00 : f32
    %max3A_522 = vector.broadcast %max3A_521 : f32 to vector<72x128xf32>
    %max3A_523 = arith.maximumf %get3A_520, %max3A_522 : vector<72x128xf32>
    %abs3A_524 = math.absf %get3A_520 : vector<72x128xf32>
    %neg3A_525 = arith.constant 0.000000e+00 : f32
    %neg3A_526 = vector.broadcast %neg3A_525 : f32 to vector<72x128xf32>
    %neg3A_527 = arith.subf %neg3A_526, %abs3A_524 : vector<72x128xf32>
    %exp3A_528 = math.exp %neg3A_527 : vector<72x128xf32>
    %log1p3A_529 = math.log1p %exp3A_528 : vector<72x128xf32>
    %add3A_530 = arith.addf %max3A_523, %log1p3A_529 : vector<72x128xf32>
    %add3A_531 = arith.addf %add3A_439, %add3A_530 : vector<72x128xf32>
    %eq3A_532 = arith.constant 2.200000e+01 : f32
    %eq3A_533 = vector.broadcast %eq3A_532 : f32 to vector<72x128xf32>
    %eq3A_534 = arith.cmpf oeq, %get3A_3, %eq3A_533 : vector<72x128xf32>
    %jit3A_535 = arith.constant 0.000000e+00 : f32
    %broadcast_in_dim3A_536 = vector.broadcast %jit3A_535 : f32 to vector<72x128xf32>
    %select_n3A_537 = arith.select %eq3A_534, %get3A_520, %broadcast_in_dim3A_536 : vector<72x128xi1>, vector<72x128xf32>
    %add3A_538 = arith.addf %add3A_446, %select_n3A_537 : vector<72x128xf32>
    %get3A_539 = arith.constant 28 : index
    %get3A_540 = arith.constant 0 : index
    %get3A_541 = arith.constant 0 : index
    %get3A_542 = vector.load %arg0[%get3A_539, %get3A_540, %get3A_541] : memref<85x72x128xf32, #tpu.memory_space<vmem>>, vector<1x72x128xf32>
    %get3A_543 = vector.shape_cast %get3A_542 : vector<1x72x128xf32> to vector<72x128xf32>
    %max3A_544 = arith.constant 0.000000e+00 : f32
    %max3A_545 = vector.broadcast %max3A_544 : f32 to vector<72x128xf32>
    %max3A_546 = arith.maximumf %get3A_543, %max3A_545 : vector<72x128xf32>
    %abs3A_547 = math.absf %get3A_543 : vector<72x128xf32>
    %neg3A_548 = arith.constant 0.000000e+00 : f32
    %neg3A_549 = vector.broadcast %neg3A_548 : f32 to vector<72x128xf32>
    %neg3A_550 = arith.subf %neg3A_549, %abs3A_547 : vector<72x128xf32>
    %exp3A_551 = math.exp %neg3A_550 : vector<72x128xf32>
    %log1p3A_552 = math.log1p %exp3A_551 : vector<72x128xf32>
    %add3A_553 = arith.addf %max3A_546, %log1p3A_552 : vector<72x128xf32>
    %add3A_554 = arith.addf %add3A_462, %add3A_553 : vector<72x128xf32>
    %eq3A_555 = arith.constant 2.300000e+01 : f32
    %eq3A_556 = vector.broadcast %eq3A_555 : f32 to vector<72x128xf32>
    %eq3A_557 = arith.cmpf oeq, %get3A_3, %eq3A_556 : vector<72x128xf32>
    %jit3A_558 = arith.constant 0.000000e+00 : f32
    %broadcast_in_dim3A_559 = vector.broadcast %jit3A_558 : f32 to vector<72x128xf32>
    %select_n3A_560 = arith.select %eq3A_557, %get3A_543, %broadcast_in_dim3A_559 : vector<72x128xi1>, vector<72x128xf32>
    %add3A_561 = arith.addf %add3A_469, %select_n3A_560 : vector<72x128xf32>
    %get3A_562 = arith.constant 29 : index
    %get3A_563 = arith.constant 0 : index
    %get3A_564 = arith.constant 0 : index
    %get3A_565 = vector.load %arg0[%get3A_562, %get3A_563, %get3A_564] : memref<85x72x128xf32, #tpu.memory_space<vmem>>, vector<1x72x128xf32>
    %get3A_566 = vector.shape_cast %get3A_565 : vector<1x72x128xf32> to vector<72x128xf32>
    %max3A_567 = arith.constant 0.000000e+00 : f32
    %max3A_568 = vector.broadcast %max3A_567 : f32 to vector<72x128xf32>
    %max3A_569 = arith.maximumf %get3A_566, %max3A_568 : vector<72x128xf32>
    %abs3A_570 = math.absf %get3A_566 : vector<72x128xf32>
    %neg3A_571 = arith.constant 0.000000e+00 : f32
    %neg3A_572 = vector.broadcast %neg3A_571 : f32 to vector<72x128xf32>
    %neg3A_573 = arith.subf %neg3A_572, %abs3A_570 : vector<72x128xf32>
    %exp3A_574 = math.exp %neg3A_573 : vector<72x128xf32>
    %log1p3A_575 = math.log1p %exp3A_574 : vector<72x128xf32>
    %add3A_576 = arith.addf %max3A_569, %log1p3A_575 : vector<72x128xf32>
    %add3A_577 = arith.addf %add3A_485, %add3A_576 : vector<72x128xf32>
    %eq3A_578 = arith.constant 2.400000e+01 : f32
    %eq3A_579 = vector.broadcast %eq3A_578 : f32 to vector<72x128xf32>
    %eq3A_580 = arith.cmpf oeq, %get3A_3, %eq3A_579 : vector<72x128xf32>
    %jit3A_581 = arith.constant 0.000000e+00 : f32
    %broadcast_in_dim3A_582 = vector.broadcast %jit3A_581 : f32 to vector<72x128xf32>
    %select_n3A_583 = arith.select %eq3A_580, %get3A_566, %broadcast_in_dim3A_582 : vector<72x128xi1>, vector<72x128xf32>
    %add3A_584 = arith.addf %add3A_492, %select_n3A_583 : vector<72x128xf32>
    %get3A_585 = arith.constant 30 : index
    %get3A_586 = arith.constant 0 : index
    %get3A_587 = arith.constant 0 : index
    %get3A_588 = vector.load %arg0[%get3A_585, %get3A_586, %get3A_587] : memref<85x72x128xf32, #tpu.memory_space<vmem>>, vector<1x72x128xf32>
    %get3A_589 = vector.shape_cast %get3A_588 : vector<1x72x128xf32> to vector<72x128xf32>
    %max3A_590 = arith.constant 0.000000e+00 : f32
    %max3A_591 = vector.broadcast %max3A_590 : f32 to vector<72x128xf32>
    %max3A_592 = arith.maximumf %get3A_589, %max3A_591 : vector<72x128xf32>
    %abs3A_593 = math.absf %get3A_589 : vector<72x128xf32>
    %neg3A_594 = arith.constant 0.000000e+00 : f32
    %neg3A_595 = vector.broadcast %neg3A_594 : f32 to vector<72x128xf32>
    %neg3A_596 = arith.subf %neg3A_595, %abs3A_593 : vector<72x128xf32>
    %exp3A_597 = math.exp %neg3A_596 : vector<72x128xf32>
    %log1p3A_598 = math.log1p %exp3A_597 : vector<72x128xf32>
    %add3A_599 = arith.addf %max3A_592, %log1p3A_598 : vector<72x128xf32>
    %add3A_600 = arith.addf %add3A_508, %add3A_599 : vector<72x128xf32>
    %eq3A_601 = arith.constant 2.500000e+01 : f32
    %eq3A_602 = vector.broadcast %eq3A_601 : f32 to vector<72x128xf32>
    %eq3A_603 = arith.cmpf oeq, %get3A_3, %eq3A_602 : vector<72x128xf32>
    %jit3A_604 = arith.constant 0.000000e+00 : f32
    %broadcast_in_dim3A_605 = vector.broadcast %jit3A_604 : f32 to vector<72x128xf32>
    %select_n3A_606 = arith.select %eq3A_603, %get3A_589, %broadcast_in_dim3A_605 : vector<72x128xi1>, vector<72x128xf32>
    %add3A_607 = arith.addf %add3A_515, %select_n3A_606 : vector<72x128xf32>
    %get3A_608 = arith.constant 31 : index
    %get3A_609 = arith.constant 0 : index
    %get3A_610 = arith.constant 0 : index
    %get3A_611 = vector.load %arg0[%get3A_608, %get3A_609, %get3A_610] : memref<85x72x128xf32, #tpu.memory_space<vmem>>, vector<1x72x128xf32>
    %get3A_612 = vector.shape_cast %get3A_611 : vector<1x72x128xf32> to vector<72x128xf32>
    %max3A_613 = arith.constant 0.000000e+00 : f32
    %max3A_614 = vector.broadcast %max3A_613 : f32 to vector<72x128xf32>
    %max3A_615 = arith.maximumf %get3A_612, %max3A_614 : vector<72x128xf32>
    %abs3A_616 = math.absf %get3A_612 : vector<72x128xf32>
    %neg3A_617 = arith.constant 0.000000e+00 : f32
    %neg3A_618 = vector.broadcast %neg3A_617 : f32 to vector<72x128xf32>
    %neg3A_619 = arith.subf %neg3A_618, %abs3A_616 : vector<72x128xf32>
    %exp3A_620 = math.exp %neg3A_619 : vector<72x128xf32>
    %log1p3A_621 = math.log1p %exp3A_620 : vector<72x128xf32>
    %add3A_622 = arith.addf %max3A_615, %log1p3A_621 : vector<72x128xf32>
    %add3A_623 = arith.addf %add3A_531, %add3A_622 : vector<72x128xf32>
    %eq3A_624 = arith.constant 2.600000e+01 : f32
    %eq3A_625 = vector.broadcast %eq3A_624 : f32 to vector<72x128xf32>
    %eq3A_626 = arith.cmpf oeq, %get3A_3, %eq3A_625 : vector<72x128xf32>
    %jit3A_627 = arith.constant 0.000000e+00 : f32
    %broadcast_in_dim3A_628 = vector.broadcast %jit3A_627 : f32 to vector<72x128xf32>
    %select_n3A_629 = arith.select %eq3A_626, %get3A_612, %broadcast_in_dim3A_628 : vector<72x128xi1>, vector<72x128xf32>
    %add3A_630 = arith.addf %add3A_538, %select_n3A_629 : vector<72x128xf32>
    %get3A_631 = arith.constant 32 : index
    %get3A_632 = arith.constant 0 : index
    %get3A_633 = arith.constant 0 : index
    %get3A_634 = vector.load %arg0[%get3A_631, %get3A_632, %get3A_633] : memref<85x72x128xf32, #tpu.memory_space<vmem>>, vector<1x72x128xf32>
    %get3A_635 = vector.shape_cast %get3A_634 : vector<1x72x128xf32> to vector<72x128xf32>
    %max3A_636 = arith.constant 0.000000e+00 : f32
    %max3A_637 = vector.broadcast %max3A_636 : f32 to vector<72x128xf32>
    %max3A_638 = arith.maximumf %get3A_635, %max3A_637 : vector<72x128xf32>
    %abs3A_639 = math.absf %get3A_635 : vector<72x128xf32>
    %neg3A_640 = arith.constant 0.000000e+00 : f32
    %neg3A_641 = vector.broadcast %neg3A_640 : f32 to vector<72x128xf32>
    %neg3A_642 = arith.subf %neg3A_641, %abs3A_639 : vector<72x128xf32>
    %exp3A_643 = math.exp %neg3A_642 : vector<72x128xf32>
    %log1p3A_644 = math.log1p %exp3A_643 : vector<72x128xf32>
    %add3A_645 = arith.addf %max3A_638, %log1p3A_644 : vector<72x128xf32>
    %add3A_646 = arith.addf %add3A_554, %add3A_645 : vector<72x128xf32>
    %eq3A_647 = arith.constant 2.700000e+01 : f32
    %eq3A_648 = vector.broadcast %eq3A_647 : f32 to vector<72x128xf32>
    %eq3A_649 = arith.cmpf oeq, %get3A_3, %eq3A_648 : vector<72x128xf32>
    %jit3A_650 = arith.constant 0.000000e+00 : f32
    %broadcast_in_dim3A_651 = vector.broadcast %jit3A_650 : f32 to vector<72x128xf32>
    %select_n3A_652 = arith.select %eq3A_649, %get3A_635, %broadcast_in_dim3A_651 : vector<72x128xi1>, vector<72x128xf32>
    %add3A_653 = arith.addf %add3A_561, %select_n3A_652 : vector<72x128xf32>
    %get3A_654 = arith.constant 33 : index
    %get3A_655 = arith.constant 0 : index
    %get3A_656 = arith.constant 0 : index
    %get3A_657 = vector.load %arg0[%get3A_654, %get3A_655, %get3A_656] : memref<85x72x128xf32, #tpu.memory_space<vmem>>, vector<1x72x128xf32>
    %get3A_658 = vector.shape_cast %get3A_657 : vector<1x72x128xf32> to vector<72x128xf32>
    %max3A_659 = arith.constant 0.000000e+00 : f32
    %max3A_660 = vector.broadcast %max3A_659 : f32 to vector<72x128xf32>
    %max3A_661 = arith.maximumf %get3A_658, %max3A_660 : vector<72x128xf32>
    %abs3A_662 = math.absf %get3A_658 : vector<72x128xf32>
    %neg3A_663 = arith.constant 0.000000e+00 : f32
    %neg3A_664 = vector.broadcast %neg3A_663 : f32 to vector<72x128xf32>
    %neg3A_665 = arith.subf %neg3A_664, %abs3A_662 : vector<72x128xf32>
    %exp3A_666 = math.exp %neg3A_665 : vector<72x128xf32>
    %log1p3A_667 = math.log1p %exp3A_666 : vector<72x128xf32>
    %add3A_668 = arith.addf %max3A_661, %log1p3A_667 : vector<72x128xf32>
    %add3A_669 = arith.addf %add3A_577, %add3A_668 : vector<72x128xf32>
    %eq3A_670 = arith.constant 2.800000e+01 : f32
    %eq3A_671 = vector.broadcast %eq3A_670 : f32 to vector<72x128xf32>
    %eq3A_672 = arith.cmpf oeq, %get3A_3, %eq3A_671 : vector<72x128xf32>
    %jit3A_673 = arith.constant 0.000000e+00 : f32
    %broadcast_in_dim3A_674 = vector.broadcast %jit3A_673 : f32 to vector<72x128xf32>
    %select_n3A_675 = arith.select %eq3A_672, %get3A_658, %broadcast_in_dim3A_674 : vector<72x128xi1>, vector<72x128xf32>
    %add3A_676 = arith.addf %add3A_584, %select_n3A_675 : vector<72x128xf32>
    %get3A_677 = arith.constant 34 : index
    %get3A_678 = arith.constant 0 : index
    %get3A_679 = arith.constant 0 : index
    %get3A_680 = vector.load %arg0[%get3A_677, %get3A_678, %get3A_679] : memref<85x72x128xf32, #tpu.memory_space<vmem>>, vector<1x72x128xf32>
    %get3A_681 = vector.shape_cast %get3A_680 : vector<1x72x128xf32> to vector<72x128xf32>
    %max3A_682 = arith.constant 0.000000e+00 : f32
    %max3A_683 = vector.broadcast %max3A_682 : f32 to vector<72x128xf32>
    %max3A_684 = arith.maximumf %get3A_681, %max3A_683 : vector<72x128xf32>
    %abs3A_685 = math.absf %get3A_681 : vector<72x128xf32>
    %neg3A_686 = arith.constant 0.000000e+00 : f32
    %neg3A_687 = vector.broadcast %neg3A_686 : f32 to vector<72x128xf32>
    %neg3A_688 = arith.subf %neg3A_687, %abs3A_685 : vector<72x128xf32>
    %exp3A_689 = math.exp %neg3A_688 : vector<72x128xf32>
    %log1p3A_690 = math.log1p %exp3A_689 : vector<72x128xf32>
    %add3A_691 = arith.addf %max3A_684, %log1p3A_690 : vector<72x128xf32>
    %add3A_692 = arith.addf %add3A_600, %add3A_691 : vector<72x128xf32>
    %eq3A_693 = arith.constant 2.900000e+01 : f32
    %eq3A_694 = vector.broadcast %eq3A_693 : f32 to vector<72x128xf32>
    %eq3A_695 = arith.cmpf oeq, %get3A_3, %eq3A_694 : vector<72x128xf32>
    %jit3A_696 = arith.constant 0.000000e+00 : f32
    %broadcast_in_dim3A_697 = vector.broadcast %jit3A_696 : f32 to vector<72x128xf32>
    %select_n3A_698 = arith.select %eq3A_695, %get3A_681, %broadcast_in_dim3A_697 : vector<72x128xi1>, vector<72x128xf32>
    %add3A_699 = arith.addf %add3A_607, %select_n3A_698 : vector<72x128xf32>
    %get3A_700 = arith.constant 35 : index
    %get3A_701 = arith.constant 0 : index
    %get3A_702 = arith.constant 0 : index
    %get3A_703 = vector.load %arg0[%get3A_700, %get3A_701, %get3A_702] : memref<85x72x128xf32, #tpu.memory_space<vmem>>, vector<1x72x128xf32>
    %get3A_704 = vector.shape_cast %get3A_703 : vector<1x72x128xf32> to vector<72x128xf32>
    %max3A_705 = arith.constant 0.000000e+00 : f32
    %max3A_706 = vector.broadcast %max3A_705 : f32 to vector<72x128xf32>
    %max3A_707 = arith.maximumf %get3A_704, %max3A_706 : vector<72x128xf32>
    %abs3A_708 = math.absf %get3A_704 : vector<72x128xf32>
    %neg3A_709 = arith.constant 0.000000e+00 : f32
    %neg3A_710 = vector.broadcast %neg3A_709 : f32 to vector<72x128xf32>
    %neg3A_711 = arith.subf %neg3A_710, %abs3A_708 : vector<72x128xf32>
    %exp3A_712 = math.exp %neg3A_711 : vector<72x128xf32>
    %log1p3A_713 = math.log1p %exp3A_712 : vector<72x128xf32>
    %add3A_714 = arith.addf %max3A_707, %log1p3A_713 : vector<72x128xf32>
    %add3A_715 = arith.addf %add3A_623, %add3A_714 : vector<72x128xf32>
    %eq3A_716 = arith.constant 3.000000e+01 : f32
    %eq3A_717 = vector.broadcast %eq3A_716 : f32 to vector<72x128xf32>
    %eq3A_718 = arith.cmpf oeq, %get3A_3, %eq3A_717 : vector<72x128xf32>
    %jit3A_719 = arith.constant 0.000000e+00 : f32
    %broadcast_in_dim3A_720 = vector.broadcast %jit3A_719 : f32 to vector<72x128xf32>
    %select_n3A_721 = arith.select %eq3A_718, %get3A_704, %broadcast_in_dim3A_720 : vector<72x128xi1>, vector<72x128xf32>
    %add3A_722 = arith.addf %add3A_630, %select_n3A_721 : vector<72x128xf32>
    %get3A_723 = arith.constant 36 : index
    %get3A_724 = arith.constant 0 : index
    %get3A_725 = arith.constant 0 : index
    %get3A_726 = vector.load %arg0[%get3A_723, %get3A_724, %get3A_725] : memref<85x72x128xf32, #tpu.memory_space<vmem>>, vector<1x72x128xf32>
    %get3A_727 = vector.shape_cast %get3A_726 : vector<1x72x128xf32> to vector<72x128xf32>
    %max3A_728 = arith.constant 0.000000e+00 : f32
    %max3A_729 = vector.broadcast %max3A_728 : f32 to vector<72x128xf32>
    %max3A_730 = arith.maximumf %get3A_727, %max3A_729 : vector<72x128xf32>
    %abs3A_731 = math.absf %get3A_727 : vector<72x128xf32>
    %neg3A_732 = arith.constant 0.000000e+00 : f32
    %neg3A_733 = vector.broadcast %neg3A_732 : f32 to vector<72x128xf32>
    %neg3A_734 = arith.subf %neg3A_733, %abs3A_731 : vector<72x128xf32>
    %exp3A_735 = math.exp %neg3A_734 : vector<72x128xf32>
    %log1p3A_736 = math.log1p %exp3A_735 : vector<72x128xf32>
    %add3A_737 = arith.addf %max3A_730, %log1p3A_736 : vector<72x128xf32>
    %add3A_738 = arith.addf %add3A_646, %add3A_737 : vector<72x128xf32>
    %eq3A_739 = arith.constant 3.100000e+01 : f32
    %eq3A_740 = vector.broadcast %eq3A_739 : f32 to vector<72x128xf32>
    %eq3A_741 = arith.cmpf oeq, %get3A_3, %eq3A_740 : vector<72x128xf32>
    %jit3A_742 = arith.constant 0.000000e+00 : f32
    %broadcast_in_dim3A_743 = vector.broadcast %jit3A_742 : f32 to vector<72x128xf32>
    %select_n3A_744 = arith.select %eq3A_741, %get3A_727, %broadcast_in_dim3A_743 : vector<72x128xi1>, vector<72x128xf32>
    %add3A_745 = arith.addf %add3A_653, %select_n3A_744 : vector<72x128xf32>
    %get3A_746 = arith.constant 37 : index
    %get3A_747 = arith.constant 0 : index
    %get3A_748 = arith.constant 0 : index
    %get3A_749 = vector.load %arg0[%get3A_746, %get3A_747, %get3A_748] : memref<85x72x128xf32, #tpu.memory_space<vmem>>, vector<1x72x128xf32>
    %get3A_750 = vector.shape_cast %get3A_749 : vector<1x72x128xf32> to vector<72x128xf32>
    %max3A_751 = arith.constant 0.000000e+00 : f32
    %max3A_752 = vector.broadcast %max3A_751 : f32 to vector<72x128xf32>
    %max3A_753 = arith.maximumf %get3A_750, %max3A_752 : vector<72x128xf32>
    %abs3A_754 = math.absf %get3A_750 : vector<72x128xf32>
    %neg3A_755 = arith.constant 0.000000e+00 : f32
    %neg3A_756 = vector.broadcast %neg3A_755 : f32 to vector<72x128xf32>
    %neg3A_757 = arith.subf %neg3A_756, %abs3A_754 : vector<72x128xf32>
    %exp3A_758 = math.exp %neg3A_757 : vector<72x128xf32>
    %log1p3A_759 = math.log1p %exp3A_758 : vector<72x128xf32>
    %add3A_760 = arith.addf %max3A_753, %log1p3A_759 : vector<72x128xf32>
    %add3A_761 = arith.addf %add3A_669, %add3A_760 : vector<72x128xf32>
    %eq3A_762 = arith.constant 3.200000e+01 : f32
    %eq3A_763 = vector.broadcast %eq3A_762 : f32 to vector<72x128xf32>
    %eq3A_764 = arith.cmpf oeq, %get3A_3, %eq3A_763 : vector<72x128xf32>
    %jit3A_765 = arith.constant 0.000000e+00 : f32
    %broadcast_in_dim3A_766 = vector.broadcast %jit3A_765 : f32 to vector<72x128xf32>
    %select_n3A_767 = arith.select %eq3A_764, %get3A_750, %broadcast_in_dim3A_766 : vector<72x128xi1>, vector<72x128xf32>
    %add3A_768 = arith.addf %add3A_676, %select_n3A_767 : vector<72x128xf32>
    %get3A_769 = arith.constant 38 : index
    %get3A_770 = arith.constant 0 : index
    %get3A_771 = arith.constant 0 : index
    %get3A_772 = vector.load %arg0[%get3A_769, %get3A_770, %get3A_771] : memref<85x72x128xf32, #tpu.memory_space<vmem>>, vector<1x72x128xf32>
    %get3A_773 = vector.shape_cast %get3A_772 : vector<1x72x128xf32> to vector<72x128xf32>
    %max3A_774 = arith.constant 0.000000e+00 : f32
    %max3A_775 = vector.broadcast %max3A_774 : f32 to vector<72x128xf32>
    %max3A_776 = arith.maximumf %get3A_773, %max3A_775 : vector<72x128xf32>
    %abs3A_777 = math.absf %get3A_773 : vector<72x128xf32>
    %neg3A_778 = arith.constant 0.000000e+00 : f32
    %neg3A_779 = vector.broadcast %neg3A_778 : f32 to vector<72x128xf32>
    %neg3A_780 = arith.subf %neg3A_779, %abs3A_777 : vector<72x128xf32>
    %exp3A_781 = math.exp %neg3A_780 : vector<72x128xf32>
    %log1p3A_782 = math.log1p %exp3A_781 : vector<72x128xf32>
    %add3A_783 = arith.addf %max3A_776, %log1p3A_782 : vector<72x128xf32>
    %add3A_784 = arith.addf %add3A_692, %add3A_783 : vector<72x128xf32>
    %eq3A_785 = arith.constant 3.300000e+01 : f32
    %eq3A_786 = vector.broadcast %eq3A_785 : f32 to vector<72x128xf32>
    %eq3A_787 = arith.cmpf oeq, %get3A_3, %eq3A_786 : vector<72x128xf32>
    %jit3A_788 = arith.constant 0.000000e+00 : f32
    %broadcast_in_dim3A_789 = vector.broadcast %jit3A_788 : f32 to vector<72x128xf32>
    %select_n3A_790 = arith.select %eq3A_787, %get3A_773, %broadcast_in_dim3A_789 : vector<72x128xi1>, vector<72x128xf32>
    %add3A_791 = arith.addf %add3A_699, %select_n3A_790 : vector<72x128xf32>
    %get3A_792 = arith.constant 39 : index
    %get3A_793 = arith.constant 0 : index
    %get3A_794 = arith.constant 0 : index
    %get3A_795 = vector.load %arg0[%get3A_792, %get3A_793, %get3A_794] : memref<85x72x128xf32, #tpu.memory_space<vmem>>, vector<1x72x128xf32>
    %get3A_796 = vector.shape_cast %get3A_795 : vector<1x72x128xf32> to vector<72x128xf32>
    %max3A_797 = arith.constant 0.000000e+00 : f32
    %max3A_798 = vector.broadcast %max3A_797 : f32 to vector<72x128xf32>
    %max3A_799 = arith.maximumf %get3A_796, %max3A_798 : vector<72x128xf32>
    %abs3A_800 = math.absf %get3A_796 : vector<72x128xf32>
    %neg3A_801 = arith.constant 0.000000e+00 : f32
    %neg3A_802 = vector.broadcast %neg3A_801 : f32 to vector<72x128xf32>
    %neg3A_803 = arith.subf %neg3A_802, %abs3A_800 : vector<72x128xf32>
    %exp3A_804 = math.exp %neg3A_803 : vector<72x128xf32>
    %log1p3A_805 = math.log1p %exp3A_804 : vector<72x128xf32>
    %add3A_806 = arith.addf %max3A_799, %log1p3A_805 : vector<72x128xf32>
    %add3A_807 = arith.addf %add3A_715, %add3A_806 : vector<72x128xf32>
    %eq3A_808 = arith.constant 3.400000e+01 : f32
    %eq3A_809 = vector.broadcast %eq3A_808 : f32 to vector<72x128xf32>
    %eq3A_810 = arith.cmpf oeq, %get3A_3, %eq3A_809 : vector<72x128xf32>
    %jit3A_811 = arith.constant 0.000000e+00 : f32
    %broadcast_in_dim3A_812 = vector.broadcast %jit3A_811 : f32 to vector<72x128xf32>
    %select_n3A_813 = arith.select %eq3A_810, %get3A_796, %broadcast_in_dim3A_812 : vector<72x128xi1>, vector<72x128xf32>
    %add3A_814 = arith.addf %add3A_722, %select_n3A_813 : vector<72x128xf32>
    %get3A_815 = arith.constant 40 : index
    %get3A_816 = arith.constant 0 : index
    %get3A_817 = arith.constant 0 : index
    %get3A_818 = vector.load %arg0[%get3A_815, %get3A_816, %get3A_817] : memref<85x72x128xf32, #tpu.memory_space<vmem>>, vector<1x72x128xf32>
    %get3A_819 = vector.shape_cast %get3A_818 : vector<1x72x128xf32> to vector<72x128xf32>
    %max3A_820 = arith.constant 0.000000e+00 : f32
    %max3A_821 = vector.broadcast %max3A_820 : f32 to vector<72x128xf32>
    %max3A_822 = arith.maximumf %get3A_819, %max3A_821 : vector<72x128xf32>
    %abs3A_823 = math.absf %get3A_819 : vector<72x128xf32>
    %neg3A_824 = arith.constant 0.000000e+00 : f32
    %neg3A_825 = vector.broadcast %neg3A_824 : f32 to vector<72x128xf32>
    %neg3A_826 = arith.subf %neg3A_825, %abs3A_823 : vector<72x128xf32>
    %exp3A_827 = math.exp %neg3A_826 : vector<72x128xf32>
    %log1p3A_828 = math.log1p %exp3A_827 : vector<72x128xf32>
    %add3A_829 = arith.addf %max3A_822, %log1p3A_828 : vector<72x128xf32>
    %add3A_830 = arith.addf %add3A_738, %add3A_829 : vector<72x128xf32>
    %eq3A_831 = arith.constant 3.500000e+01 : f32
    %eq3A_832 = vector.broadcast %eq3A_831 : f32 to vector<72x128xf32>
    %eq3A_833 = arith.cmpf oeq, %get3A_3, %eq3A_832 : vector<72x128xf32>
    %jit3A_834 = arith.constant 0.000000e+00 : f32
    %broadcast_in_dim3A_835 = vector.broadcast %jit3A_834 : f32 to vector<72x128xf32>
    %select_n3A_836 = arith.select %eq3A_833, %get3A_819, %broadcast_in_dim3A_835 : vector<72x128xi1>, vector<72x128xf32>
    %add3A_837 = arith.addf %add3A_745, %select_n3A_836 : vector<72x128xf32>
    %get3A_838 = arith.constant 41 : index
    %get3A_839 = arith.constant 0 : index
    %get3A_840 = arith.constant 0 : index
    %get3A_841 = vector.load %arg0[%get3A_838, %get3A_839, %get3A_840] : memref<85x72x128xf32, #tpu.memory_space<vmem>>, vector<1x72x128xf32>
    %get3A_842 = vector.shape_cast %get3A_841 : vector<1x72x128xf32> to vector<72x128xf32>
    %max3A_843 = arith.constant 0.000000e+00 : f32
    %max3A_844 = vector.broadcast %max3A_843 : f32 to vector<72x128xf32>
    %max3A_845 = arith.maximumf %get3A_842, %max3A_844 : vector<72x128xf32>
    %abs3A_846 = math.absf %get3A_842 : vector<72x128xf32>
    %neg3A_847 = arith.constant 0.000000e+00 : f32
    %neg3A_848 = vector.broadcast %neg3A_847 : f32 to vector<72x128xf32>
    %neg3A_849 = arith.subf %neg3A_848, %abs3A_846 : vector<72x128xf32>
    %exp3A_850 = math.exp %neg3A_849 : vector<72x128xf32>
    %log1p3A_851 = math.log1p %exp3A_850 : vector<72x128xf32>
    %add3A_852 = arith.addf %max3A_845, %log1p3A_851 : vector<72x128xf32>
    %add3A_853 = arith.addf %add3A_761, %add3A_852 : vector<72x128xf32>
    %eq3A_854 = arith.constant 3.600000e+01 : f32
    %eq3A_855 = vector.broadcast %eq3A_854 : f32 to vector<72x128xf32>
    %eq3A_856 = arith.cmpf oeq, %get3A_3, %eq3A_855 : vector<72x128xf32>
    %jit3A_857 = arith.constant 0.000000e+00 : f32
    %broadcast_in_dim3A_858 = vector.broadcast %jit3A_857 : f32 to vector<72x128xf32>
    %select_n3A_859 = arith.select %eq3A_856, %get3A_842, %broadcast_in_dim3A_858 : vector<72x128xi1>, vector<72x128xf32>
    %add3A_860 = arith.addf %add3A_768, %select_n3A_859 : vector<72x128xf32>
    %get3A_861 = arith.constant 42 : index
    %get3A_862 = arith.constant 0 : index
    %get3A_863 = arith.constant 0 : index
    %get3A_864 = vector.load %arg0[%get3A_861, %get3A_862, %get3A_863] : memref<85x72x128xf32, #tpu.memory_space<vmem>>, vector<1x72x128xf32>
    %get3A_865 = vector.shape_cast %get3A_864 : vector<1x72x128xf32> to vector<72x128xf32>
    %max3A_866 = arith.constant 0.000000e+00 : f32
    %max3A_867 = vector.broadcast %max3A_866 : f32 to vector<72x128xf32>
    %max3A_868 = arith.maximumf %get3A_865, %max3A_867 : vector<72x128xf32>
    %abs3A_869 = math.absf %get3A_865 : vector<72x128xf32>
    %neg3A_870 = arith.constant 0.000000e+00 : f32
    %neg3A_871 = vector.broadcast %neg3A_870 : f32 to vector<72x128xf32>
    %neg3A_872 = arith.subf %neg3A_871, %abs3A_869 : vector<72x128xf32>
    %exp3A_873 = math.exp %neg3A_872 : vector<72x128xf32>
    %log1p3A_874 = math.log1p %exp3A_873 : vector<72x128xf32>
    %add3A_875 = arith.addf %max3A_868, %log1p3A_874 : vector<72x128xf32>
    %add3A_876 = arith.addf %add3A_784, %add3A_875 : vector<72x128xf32>
    %eq3A_877 = arith.constant 3.700000e+01 : f32
    %eq3A_878 = vector.broadcast %eq3A_877 : f32 to vector<72x128xf32>
    %eq3A_879 = arith.cmpf oeq, %get3A_3, %eq3A_878 : vector<72x128xf32>
    %jit3A_880 = arith.constant 0.000000e+00 : f32
    %broadcast_in_dim3A_881 = vector.broadcast %jit3A_880 : f32 to vector<72x128xf32>
    %select_n3A_882 = arith.select %eq3A_879, %get3A_865, %broadcast_in_dim3A_881 : vector<72x128xi1>, vector<72x128xf32>
    %add3A_883 = arith.addf %add3A_791, %select_n3A_882 : vector<72x128xf32>
    %get3A_884 = arith.constant 43 : index
    %get3A_885 = arith.constant 0 : index
    %get3A_886 = arith.constant 0 : index
    %get3A_887 = vector.load %arg0[%get3A_884, %get3A_885, %get3A_886] : memref<85x72x128xf32, #tpu.memory_space<vmem>>, vector<1x72x128xf32>
    %get3A_888 = vector.shape_cast %get3A_887 : vector<1x72x128xf32> to vector<72x128xf32>
    %max3A_889 = arith.constant 0.000000e+00 : f32
    %max3A_890 = vector.broadcast %max3A_889 : f32 to vector<72x128xf32>
    %max3A_891 = arith.maximumf %get3A_888, %max3A_890 : vector<72x128xf32>
    %abs3A_892 = math.absf %get3A_888 : vector<72x128xf32>
    %neg3A_893 = arith.constant 0.000000e+00 : f32
    %neg3A_894 = vector.broadcast %neg3A_893 : f32 to vector<72x128xf32>
    %neg3A_895 = arith.subf %neg3A_894, %abs3A_892 : vector<72x128xf32>
    %exp3A_896 = math.exp %neg3A_895 : vector<72x128xf32>
    %log1p3A_897 = math.log1p %exp3A_896 : vector<72x128xf32>
    %add3A_898 = arith.addf %max3A_891, %log1p3A_897 : vector<72x128xf32>
    %add3A_899 = arith.addf %add3A_807, %add3A_898 : vector<72x128xf32>
    %eq3A_900 = arith.constant 3.800000e+01 : f32
    %eq3A_901 = vector.broadcast %eq3A_900 : f32 to vector<72x128xf32>
    %eq3A_902 = arith.cmpf oeq, %get3A_3, %eq3A_901 : vector<72x128xf32>
    %jit3A_903 = arith.constant 0.000000e+00 : f32
    %broadcast_in_dim3A_904 = vector.broadcast %jit3A_903 : f32 to vector<72x128xf32>
    %select_n3A_905 = arith.select %eq3A_902, %get3A_888, %broadcast_in_dim3A_904 : vector<72x128xi1>, vector<72x128xf32>
    %add3A_906 = arith.addf %add3A_814, %select_n3A_905 : vector<72x128xf32>
    %get3A_907 = arith.constant 44 : index
    %get3A_908 = arith.constant 0 : index
    %get3A_909 = arith.constant 0 : index
    %get3A_910 = vector.load %arg0[%get3A_907, %get3A_908, %get3A_909] : memref<85x72x128xf32, #tpu.memory_space<vmem>>, vector<1x72x128xf32>
    %get3A_911 = vector.shape_cast %get3A_910 : vector<1x72x128xf32> to vector<72x128xf32>
    %max3A_912 = arith.constant 0.000000e+00 : f32
    %max3A_913 = vector.broadcast %max3A_912 : f32 to vector<72x128xf32>
    %max3A_914 = arith.maximumf %get3A_911, %max3A_913 : vector<72x128xf32>
    %abs3A_915 = math.absf %get3A_911 : vector<72x128xf32>
    %neg3A_916 = arith.constant 0.000000e+00 : f32
    %neg3A_917 = vector.broadcast %neg3A_916 : f32 to vector<72x128xf32>
    %neg3A_918 = arith.subf %neg3A_917, %abs3A_915 : vector<72x128xf32>
    %exp3A_919 = math.exp %neg3A_918 : vector<72x128xf32>
    %log1p3A_920 = math.log1p %exp3A_919 : vector<72x128xf32>
    %add3A_921 = arith.addf %max3A_914, %log1p3A_920 : vector<72x128xf32>
    %add3A_922 = arith.addf %add3A_830, %add3A_921 : vector<72x128xf32>
    %eq3A_923 = arith.constant 3.900000e+01 : f32
    %eq3A_924 = vector.broadcast %eq3A_923 : f32 to vector<72x128xf32>
    %eq3A_925 = arith.cmpf oeq, %get3A_3, %eq3A_924 : vector<72x128xf32>
    %jit3A_926 = arith.constant 0.000000e+00 : f32
    %broadcast_in_dim3A_927 = vector.broadcast %jit3A_926 : f32 to vector<72x128xf32>
    %select_n3A_928 = arith.select %eq3A_925, %get3A_911, %broadcast_in_dim3A_927 : vector<72x128xi1>, vector<72x128xf32>
    %add3A_929 = arith.addf %add3A_837, %select_n3A_928 : vector<72x128xf32>
    %get3A_930 = arith.constant 45 : index
    %get3A_931 = arith.constant 0 : index
    %get3A_932 = arith.constant 0 : index
    %get3A_933 = vector.load %arg0[%get3A_930, %get3A_931, %get3A_932] : memref<85x72x128xf32, #tpu.memory_space<vmem>>, vector<1x72x128xf32>
    %get3A_934 = vector.shape_cast %get3A_933 : vector<1x72x128xf32> to vector<72x128xf32>
    %max3A_935 = arith.constant 0.000000e+00 : f32
    %max3A_936 = vector.broadcast %max3A_935 : f32 to vector<72x128xf32>
    %max3A_937 = arith.maximumf %get3A_934, %max3A_936 : vector<72x128xf32>
    %abs3A_938 = math.absf %get3A_934 : vector<72x128xf32>
    %neg3A_939 = arith.constant 0.000000e+00 : f32
    %neg3A_940 = vector.broadcast %neg3A_939 : f32 to vector<72x128xf32>
    %neg3A_941 = arith.subf %neg3A_940, %abs3A_938 : vector<72x128xf32>
    %exp3A_942 = math.exp %neg3A_941 : vector<72x128xf32>
    %log1p3A_943 = math.log1p %exp3A_942 : vector<72x128xf32>
    %add3A_944 = arith.addf %max3A_937, %log1p3A_943 : vector<72x128xf32>
    %add3A_945 = arith.addf %add3A_853, %add3A_944 : vector<72x128xf32>
    %eq3A_946 = arith.constant 4.000000e+01 : f32
    %eq3A_947 = vector.broadcast %eq3A_946 : f32 to vector<72x128xf32>
    %eq3A_948 = arith.cmpf oeq, %get3A_3, %eq3A_947 : vector<72x128xf32>
    %jit3A_949 = arith.constant 0.000000e+00 : f32
    %broadcast_in_dim3A_950 = vector.broadcast %jit3A_949 : f32 to vector<72x128xf32>
    %select_n3A_951 = arith.select %eq3A_948, %get3A_934, %broadcast_in_dim3A_950 : vector<72x128xi1>, vector<72x128xf32>
    %add3A_952 = arith.addf %add3A_860, %select_n3A_951 : vector<72x128xf32>
    %get3A_953 = arith.constant 46 : index
    %get3A_954 = arith.constant 0 : index
    %get3A_955 = arith.constant 0 : index
    %get3A_956 = vector.load %arg0[%get3A_953, %get3A_954, %get3A_955] : memref<85x72x128xf32, #tpu.memory_space<vmem>>, vector<1x72x128xf32>
    %get3A_957 = vector.shape_cast %get3A_956 : vector<1x72x128xf32> to vector<72x128xf32>
    %max3A_958 = arith.constant 0.000000e+00 : f32
    %max3A_959 = vector.broadcast %max3A_958 : f32 to vector<72x128xf32>
    %max3A_960 = arith.maximumf %get3A_957, %max3A_959 : vector<72x128xf32>
    %abs3A_961 = math.absf %get3A_957 : vector<72x128xf32>
    %neg3A_962 = arith.constant 0.000000e+00 : f32
    %neg3A_963 = vector.broadcast %neg3A_962 : f32 to vector<72x128xf32>
    %neg3A_964 = arith.subf %neg3A_963, %abs3A_961 : vector<72x128xf32>
    %exp3A_965 = math.exp %neg3A_964 : vector<72x128xf32>
    %log1p3A_966 = math.log1p %exp3A_965 : vector<72x128xf32>
    %add3A_967 = arith.addf %max3A_960, %log1p3A_966 : vector<72x128xf32>
    %add3A_968 = arith.addf %add3A_876, %add3A_967 : vector<72x128xf32>
    %eq3A_969 = arith.constant 4.100000e+01 : f32
    %eq3A_970 = vector.broadcast %eq3A_969 : f32 to vector<72x128xf32>
    %eq3A_971 = arith.cmpf oeq, %get3A_3, %eq3A_970 : vector<72x128xf32>
    %jit3A_972 = arith.constant 0.000000e+00 : f32
    %broadcast_in_dim3A_973 = vector.broadcast %jit3A_972 : f32 to vector<72x128xf32>
    %select_n3A_974 = arith.select %eq3A_971, %get3A_957, %broadcast_in_dim3A_973 : vector<72x128xi1>, vector<72x128xf32>
    %add3A_975 = arith.addf %add3A_883, %select_n3A_974 : vector<72x128xf32>
    %get3A_976 = arith.constant 47 : index
    %get3A_977 = arith.constant 0 : index
    %get3A_978 = arith.constant 0 : index
    %get3A_979 = vector.load %arg0[%get3A_976, %get3A_977, %get3A_978] : memref<85x72x128xf32, #tpu.memory_space<vmem>>, vector<1x72x128xf32>
    %get3A_980 = vector.shape_cast %get3A_979 : vector<1x72x128xf32> to vector<72x128xf32>
    %max3A_981 = arith.constant 0.000000e+00 : f32
    %max3A_982 = vector.broadcast %max3A_981 : f32 to vector<72x128xf32>
    %max3A_983 = arith.maximumf %get3A_980, %max3A_982 : vector<72x128xf32>
    %abs3A_984 = math.absf %get3A_980 : vector<72x128xf32>
    %neg3A_985 = arith.constant 0.000000e+00 : f32
    %neg3A_986 = vector.broadcast %neg3A_985 : f32 to vector<72x128xf32>
    %neg3A_987 = arith.subf %neg3A_986, %abs3A_984 : vector<72x128xf32>
    %exp3A_988 = math.exp %neg3A_987 : vector<72x128xf32>
    %log1p3A_989 = math.log1p %exp3A_988 : vector<72x128xf32>
    %add3A_990 = arith.addf %max3A_983, %log1p3A_989 : vector<72x128xf32>
    %add3A_991 = arith.addf %add3A_899, %add3A_990 : vector<72x128xf32>
    %eq3A_992 = arith.constant 4.200000e+01 : f32
    %eq3A_993 = vector.broadcast %eq3A_992 : f32 to vector<72x128xf32>
    %eq3A_994 = arith.cmpf oeq, %get3A_3, %eq3A_993 : vector<72x128xf32>
    %jit3A_995 = arith.constant 0.000000e+00 : f32
    %broadcast_in_dim3A_996 = vector.broadcast %jit3A_995 : f32 to vector<72x128xf32>
    %select_n3A_997 = arith.select %eq3A_994, %get3A_980, %broadcast_in_dim3A_996 : vector<72x128xi1>, vector<72x128xf32>
    %add3A_998 = arith.addf %add3A_906, %select_n3A_997 : vector<72x128xf32>
    %get3A_999 = arith.constant 48 : index
    %get3A_1000 = arith.constant 0 : index
    %get3A_1001 = arith.constant 0 : index
    %get3A_1002 = vector.load %arg0[%get3A_999, %get3A_1000, %get3A_1001] : memref<85x72x128xf32, #tpu.memory_space<vmem>>, vector<1x72x128xf32>
    %get3A_1003 = vector.shape_cast %get3A_1002 : vector<1x72x128xf32> to vector<72x128xf32>
    %max3A_1004 = arith.constant 0.000000e+00 : f32
    %max3A_1005 = vector.broadcast %max3A_1004 : f32 to vector<72x128xf32>
    %max3A_1006 = arith.maximumf %get3A_1003, %max3A_1005 : vector<72x128xf32>
    %abs3A_1007 = math.absf %get3A_1003 : vector<72x128xf32>
    %neg3A_1008 = arith.constant 0.000000e+00 : f32
    %neg3A_1009 = vector.broadcast %neg3A_1008 : f32 to vector<72x128xf32>
    %neg3A_1010 = arith.subf %neg3A_1009, %abs3A_1007 : vector<72x128xf32>
    %exp3A_1011 = math.exp %neg3A_1010 : vector<72x128xf32>
    %log1p3A_1012 = math.log1p %exp3A_1011 : vector<72x128xf32>
    %add3A_1013 = arith.addf %max3A_1006, %log1p3A_1012 : vector<72x128xf32>
    %add3A_1014 = arith.addf %add3A_922, %add3A_1013 : vector<72x128xf32>
    %eq3A_1015 = arith.constant 4.300000e+01 : f32
    %eq3A_1016 = vector.broadcast %eq3A_1015 : f32 to vector<72x128xf32>
    %eq3A_1017 = arith.cmpf oeq, %get3A_3, %eq3A_1016 : vector<72x128xf32>
    %jit3A_1018 = arith.constant 0.000000e+00 : f32
    %broadcast_in_dim3A_1019 = vector.broadcast %jit3A_1018 : f32 to vector<72x128xf32>
    %select_n3A_1020 = arith.select %eq3A_1017, %get3A_1003, %broadcast_in_dim3A_1019 : vector<72x128xi1>, vector<72x128xf32>
    %add3A_1021 = arith.addf %add3A_929, %select_n3A_1020 : vector<72x128xf32>
    %get3A_1022 = arith.constant 49 : index
    %get3A_1023 = arith.constant 0 : index
    %get3A_1024 = arith.constant 0 : index
    %get3A_1025 = vector.load %arg0[%get3A_1022, %get3A_1023, %get3A_1024] : memref<85x72x128xf32, #tpu.memory_space<vmem>>, vector<1x72x128xf32>
    %get3A_1026 = vector.shape_cast %get3A_1025 : vector<1x72x128xf32> to vector<72x128xf32>
    %max3A_1027 = arith.constant 0.000000e+00 : f32
    %max3A_1028 = vector.broadcast %max3A_1027 : f32 to vector<72x128xf32>
    %max3A_1029 = arith.maximumf %get3A_1026, %max3A_1028 : vector<72x128xf32>
    %abs3A_1030 = math.absf %get3A_1026 : vector<72x128xf32>
    %neg3A_1031 = arith.constant 0.000000e+00 : f32
    %neg3A_1032 = vector.broadcast %neg3A_1031 : f32 to vector<72x128xf32>
    %neg3A_1033 = arith.subf %neg3A_1032, %abs3A_1030 : vector<72x128xf32>
    %exp3A_1034 = math.exp %neg3A_1033 : vector<72x128xf32>
    %log1p3A_1035 = math.log1p %exp3A_1034 : vector<72x128xf32>
    %add3A_1036 = arith.addf %max3A_1029, %log1p3A_1035 : vector<72x128xf32>
    %add3A_1037 = arith.addf %add3A_945, %add3A_1036 : vector<72x128xf32>
    %eq3A_1038 = arith.constant 4.400000e+01 : f32
    %eq3A_1039 = vector.broadcast %eq3A_1038 : f32 to vector<72x128xf32>
    %eq3A_1040 = arith.cmpf oeq, %get3A_3, %eq3A_1039 : vector<72x128xf32>
    %jit3A_1041 = arith.constant 0.000000e+00 : f32
    %broadcast_in_dim3A_1042 = vector.broadcast %jit3A_1041 : f32 to vector<72x128xf32>
    %select_n3A_1043 = arith.select %eq3A_1040, %get3A_1026, %broadcast_in_dim3A_1042 : vector<72x128xi1>, vector<72x128xf32>
    %add3A_1044 = arith.addf %add3A_952, %select_n3A_1043 : vector<72x128xf32>
    %get3A_1045 = arith.constant 50 : index
    %get3A_1046 = arith.constant 0 : index
    %get3A_1047 = arith.constant 0 : index
    %get3A_1048 = vector.load %arg0[%get3A_1045, %get3A_1046, %get3A_1047] : memref<85x72x128xf32, #tpu.memory_space<vmem>>, vector<1x72x128xf32>
    %get3A_1049 = vector.shape_cast %get3A_1048 : vector<1x72x128xf32> to vector<72x128xf32>
    %max3A_1050 = arith.constant 0.000000e+00 : f32
    %max3A_1051 = vector.broadcast %max3A_1050 : f32 to vector<72x128xf32>
    %max3A_1052 = arith.maximumf %get3A_1049, %max3A_1051 : vector<72x128xf32>
    %abs3A_1053 = math.absf %get3A_1049 : vector<72x128xf32>
    %neg3A_1054 = arith.constant 0.000000e+00 : f32
    %neg3A_1055 = vector.broadcast %neg3A_1054 : f32 to vector<72x128xf32>
    %neg3A_1056 = arith.subf %neg3A_1055, %abs3A_1053 : vector<72x128xf32>
    %exp3A_1057 = math.exp %neg3A_1056 : vector<72x128xf32>
    %log1p3A_1058 = math.log1p %exp3A_1057 : vector<72x128xf32>
    %add3A_1059 = arith.addf %max3A_1052, %log1p3A_1058 : vector<72x128xf32>
    %add3A_1060 = arith.addf %add3A_968, %add3A_1059 : vector<72x128xf32>
    %eq3A_1061 = arith.constant 4.500000e+01 : f32
    %eq3A_1062 = vector.broadcast %eq3A_1061 : f32 to vector<72x128xf32>
    %eq3A_1063 = arith.cmpf oeq, %get3A_3, %eq3A_1062 : vector<72x128xf32>
    %jit3A_1064 = arith.constant 0.000000e+00 : f32
    %broadcast_in_dim3A_1065 = vector.broadcast %jit3A_1064 : f32 to vector<72x128xf32>
    %select_n3A_1066 = arith.select %eq3A_1063, %get3A_1049, %broadcast_in_dim3A_1065 : vector<72x128xi1>, vector<72x128xf32>
    %add3A_1067 = arith.addf %add3A_975, %select_n3A_1066 : vector<72x128xf32>
    %get3A_1068 = arith.constant 51 : index
    %get3A_1069 = arith.constant 0 : index
    %get3A_1070 = arith.constant 0 : index
    %get3A_1071 = vector.load %arg0[%get3A_1068, %get3A_1069, %get3A_1070] : memref<85x72x128xf32, #tpu.memory_space<vmem>>, vector<1x72x128xf32>
    %get3A_1072 = vector.shape_cast %get3A_1071 : vector<1x72x128xf32> to vector<72x128xf32>
    %max3A_1073 = arith.constant 0.000000e+00 : f32
    %max3A_1074 = vector.broadcast %max3A_1073 : f32 to vector<72x128xf32>
    %max3A_1075 = arith.maximumf %get3A_1072, %max3A_1074 : vector<72x128xf32>
    %abs3A_1076 = math.absf %get3A_1072 : vector<72x128xf32>
    %neg3A_1077 = arith.constant 0.000000e+00 : f32
    %neg3A_1078 = vector.broadcast %neg3A_1077 : f32 to vector<72x128xf32>
    %neg3A_1079 = arith.subf %neg3A_1078, %abs3A_1076 : vector<72x128xf32>
    %exp3A_1080 = math.exp %neg3A_1079 : vector<72x128xf32>
    %log1p3A_1081 = math.log1p %exp3A_1080 : vector<72x128xf32>
    %add3A_1082 = arith.addf %max3A_1075, %log1p3A_1081 : vector<72x128xf32>
    %add3A_1083 = arith.addf %add3A_991, %add3A_1082 : vector<72x128xf32>
    %eq3A_1084 = arith.constant 4.600000e+01 : f32
    %eq3A_1085 = vector.broadcast %eq3A_1084 : f32 to vector<72x128xf32>
    %eq3A_1086 = arith.cmpf oeq, %get3A_3, %eq3A_1085 : vector<72x128xf32>
    %jit3A_1087 = arith.constant 0.000000e+00 : f32
    %broadcast_in_dim3A_1088 = vector.broadcast %jit3A_1087 : f32 to vector<72x128xf32>
    %select_n3A_1089 = arith.select %eq3A_1086, %get3A_1072, %broadcast_in_dim3A_1088 : vector<72x128xi1>, vector<72x128xf32>
    %add3A_1090 = arith.addf %add3A_998, %select_n3A_1089 : vector<72x128xf32>
    %get3A_1091 = arith.constant 52 : index
    %get3A_1092 = arith.constant 0 : index
    %get3A_1093 = arith.constant 0 : index
    %get3A_1094 = vector.load %arg0[%get3A_1091, %get3A_1092, %get3A_1093] : memref<85x72x128xf32, #tpu.memory_space<vmem>>, vector<1x72x128xf32>
    %get3A_1095 = vector.shape_cast %get3A_1094 : vector<1x72x128xf32> to vector<72x128xf32>
    %max3A_1096 = arith.constant 0.000000e+00 : f32
    %max3A_1097 = vector.broadcast %max3A_1096 : f32 to vector<72x128xf32>
    %max3A_1098 = arith.maximumf %get3A_1095, %max3A_1097 : vector<72x128xf32>
    %abs3A_1099 = math.absf %get3A_1095 : vector<72x128xf32>
    %neg3A_1100 = arith.constant 0.000000e+00 : f32
    %neg3A_1101 = vector.broadcast %neg3A_1100 : f32 to vector<72x128xf32>
    %neg3A_1102 = arith.subf %neg3A_1101, %abs3A_1099 : vector<72x128xf32>
    %exp3A_1103 = math.exp %neg3A_1102 : vector<72x128xf32>
    %log1p3A_1104 = math.log1p %exp3A_1103 : vector<72x128xf32>
    %add3A_1105 = arith.addf %max3A_1098, %log1p3A_1104 : vector<72x128xf32>
    %add3A_1106 = arith.addf %add3A_1014, %add3A_1105 : vector<72x128xf32>
    %eq3A_1107 = arith.constant 4.700000e+01 : f32
    %eq3A_1108 = vector.broadcast %eq3A_1107 : f32 to vector<72x128xf32>
    %eq3A_1109 = arith.cmpf oeq, %get3A_3, %eq3A_1108 : vector<72x128xf32>
    %jit3A_1110 = arith.constant 0.000000e+00 : f32
    %broadcast_in_dim3A_1111 = vector.broadcast %jit3A_1110 : f32 to vector<72x128xf32>
    %select_n3A_1112 = arith.select %eq3A_1109, %get3A_1095, %broadcast_in_dim3A_1111 : vector<72x128xi1>, vector<72x128xf32>
    %add3A_1113 = arith.addf %add3A_1021, %select_n3A_1112 : vector<72x128xf32>
    %get3A_1114 = arith.constant 53 : index
    %get3A_1115 = arith.constant 0 : index
    %get3A_1116 = arith.constant 0 : index
    %get3A_1117 = vector.load %arg0[%get3A_1114, %get3A_1115, %get3A_1116] : memref<85x72x128xf32, #tpu.memory_space<vmem>>, vector<1x72x128xf32>
    %get3A_1118 = vector.shape_cast %get3A_1117 : vector<1x72x128xf32> to vector<72x128xf32>
    %max3A_1119 = arith.constant 0.000000e+00 : f32
    %max3A_1120 = vector.broadcast %max3A_1119 : f32 to vector<72x128xf32>
    %max3A_1121 = arith.maximumf %get3A_1118, %max3A_1120 : vector<72x128xf32>
    %abs3A_1122 = math.absf %get3A_1118 : vector<72x128xf32>
    %neg3A_1123 = arith.constant 0.000000e+00 : f32
    %neg3A_1124 = vector.broadcast %neg3A_1123 : f32 to vector<72x128xf32>
    %neg3A_1125 = arith.subf %neg3A_1124, %abs3A_1122 : vector<72x128xf32>
    %exp3A_1126 = math.exp %neg3A_1125 : vector<72x128xf32>
    %log1p3A_1127 = math.log1p %exp3A_1126 : vector<72x128xf32>
    %add3A_1128 = arith.addf %max3A_1121, %log1p3A_1127 : vector<72x128xf32>
    %add3A_1129 = arith.addf %add3A_1037, %add3A_1128 : vector<72x128xf32>
    %eq3A_1130 = arith.constant 4.800000e+01 : f32
    %eq3A_1131 = vector.broadcast %eq3A_1130 : f32 to vector<72x128xf32>
    %eq3A_1132 = arith.cmpf oeq, %get3A_3, %eq3A_1131 : vector<72x128xf32>
    %jit3A_1133 = arith.constant 0.000000e+00 : f32
    %broadcast_in_dim3A_1134 = vector.broadcast %jit3A_1133 : f32 to vector<72x128xf32>
    %select_n3A_1135 = arith.select %eq3A_1132, %get3A_1118, %broadcast_in_dim3A_1134 : vector<72x128xi1>, vector<72x128xf32>
    %add3A_1136 = arith.addf %add3A_1044, %select_n3A_1135 : vector<72x128xf32>
    %get3A_1137 = arith.constant 54 : index
    %get3A_1138 = arith.constant 0 : index
    %get3A_1139 = arith.constant 0 : index
    %get3A_1140 = vector.load %arg0[%get3A_1137, %get3A_1138, %get3A_1139] : memref<85x72x128xf32, #tpu.memory_space<vmem>>, vector<1x72x128xf32>
    %get3A_1141 = vector.shape_cast %get3A_1140 : vector<1x72x128xf32> to vector<72x128xf32>
    %max3A_1142 = arith.constant 0.000000e+00 : f32
    %max3A_1143 = vector.broadcast %max3A_1142 : f32 to vector<72x128xf32>
    %max3A_1144 = arith.maximumf %get3A_1141, %max3A_1143 : vector<72x128xf32>
    %abs3A_1145 = math.absf %get3A_1141 : vector<72x128xf32>
    %neg3A_1146 = arith.constant 0.000000e+00 : f32
    %neg3A_1147 = vector.broadcast %neg3A_1146 : f32 to vector<72x128xf32>
    %neg3A_1148 = arith.subf %neg3A_1147, %abs3A_1145 : vector<72x128xf32>
    %exp3A_1149 = math.exp %neg3A_1148 : vector<72x128xf32>
    %log1p3A_1150 = math.log1p %exp3A_1149 : vector<72x128xf32>
    %add3A_1151 = arith.addf %max3A_1144, %log1p3A_1150 : vector<72x128xf32>
    %add3A_1152 = arith.addf %add3A_1060, %add3A_1151 : vector<72x128xf32>
    %eq3A_1153 = arith.constant 4.900000e+01 : f32
    %eq3A_1154 = vector.broadcast %eq3A_1153 : f32 to vector<72x128xf32>
    %eq3A_1155 = arith.cmpf oeq, %get3A_3, %eq3A_1154 : vector<72x128xf32>
    %jit3A_1156 = arith.constant 0.000000e+00 : f32
    %broadcast_in_dim3A_1157 = vector.broadcast %jit3A_1156 : f32 to vector<72x128xf32>
    %select_n3A_1158 = arith.select %eq3A_1155, %get3A_1141, %broadcast_in_dim3A_1157 : vector<72x128xi1>, vector<72x128xf32>
    %add3A_1159 = arith.addf %add3A_1067, %select_n3A_1158 : vector<72x128xf32>
    %get3A_1160 = arith.constant 55 : index
    %get3A_1161 = arith.constant 0 : index
    %get3A_1162 = arith.constant 0 : index
    %get3A_1163 = vector.load %arg0[%get3A_1160, %get3A_1161, %get3A_1162] : memref<85x72x128xf32, #tpu.memory_space<vmem>>, vector<1x72x128xf32>
    %get3A_1164 = vector.shape_cast %get3A_1163 : vector<1x72x128xf32> to vector<72x128xf32>
    %max3A_1165 = arith.constant 0.000000e+00 : f32
    %max3A_1166 = vector.broadcast %max3A_1165 : f32 to vector<72x128xf32>
    %max3A_1167 = arith.maximumf %get3A_1164, %max3A_1166 : vector<72x128xf32>
    %abs3A_1168 = math.absf %get3A_1164 : vector<72x128xf32>
    %neg3A_1169 = arith.constant 0.000000e+00 : f32
    %neg3A_1170 = vector.broadcast %neg3A_1169 : f32 to vector<72x128xf32>
    %neg3A_1171 = arith.subf %neg3A_1170, %abs3A_1168 : vector<72x128xf32>
    %exp3A_1172 = math.exp %neg3A_1171 : vector<72x128xf32>
    %log1p3A_1173 = math.log1p %exp3A_1172 : vector<72x128xf32>
    %add3A_1174 = arith.addf %max3A_1167, %log1p3A_1173 : vector<72x128xf32>
    %add3A_1175 = arith.addf %add3A_1083, %add3A_1174 : vector<72x128xf32>
    %eq3A_1176 = arith.constant 5.000000e+01 : f32
    %eq3A_1177 = vector.broadcast %eq3A_1176 : f32 to vector<72x128xf32>
    %eq3A_1178 = arith.cmpf oeq, %get3A_3, %eq3A_1177 : vector<72x128xf32>
    %jit3A_1179 = arith.constant 0.000000e+00 : f32
    %broadcast_in_dim3A_1180 = vector.broadcast %jit3A_1179 : f32 to vector<72x128xf32>
    %select_n3A_1181 = arith.select %eq3A_1178, %get3A_1164, %broadcast_in_dim3A_1180 : vector<72x128xi1>, vector<72x128xf32>
    %add3A_1182 = arith.addf %add3A_1090, %select_n3A_1181 : vector<72x128xf32>
    %get3A_1183 = arith.constant 56 : index
    %get3A_1184 = arith.constant 0 : index
    %get3A_1185 = arith.constant 0 : index
    %get3A_1186 = vector.load %arg0[%get3A_1183, %get3A_1184, %get3A_1185] : memref<85x72x128xf32, #tpu.memory_space<vmem>>, vector<1x72x128xf32>
    %get3A_1187 = vector.shape_cast %get3A_1186 : vector<1x72x128xf32> to vector<72x128xf32>
    %max3A_1188 = arith.constant 0.000000e+00 : f32
    %max3A_1189 = vector.broadcast %max3A_1188 : f32 to vector<72x128xf32>
    %max3A_1190 = arith.maximumf %get3A_1187, %max3A_1189 : vector<72x128xf32>
    %abs3A_1191 = math.absf %get3A_1187 : vector<72x128xf32>
    %neg3A_1192 = arith.constant 0.000000e+00 : f32
    %neg3A_1193 = vector.broadcast %neg3A_1192 : f32 to vector<72x128xf32>
    %neg3A_1194 = arith.subf %neg3A_1193, %abs3A_1191 : vector<72x128xf32>
    %exp3A_1195 = math.exp %neg3A_1194 : vector<72x128xf32>
    %log1p3A_1196 = math.log1p %exp3A_1195 : vector<72x128xf32>
    %add3A_1197 = arith.addf %max3A_1190, %log1p3A_1196 : vector<72x128xf32>
    %add3A_1198 = arith.addf %add3A_1106, %add3A_1197 : vector<72x128xf32>
    %eq3A_1199 = arith.constant 5.100000e+01 : f32
    %eq3A_1200 = vector.broadcast %eq3A_1199 : f32 to vector<72x128xf32>
    %eq3A_1201 = arith.cmpf oeq, %get3A_3, %eq3A_1200 : vector<72x128xf32>
    %jit3A_1202 = arith.constant 0.000000e+00 : f32
    %broadcast_in_dim3A_1203 = vector.broadcast %jit3A_1202 : f32 to vector<72x128xf32>
    %select_n3A_1204 = arith.select %eq3A_1201, %get3A_1187, %broadcast_in_dim3A_1203 : vector<72x128xi1>, vector<72x128xf32>
    %add3A_1205 = arith.addf %add3A_1113, %select_n3A_1204 : vector<72x128xf32>
    %get3A_1206 = arith.constant 57 : index
    %get3A_1207 = arith.constant 0 : index
    %get3A_1208 = arith.constant 0 : index
    %get3A_1209 = vector.load %arg0[%get3A_1206, %get3A_1207, %get3A_1208] : memref<85x72x128xf32, #tpu.memory_space<vmem>>, vector<1x72x128xf32>
    %get3A_1210 = vector.shape_cast %get3A_1209 : vector<1x72x128xf32> to vector<72x128xf32>
    %max3A_1211 = arith.constant 0.000000e+00 : f32
    %max3A_1212 = vector.broadcast %max3A_1211 : f32 to vector<72x128xf32>
    %max3A_1213 = arith.maximumf %get3A_1210, %max3A_1212 : vector<72x128xf32>
    %abs3A_1214 = math.absf %get3A_1210 : vector<72x128xf32>
    %neg3A_1215 = arith.constant 0.000000e+00 : f32
    %neg3A_1216 = vector.broadcast %neg3A_1215 : f32 to vector<72x128xf32>
    %neg3A_1217 = arith.subf %neg3A_1216, %abs3A_1214 : vector<72x128xf32>
    %exp3A_1218 = math.exp %neg3A_1217 : vector<72x128xf32>
    %log1p3A_1219 = math.log1p %exp3A_1218 : vector<72x128xf32>
    %add3A_1220 = arith.addf %max3A_1213, %log1p3A_1219 : vector<72x128xf32>
    %add3A_1221 = arith.addf %add3A_1129, %add3A_1220 : vector<72x128xf32>
    %eq3A_1222 = arith.constant 5.200000e+01 : f32
    %eq3A_1223 = vector.broadcast %eq3A_1222 : f32 to vector<72x128xf32>
    %eq3A_1224 = arith.cmpf oeq, %get3A_3, %eq3A_1223 : vector<72x128xf32>
    %jit3A_1225 = arith.constant 0.000000e+00 : f32
    %broadcast_in_dim3A_1226 = vector.broadcast %jit3A_1225 : f32 to vector<72x128xf32>
    %select_n3A_1227 = arith.select %eq3A_1224, %get3A_1210, %broadcast_in_dim3A_1226 : vector<72x128xi1>, vector<72x128xf32>
    %add3A_1228 = arith.addf %add3A_1136, %select_n3A_1227 : vector<72x128xf32>
    %get3A_1229 = arith.constant 58 : index
    %get3A_1230 = arith.constant 0 : index
    %get3A_1231 = arith.constant 0 : index
    %get3A_1232 = vector.load %arg0[%get3A_1229, %get3A_1230, %get3A_1231] : memref<85x72x128xf32, #tpu.memory_space<vmem>>, vector<1x72x128xf32>
    %get3A_1233 = vector.shape_cast %get3A_1232 : vector<1x72x128xf32> to vector<72x128xf32>
    %max3A_1234 = arith.constant 0.000000e+00 : f32
    %max3A_1235 = vector.broadcast %max3A_1234 : f32 to vector<72x128xf32>
    %max3A_1236 = arith.maximumf %get3A_1233, %max3A_1235 : vector<72x128xf32>
    %abs3A_1237 = math.absf %get3A_1233 : vector<72x128xf32>
    %neg3A_1238 = arith.constant 0.000000e+00 : f32
    %neg3A_1239 = vector.broadcast %neg3A_1238 : f32 to vector<72x128xf32>
    %neg3A_1240 = arith.subf %neg3A_1239, %abs3A_1237 : vector<72x128xf32>
    %exp3A_1241 = math.exp %neg3A_1240 : vector<72x128xf32>
    %log1p3A_1242 = math.log1p %exp3A_1241 : vector<72x128xf32>
    %add3A_1243 = arith.addf %max3A_1236, %log1p3A_1242 : vector<72x128xf32>
    %add3A_1244 = arith.addf %add3A_1152, %add3A_1243 : vector<72x128xf32>
    %eq3A_1245 = arith.constant 5.300000e+01 : f32
    %eq3A_1246 = vector.broadcast %eq3A_1245 : f32 to vector<72x128xf32>
    %eq3A_1247 = arith.cmpf oeq, %get3A_3, %eq3A_1246 : vector<72x128xf32>
    %jit3A_1248 = arith.constant 0.000000e+00 : f32
    %broadcast_in_dim3A_1249 = vector.broadcast %jit3A_1248 : f32 to vector<72x128xf32>
    %select_n3A_1250 = arith.select %eq3A_1247, %get3A_1233, %broadcast_in_dim3A_1249 : vector<72x128xi1>, vector<72x128xf32>
    %add3A_1251 = arith.addf %add3A_1159, %select_n3A_1250 : vector<72x128xf32>
    %get3A_1252 = arith.constant 59 : index
    %get3A_1253 = arith.constant 0 : index
    %get3A_1254 = arith.constant 0 : index
    %get3A_1255 = vector.load %arg0[%get3A_1252, %get3A_1253, %get3A_1254] : memref<85x72x128xf32, #tpu.memory_space<vmem>>, vector<1x72x128xf32>
    %get3A_1256 = vector.shape_cast %get3A_1255 : vector<1x72x128xf32> to vector<72x128xf32>
    %max3A_1257 = arith.constant 0.000000e+00 : f32
    %max3A_1258 = vector.broadcast %max3A_1257 : f32 to vector<72x128xf32>
    %max3A_1259 = arith.maximumf %get3A_1256, %max3A_1258 : vector<72x128xf32>
    %abs3A_1260 = math.absf %get3A_1256 : vector<72x128xf32>
    %neg3A_1261 = arith.constant 0.000000e+00 : f32
    %neg3A_1262 = vector.broadcast %neg3A_1261 : f32 to vector<72x128xf32>
    %neg3A_1263 = arith.subf %neg3A_1262, %abs3A_1260 : vector<72x128xf32>
    %exp3A_1264 = math.exp %neg3A_1263 : vector<72x128xf32>
    %log1p3A_1265 = math.log1p %exp3A_1264 : vector<72x128xf32>
    %add3A_1266 = arith.addf %max3A_1259, %log1p3A_1265 : vector<72x128xf32>
    %add3A_1267 = arith.addf %add3A_1175, %add3A_1266 : vector<72x128xf32>
    %eq3A_1268 = arith.constant 5.400000e+01 : f32
    %eq3A_1269 = vector.broadcast %eq3A_1268 : f32 to vector<72x128xf32>
    %eq3A_1270 = arith.cmpf oeq, %get3A_3, %eq3A_1269 : vector<72x128xf32>
    %jit3A_1271 = arith.constant 0.000000e+00 : f32
    %broadcast_in_dim3A_1272 = vector.broadcast %jit3A_1271 : f32 to vector<72x128xf32>
    %select_n3A_1273 = arith.select %eq3A_1270, %get3A_1256, %broadcast_in_dim3A_1272 : vector<72x128xi1>, vector<72x128xf32>
    %add3A_1274 = arith.addf %add3A_1182, %select_n3A_1273 : vector<72x128xf32>
    %get3A_1275 = arith.constant 60 : index
    %get3A_1276 = arith.constant 0 : index
    %get3A_1277 = arith.constant 0 : index
    %get3A_1278 = vector.load %arg0[%get3A_1275, %get3A_1276, %get3A_1277] : memref<85x72x128xf32, #tpu.memory_space<vmem>>, vector<1x72x128xf32>
    %get3A_1279 = vector.shape_cast %get3A_1278 : vector<1x72x128xf32> to vector<72x128xf32>
    %max3A_1280 = arith.constant 0.000000e+00 : f32
    %max3A_1281 = vector.broadcast %max3A_1280 : f32 to vector<72x128xf32>
    %max3A_1282 = arith.maximumf %get3A_1279, %max3A_1281 : vector<72x128xf32>
    %abs3A_1283 = math.absf %get3A_1279 : vector<72x128xf32>
    %neg3A_1284 = arith.constant 0.000000e+00 : f32
    %neg3A_1285 = vector.broadcast %neg3A_1284 : f32 to vector<72x128xf32>
    %neg3A_1286 = arith.subf %neg3A_1285, %abs3A_1283 : vector<72x128xf32>
    %exp3A_1287 = math.exp %neg3A_1286 : vector<72x128xf32>
    %log1p3A_1288 = math.log1p %exp3A_1287 : vector<72x128xf32>
    %add3A_1289 = arith.addf %max3A_1282, %log1p3A_1288 : vector<72x128xf32>
    %add3A_1290 = arith.addf %add3A_1198, %add3A_1289 : vector<72x128xf32>
    %eq3A_1291 = arith.constant 5.500000e+01 : f32
    %eq3A_1292 = vector.broadcast %eq3A_1291 : f32 to vector<72x128xf32>
    %eq3A_1293 = arith.cmpf oeq, %get3A_3, %eq3A_1292 : vector<72x128xf32>
    %jit3A_1294 = arith.constant 0.000000e+00 : f32
    %broadcast_in_dim3A_1295 = vector.broadcast %jit3A_1294 : f32 to vector<72x128xf32>
    %select_n3A_1296 = arith.select %eq3A_1293, %get3A_1279, %broadcast_in_dim3A_1295 : vector<72x128xi1>, vector<72x128xf32>
    %add3A_1297 = arith.addf %add3A_1205, %select_n3A_1296 : vector<72x128xf32>
    %get3A_1298 = arith.constant 61 : index
    %get3A_1299 = arith.constant 0 : index
    %get3A_1300 = arith.constant 0 : index
    %get3A_1301 = vector.load %arg0[%get3A_1298, %get3A_1299, %get3A_1300] : memref<85x72x128xf32, #tpu.memory_space<vmem>>, vector<1x72x128xf32>
    %get3A_1302 = vector.shape_cast %get3A_1301 : vector<1x72x128xf32> to vector<72x128xf32>
    %max3A_1303 = arith.constant 0.000000e+00 : f32
    %max3A_1304 = vector.broadcast %max3A_1303 : f32 to vector<72x128xf32>
    %max3A_1305 = arith.maximumf %get3A_1302, %max3A_1304 : vector<72x128xf32>
    %abs3A_1306 = math.absf %get3A_1302 : vector<72x128xf32>
    %neg3A_1307 = arith.constant 0.000000e+00 : f32
    %neg3A_1308 = vector.broadcast %neg3A_1307 : f32 to vector<72x128xf32>
    %neg3A_1309 = arith.subf %neg3A_1308, %abs3A_1306 : vector<72x128xf32>
    %exp3A_1310 = math.exp %neg3A_1309 : vector<72x128xf32>
    %log1p3A_1311 = math.log1p %exp3A_1310 : vector<72x128xf32>
    %add3A_1312 = arith.addf %max3A_1305, %log1p3A_1311 : vector<72x128xf32>
    %add3A_1313 = arith.addf %add3A_1221, %add3A_1312 : vector<72x128xf32>
    %eq3A_1314 = arith.constant 5.600000e+01 : f32
    %eq3A_1315 = vector.broadcast %eq3A_1314 : f32 to vector<72x128xf32>
    %eq3A_1316 = arith.cmpf oeq, %get3A_3, %eq3A_1315 : vector<72x128xf32>
    %jit3A_1317 = arith.constant 0.000000e+00 : f32
    %broadcast_in_dim3A_1318 = vector.broadcast %jit3A_1317 : f32 to vector<72x128xf32>
    %select_n3A_1319 = arith.select %eq3A_1316, %get3A_1302, %broadcast_in_dim3A_1318 : vector<72x128xi1>, vector<72x128xf32>
    %add3A_1320 = arith.addf %add3A_1228, %select_n3A_1319 : vector<72x128xf32>
    %get3A_1321 = arith.constant 62 : index
    %get3A_1322 = arith.constant 0 : index
    %get3A_1323 = arith.constant 0 : index
    %get3A_1324 = vector.load %arg0[%get3A_1321, %get3A_1322, %get3A_1323] : memref<85x72x128xf32, #tpu.memory_space<vmem>>, vector<1x72x128xf32>
    %get3A_1325 = vector.shape_cast %get3A_1324 : vector<1x72x128xf32> to vector<72x128xf32>
    %max3A_1326 = arith.constant 0.000000e+00 : f32
    %max3A_1327 = vector.broadcast %max3A_1326 : f32 to vector<72x128xf32>
    %max3A_1328 = arith.maximumf %get3A_1325, %max3A_1327 : vector<72x128xf32>
    %abs3A_1329 = math.absf %get3A_1325 : vector<72x128xf32>
    %neg3A_1330 = arith.constant 0.000000e+00 : f32
    %neg3A_1331 = vector.broadcast %neg3A_1330 : f32 to vector<72x128xf32>
    %neg3A_1332 = arith.subf %neg3A_1331, %abs3A_1329 : vector<72x128xf32>
    %exp3A_1333 = math.exp %neg3A_1332 : vector<72x128xf32>
    %log1p3A_1334 = math.log1p %exp3A_1333 : vector<72x128xf32>
    %add3A_1335 = arith.addf %max3A_1328, %log1p3A_1334 : vector<72x128xf32>
    %add3A_1336 = arith.addf %add3A_1244, %add3A_1335 : vector<72x128xf32>
    %eq3A_1337 = arith.constant 5.700000e+01 : f32
    %eq3A_1338 = vector.broadcast %eq3A_1337 : f32 to vector<72x128xf32>
    %eq3A_1339 = arith.cmpf oeq, %get3A_3, %eq3A_1338 : vector<72x128xf32>
    %jit3A_1340 = arith.constant 0.000000e+00 : f32
    %broadcast_in_dim3A_1341 = vector.broadcast %jit3A_1340 : f32 to vector<72x128xf32>
    %select_n3A_1342 = arith.select %eq3A_1339, %get3A_1325, %broadcast_in_dim3A_1341 : vector<72x128xi1>, vector<72x128xf32>
    %add3A_1343 = arith.addf %add3A_1251, %select_n3A_1342 : vector<72x128xf32>
    %get3A_1344 = arith.constant 63 : index
    %get3A_1345 = arith.constant 0 : index
    %get3A_1346 = arith.constant 0 : index
    %get3A_1347 = vector.load %arg0[%get3A_1344, %get3A_1345, %get3A_1346] : memref<85x72x128xf32, #tpu.memory_space<vmem>>, vector<1x72x128xf32>
    %get3A_1348 = vector.shape_cast %get3A_1347 : vector<1x72x128xf32> to vector<72x128xf32>
    %max3A_1349 = arith.constant 0.000000e+00 : f32
    %max3A_1350 = vector.broadcast %max3A_1349 : f32 to vector<72x128xf32>
    %max3A_1351 = arith.maximumf %get3A_1348, %max3A_1350 : vector<72x128xf32>
    %abs3A_1352 = math.absf %get3A_1348 : vector<72x128xf32>
    %neg3A_1353 = arith.constant 0.000000e+00 : f32
    %neg3A_1354 = vector.broadcast %neg3A_1353 : f32 to vector<72x128xf32>
    %neg3A_1355 = arith.subf %neg3A_1354, %abs3A_1352 : vector<72x128xf32>
    %exp3A_1356 = math.exp %neg3A_1355 : vector<72x128xf32>
    %log1p3A_1357 = math.log1p %exp3A_1356 : vector<72x128xf32>
    %add3A_1358 = arith.addf %max3A_1351, %log1p3A_1357 : vector<72x128xf32>
    %add3A_1359 = arith.addf %add3A_1267, %add3A_1358 : vector<72x128xf32>
    %eq3A_1360 = arith.constant 5.800000e+01 : f32
    %eq3A_1361 = vector.broadcast %eq3A_1360 : f32 to vector<72x128xf32>
    %eq3A_1362 = arith.cmpf oeq, %get3A_3, %eq3A_1361 : vector<72x128xf32>
    %jit3A_1363 = arith.constant 0.000000e+00 : f32
    %broadcast_in_dim3A_1364 = vector.broadcast %jit3A_1363 : f32 to vector<72x128xf32>
    %select_n3A_1365 = arith.select %eq3A_1362, %get3A_1348, %broadcast_in_dim3A_1364 : vector<72x128xi1>, vector<72x128xf32>
    %add3A_1366 = arith.addf %add3A_1274, %select_n3A_1365 : vector<72x128xf32>
    %get3A_1367 = arith.constant 64 : index
    %get3A_1368 = arith.constant 0 : index
    %get3A_1369 = arith.constant 0 : index
    %get3A_1370 = vector.load %arg0[%get3A_1367, %get3A_1368, %get3A_1369] : memref<85x72x128xf32, #tpu.memory_space<vmem>>, vector<1x72x128xf32>
    %get3A_1371 = vector.shape_cast %get3A_1370 : vector<1x72x128xf32> to vector<72x128xf32>
    %max3A_1372 = arith.constant 0.000000e+00 : f32
    %max3A_1373 = vector.broadcast %max3A_1372 : f32 to vector<72x128xf32>
    %max3A_1374 = arith.maximumf %get3A_1371, %max3A_1373 : vector<72x128xf32>
    %abs3A_1375 = math.absf %get3A_1371 : vector<72x128xf32>
    %neg3A_1376 = arith.constant 0.000000e+00 : f32
    %neg3A_1377 = vector.broadcast %neg3A_1376 : f32 to vector<72x128xf32>
    %neg3A_1378 = arith.subf %neg3A_1377, %abs3A_1375 : vector<72x128xf32>
    %exp3A_1379 = math.exp %neg3A_1378 : vector<72x128xf32>
    %log1p3A_1380 = math.log1p %exp3A_1379 : vector<72x128xf32>
    %add3A_1381 = arith.addf %max3A_1374, %log1p3A_1380 : vector<72x128xf32>
    %add3A_1382 = arith.addf %add3A_1290, %add3A_1381 : vector<72x128xf32>
    %eq3A_1383 = arith.constant 5.900000e+01 : f32
    %eq3A_1384 = vector.broadcast %eq3A_1383 : f32 to vector<72x128xf32>
    %eq3A_1385 = arith.cmpf oeq, %get3A_3, %eq3A_1384 : vector<72x128xf32>
    %jit3A_1386 = arith.constant 0.000000e+00 : f32
    %broadcast_in_dim3A_1387 = vector.broadcast %jit3A_1386 : f32 to vector<72x128xf32>
    %select_n3A_1388 = arith.select %eq3A_1385, %get3A_1371, %broadcast_in_dim3A_1387 : vector<72x128xi1>, vector<72x128xf32>
    %add3A_1389 = arith.addf %add3A_1297, %select_n3A_1388 : vector<72x128xf32>
    %get3A_1390 = arith.constant 65 : index
    %get3A_1391 = arith.constant 0 : index
    %get3A_1392 = arith.constant 0 : index
    %get3A_1393 = vector.load %arg0[%get3A_1390, %get3A_1391, %get3A_1392] : memref<85x72x128xf32, #tpu.memory_space<vmem>>, vector<1x72x128xf32>
    %get3A_1394 = vector.shape_cast %get3A_1393 : vector<1x72x128xf32> to vector<72x128xf32>
    %max3A_1395 = arith.constant 0.000000e+00 : f32
    %max3A_1396 = vector.broadcast %max3A_1395 : f32 to vector<72x128xf32>
    %max3A_1397 = arith.maximumf %get3A_1394, %max3A_1396 : vector<72x128xf32>
    %abs3A_1398 = math.absf %get3A_1394 : vector<72x128xf32>
    %neg3A_1399 = arith.constant 0.000000e+00 : f32
    %neg3A_1400 = vector.broadcast %neg3A_1399 : f32 to vector<72x128xf32>
    %neg3A_1401 = arith.subf %neg3A_1400, %abs3A_1398 : vector<72x128xf32>
    %exp3A_1402 = math.exp %neg3A_1401 : vector<72x128xf32>
    %log1p3A_1403 = math.log1p %exp3A_1402 : vector<72x128xf32>
    %add3A_1404 = arith.addf %max3A_1397, %log1p3A_1403 : vector<72x128xf32>
    %add3A_1405 = arith.addf %add3A_1313, %add3A_1404 : vector<72x128xf32>
    %eq3A_1406 = arith.constant 6.000000e+01 : f32
    %eq3A_1407 = vector.broadcast %eq3A_1406 : f32 to vector<72x128xf32>
    %eq3A_1408 = arith.cmpf oeq, %get3A_3, %eq3A_1407 : vector<72x128xf32>
    %jit3A_1409 = arith.constant 0.000000e+00 : f32
    %broadcast_in_dim3A_1410 = vector.broadcast %jit3A_1409 : f32 to vector<72x128xf32>
    %select_n3A_1411 = arith.select %eq3A_1408, %get3A_1394, %broadcast_in_dim3A_1410 : vector<72x128xi1>, vector<72x128xf32>
    %add3A_1412 = arith.addf %add3A_1320, %select_n3A_1411 : vector<72x128xf32>
    %get3A_1413 = arith.constant 66 : index
    %get3A_1414 = arith.constant 0 : index
    %get3A_1415 = arith.constant 0 : index
    %get3A_1416 = vector.load %arg0[%get3A_1413, %get3A_1414, %get3A_1415] : memref<85x72x128xf32, #tpu.memory_space<vmem>>, vector<1x72x128xf32>
    %get3A_1417 = vector.shape_cast %get3A_1416 : vector<1x72x128xf32> to vector<72x128xf32>
    %max3A_1418 = arith.constant 0.000000e+00 : f32
    %max3A_1419 = vector.broadcast %max3A_1418 : f32 to vector<72x128xf32>
    %max3A_1420 = arith.maximumf %get3A_1417, %max3A_1419 : vector<72x128xf32>
    %abs3A_1421 = math.absf %get3A_1417 : vector<72x128xf32>
    %neg3A_1422 = arith.constant 0.000000e+00 : f32
    %neg3A_1423 = vector.broadcast %neg3A_1422 : f32 to vector<72x128xf32>
    %neg3A_1424 = arith.subf %neg3A_1423, %abs3A_1421 : vector<72x128xf32>
    %exp3A_1425 = math.exp %neg3A_1424 : vector<72x128xf32>
    %log1p3A_1426 = math.log1p %exp3A_1425 : vector<72x128xf32>
    %add3A_1427 = arith.addf %max3A_1420, %log1p3A_1426 : vector<72x128xf32>
    %add3A_1428 = arith.addf %add3A_1336, %add3A_1427 : vector<72x128xf32>
    %eq3A_1429 = arith.constant 6.100000e+01 : f32
    %eq3A_1430 = vector.broadcast %eq3A_1429 : f32 to vector<72x128xf32>
    %eq3A_1431 = arith.cmpf oeq, %get3A_3, %eq3A_1430 : vector<72x128xf32>
    %jit3A_1432 = arith.constant 0.000000e+00 : f32
    %broadcast_in_dim3A_1433 = vector.broadcast %jit3A_1432 : f32 to vector<72x128xf32>
    %select_n3A_1434 = arith.select %eq3A_1431, %get3A_1417, %broadcast_in_dim3A_1433 : vector<72x128xi1>, vector<72x128xf32>
    %add3A_1435 = arith.addf %add3A_1343, %select_n3A_1434 : vector<72x128xf32>
    %get3A_1436 = arith.constant 67 : index
    %get3A_1437 = arith.constant 0 : index
    %get3A_1438 = arith.constant 0 : index
    %get3A_1439 = vector.load %arg0[%get3A_1436, %get3A_1437, %get3A_1438] : memref<85x72x128xf32, #tpu.memory_space<vmem>>, vector<1x72x128xf32>
    %get3A_1440 = vector.shape_cast %get3A_1439 : vector<1x72x128xf32> to vector<72x128xf32>
    %max3A_1441 = arith.constant 0.000000e+00 : f32
    %max3A_1442 = vector.broadcast %max3A_1441 : f32 to vector<72x128xf32>
    %max3A_1443 = arith.maximumf %get3A_1440, %max3A_1442 : vector<72x128xf32>
    %abs3A_1444 = math.absf %get3A_1440 : vector<72x128xf32>
    %neg3A_1445 = arith.constant 0.000000e+00 : f32
    %neg3A_1446 = vector.broadcast %neg3A_1445 : f32 to vector<72x128xf32>
    %neg3A_1447 = arith.subf %neg3A_1446, %abs3A_1444 : vector<72x128xf32>
    %exp3A_1448 = math.exp %neg3A_1447 : vector<72x128xf32>
    %log1p3A_1449 = math.log1p %exp3A_1448 : vector<72x128xf32>
    %add3A_1450 = arith.addf %max3A_1443, %log1p3A_1449 : vector<72x128xf32>
    %add3A_1451 = arith.addf %add3A_1359, %add3A_1450 : vector<72x128xf32>
    %eq3A_1452 = arith.constant 6.200000e+01 : f32
    %eq3A_1453 = vector.broadcast %eq3A_1452 : f32 to vector<72x128xf32>
    %eq3A_1454 = arith.cmpf oeq, %get3A_3, %eq3A_1453 : vector<72x128xf32>
    %jit3A_1455 = arith.constant 0.000000e+00 : f32
    %broadcast_in_dim3A_1456 = vector.broadcast %jit3A_1455 : f32 to vector<72x128xf32>
    %select_n3A_1457 = arith.select %eq3A_1454, %get3A_1440, %broadcast_in_dim3A_1456 : vector<72x128xi1>, vector<72x128xf32>
    %add3A_1458 = arith.addf %add3A_1366, %select_n3A_1457 : vector<72x128xf32>
    %get3A_1459 = arith.constant 68 : index
    %get3A_1460 = arith.constant 0 : index
    %get3A_1461 = arith.constant 0 : index
    %get3A_1462 = vector.load %arg0[%get3A_1459, %get3A_1460, %get3A_1461] : memref<85x72x128xf32, #tpu.memory_space<vmem>>, vector<1x72x128xf32>
    %get3A_1463 = vector.shape_cast %get3A_1462 : vector<1x72x128xf32> to vector<72x128xf32>
    %max3A_1464 = arith.constant 0.000000e+00 : f32
    %max3A_1465 = vector.broadcast %max3A_1464 : f32 to vector<72x128xf32>
    %max3A_1466 = arith.maximumf %get3A_1463, %max3A_1465 : vector<72x128xf32>
    %abs3A_1467 = math.absf %get3A_1463 : vector<72x128xf32>
    %neg3A_1468 = arith.constant 0.000000e+00 : f32
    %neg3A_1469 = vector.broadcast %neg3A_1468 : f32 to vector<72x128xf32>
    %neg3A_1470 = arith.subf %neg3A_1469, %abs3A_1467 : vector<72x128xf32>
    %exp3A_1471 = math.exp %neg3A_1470 : vector<72x128xf32>
    %log1p3A_1472 = math.log1p %exp3A_1471 : vector<72x128xf32>
    %add3A_1473 = arith.addf %max3A_1466, %log1p3A_1472 : vector<72x128xf32>
    %add3A_1474 = arith.addf %add3A_1382, %add3A_1473 : vector<72x128xf32>
    %eq3A_1475 = arith.constant 6.300000e+01 : f32
    %eq3A_1476 = vector.broadcast %eq3A_1475 : f32 to vector<72x128xf32>
    %eq3A_1477 = arith.cmpf oeq, %get3A_3, %eq3A_1476 : vector<72x128xf32>
    %jit3A_1478 = arith.constant 0.000000e+00 : f32
    %broadcast_in_dim3A_1479 = vector.broadcast %jit3A_1478 : f32 to vector<72x128xf32>
    %select_n3A_1480 = arith.select %eq3A_1477, %get3A_1463, %broadcast_in_dim3A_1479 : vector<72x128xi1>, vector<72x128xf32>
    %add3A_1481 = arith.addf %add3A_1389, %select_n3A_1480 : vector<72x128xf32>
    %get3A_1482 = arith.constant 69 : index
    %get3A_1483 = arith.constant 0 : index
    %get3A_1484 = arith.constant 0 : index
    %get3A_1485 = vector.load %arg0[%get3A_1482, %get3A_1483, %get3A_1484] : memref<85x72x128xf32, #tpu.memory_space<vmem>>, vector<1x72x128xf32>
    %get3A_1486 = vector.shape_cast %get3A_1485 : vector<1x72x128xf32> to vector<72x128xf32>
    %max3A_1487 = arith.constant 0.000000e+00 : f32
    %max3A_1488 = vector.broadcast %max3A_1487 : f32 to vector<72x128xf32>
    %max3A_1489 = arith.maximumf %get3A_1486, %max3A_1488 : vector<72x128xf32>
    %abs3A_1490 = math.absf %get3A_1486 : vector<72x128xf32>
    %neg3A_1491 = arith.constant 0.000000e+00 : f32
    %neg3A_1492 = vector.broadcast %neg3A_1491 : f32 to vector<72x128xf32>
    %neg3A_1493 = arith.subf %neg3A_1492, %abs3A_1490 : vector<72x128xf32>
    %exp3A_1494 = math.exp %neg3A_1493 : vector<72x128xf32>
    %log1p3A_1495 = math.log1p %exp3A_1494 : vector<72x128xf32>
    %add3A_1496 = arith.addf %max3A_1489, %log1p3A_1495 : vector<72x128xf32>
    %add3A_1497 = arith.addf %add3A_1405, %add3A_1496 : vector<72x128xf32>
    %eq3A_1498 = arith.constant 6.400000e+01 : f32
    %eq3A_1499 = vector.broadcast %eq3A_1498 : f32 to vector<72x128xf32>
    %eq3A_1500 = arith.cmpf oeq, %get3A_3, %eq3A_1499 : vector<72x128xf32>
    %jit3A_1501 = arith.constant 0.000000e+00 : f32
    %broadcast_in_dim3A_1502 = vector.broadcast %jit3A_1501 : f32 to vector<72x128xf32>
    %select_n3A_1503 = arith.select %eq3A_1500, %get3A_1486, %broadcast_in_dim3A_1502 : vector<72x128xi1>, vector<72x128xf32>
    %add3A_1504 = arith.addf %add3A_1412, %select_n3A_1503 : vector<72x128xf32>
    %get3A_1505 = arith.constant 70 : index
    %get3A_1506 = arith.constant 0 : index
    %get3A_1507 = arith.constant 0 : index
    %get3A_1508 = vector.load %arg0[%get3A_1505, %get3A_1506, %get3A_1507] : memref<85x72x128xf32, #tpu.memory_space<vmem>>, vector<1x72x128xf32>
    %get3A_1509 = vector.shape_cast %get3A_1508 : vector<1x72x128xf32> to vector<72x128xf32>
    %max3A_1510 = arith.constant 0.000000e+00 : f32
    %max3A_1511 = vector.broadcast %max3A_1510 : f32 to vector<72x128xf32>
    %max3A_1512 = arith.maximumf %get3A_1509, %max3A_1511 : vector<72x128xf32>
    %abs3A_1513 = math.absf %get3A_1509 : vector<72x128xf32>
    %neg3A_1514 = arith.constant 0.000000e+00 : f32
    %neg3A_1515 = vector.broadcast %neg3A_1514 : f32 to vector<72x128xf32>
    %neg3A_1516 = arith.subf %neg3A_1515, %abs3A_1513 : vector<72x128xf32>
    %exp3A_1517 = math.exp %neg3A_1516 : vector<72x128xf32>
    %log1p3A_1518 = math.log1p %exp3A_1517 : vector<72x128xf32>
    %add3A_1519 = arith.addf %max3A_1512, %log1p3A_1518 : vector<72x128xf32>
    %add3A_1520 = arith.addf %add3A_1428, %add3A_1519 : vector<72x128xf32>
    %eq3A_1521 = arith.constant 6.500000e+01 : f32
    %eq3A_1522 = vector.broadcast %eq3A_1521 : f32 to vector<72x128xf32>
    %eq3A_1523 = arith.cmpf oeq, %get3A_3, %eq3A_1522 : vector<72x128xf32>
    %jit3A_1524 = arith.constant 0.000000e+00 : f32
    %broadcast_in_dim3A_1525 = vector.broadcast %jit3A_1524 : f32 to vector<72x128xf32>
    %select_n3A_1526 = arith.select %eq3A_1523, %get3A_1509, %broadcast_in_dim3A_1525 : vector<72x128xi1>, vector<72x128xf32>
    %add3A_1527 = arith.addf %add3A_1435, %select_n3A_1526 : vector<72x128xf32>
    %get3A_1528 = arith.constant 71 : index
    %get3A_1529 = arith.constant 0 : index
    %get3A_1530 = arith.constant 0 : index
    %get3A_1531 = vector.load %arg0[%get3A_1528, %get3A_1529, %get3A_1530] : memref<85x72x128xf32, #tpu.memory_space<vmem>>, vector<1x72x128xf32>
    %get3A_1532 = vector.shape_cast %get3A_1531 : vector<1x72x128xf32> to vector<72x128xf32>
    %max3A_1533 = arith.constant 0.000000e+00 : f32
    %max3A_1534 = vector.broadcast %max3A_1533 : f32 to vector<72x128xf32>
    %max3A_1535 = arith.maximumf %get3A_1532, %max3A_1534 : vector<72x128xf32>
    %abs3A_1536 = math.absf %get3A_1532 : vector<72x128xf32>
    %neg3A_1537 = arith.constant 0.000000e+00 : f32
    %neg3A_1538 = vector.broadcast %neg3A_1537 : f32 to vector<72x128xf32>
    %neg3A_1539 = arith.subf %neg3A_1538, %abs3A_1536 : vector<72x128xf32>
    %exp3A_1540 = math.exp %neg3A_1539 : vector<72x128xf32>
    %log1p3A_1541 = math.log1p %exp3A_1540 : vector<72x128xf32>
    %add3A_1542 = arith.addf %max3A_1535, %log1p3A_1541 : vector<72x128xf32>
    %add3A_1543 = arith.addf %add3A_1451, %add3A_1542 : vector<72x128xf32>
    %eq3A_1544 = arith.constant 6.600000e+01 : f32
    %eq3A_1545 = vector.broadcast %eq3A_1544 : f32 to vector<72x128xf32>
    %eq3A_1546 = arith.cmpf oeq, %get3A_3, %eq3A_1545 : vector<72x128xf32>
    %jit3A_1547 = arith.constant 0.000000e+00 : f32
    %broadcast_in_dim3A_1548 = vector.broadcast %jit3A_1547 : f32 to vector<72x128xf32>
    %select_n3A_1549 = arith.select %eq3A_1546, %get3A_1532, %broadcast_in_dim3A_1548 : vector<72x128xi1>, vector<72x128xf32>
    %add3A_1550 = arith.addf %add3A_1458, %select_n3A_1549 : vector<72x128xf32>
    %get3A_1551 = arith.constant 72 : index
    %get3A_1552 = arith.constant 0 : index
    %get3A_1553 = arith.constant 0 : index
    %get3A_1554 = vector.load %arg0[%get3A_1551, %get3A_1552, %get3A_1553] : memref<85x72x128xf32, #tpu.memory_space<vmem>>, vector<1x72x128xf32>
    %get3A_1555 = vector.shape_cast %get3A_1554 : vector<1x72x128xf32> to vector<72x128xf32>
    %max3A_1556 = arith.constant 0.000000e+00 : f32
    %max3A_1557 = vector.broadcast %max3A_1556 : f32 to vector<72x128xf32>
    %max3A_1558 = arith.maximumf %get3A_1555, %max3A_1557 : vector<72x128xf32>
    %abs3A_1559 = math.absf %get3A_1555 : vector<72x128xf32>
    %neg3A_1560 = arith.constant 0.000000e+00 : f32
    %neg3A_1561 = vector.broadcast %neg3A_1560 : f32 to vector<72x128xf32>
    %neg3A_1562 = arith.subf %neg3A_1561, %abs3A_1559 : vector<72x128xf32>
    %exp3A_1563 = math.exp %neg3A_1562 : vector<72x128xf32>
    %log1p3A_1564 = math.log1p %exp3A_1563 : vector<72x128xf32>
    %add3A_1565 = arith.addf %max3A_1558, %log1p3A_1564 : vector<72x128xf32>
    %add3A_1566 = arith.addf %add3A_1474, %add3A_1565 : vector<72x128xf32>
    %eq3A_1567 = arith.constant 6.700000e+01 : f32
    %eq3A_1568 = vector.broadcast %eq3A_1567 : f32 to vector<72x128xf32>
    %eq3A_1569 = arith.cmpf oeq, %get3A_3, %eq3A_1568 : vector<72x128xf32>
    %jit3A_1570 = arith.constant 0.000000e+00 : f32
    %broadcast_in_dim3A_1571 = vector.broadcast %jit3A_1570 : f32 to vector<72x128xf32>
    %select_n3A_1572 = arith.select %eq3A_1569, %get3A_1555, %broadcast_in_dim3A_1571 : vector<72x128xi1>, vector<72x128xf32>
    %add3A_1573 = arith.addf %add3A_1481, %select_n3A_1572 : vector<72x128xf32>
    %get3A_1574 = arith.constant 73 : index
    %get3A_1575 = arith.constant 0 : index
    %get3A_1576 = arith.constant 0 : index
    %get3A_1577 = vector.load %arg0[%get3A_1574, %get3A_1575, %get3A_1576] : memref<85x72x128xf32, #tpu.memory_space<vmem>>, vector<1x72x128xf32>
    %get3A_1578 = vector.shape_cast %get3A_1577 : vector<1x72x128xf32> to vector<72x128xf32>
    %max3A_1579 = arith.constant 0.000000e+00 : f32
    %max3A_1580 = vector.broadcast %max3A_1579 : f32 to vector<72x128xf32>
    %max3A_1581 = arith.maximumf %get3A_1578, %max3A_1580 : vector<72x128xf32>
    %abs3A_1582 = math.absf %get3A_1578 : vector<72x128xf32>
    %neg3A_1583 = arith.constant 0.000000e+00 : f32
    %neg3A_1584 = vector.broadcast %neg3A_1583 : f32 to vector<72x128xf32>
    %neg3A_1585 = arith.subf %neg3A_1584, %abs3A_1582 : vector<72x128xf32>
    %exp3A_1586 = math.exp %neg3A_1585 : vector<72x128xf32>
    %log1p3A_1587 = math.log1p %exp3A_1586 : vector<72x128xf32>
    %add3A_1588 = arith.addf %max3A_1581, %log1p3A_1587 : vector<72x128xf32>
    %add3A_1589 = arith.addf %add3A_1497, %add3A_1588 : vector<72x128xf32>
    %eq3A_1590 = arith.constant 6.800000e+01 : f32
    %eq3A_1591 = vector.broadcast %eq3A_1590 : f32 to vector<72x128xf32>
    %eq3A_1592 = arith.cmpf oeq, %get3A_3, %eq3A_1591 : vector<72x128xf32>
    %jit3A_1593 = arith.constant 0.000000e+00 : f32
    %broadcast_in_dim3A_1594 = vector.broadcast %jit3A_1593 : f32 to vector<72x128xf32>
    %select_n3A_1595 = arith.select %eq3A_1592, %get3A_1578, %broadcast_in_dim3A_1594 : vector<72x128xi1>, vector<72x128xf32>
    %add3A_1596 = arith.addf %add3A_1504, %select_n3A_1595 : vector<72x128xf32>
    %get3A_1597 = arith.constant 74 : index
    %get3A_1598 = arith.constant 0 : index
    %get3A_1599 = arith.constant 0 : index
    %get3A_1600 = vector.load %arg0[%get3A_1597, %get3A_1598, %get3A_1599] : memref<85x72x128xf32, #tpu.memory_space<vmem>>, vector<1x72x128xf32>
    %get3A_1601 = vector.shape_cast %get3A_1600 : vector<1x72x128xf32> to vector<72x128xf32>
    %max3A_1602 = arith.constant 0.000000e+00 : f32
    %max3A_1603 = vector.broadcast %max3A_1602 : f32 to vector<72x128xf32>
    %max3A_1604 = arith.maximumf %get3A_1601, %max3A_1603 : vector<72x128xf32>
    %abs3A_1605 = math.absf %get3A_1601 : vector<72x128xf32>
    %neg3A_1606 = arith.constant 0.000000e+00 : f32
    %neg3A_1607 = vector.broadcast %neg3A_1606 : f32 to vector<72x128xf32>
    %neg3A_1608 = arith.subf %neg3A_1607, %abs3A_1605 : vector<72x128xf32>
    %exp3A_1609 = math.exp %neg3A_1608 : vector<72x128xf32>
    %log1p3A_1610 = math.log1p %exp3A_1609 : vector<72x128xf32>
    %add3A_1611 = arith.addf %max3A_1604, %log1p3A_1610 : vector<72x128xf32>
    %add3A_1612 = arith.addf %add3A_1520, %add3A_1611 : vector<72x128xf32>
    %eq3A_1613 = arith.constant 6.900000e+01 : f32
    %eq3A_1614 = vector.broadcast %eq3A_1613 : f32 to vector<72x128xf32>
    %eq3A_1615 = arith.cmpf oeq, %get3A_3, %eq3A_1614 : vector<72x128xf32>
    %jit3A_1616 = arith.constant 0.000000e+00 : f32
    %broadcast_in_dim3A_1617 = vector.broadcast %jit3A_1616 : f32 to vector<72x128xf32>
    %select_n3A_1618 = arith.select %eq3A_1615, %get3A_1601, %broadcast_in_dim3A_1617 : vector<72x128xi1>, vector<72x128xf32>
    %add3A_1619 = arith.addf %add3A_1527, %select_n3A_1618 : vector<72x128xf32>
    %get3A_1620 = arith.constant 75 : index
    %get3A_1621 = arith.constant 0 : index
    %get3A_1622 = arith.constant 0 : index
    %get3A_1623 = vector.load %arg0[%get3A_1620, %get3A_1621, %get3A_1622] : memref<85x72x128xf32, #tpu.memory_space<vmem>>, vector<1x72x128xf32>
    %get3A_1624 = vector.shape_cast %get3A_1623 : vector<1x72x128xf32> to vector<72x128xf32>
    %max3A_1625 = arith.constant 0.000000e+00 : f32
    %max3A_1626 = vector.broadcast %max3A_1625 : f32 to vector<72x128xf32>
    %max3A_1627 = arith.maximumf %get3A_1624, %max3A_1626 : vector<72x128xf32>
    %abs3A_1628 = math.absf %get3A_1624 : vector<72x128xf32>
    %neg3A_1629 = arith.constant 0.000000e+00 : f32
    %neg3A_1630 = vector.broadcast %neg3A_1629 : f32 to vector<72x128xf32>
    %neg3A_1631 = arith.subf %neg3A_1630, %abs3A_1628 : vector<72x128xf32>
    %exp3A_1632 = math.exp %neg3A_1631 : vector<72x128xf32>
    %log1p3A_1633 = math.log1p %exp3A_1632 : vector<72x128xf32>
    %add3A_1634 = arith.addf %max3A_1627, %log1p3A_1633 : vector<72x128xf32>
    %add3A_1635 = arith.addf %add3A_1543, %add3A_1634 : vector<72x128xf32>
    %eq3A_1636 = arith.constant 7.000000e+01 : f32
    %eq3A_1637 = vector.broadcast %eq3A_1636 : f32 to vector<72x128xf32>
    %eq3A_1638 = arith.cmpf oeq, %get3A_3, %eq3A_1637 : vector<72x128xf32>
    %jit3A_1639 = arith.constant 0.000000e+00 : f32
    %broadcast_in_dim3A_1640 = vector.broadcast %jit3A_1639 : f32 to vector<72x128xf32>
    %select_n3A_1641 = arith.select %eq3A_1638, %get3A_1624, %broadcast_in_dim3A_1640 : vector<72x128xi1>, vector<72x128xf32>
    %add3A_1642 = arith.addf %add3A_1550, %select_n3A_1641 : vector<72x128xf32>
    %get3A_1643 = arith.constant 76 : index
    %get3A_1644 = arith.constant 0 : index
    %get3A_1645 = arith.constant 0 : index
    %get3A_1646 = vector.load %arg0[%get3A_1643, %get3A_1644, %get3A_1645] : memref<85x72x128xf32, #tpu.memory_space<vmem>>, vector<1x72x128xf32>
    %get3A_1647 = vector.shape_cast %get3A_1646 : vector<1x72x128xf32> to vector<72x128xf32>
    %max3A_1648 = arith.constant 0.000000e+00 : f32
    %max3A_1649 = vector.broadcast %max3A_1648 : f32 to vector<72x128xf32>
    %max3A_1650 = arith.maximumf %get3A_1647, %max3A_1649 : vector<72x128xf32>
    %abs3A_1651 = math.absf %get3A_1647 : vector<72x128xf32>
    %neg3A_1652 = arith.constant 0.000000e+00 : f32
    %neg3A_1653 = vector.broadcast %neg3A_1652 : f32 to vector<72x128xf32>
    %neg3A_1654 = arith.subf %neg3A_1653, %abs3A_1651 : vector<72x128xf32>
    %exp3A_1655 = math.exp %neg3A_1654 : vector<72x128xf32>
    %log1p3A_1656 = math.log1p %exp3A_1655 : vector<72x128xf32>
    %add3A_1657 = arith.addf %max3A_1650, %log1p3A_1656 : vector<72x128xf32>
    %add3A_1658 = arith.addf %add3A_1566, %add3A_1657 : vector<72x128xf32>
    %eq3A_1659 = arith.constant 7.100000e+01 : f32
    %eq3A_1660 = vector.broadcast %eq3A_1659 : f32 to vector<72x128xf32>
    %eq3A_1661 = arith.cmpf oeq, %get3A_3, %eq3A_1660 : vector<72x128xf32>
    %jit3A_1662 = arith.constant 0.000000e+00 : f32
    %broadcast_in_dim3A_1663 = vector.broadcast %jit3A_1662 : f32 to vector<72x128xf32>
    %select_n3A_1664 = arith.select %eq3A_1661, %get3A_1647, %broadcast_in_dim3A_1663 : vector<72x128xi1>, vector<72x128xf32>
    %add3A_1665 = arith.addf %add3A_1573, %select_n3A_1664 : vector<72x128xf32>
    %get3A_1666 = arith.constant 77 : index
    %get3A_1667 = arith.constant 0 : index
    %get3A_1668 = arith.constant 0 : index
    %get3A_1669 = vector.load %arg0[%get3A_1666, %get3A_1667, %get3A_1668] : memref<85x72x128xf32, #tpu.memory_space<vmem>>, vector<1x72x128xf32>
    %get3A_1670 = vector.shape_cast %get3A_1669 : vector<1x72x128xf32> to vector<72x128xf32>
    %max3A_1671 = arith.constant 0.000000e+00 : f32
    %max3A_1672 = vector.broadcast %max3A_1671 : f32 to vector<72x128xf32>
    %max3A_1673 = arith.maximumf %get3A_1670, %max3A_1672 : vector<72x128xf32>
    %abs3A_1674 = math.absf %get3A_1670 : vector<72x128xf32>
    %neg3A_1675 = arith.constant 0.000000e+00 : f32
    %neg3A_1676 = vector.broadcast %neg3A_1675 : f32 to vector<72x128xf32>
    %neg3A_1677 = arith.subf %neg3A_1676, %abs3A_1674 : vector<72x128xf32>
    %exp3A_1678 = math.exp %neg3A_1677 : vector<72x128xf32>
    %log1p3A_1679 = math.log1p %exp3A_1678 : vector<72x128xf32>
    %add3A_1680 = arith.addf %max3A_1673, %log1p3A_1679 : vector<72x128xf32>
    %add3A_1681 = arith.addf %add3A_1589, %add3A_1680 : vector<72x128xf32>
    %eq3A_1682 = arith.constant 7.200000e+01 : f32
    %eq3A_1683 = vector.broadcast %eq3A_1682 : f32 to vector<72x128xf32>
    %eq3A_1684 = arith.cmpf oeq, %get3A_3, %eq3A_1683 : vector<72x128xf32>
    %jit3A_1685 = arith.constant 0.000000e+00 : f32
    %broadcast_in_dim3A_1686 = vector.broadcast %jit3A_1685 : f32 to vector<72x128xf32>
    %select_n3A_1687 = arith.select %eq3A_1684, %get3A_1670, %broadcast_in_dim3A_1686 : vector<72x128xi1>, vector<72x128xf32>
    %add3A_1688 = arith.addf %add3A_1596, %select_n3A_1687 : vector<72x128xf32>
    %get3A_1689 = arith.constant 78 : index
    %get3A_1690 = arith.constant 0 : index
    %get3A_1691 = arith.constant 0 : index
    %get3A_1692 = vector.load %arg0[%get3A_1689, %get3A_1690, %get3A_1691] : memref<85x72x128xf32, #tpu.memory_space<vmem>>, vector<1x72x128xf32>
    %get3A_1693 = vector.shape_cast %get3A_1692 : vector<1x72x128xf32> to vector<72x128xf32>
    %max3A_1694 = arith.constant 0.000000e+00 : f32
    %max3A_1695 = vector.broadcast %max3A_1694 : f32 to vector<72x128xf32>
    %max3A_1696 = arith.maximumf %get3A_1693, %max3A_1695 : vector<72x128xf32>
    %abs3A_1697 = math.absf %get3A_1693 : vector<72x128xf32>
    %neg3A_1698 = arith.constant 0.000000e+00 : f32
    %neg3A_1699 = vector.broadcast %neg3A_1698 : f32 to vector<72x128xf32>
    %neg3A_1700 = arith.subf %neg3A_1699, %abs3A_1697 : vector<72x128xf32>
    %exp3A_1701 = math.exp %neg3A_1700 : vector<72x128xf32>
    %log1p3A_1702 = math.log1p %exp3A_1701 : vector<72x128xf32>
    %add3A_1703 = arith.addf %max3A_1696, %log1p3A_1702 : vector<72x128xf32>
    %add3A_1704 = arith.addf %add3A_1612, %add3A_1703 : vector<72x128xf32>
    %eq3A_1705 = arith.constant 7.300000e+01 : f32
    %eq3A_1706 = vector.broadcast %eq3A_1705 : f32 to vector<72x128xf32>
    %eq3A_1707 = arith.cmpf oeq, %get3A_3, %eq3A_1706 : vector<72x128xf32>
    %jit3A_1708 = arith.constant 0.000000e+00 : f32
    %broadcast_in_dim3A_1709 = vector.broadcast %jit3A_1708 : f32 to vector<72x128xf32>
    %select_n3A_1710 = arith.select %eq3A_1707, %get3A_1693, %broadcast_in_dim3A_1709 : vector<72x128xi1>, vector<72x128xf32>
    %add3A_1711 = arith.addf %add3A_1619, %select_n3A_1710 : vector<72x128xf32>
    %get3A_1712 = arith.constant 79 : index
    %get3A_1713 = arith.constant 0 : index
    %get3A_1714 = arith.constant 0 : index
    %get3A_1715 = vector.load %arg0[%get3A_1712, %get3A_1713, %get3A_1714] : memref<85x72x128xf32, #tpu.memory_space<vmem>>, vector<1x72x128xf32>
    %get3A_1716 = vector.shape_cast %get3A_1715 : vector<1x72x128xf32> to vector<72x128xf32>
    %max3A_1717 = arith.constant 0.000000e+00 : f32
    %max3A_1718 = vector.broadcast %max3A_1717 : f32 to vector<72x128xf32>
    %max3A_1719 = arith.maximumf %get3A_1716, %max3A_1718 : vector<72x128xf32>
    %abs3A_1720 = math.absf %get3A_1716 : vector<72x128xf32>
    %neg3A_1721 = arith.constant 0.000000e+00 : f32
    %neg3A_1722 = vector.broadcast %neg3A_1721 : f32 to vector<72x128xf32>
    %neg3A_1723 = arith.subf %neg3A_1722, %abs3A_1720 : vector<72x128xf32>
    %exp3A_1724 = math.exp %neg3A_1723 : vector<72x128xf32>
    %log1p3A_1725 = math.log1p %exp3A_1724 : vector<72x128xf32>
    %add3A_1726 = arith.addf %max3A_1719, %log1p3A_1725 : vector<72x128xf32>
    %add3A_1727 = arith.addf %add3A_1635, %add3A_1726 : vector<72x128xf32>
    %eq3A_1728 = arith.constant 7.400000e+01 : f32
    %eq3A_1729 = vector.broadcast %eq3A_1728 : f32 to vector<72x128xf32>
    %eq3A_1730 = arith.cmpf oeq, %get3A_3, %eq3A_1729 : vector<72x128xf32>
    %jit3A_1731 = arith.constant 0.000000e+00 : f32
    %broadcast_in_dim3A_1732 = vector.broadcast %jit3A_1731 : f32 to vector<72x128xf32>
    %select_n3A_1733 = arith.select %eq3A_1730, %get3A_1716, %broadcast_in_dim3A_1732 : vector<72x128xi1>, vector<72x128xf32>
    %add3A_1734 = arith.addf %add3A_1642, %select_n3A_1733 : vector<72x128xf32>
    %get3A_1735 = arith.constant 80 : index
    %get3A_1736 = arith.constant 0 : index
    %get3A_1737 = arith.constant 0 : index
    %get3A_1738 = vector.load %arg0[%get3A_1735, %get3A_1736, %get3A_1737] : memref<85x72x128xf32, #tpu.memory_space<vmem>>, vector<1x72x128xf32>
    %get3A_1739 = vector.shape_cast %get3A_1738 : vector<1x72x128xf32> to vector<72x128xf32>
    %max3A_1740 = arith.constant 0.000000e+00 : f32
    %max3A_1741 = vector.broadcast %max3A_1740 : f32 to vector<72x128xf32>
    %max3A_1742 = arith.maximumf %get3A_1739, %max3A_1741 : vector<72x128xf32>
    %abs3A_1743 = math.absf %get3A_1739 : vector<72x128xf32>
    %neg3A_1744 = arith.constant 0.000000e+00 : f32
    %neg3A_1745 = vector.broadcast %neg3A_1744 : f32 to vector<72x128xf32>
    %neg3A_1746 = arith.subf %neg3A_1745, %abs3A_1743 : vector<72x128xf32>
    %exp3A_1747 = math.exp %neg3A_1746 : vector<72x128xf32>
    %log1p3A_1748 = math.log1p %exp3A_1747 : vector<72x128xf32>
    %add3A_1749 = arith.addf %max3A_1742, %log1p3A_1748 : vector<72x128xf32>
    %add3A_1750 = arith.addf %add3A_1658, %add3A_1749 : vector<72x128xf32>
    %eq3A_1751 = arith.constant 7.500000e+01 : f32
    %eq3A_1752 = vector.broadcast %eq3A_1751 : f32 to vector<72x128xf32>
    %eq3A_1753 = arith.cmpf oeq, %get3A_3, %eq3A_1752 : vector<72x128xf32>
    %jit3A_1754 = arith.constant 0.000000e+00 : f32
    %broadcast_in_dim3A_1755 = vector.broadcast %jit3A_1754 : f32 to vector<72x128xf32>
    %select_n3A_1756 = arith.select %eq3A_1753, %get3A_1739, %broadcast_in_dim3A_1755 : vector<72x128xi1>, vector<72x128xf32>
    %add3A_1757 = arith.addf %add3A_1665, %select_n3A_1756 : vector<72x128xf32>
    %get3A_1758 = arith.constant 81 : index
    %get3A_1759 = arith.constant 0 : index
    %get3A_1760 = arith.constant 0 : index
    %get3A_1761 = vector.load %arg0[%get3A_1758, %get3A_1759, %get3A_1760] : memref<85x72x128xf32, #tpu.memory_space<vmem>>, vector<1x72x128xf32>
    %get3A_1762 = vector.shape_cast %get3A_1761 : vector<1x72x128xf32> to vector<72x128xf32>
    %max3A_1763 = arith.constant 0.000000e+00 : f32
    %max3A_1764 = vector.broadcast %max3A_1763 : f32 to vector<72x128xf32>
    %max3A_1765 = arith.maximumf %get3A_1762, %max3A_1764 : vector<72x128xf32>
    %abs3A_1766 = math.absf %get3A_1762 : vector<72x128xf32>
    %neg3A_1767 = arith.constant 0.000000e+00 : f32
    %neg3A_1768 = vector.broadcast %neg3A_1767 : f32 to vector<72x128xf32>
    %neg3A_1769 = arith.subf %neg3A_1768, %abs3A_1766 : vector<72x128xf32>
    %exp3A_1770 = math.exp %neg3A_1769 : vector<72x128xf32>
    %log1p3A_1771 = math.log1p %exp3A_1770 : vector<72x128xf32>
    %add3A_1772 = arith.addf %max3A_1765, %log1p3A_1771 : vector<72x128xf32>
    %add3A_1773 = arith.addf %add3A_1681, %add3A_1772 : vector<72x128xf32>
    %eq3A_1774 = arith.constant 7.600000e+01 : f32
    %eq3A_1775 = vector.broadcast %eq3A_1774 : f32 to vector<72x128xf32>
    %eq3A_1776 = arith.cmpf oeq, %get3A_3, %eq3A_1775 : vector<72x128xf32>
    %jit3A_1777 = arith.constant 0.000000e+00 : f32
    %broadcast_in_dim3A_1778 = vector.broadcast %jit3A_1777 : f32 to vector<72x128xf32>
    %select_n3A_1779 = arith.select %eq3A_1776, %get3A_1762, %broadcast_in_dim3A_1778 : vector<72x128xi1>, vector<72x128xf32>
    %add3A_1780 = arith.addf %add3A_1688, %select_n3A_1779 : vector<72x128xf32>
    %get3A_1781 = arith.constant 82 : index
    %get3A_1782 = arith.constant 0 : index
    %get3A_1783 = arith.constant 0 : index
    %get3A_1784 = vector.load %arg0[%get3A_1781, %get3A_1782, %get3A_1783] : memref<85x72x128xf32, #tpu.memory_space<vmem>>, vector<1x72x128xf32>
    %get3A_1785 = vector.shape_cast %get3A_1784 : vector<1x72x128xf32> to vector<72x128xf32>
    %max3A_1786 = arith.constant 0.000000e+00 : f32
    %max3A_1787 = vector.broadcast %max3A_1786 : f32 to vector<72x128xf32>
    %max3A_1788 = arith.maximumf %get3A_1785, %max3A_1787 : vector<72x128xf32>
    %abs3A_1789 = math.absf %get3A_1785 : vector<72x128xf32>
    %neg3A_1790 = arith.constant 0.000000e+00 : f32
    %neg3A_1791 = vector.broadcast %neg3A_1790 : f32 to vector<72x128xf32>
    %neg3A_1792 = arith.subf %neg3A_1791, %abs3A_1789 : vector<72x128xf32>
    %exp3A_1793 = math.exp %neg3A_1792 : vector<72x128xf32>
    %log1p3A_1794 = math.log1p %exp3A_1793 : vector<72x128xf32>
    %add3A_1795 = arith.addf %max3A_1788, %log1p3A_1794 : vector<72x128xf32>
    %add3A_1796 = arith.addf %add3A_1704, %add3A_1795 : vector<72x128xf32>
    %eq3A_1797 = arith.constant 7.700000e+01 : f32
    %eq3A_1798 = vector.broadcast %eq3A_1797 : f32 to vector<72x128xf32>
    %eq3A_1799 = arith.cmpf oeq, %get3A_3, %eq3A_1798 : vector<72x128xf32>
    %jit3A_1800 = arith.constant 0.000000e+00 : f32
    %broadcast_in_dim3A_1801 = vector.broadcast %jit3A_1800 : f32 to vector<72x128xf32>
    %select_n3A_1802 = arith.select %eq3A_1799, %get3A_1785, %broadcast_in_dim3A_1801 : vector<72x128xi1>, vector<72x128xf32>
    %add3A_1803 = arith.addf %add3A_1711, %select_n3A_1802 : vector<72x128xf32>
    %get3A_1804 = arith.constant 83 : index
    %get3A_1805 = arith.constant 0 : index
    %get3A_1806 = arith.constant 0 : index
    %get3A_1807 = vector.load %arg0[%get3A_1804, %get3A_1805, %get3A_1806] : memref<85x72x128xf32, #tpu.memory_space<vmem>>, vector<1x72x128xf32>
    %get3A_1808 = vector.shape_cast %get3A_1807 : vector<1x72x128xf32> to vector<72x128xf32>
    %max3A_1809 = arith.constant 0.000000e+00 : f32
    %max3A_1810 = vector.broadcast %max3A_1809 : f32 to vector<72x128xf32>
    %max3A_1811 = arith.maximumf %get3A_1808, %max3A_1810 : vector<72x128xf32>
    %abs3A_1812 = math.absf %get3A_1808 : vector<72x128xf32>
    %neg3A_1813 = arith.constant 0.000000e+00 : f32
    %neg3A_1814 = vector.broadcast %neg3A_1813 : f32 to vector<72x128xf32>
    %neg3A_1815 = arith.subf %neg3A_1814, %abs3A_1812 : vector<72x128xf32>
    %exp3A_1816 = math.exp %neg3A_1815 : vector<72x128xf32>
    %log1p3A_1817 = math.log1p %exp3A_1816 : vector<72x128xf32>
    %add3A_1818 = arith.addf %max3A_1811, %log1p3A_1817 : vector<72x128xf32>
    %add3A_1819 = arith.addf %add3A_1727, %add3A_1818 : vector<72x128xf32>
    %eq3A_1820 = arith.constant 7.800000e+01 : f32
    %eq3A_1821 = vector.broadcast %eq3A_1820 : f32 to vector<72x128xf32>
    %eq3A_1822 = arith.cmpf oeq, %get3A_3, %eq3A_1821 : vector<72x128xf32>
    %jit3A_1823 = arith.constant 0.000000e+00 : f32
    %broadcast_in_dim3A_1824 = vector.broadcast %jit3A_1823 : f32 to vector<72x128xf32>
    %select_n3A_1825 = arith.select %eq3A_1822, %get3A_1808, %broadcast_in_dim3A_1824 : vector<72x128xi1>, vector<72x128xf32>
    %add3A_1826 = arith.addf %add3A_1734, %select_n3A_1825 : vector<72x128xf32>
    %get3A_1827 = arith.constant 84 : index
    %get3A_1828 = arith.constant 0 : index
    %get3A_1829 = arith.constant 0 : index
    %get3A_1830 = vector.load %arg0[%get3A_1827, %get3A_1828, %get3A_1829] : memref<85x72x128xf32, #tpu.memory_space<vmem>>, vector<1x72x128xf32>
    %get3A_1831 = vector.shape_cast %get3A_1830 : vector<1x72x128xf32> to vector<72x128xf32>
    %max3A_1832 = arith.constant 0.000000e+00 : f32
    %max3A_1833 = vector.broadcast %max3A_1832 : f32 to vector<72x128xf32>
    %max3A_1834 = arith.maximumf %get3A_1831, %max3A_1833 : vector<72x128xf32>
    %abs3A_1835 = math.absf %get3A_1831 : vector<72x128xf32>
    %neg3A_1836 = arith.constant 0.000000e+00 : f32
    %neg3A_1837 = vector.broadcast %neg3A_1836 : f32 to vector<72x128xf32>
    %neg3A_1838 = arith.subf %neg3A_1837, %abs3A_1835 : vector<72x128xf32>
    %exp3A_1839 = math.exp %neg3A_1838 : vector<72x128xf32>
    %log1p3A_1840 = math.log1p %exp3A_1839 : vector<72x128xf32>
    %add3A_1841 = arith.addf %max3A_1834, %log1p3A_1840 : vector<72x128xf32>
    %add3A_1842 = arith.addf %add3A_1750, %add3A_1841 : vector<72x128xf32>
    %eq3A_1843 = arith.constant 7.900000e+01 : f32
    %eq3A_1844 = vector.broadcast %eq3A_1843 : f32 to vector<72x128xf32>
    %eq3A_1845 = arith.cmpf oeq, %get3A_3, %eq3A_1844 : vector<72x128xf32>
    %jit3A_1846 = arith.constant 0.000000e+00 : f32
    %broadcast_in_dim3A_1847 = vector.broadcast %jit3A_1846 : f32 to vector<72x128xf32>
    %select_n3A_1848 = arith.select %eq3A_1845, %get3A_1831, %broadcast_in_dim3A_1847 : vector<72x128xi1>, vector<72x128xf32>
    %add3A_1849 = arith.addf %add3A_1757, %select_n3A_1848 : vector<72x128xf32>
    %add3A_1850 = arith.addf %add3A_1773, %add3A_1796 : vector<72x128xf32>
    %add3A_1851 = arith.addf %add3A_1819, %add3A_1842 : vector<72x128xf32>
    %add3A_1852 = arith.addf %add3A_1850, %add3A_1851 : vector<72x128xf32>
    %add3A_1853 = arith.addf %add3A_1780, %add3A_1803 : vector<72x128xf32>
    %add3A_1854 = arith.addf %add3A_1826, %add3A_1849 : vector<72x128xf32>
    %add3A_1855 = arith.addf %add3A_1853, %add3A_1854 : vector<72x128xf32>
    %sub3A = arith.subf %add3A_1852, %add3A_1855 : vector<72x128xf32>
    %get3A_1856 = arith.constant 6 : index
    %get3A_1857 = arith.constant 0 : index
    %get3A_1858 = arith.constant 0 : index
    %get3A_1859 = vector.load %arg1[%get3A_1856, %get3A_1857, %get3A_1858] : memref<8x72x128xf32, #tpu.memory_space<vmem>>, vector<1x24x128xf32>
    %get3A_1860 = vector.shape_cast %get3A_1859 : vector<1x24x128xf32> to vector<24x128xf32>
    %get3A_1861 = arith.constant 0 : index
    %get3A_1862 = arith.constant 0 : index
    %get3A_1863 = arith.constant 0 : index
    %get3A_1864 = vector.load %arg0[%get3A_1861, %get3A_1862, %get3A_1863] : memref<85x72x128xf32, #tpu.memory_space<vmem>>, vector<1x24x128xf32>
    %get3A_1865 = vector.shape_cast %get3A_1864 : vector<1x24x128xf32> to vector<24x128xf32>
    %neg3A_1866 = arith.constant 0.000000e+00 : f32
    %neg3A_1867 = vector.broadcast %neg3A_1866 : f32 to vector<24x128xf32>
    %neg3A_1868 = arith.subf %neg3A_1867, %get3A_1865 : vector<24x128xf32>
    %exp3A_1869 = math.exp %neg3A_1868 : vector<24x128xf32>
    %add3A_1870 = arith.constant 1.000000e+00 : f32
    %add3A_1871 = vector.broadcast %add3A_1870 : f32 to vector<24x128xf32>
    %add3A_1872 = arith.addf %add3A_1871, %exp3A_1869 : vector<24x128xf32>
    %div3A = arith.constant 1.000000e+00 : f32
    %div3A_1873 = vector.broadcast %div3A : f32 to vector<24x128xf32>
    %div3A_1874 = arith.divf %div3A_1873, %add3A_1872 : vector<24x128xf32>
    %get3A_1875 = arith.constant 1 : index
    %get3A_1876 = arith.constant 0 : index
    %get3A_1877 = arith.constant 0 : index
    %get3A_1878 = vector.load %arg0[%get3A_1875, %get3A_1876, %get3A_1877] : memref<85x72x128xf32, #tpu.memory_space<vmem>>, vector<1x24x128xf32>
    %get3A_1879 = vector.shape_cast %get3A_1878 : vector<1x24x128xf32> to vector<24x128xf32>
    %neg3A_1880 = arith.constant 0.000000e+00 : f32
    %neg3A_1881 = vector.broadcast %neg3A_1880 : f32 to vector<24x128xf32>
    %neg3A_1882 = arith.subf %neg3A_1881, %get3A_1879 : vector<24x128xf32>
    %exp3A_1883 = math.exp %neg3A_1882 : vector<24x128xf32>
    %add3A_1884 = arith.constant 1.000000e+00 : f32
    %add3A_1885 = vector.broadcast %add3A_1884 : f32 to vector<24x128xf32>
    %add3A_1886 = arith.addf %add3A_1885, %exp3A_1883 : vector<24x128xf32>
    %div3A_1887 = arith.constant 1.000000e+00 : f32
    %div3A_1888 = vector.broadcast %div3A_1887 : f32 to vector<24x128xf32>
    %div3A_1889 = arith.divf %div3A_1888, %add3A_1886 : vector<24x128xf32>
    %get3A_1890 = arith.constant 2 : index
    %get3A_1891 = arith.constant 0 : index
    %get3A_1892 = arith.constant 0 : index
    %get3A_1893 = vector.load %arg0[%get3A_1890, %get3A_1891, %get3A_1892] : memref<85x72x128xf32, #tpu.memory_space<vmem>>, vector<1x24x128xf32>
    %get3A_1894 = vector.shape_cast %get3A_1893 : vector<1x24x128xf32> to vector<24x128xf32>
    %neg3A_1895 = arith.constant 0.000000e+00 : f32
    %neg3A_1896 = vector.broadcast %neg3A_1895 : f32 to vector<24x128xf32>
    %neg3A_1897 = arith.subf %neg3A_1896, %get3A_1894 : vector<24x128xf32>
    %exp3A_1898 = math.exp %neg3A_1897 : vector<24x128xf32>
    %add3A_1899 = arith.constant 1.000000e+00 : f32
    %add3A_1900 = vector.broadcast %add3A_1899 : f32 to vector<24x128xf32>
    %add3A_1901 = arith.addf %add3A_1900, %exp3A_1898 : vector<24x128xf32>
    %div3A_1902 = arith.constant 1.000000e+00 : f32
    %div3A_1903 = vector.broadcast %div3A_1902 : f32 to vector<24x128xf32>
    %div3A_1904 = arith.divf %div3A_1903, %add3A_1901 : vector<24x128xf32>
    %get3A_1905 = arith.constant 3 : index
    %get3A_1906 = arith.constant 0 : index
    %get3A_1907 = arith.constant 0 : index
    %get3A_1908 = vector.load %arg0[%get3A_1905, %get3A_1906, %get3A_1907] : memref<85x72x128xf32, #tpu.memory_space<vmem>>, vector<1x24x128xf32>
    %get3A_1909 = vector.shape_cast %get3A_1908 : vector<1x24x128xf32> to vector<24x128xf32>
    %neg3A_1910 = arith.constant 0.000000e+00 : f32
    %neg3A_1911 = vector.broadcast %neg3A_1910 : f32 to vector<24x128xf32>
    %neg3A_1912 = arith.subf %neg3A_1911, %get3A_1909 : vector<24x128xf32>
    %exp3A_1913 = math.exp %neg3A_1912 : vector<24x128xf32>
    %add3A_1914 = arith.constant 1.000000e+00 : f32
    %add3A_1915 = vector.broadcast %add3A_1914 : f32 to vector<24x128xf32>
    %add3A_1916 = arith.addf %add3A_1915, %exp3A_1913 : vector<24x128xf32>
    %div3A_1917 = arith.constant 1.000000e+00 : f32
    %div3A_1918 = vector.broadcast %div3A_1917 : f32 to vector<24x128xf32>
    %div3A_1919 = arith.divf %div3A_1918, %add3A_1916 : vector<24x128xf32>
    %mul3A = arith.constant 2.000000e+00 : f32
    %mul3A_1920 = vector.broadcast %mul3A : f32 to vector<24x128xf32>
    %mul3A_1921 = arith.mulf %div3A_1874, %mul3A_1920 : vector<24x128xf32>
    %sub3A_1922 = arith.constant 5.000000e-01 : f32
    %sub3A_1923 = vector.broadcast %sub3A_1922 : f32 to vector<24x128xf32>
    %sub3A_1924 = arith.subf %mul3A_1921, %sub3A_1923 : vector<24x128xf32>
    %mul3A_1925 = arith.constant 2.000000e+00 : f32
    %mul3A_1926 = vector.broadcast %mul3A_1925 : f32 to vector<24x128xf32>
    %mul3A_1927 = arith.mulf %div3A_1889, %mul3A_1926 : vector<24x128xf32>
    %sub3A_1928 = arith.constant 5.000000e-01 : f32
    %sub3A_1929 = vector.broadcast %sub3A_1928 : f32 to vector<24x128xf32>
    %sub3A_1930 = arith.subf %mul3A_1927, %sub3A_1929 : vector<24x128xf32>
    %mul3A_1931 = arith.constant 2.000000e+00 : f32
    %mul3A_1932 = vector.broadcast %mul3A_1931 : f32 to vector<24x128xf32>
    %mul3A_1933 = arith.mulf %div3A_1904, %mul3A_1932 : vector<24x128xf32>
    %integer_pow3A = arith.mulf %mul3A_1933, %mul3A_1933 : vector<24x128xf32>
    %get3A_1934 = arith.constant 4 : index
    %get3A_1935 = arith.constant 0 : index
    %get3A_1936 = arith.constant 0 : index
    %get3A_1937 = vector.load %arg1[%get3A_1934, %get3A_1935, %get3A_1936] : memref<8x72x128xf32, #tpu.memory_space<vmem>>, vector<1x24x128xf32>
    %get3A_1938 = vector.shape_cast %get3A_1937 : vector<1x24x128xf32> to vector<24x128xf32>
    %mul3A_1939 = arith.mulf %integer_pow3A, %get3A_1938 : vector<24x128xf32>
    %mul3A_1940 = arith.constant 2.000000e+00 : f32
    %mul3A_1941 = vector.broadcast %mul3A_1940 : f32 to vector<24x128xf32>
    %mul3A_1942 = arith.mulf %div3A_1919, %mul3A_1941 : vector<24x128xf32>
    %integer_pow3A_1943 = arith.mulf %mul3A_1942, %mul3A_1942 : vector<24x128xf32>
    %get3A_1944 = arith.constant 5 : index
    %get3A_1945 = arith.constant 0 : index
    %get3A_1946 = arith.constant 0 : index
    %get3A_1947 = vector.load %arg1[%get3A_1944, %get3A_1945, %get3A_1946] : memref<8x72x128xf32, #tpu.memory_space<vmem>>, vector<1x24x128xf32>
    %get3A_1948 = vector.shape_cast %get3A_1947 : vector<1x24x128xf32> to vector<24x128xf32>
    %mul3A_1949 = arith.mulf %integer_pow3A_1943, %get3A_1948 : vector<24x128xf32>
    %div3A_1950 = arith.constant 2.000000e+00 : f32
    %div3A_1951 = vector.broadcast %div3A_1950 : f32 to vector<24x128xf32>
    %div3A_1952 = arith.divf %mul3A_1939, %div3A_1951 : vector<24x128xf32>
    %sub3A_1953 = arith.subf %sub3A_1924, %div3A_1952 : vector<24x128xf32>
    %div3A_1954 = arith.constant 2.000000e+00 : f32
    %div3A_1955 = vector.broadcast %div3A_1954 : f32 to vector<24x128xf32>
    %div3A_1956 = arith.divf %mul3A_1939, %div3A_1955 : vector<24x128xf32>
    %add3A_1957 = arith.addf %sub3A_1924, %div3A_1956 : vector<24x128xf32>
    %div3A_1958 = arith.constant 2.000000e+00 : f32
    %div3A_1959 = vector.broadcast %div3A_1958 : f32 to vector<24x128xf32>
    %div3A_1960 = arith.divf %mul3A_1949, %div3A_1959 : vector<24x128xf32>
    %sub3A_1961 = arith.subf %sub3A_1930, %div3A_1960 : vector<24x128xf32>
    %div3A_1962 = arith.constant 2.000000e+00 : f32
    %div3A_1963 = vector.broadcast %div3A_1962 : f32 to vector<24x128xf32>
    %div3A_1964 = arith.divf %mul3A_1949, %div3A_1963 : vector<24x128xf32>
    %add3A_1965 = arith.addf %sub3A_1930, %div3A_1964 : vector<24x128xf32>
    %get3A_1966 = arith.constant 0 : index
    %get3A_1967 = arith.constant 0 : index
    %get3A_1968 = arith.constant 0 : index
    %get3A_1969 = vector.load %arg1[%get3A_1966, %get3A_1967, %get3A_1968] : memref<8x72x128xf32, #tpu.memory_space<vmem>>, vector<1x24x128xf32>
    %get3A_1970 = vector.shape_cast %get3A_1969 : vector<1x24x128xf32> to vector<24x128xf32>
    %get3A_1971 = arith.constant 2 : index
    %get3A_1972 = arith.constant 0 : index
    %get3A_1973 = arith.constant 0 : index
    %get3A_1974 = vector.load %arg1[%get3A_1971, %get3A_1972, %get3A_1973] : memref<8x72x128xf32, #tpu.memory_space<vmem>>, vector<1x24x128xf32>
    %get3A_1975 = vector.shape_cast %get3A_1974 : vector<1x24x128xf32> to vector<24x128xf32>
    %div3A_1976 = arith.constant 2.000000e+00 : f32
    %div3A_1977 = vector.broadcast %div3A_1976 : f32 to vector<24x128xf32>
    %div3A_1978 = arith.divf %get3A_1975, %div3A_1977 : vector<24x128xf32>
    %sub3A_1979 = arith.subf %get3A_1970, %div3A_1978 : vector<24x128xf32>
    %get3A_1980 = arith.constant 0 : index
    %get3A_1981 = arith.constant 0 : index
    %get3A_1982 = arith.constant 0 : index
    %get3A_1983 = vector.load %arg1[%get3A_1980, %get3A_1981, %get3A_1982] : memref<8x72x128xf32, #tpu.memory_space<vmem>>, vector<1x24x128xf32>
    %get3A_1984 = vector.shape_cast %get3A_1983 : vector<1x24x128xf32> to vector<24x128xf32>
    %get3A_1985 = arith.constant 2 : index
    %get3A_1986 = arith.constant 0 : index
    %get3A_1987 = arith.constant 0 : index
    %get3A_1988 = vector.load %arg1[%get3A_1985, %get3A_1986, %get3A_1987] : memref<8x72x128xf32, #tpu.memory_space<vmem>>, vector<1x24x128xf32>
    %get3A_1989 = vector.shape_cast %get3A_1988 : vector<1x24x128xf32> to vector<24x128xf32>
    %div3A_1990 = arith.constant 2.000000e+00 : f32
    %div3A_1991 = vector.broadcast %div3A_1990 : f32 to vector<24x128xf32>
    %div3A_1992 = arith.divf %get3A_1989, %div3A_1991 : vector<24x128xf32>
    %add3A_1993 = arith.addf %get3A_1984, %div3A_1992 : vector<24x128xf32>
    %get3A_1994 = arith.constant 1 : index
    %get3A_1995 = arith.constant 0 : index
    %get3A_1996 = arith.constant 0 : index
    %get3A_1997 = vector.load %arg1[%get3A_1994, %get3A_1995, %get3A_1996] : memref<8x72x128xf32, #tpu.memory_space<vmem>>, vector<1x24x128xf32>
    %get3A_1998 = vector.shape_cast %get3A_1997 : vector<1x24x128xf32> to vector<24x128xf32>
    %get3A_1999 = arith.constant 3 : index
    %get3A_2000 = arith.constant 0 : index
    %get3A_2001 = arith.constant 0 : index
    %get3A_2002 = vector.load %arg1[%get3A_1999, %get3A_2000, %get3A_2001] : memref<8x72x128xf32, #tpu.memory_space<vmem>>, vector<1x24x128xf32>
    %get3A_2003 = vector.shape_cast %get3A_2002 : vector<1x24x128xf32> to vector<24x128xf32>
    %div3A_2004 = arith.constant 2.000000e+00 : f32
    %div3A_2005 = vector.broadcast %div3A_2004 : f32 to vector<24x128xf32>
    %div3A_2006 = arith.divf %get3A_2003, %div3A_2005 : vector<24x128xf32>
    %sub3A_2007 = arith.subf %get3A_1998, %div3A_2006 : vector<24x128xf32>
    %get3A_2008 = arith.constant 1 : index
    %get3A_2009 = arith.constant 0 : index
    %get3A_2010 = arith.constant 0 : index
    %get3A_2011 = vector.load %arg1[%get3A_2008, %get3A_2009, %get3A_2010] : memref<8x72x128xf32, #tpu.memory_space<vmem>>, vector<1x24x128xf32>
    %get3A_2012 = vector.shape_cast %get3A_2011 : vector<1x24x128xf32> to vector<24x128xf32>
    %get3A_2013 = arith.constant 3 : index
    %get3A_2014 = arith.constant 0 : index
    %get3A_2015 = arith.constant 0 : index
    %get3A_2016 = vector.load %arg1[%get3A_2013, %get3A_2014, %get3A_2015] : memref<8x72x128xf32, #tpu.memory_space<vmem>>, vector<1x24x128xf32>
    %get3A_2017 = vector.shape_cast %get3A_2016 : vector<1x24x128xf32> to vector<24x128xf32>
    %div3A_2018 = arith.constant 2.000000e+00 : f32
    %div3A_2019 = vector.broadcast %div3A_2018 : f32 to vector<24x128xf32>
    %div3A_2020 = arith.divf %get3A_2017, %div3A_2019 : vector<24x128xf32>
    %add3A_2021 = arith.addf %get3A_2012, %div3A_2020 : vector<24x128xf32>
    %min3A = arith.minimumf %add3A_1957, %add3A_1993 : vector<24x128xf32>
    %max3A_2022 = arith.maximumf %sub3A_1953, %sub3A_1979 : vector<24x128xf32>
    %sub3A_2023 = arith.subf %min3A, %max3A_2022 : vector<24x128xf32>
    %jit3A_2024 = arith.constant 0.000000e+00 : f32
    %max3A_2025 = vector.broadcast %jit3A_2024 : f32 to vector<24x128xf32>
    %max3A_2026 = arith.maximumf %max3A_2025, %sub3A_2023 : vector<24x128xf32>
    %min3A_2027 = arith.minimumf %add3A_1965, %add3A_2021 : vector<24x128xf32>
    %max3A_2028 = arith.maximumf %sub3A_1961, %sub3A_2007 : vector<24x128xf32>
    %sub3A_2029 = arith.subf %min3A_2027, %max3A_2028 : vector<24x128xf32>
    %jit3A_2030 = arith.constant 0.000000e+00 : f32
    %max3A_2031 = vector.broadcast %jit3A_2030 : f32 to vector<24x128xf32>
    %max3A_2032 = arith.maximumf %max3A_2031, %sub3A_2029 : vector<24x128xf32>
    %mul3A_2033 = arith.mulf %max3A_2026, %max3A_2032 : vector<24x128xf32>
    %sub3A_2034 = arith.subf %add3A_1957, %sub3A_1953 : vector<24x128xf32>
    %sub3A_2035 = arith.subf %add3A_1965, %sub3A_1961 : vector<24x128xf32>
    %add3A_2036 = arith.constant 1.000000e-07 : f32
    %add3A_2037 = vector.broadcast %add3A_2036 : f32 to vector<24x128xf32>
    %add3A_2038 = arith.addf %sub3A_2035, %add3A_2037 : vector<24x128xf32>
    %sub3A_2039 = arith.subf %add3A_1993, %sub3A_1979 : vector<24x128xf32>
    %sub3A_2040 = arith.subf %add3A_2021, %sub3A_2007 : vector<24x128xf32>
    %add3A_2041 = arith.constant 1.000000e-07 : f32
    %add3A_2042 = vector.broadcast %add3A_2041 : f32 to vector<24x128xf32>
    %add3A_2043 = arith.addf %sub3A_2040, %add3A_2042 : vector<24x128xf32>
    %mul3A_2044 = arith.mulf %sub3A_2034, %add3A_2038 : vector<24x128xf32>
    %mul3A_2045 = arith.mulf %sub3A_2039, %add3A_2043 : vector<24x128xf32>
    %add3A_2046 = arith.addf %mul3A_2044, %mul3A_2045 : vector<24x128xf32>
    %sub3A_2047 = arith.subf %add3A_2046, %mul3A_2033 : vector<24x128xf32>
    %add3A_2048 = arith.constant 1.000000e-07 : f32
    %add3A_2049 = vector.broadcast %add3A_2048 : f32 to vector<24x128xf32>
    %add3A_2050 = arith.addf %sub3A_2047, %add3A_2049 : vector<24x128xf32>
    %div3A_2051 = arith.divf %mul3A_2033, %add3A_2050 : vector<24x128xf32>
    %max3A_2052 = arith.maximumf %add3A_1957, %add3A_1993 : vector<24x128xf32>
    %min3A_2053 = arith.minimumf %sub3A_1953, %sub3A_1979 : vector<24x128xf32>
    %sub3A_2054 = arith.subf %max3A_2052, %min3A_2053 : vector<24x128xf32>
    %max3A_2055 = arith.maximumf %add3A_1965, %add3A_2021 : vector<24x128xf32>
    %min3A_2056 = arith.minimumf %sub3A_1961, %sub3A_2007 : vector<24x128xf32>
    %sub3A_2057 = arith.subf %max3A_2055, %min3A_2056 : vector<24x128xf32>
    %integer_pow3A_2058 = arith.mulf %sub3A_2054, %sub3A_2054 : vector<24x128xf32>
    %integer_pow3A_2059 = arith.mulf %sub3A_2057, %sub3A_2057 : vector<24x128xf32>
    %add3A_2060 = arith.addf %integer_pow3A_2058, %integer_pow3A_2059 : vector<24x128xf32>
    %add3A_2061 = arith.constant 1.000000e-07 : f32
    %add3A_2062 = vector.broadcast %add3A_2061 : f32 to vector<24x128xf32>
    %add3A_2063 = arith.addf %add3A_2060, %add3A_2062 : vector<24x128xf32>
    %add3A_2064 = arith.addf %sub3A_1979, %add3A_1993 : vector<24x128xf32>
    %sub3A_2065 = arith.subf %add3A_2064, %sub3A_1953 : vector<24x128xf32>
    %sub3A_2066 = arith.subf %sub3A_2065, %add3A_1957 : vector<24x128xf32>
    %integer_pow3A_2067 = arith.mulf %sub3A_2066, %sub3A_2066 : vector<24x128xf32>
    %add3A_2068 = arith.addf %sub3A_2007, %add3A_2021 : vector<24x128xf32>
    %sub3A_2069 = arith.subf %add3A_2068, %sub3A_1961 : vector<24x128xf32>
    %sub3A_2070 = arith.subf %sub3A_2069, %add3A_1965 : vector<24x128xf32>
    %integer_pow3A_2071 = arith.mulf %sub3A_2070, %sub3A_2070 : vector<24x128xf32>
    %add3A_2072 = arith.addf %integer_pow3A_2067, %integer_pow3A_2071 : vector<24x128xf32>
    %div3A_2073 = arith.constant 4.000000e+00 : f32
    %div3A_2074 = vector.broadcast %div3A_2073 : f32 to vector<24x128xf32>
    %div3A_2075 = arith.divf %add3A_2072, %div3A_2074 : vector<24x128xf32>
    %div3A_2076 = arith.divf %sub3A_2039, %add3A_2043 : vector<24x128xf32>
    %gt3A = arith.constant 2.41421366 : f32
    %gt3A_2077 = vector.broadcast %gt3A : f32 to vector<24x128xf32>
    %gt3A_2078 = arith.cmpf ogt, %div3A_2076, %gt3A_2077 : vector<24x128xf32>
    %gt3A_2079 = arith.constant 0.414213568 : f32
    %gt3A_2080 = vector.broadcast %gt3A_2079 : f32 to vector<24x128xf32>
    %gt3A_2081 = arith.cmpf ogt, %div3A_2076, %gt3A_2080 : vector<24x128xf32>
    %max3A_2082 = arith.constant 1.000000e-30 : f32
    %max3A_2083 = vector.broadcast %max3A_2082 : f32 to vector<24x128xf32>
    %max3A_2084 = arith.maximumf %div3A_2076, %max3A_2083 : vector<24x128xf32>
    %div3A_2085 = arith.constant -1.000000e+00 : f32
    %div3A_2086 = vector.broadcast %div3A_2085 : f32 to vector<24x128xf32>
    %div3A_2087 = arith.divf %div3A_2086, %max3A_2084 : vector<24x128xf32>
    %sub3A_2088 = arith.constant 1.000000e+00 : f32
    %sub3A_2089 = vector.broadcast %sub3A_2088 : f32 to vector<24x128xf32>
    %sub3A_2090 = arith.subf %div3A_2076, %sub3A_2089 : vector<24x128xf32>
    %add3A_2091 = arith.constant 1.000000e+00 : f32
    %add3A_2092 = vector.broadcast %add3A_2091 : f32 to vector<24x128xf32>
    %add3A_2093 = arith.addf %div3A_2076, %add3A_2092 : vector<24x128xf32>
    %div3A_2094 = arith.divf %sub3A_2090, %add3A_2093 : vector<24x128xf32>
    %select_n3A_2095 = arith.select %gt3A_2081, %div3A_2094, %div3A_2076 : vector<24x128xi1>, vector<24x128xf32>
    %select_n3A_2096 = arith.select %gt3A_2078, %div3A_2087, %select_n3A_2095 : vector<24x128xi1>, vector<24x128xf32>
    %jit3A_2097 = arith.constant 0.785398185 : f32
    %jit3A_2098 = arith.constant 0.000000e+00 : f32
    %broadcast_in_dim3A_2099 = vector.broadcast %jit3A_2097 : f32 to vector<24x128xf32>
    %broadcast_in_dim3A_2100 = vector.broadcast %jit3A_2098 : f32 to vector<24x128xf32>
    %select_n3A_2101 = arith.select %gt3A_2081, %broadcast_in_dim3A_2099, %broadcast_in_dim3A_2100 : vector<24x128xi1>, vector<24x128xf32>
    %jit3A_2102 = arith.constant 1.57079637 : f32
    %broadcast_in_dim3A_2103 = vector.broadcast %jit3A_2102 : f32 to vector<24x128xf32>
    %select_n3A_2104 = arith.select %gt3A_2078, %broadcast_in_dim3A_2103, %select_n3A_2101 : vector<24x128xi1>, vector<24x128xf32>
    %mul3A_2105 = arith.mulf %select_n3A_2096, %select_n3A_2096 : vector<24x128xf32>
    %mul3A_2106 = arith.constant 0.0805374458 : f32
    %mul3A_2107 = vector.broadcast %mul3A_2106 : f32 to vector<24x128xf32>
    %mul3A_2108 = arith.mulf %mul3A_2107, %mul3A_2105 : vector<24x128xf32>
    %sub3A_2109 = arith.constant 0.138776854 : f32
    %sub3A_2110 = vector.broadcast %sub3A_2109 : f32 to vector<24x128xf32>
    %sub3A_2111 = arith.subf %mul3A_2108, %sub3A_2110 : vector<24x128xf32>
    %mul3A_2112 = arith.mulf %sub3A_2111, %mul3A_2105 : vector<24x128xf32>
    %add3A_2113 = arith.constant 0.199777111 : f32
    %add3A_2114 = vector.broadcast %add3A_2113 : f32 to vector<24x128xf32>
    %add3A_2115 = arith.addf %mul3A_2112, %add3A_2114 : vector<24x128xf32>
    %mul3A_2116 = arith.mulf %add3A_2115, %mul3A_2105 : vector<24x128xf32>
    %sub3A_2117 = arith.constant 0.333329499 : f32
    %sub3A_2118 = vector.broadcast %sub3A_2117 : f32 to vector<24x128xf32>
    %sub3A_2119 = arith.subf %mul3A_2116, %sub3A_2118 : vector<24x128xf32>
    %mul3A_2120 = arith.mulf %sub3A_2119, %mul3A_2105 : vector<24x128xf32>
    %mul3A_2121 = arith.mulf %mul3A_2120, %select_n3A_2096 : vector<24x128xf32>
    %add3A_2122 = arith.addf %mul3A_2121, %select_n3A_2096 : vector<24x128xf32>
    %add3A_2123 = arith.addf %select_n3A_2104, %add3A_2122 : vector<24x128xf32>
    %div3A_2124 = arith.divf %sub3A_2034, %add3A_2038 : vector<24x128xf32>
    %gt3A_2125 = arith.constant 2.41421366 : f32
    %gt3A_2126 = vector.broadcast %gt3A_2125 : f32 to vector<24x128xf32>
    %gt3A_2127 = arith.cmpf ogt, %div3A_2124, %gt3A_2126 : vector<24x128xf32>
    %gt3A_2128 = arith.constant 0.414213568 : f32
    %gt3A_2129 = vector.broadcast %gt3A_2128 : f32 to vector<24x128xf32>
    %gt3A_2130 = arith.cmpf ogt, %div3A_2124, %gt3A_2129 : vector<24x128xf32>
    %max3A_2131 = arith.constant 1.000000e-30 : f32
    %max3A_2132 = vector.broadcast %max3A_2131 : f32 to vector<24x128xf32>
    %max3A_2133 = arith.maximumf %div3A_2124, %max3A_2132 : vector<24x128xf32>
    %div3A_2134 = arith.constant -1.000000e+00 : f32
    %div3A_2135 = vector.broadcast %div3A_2134 : f32 to vector<24x128xf32>
    %div3A_2136 = arith.divf %div3A_2135, %max3A_2133 : vector<24x128xf32>
    %sub3A_2137 = arith.constant 1.000000e+00 : f32
    %sub3A_2138 = vector.broadcast %sub3A_2137 : f32 to vector<24x128xf32>
    %sub3A_2139 = arith.subf %div3A_2124, %sub3A_2138 : vector<24x128xf32>
    %add3A_2140 = arith.constant 1.000000e+00 : f32
    %add3A_2141 = vector.broadcast %add3A_2140 : f32 to vector<24x128xf32>
    %add3A_2142 = arith.addf %div3A_2124, %add3A_2141 : vector<24x128xf32>
    %div3A_2143 = arith.divf %sub3A_2139, %add3A_2142 : vector<24x128xf32>
    %select_n3A_2144 = arith.select %gt3A_2130, %div3A_2143, %div3A_2124 : vector<24x128xi1>, vector<24x128xf32>
    %select_n3A_2145 = arith.select %gt3A_2127, %div3A_2136, %select_n3A_2144 : vector<24x128xi1>, vector<24x128xf32>
    %jit3A_2146 = arith.constant 0.785398185 : f32
    %jit3A_2147 = arith.constant 0.000000e+00 : f32
    %broadcast_in_dim3A_2148 = vector.broadcast %jit3A_2146 : f32 to vector<24x128xf32>
    %broadcast_in_dim3A_2149 = vector.broadcast %jit3A_2147 : f32 to vector<24x128xf32>
    %select_n3A_2150 = arith.select %gt3A_2130, %broadcast_in_dim3A_2148, %broadcast_in_dim3A_2149 : vector<24x128xi1>, vector<24x128xf32>
    %jit3A_2151 = arith.constant 1.57079637 : f32
    %broadcast_in_dim3A_2152 = vector.broadcast %jit3A_2151 : f32 to vector<24x128xf32>
    %select_n3A_2153 = arith.select %gt3A_2127, %broadcast_in_dim3A_2152, %select_n3A_2150 : vector<24x128xi1>, vector<24x128xf32>
    %mul3A_2154 = arith.mulf %select_n3A_2145, %select_n3A_2145 : vector<24x128xf32>
    %mul3A_2155 = arith.constant 0.0805374458 : f32
    %mul3A_2156 = vector.broadcast %mul3A_2155 : f32 to vector<24x128xf32>
    %mul3A_2157 = arith.mulf %mul3A_2156, %mul3A_2154 : vector<24x128xf32>
    %sub3A_2158 = arith.constant 0.138776854 : f32
    %sub3A_2159 = vector.broadcast %sub3A_2158 : f32 to vector<24x128xf32>
    %sub3A_2160 = arith.subf %mul3A_2157, %sub3A_2159 : vector<24x128xf32>
    %mul3A_2161 = arith.mulf %sub3A_2160, %mul3A_2154 : vector<24x128xf32>
    %add3A_2162 = arith.constant 0.199777111 : f32
    %add3A_2163 = vector.broadcast %add3A_2162 : f32 to vector<24x128xf32>
    %add3A_2164 = arith.addf %mul3A_2161, %add3A_2163 : vector<24x128xf32>
    %mul3A_2165 = arith.mulf %add3A_2164, %mul3A_2154 : vector<24x128xf32>
    %sub3A_2166 = arith.constant 0.333329499 : f32
    %sub3A_2167 = vector.broadcast %sub3A_2166 : f32 to vector<24x128xf32>
    %sub3A_2168 = arith.subf %mul3A_2165, %sub3A_2167 : vector<24x128xf32>
    %mul3A_2169 = arith.mulf %sub3A_2168, %mul3A_2154 : vector<24x128xf32>
    %mul3A_2170 = arith.mulf %mul3A_2169, %select_n3A_2145 : vector<24x128xf32>
    %add3A_2171 = arith.addf %mul3A_2170, %select_n3A_2145 : vector<24x128xf32>
    %add3A_2172 = arith.addf %select_n3A_2153, %add3A_2171 : vector<24x128xf32>
    %sub3A_2173 = arith.subf %add3A_2123, %add3A_2172 : vector<24x128xf32>
    %integer_pow3A_2174 = arith.mulf %sub3A_2173, %sub3A_2173 : vector<24x128xf32>
    %mul3A_2175 = arith.constant 0.405284733 : f32
    %mul3A_2176 = vector.broadcast %mul3A_2175 : f32 to vector<24x128xf32>
    %mul3A_2177 = arith.mulf %mul3A_2176, %integer_pow3A_2174 : vector<24x128xf32>
    %sub3A_2178 = arith.subf %mul3A_2177, %div3A_2051 : vector<24x128xf32>
    %add3A_2179 = arith.constant 1.00000012 : f32
    %add3A_2180 = vector.broadcast %add3A_2179 : f32 to vector<24x128xf32>
    %add3A_2181 = arith.addf %sub3A_2178, %add3A_2180 : vector<24x128xf32>
    %div3A_2182 = arith.divf %mul3A_2177, %add3A_2181 : vector<24x128xf32>
    %div3A_2183 = arith.divf %div3A_2075, %add3A_2063 : vector<24x128xf32>
    %mul3A_2184 = arith.mulf %mul3A_2177, %div3A_2182 : vector<24x128xf32>
    %add3A_2185 = arith.addf %div3A_2183, %mul3A_2184 : vector<24x128xf32>
    %sub3A_2186 = arith.subf %div3A_2051, %add3A_2185 : vector<24x128xf32>
    %reduce_sum3A = arith.constant dense<0.000000e+00> : vector<128xf32>
    %reduce_sum3A_2187 = vector.multi_reduction <add>, %get3A_1860, %reduce_sum3A [0] : vector<24x128xf32> to vector<128xf32>
    %broadcast_in_dim3A_2188 = vector.shape_cast %reduce_sum3A_2187 : vector<128xf32> to vector<1x128xf32>
    %sub3A_2189 = arith.constant 1.000000e+00 : f32
    %sub3A_2190 = vector.broadcast %sub3A_2189 : f32 to vector<24x128xf32>
    %sub3A_2191 = arith.subf %sub3A_2190, %sub3A_2186 : vector<24x128xf32>
    %mul3A_2192 = arith.mulf %sub3A_2191, %get3A_1860 : vector<24x128xf32>
    %reduce_sum3A_2193 = arith.constant dense<0.000000e+00> : vector<128xf32>
    %reduce_sum3A_2194 = vector.multi_reduction <add>, %mul3A_2192, %reduce_sum3A_2193 [0] : vector<24x128xf32> to vector<128xf32>
    %broadcast_in_dim3A_2195 = vector.shape_cast %reduce_sum3A_2194 : vector<128xf32> to vector<1x128xf32>
    %slice3A = vector.extract_strided_slice %sub3A {offsets = [0, 0], sizes = [24, 128], strides = [1, 1]} : vector<72x128xf32> to vector<24x128xf32>
    %mul3A_2196 = arith.mulf %slice3A, %get3A_1860 : vector<24x128xf32>
    %reduce_sum3A_2197 = arith.constant dense<0.000000e+00> : vector<128xf32>
    %reduce_sum3A_2198 = vector.multi_reduction <add>, %mul3A_2196, %reduce_sum3A_2197 [0] : vector<24x128xf32> to vector<128xf32>
    %broadcast_in_dim3A_2199 = vector.shape_cast %reduce_sum3A_2198 : vector<128xf32> to vector<1x128xf32>
    %get3A_2200 = arith.constant 4 : index
    %get3A_2201 = arith.constant 0 : index
    %get3A_2202 = arith.constant 0 : index
    %get3A_2203 = vector.load %arg0[%get3A_2200, %get3A_2201, %get3A_2202] : memref<85x72x128xf32, #tpu.memory_space<vmem>>, vector<1x24x128xf32>
    %get3A_2204 = vector.shape_cast %get3A_2203 : vector<1x24x128xf32> to vector<24x128xf32>
    %jit3A_2205 = arith.constant 0.000000e+00 : f32
    %max3A_2206 = vector.broadcast %jit3A_2205 : f32 to vector<24x128xf32>
    %max3A_2207 = arith.maximumf %max3A_2206, %div3A_2051 : vector<24x128xf32>
    %mul3A_2208 = arith.mulf %get3A_2204, %max3A_2207 : vector<24x128xf32>
    %mul3A_2209 = arith.mulf %mul3A_2208, %get3A_1860 : vector<24x128xf32>
    %reduce_sum3A_2210 = arith.constant dense<0.000000e+00> : vector<128xf32>
    %reduce_sum3A_2211 = vector.multi_reduction <add>, %mul3A_2209, %reduce_sum3A_2210 [0] : vector<24x128xf32> to vector<128xf32>
    %broadcast_in_dim3A_2212 = vector.shape_cast %reduce_sum3A_2211 : vector<128xf32> to vector<1x128xf32>
    %get3A_2213 = arith.constant 6 : index
    %get3A_2214 = arith.constant 24 : index
    %get3A_2215 = arith.constant 0 : index
    %get3A_2216 = vector.load %arg1[%get3A_2213, %get3A_2214, %get3A_2215] : memref<8x72x128xf32, #tpu.memory_space<vmem>>, vector<1x24x128xf32>
    %get3A_2217 = vector.shape_cast %get3A_2216 : vector<1x24x128xf32> to vector<24x128xf32>
    %get3A_2218 = arith.constant 0 : index
    %get3A_2219 = arith.constant 24 : index
    %get3A_2220 = arith.constant 0 : index
    %get3A_2221 = vector.load %arg0[%get3A_2218, %get3A_2219, %get3A_2220] : memref<85x72x128xf32, #tpu.memory_space<vmem>>, vector<1x24x128xf32>
    %get3A_2222 = vector.shape_cast %get3A_2221 : vector<1x24x128xf32> to vector<24x128xf32>
    %neg3A_2223 = arith.constant 0.000000e+00 : f32
    %neg3A_2224 = vector.broadcast %neg3A_2223 : f32 to vector<24x128xf32>
    %neg3A_2225 = arith.subf %neg3A_2224, %get3A_2222 : vector<24x128xf32>
    %exp3A_2226 = math.exp %neg3A_2225 : vector<24x128xf32>
    %add3A_2227 = arith.constant 1.000000e+00 : f32
    %add3A_2228 = vector.broadcast %add3A_2227 : f32 to vector<24x128xf32>
    %add3A_2229 = arith.addf %add3A_2228, %exp3A_2226 : vector<24x128xf32>
    %div3A_2230 = arith.constant 1.000000e+00 : f32
    %div3A_2231 = vector.broadcast %div3A_2230 : f32 to vector<24x128xf32>
    %div3A_2232 = arith.divf %div3A_2231, %add3A_2229 : vector<24x128xf32>
    %get3A_2233 = arith.constant 1 : index
    %get3A_2234 = arith.constant 24 : index
    %get3A_2235 = arith.constant 0 : index
    %get3A_2236 = vector.load %arg0[%get3A_2233, %get3A_2234, %get3A_2235] : memref<85x72x128xf32, #tpu.memory_space<vmem>>, vector<1x24x128xf32>
    %get3A_2237 = vector.shape_cast %get3A_2236 : vector<1x24x128xf32> to vector<24x128xf32>
    %neg3A_2238 = arith.constant 0.000000e+00 : f32
    %neg3A_2239 = vector.broadcast %neg3A_2238 : f32 to vector<24x128xf32>
    %neg3A_2240 = arith.subf %neg3A_2239, %get3A_2237 : vector<24x128xf32>
    %exp3A_2241 = math.exp %neg3A_2240 : vector<24x128xf32>
    %add3A_2242 = arith.constant 1.000000e+00 : f32
    %add3A_2243 = vector.broadcast %add3A_2242 : f32 to vector<24x128xf32>
    %add3A_2244 = arith.addf %add3A_2243, %exp3A_2241 : vector<24x128xf32>
    %div3A_2245 = arith.constant 1.000000e+00 : f32
    %div3A_2246 = vector.broadcast %div3A_2245 : f32 to vector<24x128xf32>
    %div3A_2247 = arith.divf %div3A_2246, %add3A_2244 : vector<24x128xf32>
    %get3A_2248 = arith.constant 2 : index
    %get3A_2249 = arith.constant 24 : index
    %get3A_2250 = arith.constant 0 : index
    %get3A_2251 = vector.load %arg0[%get3A_2248, %get3A_2249, %get3A_2250] : memref<85x72x128xf32, #tpu.memory_space<vmem>>, vector<1x24x128xf32>
    %get3A_2252 = vector.shape_cast %get3A_2251 : vector<1x24x128xf32> to vector<24x128xf32>
    %neg3A_2253 = arith.constant 0.000000e+00 : f32
    %neg3A_2254 = vector.broadcast %neg3A_2253 : f32 to vector<24x128xf32>
    %neg3A_2255 = arith.subf %neg3A_2254, %get3A_2252 : vector<24x128xf32>
    %exp3A_2256 = math.exp %neg3A_2255 : vector<24x128xf32>
    %add3A_2257 = arith.constant 1.000000e+00 : f32
    %add3A_2258 = vector.broadcast %add3A_2257 : f32 to vector<24x128xf32>
    %add3A_2259 = arith.addf %add3A_2258, %exp3A_2256 : vector<24x128xf32>
    %div3A_2260 = arith.constant 1.000000e+00 : f32
    %div3A_2261 = vector.broadcast %div3A_2260 : f32 to vector<24x128xf32>
    %div3A_2262 = arith.divf %div3A_2261, %add3A_2259 : vector<24x128xf32>
    %get3A_2263 = arith.constant 3 : index
    %get3A_2264 = arith.constant 24 : index
    %get3A_2265 = arith.constant 0 : index
    %get3A_2266 = vector.load %arg0[%get3A_2263, %get3A_2264, %get3A_2265] : memref<85x72x128xf32, #tpu.memory_space<vmem>>, vector<1x24x128xf32>
    %get3A_2267 = vector.shape_cast %get3A_2266 : vector<1x24x128xf32> to vector<24x128xf32>
    %neg3A_2268 = arith.constant 0.000000e+00 : f32
    %neg3A_2269 = vector.broadcast %neg3A_2268 : f32 to vector<24x128xf32>
    %neg3A_2270 = arith.subf %neg3A_2269, %get3A_2267 : vector<24x128xf32>
    %exp3A_2271 = math.exp %neg3A_2270 : vector<24x128xf32>
    %add3A_2272 = arith.constant 1.000000e+00 : f32
    %add3A_2273 = vector.broadcast %add3A_2272 : f32 to vector<24x128xf32>
    %add3A_2274 = arith.addf %add3A_2273, %exp3A_2271 : vector<24x128xf32>
    %div3A_2275 = arith.constant 1.000000e+00 : f32
    %div3A_2276 = vector.broadcast %div3A_2275 : f32 to vector<24x128xf32>
    %div3A_2277 = arith.divf %div3A_2276, %add3A_2274 : vector<24x128xf32>
    %mul3A_2278 = arith.constant 2.000000e+00 : f32
    %mul3A_2279 = vector.broadcast %mul3A_2278 : f32 to vector<24x128xf32>
    %mul3A_2280 = arith.mulf %div3A_2232, %mul3A_2279 : vector<24x128xf32>
    %sub3A_2281 = arith.constant 5.000000e-01 : f32
    %sub3A_2282 = vector.broadcast %sub3A_2281 : f32 to vector<24x128xf32>
    %sub3A_2283 = arith.subf %mul3A_2280, %sub3A_2282 : vector<24x128xf32>
    %mul3A_2284 = arith.constant 2.000000e+00 : f32
    %mul3A_2285 = vector.broadcast %mul3A_2284 : f32 to vector<24x128xf32>
    %mul3A_2286 = arith.mulf %div3A_2247, %mul3A_2285 : vector<24x128xf32>
    %sub3A_2287 = arith.constant 5.000000e-01 : f32
    %sub3A_2288 = vector.broadcast %sub3A_2287 : f32 to vector<24x128xf32>
    %sub3A_2289 = arith.subf %mul3A_2286, %sub3A_2288 : vector<24x128xf32>
    %mul3A_2290 = arith.constant 2.000000e+00 : f32
    %mul3A_2291 = vector.broadcast %mul3A_2290 : f32 to vector<24x128xf32>
    %mul3A_2292 = arith.mulf %div3A_2262, %mul3A_2291 : vector<24x128xf32>
    %integer_pow3A_2293 = arith.mulf %mul3A_2292, %mul3A_2292 : vector<24x128xf32>
    %get3A_2294 = arith.constant 4 : index
    %get3A_2295 = arith.constant 24 : index
    %get3A_2296 = arith.constant 0 : index
    %get3A_2297 = vector.load %arg1[%get3A_2294, %get3A_2295, %get3A_2296] : memref<8x72x128xf32, #tpu.memory_space<vmem>>, vector<1x24x128xf32>
    %get3A_2298 = vector.shape_cast %get3A_2297 : vector<1x24x128xf32> to vector<24x128xf32>
    %mul3A_2299 = arith.mulf %integer_pow3A_2293, %get3A_2298 : vector<24x128xf32>
    %mul3A_2300 = arith.constant 2.000000e+00 : f32
    %mul3A_2301 = vector.broadcast %mul3A_2300 : f32 to vector<24x128xf32>
    %mul3A_2302 = arith.mulf %div3A_2277, %mul3A_2301 : vector<24x128xf32>
    %integer_pow3A_2303 = arith.mulf %mul3A_2302, %mul3A_2302 : vector<24x128xf32>
    %get3A_2304 = arith.constant 5 : index
    %get3A_2305 = arith.constant 24 : index
    %get3A_2306 = arith.constant 0 : index
    %get3A_2307 = vector.load %arg1[%get3A_2304, %get3A_2305, %get3A_2306] : memref<8x72x128xf32, #tpu.memory_space<vmem>>, vector<1x24x128xf32>
    %get3A_2308 = vector.shape_cast %get3A_2307 : vector<1x24x128xf32> to vector<24x128xf32>
    %mul3A_2309 = arith.mulf %integer_pow3A_2303, %get3A_2308 : vector<24x128xf32>
    %div3A_2310 = arith.constant 2.000000e+00 : f32
    %div3A_2311 = vector.broadcast %div3A_2310 : f32 to vector<24x128xf32>
    %div3A_2312 = arith.divf %mul3A_2299, %div3A_2311 : vector<24x128xf32>
    %sub3A_2313 = arith.subf %sub3A_2283, %div3A_2312 : vector<24x128xf32>
    %div3A_2314 = arith.constant 2.000000e+00 : f32
    %div3A_2315 = vector.broadcast %div3A_2314 : f32 to vector<24x128xf32>
    %div3A_2316 = arith.divf %mul3A_2299, %div3A_2315 : vector<24x128xf32>
    %add3A_2317 = arith.addf %sub3A_2283, %div3A_2316 : vector<24x128xf32>
    %div3A_2318 = arith.constant 2.000000e+00 : f32
    %div3A_2319 = vector.broadcast %div3A_2318 : f32 to vector<24x128xf32>
    %div3A_2320 = arith.divf %mul3A_2309, %div3A_2319 : vector<24x128xf32>
    %sub3A_2321 = arith.subf %sub3A_2289, %div3A_2320 : vector<24x128xf32>
    %div3A_2322 = arith.constant 2.000000e+00 : f32
    %div3A_2323 = vector.broadcast %div3A_2322 : f32 to vector<24x128xf32>
    %div3A_2324 = arith.divf %mul3A_2309, %div3A_2323 : vector<24x128xf32>
    %add3A_2325 = arith.addf %sub3A_2289, %div3A_2324 : vector<24x128xf32>
    %get3A_2326 = arith.constant 0 : index
    %get3A_2327 = arith.constant 24 : index
    %get3A_2328 = arith.constant 0 : index
    %get3A_2329 = vector.load %arg1[%get3A_2326, %get3A_2327, %get3A_2328] : memref<8x72x128xf32, #tpu.memory_space<vmem>>, vector<1x24x128xf32>
    %get3A_2330 = vector.shape_cast %get3A_2329 : vector<1x24x128xf32> to vector<24x128xf32>
    %get3A_2331 = arith.constant 2 : index
    %get3A_2332 = arith.constant 24 : index
    %get3A_2333 = arith.constant 0 : index
    %get3A_2334 = vector.load %arg1[%get3A_2331, %get3A_2332, %get3A_2333] : memref<8x72x128xf32, #tpu.memory_space<vmem>>, vector<1x24x128xf32>
    %get3A_2335 = vector.shape_cast %get3A_2334 : vector<1x24x128xf32> to vector<24x128xf32>
    %div3A_2336 = arith.constant 2.000000e+00 : f32
    %div3A_2337 = vector.broadcast %div3A_2336 : f32 to vector<24x128xf32>
    %div3A_2338 = arith.divf %get3A_2335, %div3A_2337 : vector<24x128xf32>
    %sub3A_2339 = arith.subf %get3A_2330, %div3A_2338 : vector<24x128xf32>
    %get3A_2340 = arith.constant 0 : index
    %get3A_2341 = arith.constant 24 : index
    %get3A_2342 = arith.constant 0 : index
    %get3A_2343 = vector.load %arg1[%get3A_2340, %get3A_2341, %get3A_2342] : memref<8x72x128xf32, #tpu.memory_space<vmem>>, vector<1x24x128xf32>
    %get3A_2344 = vector.shape_cast %get3A_2343 : vector<1x24x128xf32> to vector<24x128xf32>
    %get3A_2345 = arith.constant 2 : index
    %get3A_2346 = arith.constant 24 : index
    %get3A_2347 = arith.constant 0 : index
    %get3A_2348 = vector.load %arg1[%get3A_2345, %get3A_2346, %get3A_2347] : memref<8x72x128xf32, #tpu.memory_space<vmem>>, vector<1x24x128xf32>
    %get3A_2349 = vector.shape_cast %get3A_2348 : vector<1x24x128xf32> to vector<24x128xf32>
    %div3A_2350 = arith.constant 2.000000e+00 : f32
    %div3A_2351 = vector.broadcast %div3A_2350 : f32 to vector<24x128xf32>
    %div3A_2352 = arith.divf %get3A_2349, %div3A_2351 : vector<24x128xf32>
    %add3A_2353 = arith.addf %get3A_2344, %div3A_2352 : vector<24x128xf32>
    %get3A_2354 = arith.constant 1 : index
    %get3A_2355 = arith.constant 24 : index
    %get3A_2356 = arith.constant 0 : index
    %get3A_2357 = vector.load %arg1[%get3A_2354, %get3A_2355, %get3A_2356] : memref<8x72x128xf32, #tpu.memory_space<vmem>>, vector<1x24x128xf32>
    %get3A_2358 = vector.shape_cast %get3A_2357 : vector<1x24x128xf32> to vector<24x128xf32>
    %get3A_2359 = arith.constant 3 : index
    %get3A_2360 = arith.constant 24 : index
    %get3A_2361 = arith.constant 0 : index
    %get3A_2362 = vector.load %arg1[%get3A_2359, %get3A_2360, %get3A_2361] : memref<8x72x128xf32, #tpu.memory_space<vmem>>, vector<1x24x128xf32>
    %get3A_2363 = vector.shape_cast %get3A_2362 : vector<1x24x128xf32> to vector<24x128xf32>
    %div3A_2364 = arith.constant 2.000000e+00 : f32
    %div3A_2365 = vector.broadcast %div3A_2364 : f32 to vector<24x128xf32>
    %div3A_2366 = arith.divf %get3A_2363, %div3A_2365 : vector<24x128xf32>
    %sub3A_2367 = arith.subf %get3A_2358, %div3A_2366 : vector<24x128xf32>
    %get3A_2368 = arith.constant 1 : index
    %get3A_2369 = arith.constant 24 : index
    %get3A_2370 = arith.constant 0 : index
    %get3A_2371 = vector.load %arg1[%get3A_2368, %get3A_2369, %get3A_2370] : memref<8x72x128xf32, #tpu.memory_space<vmem>>, vector<1x24x128xf32>
    %get3A_2372 = vector.shape_cast %get3A_2371 : vector<1x24x128xf32> to vector<24x128xf32>
    %get3A_2373 = arith.constant 3 : index
    %get3A_2374 = arith.constant 24 : index
    %get3A_2375 = arith.constant 0 : index
    %get3A_2376 = vector.load %arg1[%get3A_2373, %get3A_2374, %get3A_2375] : memref<8x72x128xf32, #tpu.memory_space<vmem>>, vector<1x24x128xf32>
    %get3A_2377 = vector.shape_cast %get3A_2376 : vector<1x24x128xf32> to vector<24x128xf32>
    %div3A_2378 = arith.constant 2.000000e+00 : f32
    %div3A_2379 = vector.broadcast %div3A_2378 : f32 to vector<24x128xf32>
    %div3A_2380 = arith.divf %get3A_2377, %div3A_2379 : vector<24x128xf32>
    %add3A_2381 = arith.addf %get3A_2372, %div3A_2380 : vector<24x128xf32>
    %min3A_2382 = arith.minimumf %add3A_2317, %add3A_2353 : vector<24x128xf32>
    %max3A_2383 = arith.maximumf %sub3A_2313, %sub3A_2339 : vector<24x128xf32>
    %sub3A_2384 = arith.subf %min3A_2382, %max3A_2383 : vector<24x128xf32>
    %jit3A_2385 = arith.constant 0.000000e+00 : f32
    %max3A_2386 = vector.broadcast %jit3A_2385 : f32 to vector<24x128xf32>
    %max3A_2387 = arith.maximumf %max3A_2386, %sub3A_2384 : vector<24x128xf32>
    %min3A_2388 = arith.minimumf %add3A_2325, %add3A_2381 : vector<24x128xf32>
    %max3A_2389 = arith.maximumf %sub3A_2321, %sub3A_2367 : vector<24x128xf32>
    %sub3A_2390 = arith.subf %min3A_2388, %max3A_2389 : vector<24x128xf32>
    %jit3A_2391 = arith.constant 0.000000e+00 : f32
    %max3A_2392 = vector.broadcast %jit3A_2391 : f32 to vector<24x128xf32>
    %max3A_2393 = arith.maximumf %max3A_2392, %sub3A_2390 : vector<24x128xf32>
    %mul3A_2394 = arith.mulf %max3A_2387, %max3A_2393 : vector<24x128xf32>
    %sub3A_2395 = arith.subf %add3A_2317, %sub3A_2313 : vector<24x128xf32>
    %sub3A_2396 = arith.subf %add3A_2325, %sub3A_2321 : vector<24x128xf32>
    %add3A_2397 = arith.constant 1.000000e-07 : f32
    %add3A_2398 = vector.broadcast %add3A_2397 : f32 to vector<24x128xf32>
    %add3A_2399 = arith.addf %sub3A_2396, %add3A_2398 : vector<24x128xf32>
    %sub3A_2400 = arith.subf %add3A_2353, %sub3A_2339 : vector<24x128xf32>
    %sub3A_2401 = arith.subf %add3A_2381, %sub3A_2367 : vector<24x128xf32>
    %add3A_2402 = arith.constant 1.000000e-07 : f32
    %add3A_2403 = vector.broadcast %add3A_2402 : f32 to vector<24x128xf32>
    %add3A_2404 = arith.addf %sub3A_2401, %add3A_2403 : vector<24x128xf32>
    %mul3A_2405 = arith.mulf %sub3A_2395, %add3A_2399 : vector<24x128xf32>
    %mul3A_2406 = arith.mulf %sub3A_2400, %add3A_2404 : vector<24x128xf32>
    %add3A_2407 = arith.addf %mul3A_2405, %mul3A_2406 : vector<24x128xf32>
    %sub3A_2408 = arith.subf %add3A_2407, %mul3A_2394 : vector<24x128xf32>
    %add3A_2409 = arith.constant 1.000000e-07 : f32
    %add3A_2410 = vector.broadcast %add3A_2409 : f32 to vector<24x128xf32>
    %add3A_2411 = arith.addf %sub3A_2408, %add3A_2410 : vector<24x128xf32>
    %div3A_2412 = arith.divf %mul3A_2394, %add3A_2411 : vector<24x128xf32>
    %max3A_2413 = arith.maximumf %add3A_2317, %add3A_2353 : vector<24x128xf32>
    %min3A_2414 = arith.minimumf %sub3A_2313, %sub3A_2339 : vector<24x128xf32>
    %sub3A_2415 = arith.subf %max3A_2413, %min3A_2414 : vector<24x128xf32>
    %max3A_2416 = arith.maximumf %add3A_2325, %add3A_2381 : vector<24x128xf32>
    %min3A_2417 = arith.minimumf %sub3A_2321, %sub3A_2367 : vector<24x128xf32>
    %sub3A_2418 = arith.subf %max3A_2416, %min3A_2417 : vector<24x128xf32>
    %integer_pow3A_2419 = arith.mulf %sub3A_2415, %sub3A_2415 : vector<24x128xf32>
    %integer_pow3A_2420 = arith.mulf %sub3A_2418, %sub3A_2418 : vector<24x128xf32>
    %add3A_2421 = arith.addf %integer_pow3A_2419, %integer_pow3A_2420 : vector<24x128xf32>
    %add3A_2422 = arith.constant 1.000000e-07 : f32
    %add3A_2423 = vector.broadcast %add3A_2422 : f32 to vector<24x128xf32>
    %add3A_2424 = arith.addf %add3A_2421, %add3A_2423 : vector<24x128xf32>
    %add3A_2425 = arith.addf %sub3A_2339, %add3A_2353 : vector<24x128xf32>
    %sub3A_2426 = arith.subf %add3A_2425, %sub3A_2313 : vector<24x128xf32>
    %sub3A_2427 = arith.subf %sub3A_2426, %add3A_2317 : vector<24x128xf32>
    %integer_pow3A_2428 = arith.mulf %sub3A_2427, %sub3A_2427 : vector<24x128xf32>
    %add3A_2429 = arith.addf %sub3A_2367, %add3A_2381 : vector<24x128xf32>
    %sub3A_2430 = arith.subf %add3A_2429, %sub3A_2321 : vector<24x128xf32>
    %sub3A_2431 = arith.subf %sub3A_2430, %add3A_2325 : vector<24x128xf32>
    %integer_pow3A_2432 = arith.mulf %sub3A_2431, %sub3A_2431 : vector<24x128xf32>
    %add3A_2433 = arith.addf %integer_pow3A_2428, %integer_pow3A_2432 : vector<24x128xf32>
    %div3A_2434 = arith.constant 4.000000e+00 : f32
    %div3A_2435 = vector.broadcast %div3A_2434 : f32 to vector<24x128xf32>
    %div3A_2436 = arith.divf %add3A_2433, %div3A_2435 : vector<24x128xf32>
    %div3A_2437 = arith.divf %sub3A_2400, %add3A_2404 : vector<24x128xf32>
    %gt3A_2438 = arith.constant 2.41421366 : f32
    %gt3A_2439 = vector.broadcast %gt3A_2438 : f32 to vector<24x128xf32>
    %gt3A_2440 = arith.cmpf ogt, %div3A_2437, %gt3A_2439 : vector<24x128xf32>
    %gt3A_2441 = arith.constant 0.414213568 : f32
    %gt3A_2442 = vector.broadcast %gt3A_2441 : f32 to vector<24x128xf32>
    %gt3A_2443 = arith.cmpf ogt, %div3A_2437, %gt3A_2442 : vector<24x128xf32>
    %max3A_2444 = arith.constant 1.000000e-30 : f32
    %max3A_2445 = vector.broadcast %max3A_2444 : f32 to vector<24x128xf32>
    %max3A_2446 = arith.maximumf %div3A_2437, %max3A_2445 : vector<24x128xf32>
    %div3A_2447 = arith.constant -1.000000e+00 : f32
    %div3A_2448 = vector.broadcast %div3A_2447 : f32 to vector<24x128xf32>
    %div3A_2449 = arith.divf %div3A_2448, %max3A_2446 : vector<24x128xf32>
    %sub3A_2450 = arith.constant 1.000000e+00 : f32
    %sub3A_2451 = vector.broadcast %sub3A_2450 : f32 to vector<24x128xf32>
    %sub3A_2452 = arith.subf %div3A_2437, %sub3A_2451 : vector<24x128xf32>
    %add3A_2453 = arith.constant 1.000000e+00 : f32
    %add3A_2454 = vector.broadcast %add3A_2453 : f32 to vector<24x128xf32>
    %add3A_2455 = arith.addf %div3A_2437, %add3A_2454 : vector<24x128xf32>
    %div3A_2456 = arith.divf %sub3A_2452, %add3A_2455 : vector<24x128xf32>
    %select_n3A_2457 = arith.select %gt3A_2443, %div3A_2456, %div3A_2437 : vector<24x128xi1>, vector<24x128xf32>
    %select_n3A_2458 = arith.select %gt3A_2440, %div3A_2449, %select_n3A_2457 : vector<24x128xi1>, vector<24x128xf32>
    %jit3A_2459 = arith.constant 0.785398185 : f32
    %jit3A_2460 = arith.constant 0.000000e+00 : f32
    %broadcast_in_dim3A_2461 = vector.broadcast %jit3A_2459 : f32 to vector<24x128xf32>
    %broadcast_in_dim3A_2462 = vector.broadcast %jit3A_2460 : f32 to vector<24x128xf32>
    %select_n3A_2463 = arith.select %gt3A_2443, %broadcast_in_dim3A_2461, %broadcast_in_dim3A_2462 : vector<24x128xi1>, vector<24x128xf32>
    %jit3A_2464 = arith.constant 1.57079637 : f32
    %broadcast_in_dim3A_2465 = vector.broadcast %jit3A_2464 : f32 to vector<24x128xf32>
    %select_n3A_2466 = arith.select %gt3A_2440, %broadcast_in_dim3A_2465, %select_n3A_2463 : vector<24x128xi1>, vector<24x128xf32>
    %mul3A_2467 = arith.mulf %select_n3A_2458, %select_n3A_2458 : vector<24x128xf32>
    %mul3A_2468 = arith.constant 0.0805374458 : f32
    %mul3A_2469 = vector.broadcast %mul3A_2468 : f32 to vector<24x128xf32>
    %mul3A_2470 = arith.mulf %mul3A_2469, %mul3A_2467 : vector<24x128xf32>
    %sub3A_2471 = arith.constant 0.138776854 : f32
    %sub3A_2472 = vector.broadcast %sub3A_2471 : f32 to vector<24x128xf32>
    %sub3A_2473 = arith.subf %mul3A_2470, %sub3A_2472 : vector<24x128xf32>
    %mul3A_2474 = arith.mulf %sub3A_2473, %mul3A_2467 : vector<24x128xf32>
    %add3A_2475 = arith.constant 0.199777111 : f32
    %add3A_2476 = vector.broadcast %add3A_2475 : f32 to vector<24x128xf32>
    %add3A_2477 = arith.addf %mul3A_2474, %add3A_2476 : vector<24x128xf32>
    %mul3A_2478 = arith.mulf %add3A_2477, %mul3A_2467 : vector<24x128xf32>
    %sub3A_2479 = arith.constant 0.333329499 : f32
    %sub3A_2480 = vector.broadcast %sub3A_2479 : f32 to vector<24x128xf32>
    %sub3A_2481 = arith.subf %mul3A_2478, %sub3A_2480 : vector<24x128xf32>
    %mul3A_2482 = arith.mulf %sub3A_2481, %mul3A_2467 : vector<24x128xf32>
    %mul3A_2483 = arith.mulf %mul3A_2482, %select_n3A_2458 : vector<24x128xf32>
    %add3A_2484 = arith.addf %mul3A_2483, %select_n3A_2458 : vector<24x128xf32>
    %add3A_2485 = arith.addf %select_n3A_2466, %add3A_2484 : vector<24x128xf32>
    %div3A_2486 = arith.divf %sub3A_2395, %add3A_2399 : vector<24x128xf32>
    %gt3A_2487 = arith.constant 2.41421366 : f32
    %gt3A_2488 = vector.broadcast %gt3A_2487 : f32 to vector<24x128xf32>
    %gt3A_2489 = arith.cmpf ogt, %div3A_2486, %gt3A_2488 : vector<24x128xf32>
    %gt3A_2490 = arith.constant 0.414213568 : f32
    %gt3A_2491 = vector.broadcast %gt3A_2490 : f32 to vector<24x128xf32>
    %gt3A_2492 = arith.cmpf ogt, %div3A_2486, %gt3A_2491 : vector<24x128xf32>
    %max3A_2493 = arith.constant 1.000000e-30 : f32
    %max3A_2494 = vector.broadcast %max3A_2493 : f32 to vector<24x128xf32>
    %max3A_2495 = arith.maximumf %div3A_2486, %max3A_2494 : vector<24x128xf32>
    %div3A_2496 = arith.constant -1.000000e+00 : f32
    %div3A_2497 = vector.broadcast %div3A_2496 : f32 to vector<24x128xf32>
    %div3A_2498 = arith.divf %div3A_2497, %max3A_2495 : vector<24x128xf32>
    %sub3A_2499 = arith.constant 1.000000e+00 : f32
    %sub3A_2500 = vector.broadcast %sub3A_2499 : f32 to vector<24x128xf32>
    %sub3A_2501 = arith.subf %div3A_2486, %sub3A_2500 : vector<24x128xf32>
    %add3A_2502 = arith.constant 1.000000e+00 : f32
    %add3A_2503 = vector.broadcast %add3A_2502 : f32 to vector<24x128xf32>
    %add3A_2504 = arith.addf %div3A_2486, %add3A_2503 : vector<24x128xf32>
    %div3A_2505 = arith.divf %sub3A_2501, %add3A_2504 : vector<24x128xf32>
    %select_n3A_2506 = arith.select %gt3A_2492, %div3A_2505, %div3A_2486 : vector<24x128xi1>, vector<24x128xf32>
    %select_n3A_2507 = arith.select %gt3A_2489, %div3A_2498, %select_n3A_2506 : vector<24x128xi1>, vector<24x128xf32>
    %jit3A_2508 = arith.constant 0.785398185 : f32
    %jit3A_2509 = arith.constant 0.000000e+00 : f32
    %broadcast_in_dim3A_2510 = vector.broadcast %jit3A_2508 : f32 to vector<24x128xf32>
    %broadcast_in_dim3A_2511 = vector.broadcast %jit3A_2509 : f32 to vector<24x128xf32>
    %select_n3A_2512 = arith.select %gt3A_2492, %broadcast_in_dim3A_2510, %broadcast_in_dim3A_2511 : vector<24x128xi1>, vector<24x128xf32>
    %jit3A_2513 = arith.constant 1.57079637 : f32
    %broadcast_in_dim3A_2514 = vector.broadcast %jit3A_2513 : f32 to vector<24x128xf32>
    %select_n3A_2515 = arith.select %gt3A_2489, %broadcast_in_dim3A_2514, %select_n3A_2512 : vector<24x128xi1>, vector<24x128xf32>
    %mul3A_2516 = arith.mulf %select_n3A_2507, %select_n3A_2507 : vector<24x128xf32>
    %mul3A_2517 = arith.constant 0.0805374458 : f32
    %mul3A_2518 = vector.broadcast %mul3A_2517 : f32 to vector<24x128xf32>
    %mul3A_2519 = arith.mulf %mul3A_2518, %mul3A_2516 : vector<24x128xf32>
    %sub3A_2520 = arith.constant 0.138776854 : f32
    %sub3A_2521 = vector.broadcast %sub3A_2520 : f32 to vector<24x128xf32>
    %sub3A_2522 = arith.subf %mul3A_2519, %sub3A_2521 : vector<24x128xf32>
    %mul3A_2523 = arith.mulf %sub3A_2522, %mul3A_2516 : vector<24x128xf32>
    %add3A_2524 = arith.constant 0.199777111 : f32
    %add3A_2525 = vector.broadcast %add3A_2524 : f32 to vector<24x128xf32>
    %add3A_2526 = arith.addf %mul3A_2523, %add3A_2525 : vector<24x128xf32>
    %mul3A_2527 = arith.mulf %add3A_2526, %mul3A_2516 : vector<24x128xf32>
    %sub3A_2528 = arith.constant 0.333329499 : f32
    %sub3A_2529 = vector.broadcast %sub3A_2528 : f32 to vector<24x128xf32>
    %sub3A_2530 = arith.subf %mul3A_2527, %sub3A_2529 : vector<24x128xf32>
    %mul3A_2531 = arith.mulf %sub3A_2530, %mul3A_2516 : vector<24x128xf32>
    %mul3A_2532 = arith.mulf %mul3A_2531, %select_n3A_2507 : vector<24x128xf32>
    %add3A_2533 = arith.addf %mul3A_2532, %select_n3A_2507 : vector<24x128xf32>
    %add3A_2534 = arith.addf %select_n3A_2515, %add3A_2533 : vector<24x128xf32>
    %sub3A_2535 = arith.subf %add3A_2485, %add3A_2534 : vector<24x128xf32>
    %integer_pow3A_2536 = arith.mulf %sub3A_2535, %sub3A_2535 : vector<24x128xf32>
    %mul3A_2537 = arith.constant 0.405284733 : f32
    %mul3A_2538 = vector.broadcast %mul3A_2537 : f32 to vector<24x128xf32>
    %mul3A_2539 = arith.mulf %mul3A_2538, %integer_pow3A_2536 : vector<24x128xf32>
    %sub3A_2540 = arith.subf %mul3A_2539, %div3A_2412 : vector<24x128xf32>
    %add3A_2541 = arith.constant 1.00000012 : f32
    %add3A_2542 = vector.broadcast %add3A_2541 : f32 to vector<24x128xf32>
    %add3A_2543 = arith.addf %sub3A_2540, %add3A_2542 : vector<24x128xf32>
    %div3A_2544 = arith.divf %mul3A_2539, %add3A_2543 : vector<24x128xf32>
    %div3A_2545 = arith.divf %div3A_2436, %add3A_2424 : vector<24x128xf32>
    %mul3A_2546 = arith.mulf %mul3A_2539, %div3A_2544 : vector<24x128xf32>
    %add3A_2547 = arith.addf %div3A_2545, %mul3A_2546 : vector<24x128xf32>
    %sub3A_2548 = arith.subf %div3A_2412, %add3A_2547 : vector<24x128xf32>
    %reduce_sum3A_2549 = arith.constant dense<0.000000e+00> : vector<128xf32>
    %reduce_sum3A_2550 = vector.multi_reduction <add>, %get3A_2217, %reduce_sum3A_2549 [0] : vector<24x128xf32> to vector<128xf32>
    %broadcast_in_dim3A_2551 = vector.shape_cast %reduce_sum3A_2550 : vector<128xf32> to vector<1x128xf32>
    %sub3A_2552 = arith.constant 1.000000e+00 : f32
    %sub3A_2553 = vector.broadcast %sub3A_2552 : f32 to vector<24x128xf32>
    %sub3A_2554 = arith.subf %sub3A_2553, %sub3A_2548 : vector<24x128xf32>
    %mul3A_2555 = arith.mulf %sub3A_2554, %get3A_2217 : vector<24x128xf32>
    %reduce_sum3A_2556 = arith.constant dense<0.000000e+00> : vector<128xf32>
    %reduce_sum3A_2557 = vector.multi_reduction <add>, %mul3A_2555, %reduce_sum3A_2556 [0] : vector<24x128xf32> to vector<128xf32>
    %broadcast_in_dim3A_2558 = vector.shape_cast %reduce_sum3A_2557 : vector<128xf32> to vector<1x128xf32>
    %slice3A_2559 = vector.extract_strided_slice %sub3A {offsets = [24, 0], sizes = [24, 128], strides = [1, 1]} : vector<72x128xf32> to vector<24x128xf32>
    %mul3A_2560 = arith.mulf %slice3A_2559, %get3A_2217 : vector<24x128xf32>
    %reduce_sum3A_2561 = arith.constant dense<0.000000e+00> : vector<128xf32>
    %reduce_sum3A_2562 = vector.multi_reduction <add>, %mul3A_2560, %reduce_sum3A_2561 [0] : vector<24x128xf32> to vector<128xf32>
    %broadcast_in_dim3A_2563 = vector.shape_cast %reduce_sum3A_2562 : vector<128xf32> to vector<1x128xf32>
    %get3A_2564 = arith.constant 4 : index
    %get3A_2565 = arith.constant 24 : index
    %get3A_2566 = arith.constant 0 : index
    %get3A_2567 = vector.load %arg0[%get3A_2564, %get3A_2565, %get3A_2566] : memref<85x72x128xf32, #tpu.memory_space<vmem>>, vector<1x24x128xf32>
    %get3A_2568 = vector.shape_cast %get3A_2567 : vector<1x24x128xf32> to vector<24x128xf32>
    %jit3A_2569 = arith.constant 0.000000e+00 : f32
    %max3A_2570 = vector.broadcast %jit3A_2569 : f32 to vector<24x128xf32>
    %max3A_2571 = arith.maximumf %max3A_2570, %div3A_2412 : vector<24x128xf32>
    %mul3A_2572 = arith.mulf %get3A_2568, %max3A_2571 : vector<24x128xf32>
    %mul3A_2573 = arith.mulf %mul3A_2572, %get3A_2217 : vector<24x128xf32>
    %reduce_sum3A_2574 = arith.constant dense<0.000000e+00> : vector<128xf32>
    %reduce_sum3A_2575 = vector.multi_reduction <add>, %mul3A_2573, %reduce_sum3A_2574 [0] : vector<24x128xf32> to vector<128xf32>
    %broadcast_in_dim3A_2576 = vector.shape_cast %reduce_sum3A_2575 : vector<128xf32> to vector<1x128xf32>
    %get3A_2577 = arith.constant 6 : index
    %get3A_2578 = arith.constant 48 : index
    %get3A_2579 = arith.constant 0 : index
    %get3A_2580 = vector.load %arg1[%get3A_2577, %get3A_2578, %get3A_2579] : memref<8x72x128xf32, #tpu.memory_space<vmem>>, vector<1x24x128xf32>
    %get3A_2581 = vector.shape_cast %get3A_2580 : vector<1x24x128xf32> to vector<24x128xf32>
    %get3A_2582 = arith.constant 0 : index
    %get3A_2583 = arith.constant 48 : index
    %get3A_2584 = arith.constant 0 : index
    %get3A_2585 = vector.load %arg0[%get3A_2582, %get3A_2583, %get3A_2584] : memref<85x72x128xf32, #tpu.memory_space<vmem>>, vector<1x24x128xf32>
    %get3A_2586 = vector.shape_cast %get3A_2585 : vector<1x24x128xf32> to vector<24x128xf32>
    %neg3A_2587 = arith.constant 0.000000e+00 : f32
    %neg3A_2588 = vector.broadcast %neg3A_2587 : f32 to vector<24x128xf32>
    %neg3A_2589 = arith.subf %neg3A_2588, %get3A_2586 : vector<24x128xf32>
    %exp3A_2590 = math.exp %neg3A_2589 : vector<24x128xf32>
    %add3A_2591 = arith.constant 1.000000e+00 : f32
    %add3A_2592 = vector.broadcast %add3A_2591 : f32 to vector<24x128xf32>
    %add3A_2593 = arith.addf %add3A_2592, %exp3A_2590 : vector<24x128xf32>
    %div3A_2594 = arith.constant 1.000000e+00 : f32
    %div3A_2595 = vector.broadcast %div3A_2594 : f32 to vector<24x128xf32>
    %div3A_2596 = arith.divf %div3A_2595, %add3A_2593 : vector<24x128xf32>
    %get3A_2597 = arith.constant 1 : index
    %get3A_2598 = arith.constant 48 : index
    %get3A_2599 = arith.constant 0 : index
    %get3A_2600 = vector.load %arg0[%get3A_2597, %get3A_2598, %get3A_2599] : memref<85x72x128xf32, #tpu.memory_space<vmem>>, vector<1x24x128xf32>
    %get3A_2601 = vector.shape_cast %get3A_2600 : vector<1x24x128xf32> to vector<24x128xf32>
    %neg3A_2602 = arith.constant 0.000000e+00 : f32
    %neg3A_2603 = vector.broadcast %neg3A_2602 : f32 to vector<24x128xf32>
    %neg3A_2604 = arith.subf %neg3A_2603, %get3A_2601 : vector<24x128xf32>
    %exp3A_2605 = math.exp %neg3A_2604 : vector<24x128xf32>
    %add3A_2606 = arith.constant 1.000000e+00 : f32
    %add3A_2607 = vector.broadcast %add3A_2606 : f32 to vector<24x128xf32>
    %add3A_2608 = arith.addf %add3A_2607, %exp3A_2605 : vector<24x128xf32>
    %div3A_2609 = arith.constant 1.000000e+00 : f32
    %div3A_2610 = vector.broadcast %div3A_2609 : f32 to vector<24x128xf32>
    %div3A_2611 = arith.divf %div3A_2610, %add3A_2608 : vector<24x128xf32>
    %get3A_2612 = arith.constant 2 : index
    %get3A_2613 = arith.constant 48 : index
    %get3A_2614 = arith.constant 0 : index
    %get3A_2615 = vector.load %arg0[%get3A_2612, %get3A_2613, %get3A_2614] : memref<85x72x128xf32, #tpu.memory_space<vmem>>, vector<1x24x128xf32>
    %get3A_2616 = vector.shape_cast %get3A_2615 : vector<1x24x128xf32> to vector<24x128xf32>
    %neg3A_2617 = arith.constant 0.000000e+00 : f32
    %neg3A_2618 = vector.broadcast %neg3A_2617 : f32 to vector<24x128xf32>
    %neg3A_2619 = arith.subf %neg3A_2618, %get3A_2616 : vector<24x128xf32>
    %exp3A_2620 = math.exp %neg3A_2619 : vector<24x128xf32>
    %add3A_2621 = arith.constant 1.000000e+00 : f32
    %add3A_2622 = vector.broadcast %add3A_2621 : f32 to vector<24x128xf32>
    %add3A_2623 = arith.addf %add3A_2622, %exp3A_2620 : vector<24x128xf32>
    %div3A_2624 = arith.constant 1.000000e+00 : f32
    %div3A_2625 = vector.broadcast %div3A_2624 : f32 to vector<24x128xf32>
    %div3A_2626 = arith.divf %div3A_2625, %add3A_2623 : vector<24x128xf32>
    %get3A_2627 = arith.constant 3 : index
    %get3A_2628 = arith.constant 48 : index
    %get3A_2629 = arith.constant 0 : index
    %get3A_2630 = vector.load %arg0[%get3A_2627, %get3A_2628, %get3A_2629] : memref<85x72x128xf32, #tpu.memory_space<vmem>>, vector<1x24x128xf32>
    %get3A_2631 = vector.shape_cast %get3A_2630 : vector<1x24x128xf32> to vector<24x128xf32>
    %neg3A_2632 = arith.constant 0.000000e+00 : f32
    %neg3A_2633 = vector.broadcast %neg3A_2632 : f32 to vector<24x128xf32>
    %neg3A_2634 = arith.subf %neg3A_2633, %get3A_2631 : vector<24x128xf32>
    %exp3A_2635 = math.exp %neg3A_2634 : vector<24x128xf32>
    %add3A_2636 = arith.constant 1.000000e+00 : f32
    %add3A_2637 = vector.broadcast %add3A_2636 : f32 to vector<24x128xf32>
    %add3A_2638 = arith.addf %add3A_2637, %exp3A_2635 : vector<24x128xf32>
    %div3A_2639 = arith.constant 1.000000e+00 : f32
    %div3A_2640 = vector.broadcast %div3A_2639 : f32 to vector<24x128xf32>
    %div3A_2641 = arith.divf %div3A_2640, %add3A_2638 : vector<24x128xf32>
    %mul3A_2642 = arith.constant 2.000000e+00 : f32
    %mul3A_2643 = vector.broadcast %mul3A_2642 : f32 to vector<24x128xf32>
    %mul3A_2644 = arith.mulf %div3A_2596, %mul3A_2643 : vector<24x128xf32>
    %sub3A_2645 = arith.constant 5.000000e-01 : f32
    %sub3A_2646 = vector.broadcast %sub3A_2645 : f32 to vector<24x128xf32>
    %sub3A_2647 = arith.subf %mul3A_2644, %sub3A_2646 : vector<24x128xf32>
    %mul3A_2648 = arith.constant 2.000000e+00 : f32
    %mul3A_2649 = vector.broadcast %mul3A_2648 : f32 to vector<24x128xf32>
    %mul3A_2650 = arith.mulf %div3A_2611, %mul3A_2649 : vector<24x128xf32>
    %sub3A_2651 = arith.constant 5.000000e-01 : f32
    %sub3A_2652 = vector.broadcast %sub3A_2651 : f32 to vector<24x128xf32>
    %sub3A_2653 = arith.subf %mul3A_2650, %sub3A_2652 : vector<24x128xf32>
    %mul3A_2654 = arith.constant 2.000000e+00 : f32
    %mul3A_2655 = vector.broadcast %mul3A_2654 : f32 to vector<24x128xf32>
    %mul3A_2656 = arith.mulf %div3A_2626, %mul3A_2655 : vector<24x128xf32>
    %integer_pow3A_2657 = arith.mulf %mul3A_2656, %mul3A_2656 : vector<24x128xf32>
    %get3A_2658 = arith.constant 4 : index
    %get3A_2659 = arith.constant 48 : index
    %get3A_2660 = arith.constant 0 : index
    %get3A_2661 = vector.load %arg1[%get3A_2658, %get3A_2659, %get3A_2660] : memref<8x72x128xf32, #tpu.memory_space<vmem>>, vector<1x24x128xf32>
    %get3A_2662 = vector.shape_cast %get3A_2661 : vector<1x24x128xf32> to vector<24x128xf32>
    %mul3A_2663 = arith.mulf %integer_pow3A_2657, %get3A_2662 : vector<24x128xf32>
    %mul3A_2664 = arith.constant 2.000000e+00 : f32
    %mul3A_2665 = vector.broadcast %mul3A_2664 : f32 to vector<24x128xf32>
    %mul3A_2666 = arith.mulf %div3A_2641, %mul3A_2665 : vector<24x128xf32>
    %integer_pow3A_2667 = arith.mulf %mul3A_2666, %mul3A_2666 : vector<24x128xf32>
    %get3A_2668 = arith.constant 5 : index
    %get3A_2669 = arith.constant 48 : index
    %get3A_2670 = arith.constant 0 : index
    %get3A_2671 = vector.load %arg1[%get3A_2668, %get3A_2669, %get3A_2670] : memref<8x72x128xf32, #tpu.memory_space<vmem>>, vector<1x24x128xf32>
    %get3A_2672 = vector.shape_cast %get3A_2671 : vector<1x24x128xf32> to vector<24x128xf32>
    %mul3A_2673 = arith.mulf %integer_pow3A_2667, %get3A_2672 : vector<24x128xf32>
    %div3A_2674 = arith.constant 2.000000e+00 : f32
    %div3A_2675 = vector.broadcast %div3A_2674 : f32 to vector<24x128xf32>
    %div3A_2676 = arith.divf %mul3A_2663, %div3A_2675 : vector<24x128xf32>
    %sub3A_2677 = arith.subf %sub3A_2647, %div3A_2676 : vector<24x128xf32>
    %div3A_2678 = arith.constant 2.000000e+00 : f32
    %div3A_2679 = vector.broadcast %div3A_2678 : f32 to vector<24x128xf32>
    %div3A_2680 = arith.divf %mul3A_2663, %div3A_2679 : vector<24x128xf32>
    %add3A_2681 = arith.addf %sub3A_2647, %div3A_2680 : vector<24x128xf32>
    %div3A_2682 = arith.constant 2.000000e+00 : f32
    %div3A_2683 = vector.broadcast %div3A_2682 : f32 to vector<24x128xf32>
    %div3A_2684 = arith.divf %mul3A_2673, %div3A_2683 : vector<24x128xf32>
    %sub3A_2685 = arith.subf %sub3A_2653, %div3A_2684 : vector<24x128xf32>
    %div3A_2686 = arith.constant 2.000000e+00 : f32
    %div3A_2687 = vector.broadcast %div3A_2686 : f32 to vector<24x128xf32>
    %div3A_2688 = arith.divf %mul3A_2673, %div3A_2687 : vector<24x128xf32>
    %add3A_2689 = arith.addf %sub3A_2653, %div3A_2688 : vector<24x128xf32>
    %get3A_2690 = arith.constant 0 : index
    %get3A_2691 = arith.constant 48 : index
    %get3A_2692 = arith.constant 0 : index
    %get3A_2693 = vector.load %arg1[%get3A_2690, %get3A_2691, %get3A_2692] : memref<8x72x128xf32, #tpu.memory_space<vmem>>, vector<1x24x128xf32>
    %get3A_2694 = vector.shape_cast %get3A_2693 : vector<1x24x128xf32> to vector<24x128xf32>
    %get3A_2695 = arith.constant 2 : index
    %get3A_2696 = arith.constant 48 : index
    %get3A_2697 = arith.constant 0 : index
    %get3A_2698 = vector.load %arg1[%get3A_2695, %get3A_2696, %get3A_2697] : memref<8x72x128xf32, #tpu.memory_space<vmem>>, vector<1x24x128xf32>
    %get3A_2699 = vector.shape_cast %get3A_2698 : vector<1x24x128xf32> to vector<24x128xf32>
    %div3A_2700 = arith.constant 2.000000e+00 : f32
    %div3A_2701 = vector.broadcast %div3A_2700 : f32 to vector<24x128xf32>
    %div3A_2702 = arith.divf %get3A_2699, %div3A_2701 : vector<24x128xf32>
    %sub3A_2703 = arith.subf %get3A_2694, %div3A_2702 : vector<24x128xf32>
    %get3A_2704 = arith.constant 0 : index
    %get3A_2705 = arith.constant 48 : index
    %get3A_2706 = arith.constant 0 : index
    %get3A_2707 = vector.load %arg1[%get3A_2704, %get3A_2705, %get3A_2706] : memref<8x72x128xf32, #tpu.memory_space<vmem>>, vector<1x24x128xf32>
    %get3A_2708 = vector.shape_cast %get3A_2707 : vector<1x24x128xf32> to vector<24x128xf32>
    %get3A_2709 = arith.constant 2 : index
    %get3A_2710 = arith.constant 48 : index
    %get3A_2711 = arith.constant 0 : index
    %get3A_2712 = vector.load %arg1[%get3A_2709, %get3A_2710, %get3A_2711] : memref<8x72x128xf32, #tpu.memory_space<vmem>>, vector<1x24x128xf32>
    %get3A_2713 = vector.shape_cast %get3A_2712 : vector<1x24x128xf32> to vector<24x128xf32>
    %div3A_2714 = arith.constant 2.000000e+00 : f32
    %div3A_2715 = vector.broadcast %div3A_2714 : f32 to vector<24x128xf32>
    %div3A_2716 = arith.divf %get3A_2713, %div3A_2715 : vector<24x128xf32>
    %add3A_2717 = arith.addf %get3A_2708, %div3A_2716 : vector<24x128xf32>
    %get3A_2718 = arith.constant 1 : index
    %get3A_2719 = arith.constant 48 : index
    %get3A_2720 = arith.constant 0 : index
    %get3A_2721 = vector.load %arg1[%get3A_2718, %get3A_2719, %get3A_2720] : memref<8x72x128xf32, #tpu.memory_space<vmem>>, vector<1x24x128xf32>
    %get3A_2722 = vector.shape_cast %get3A_2721 : vector<1x24x128xf32> to vector<24x128xf32>
    %get3A_2723 = arith.constant 3 : index
    %get3A_2724 = arith.constant 48 : index
    %get3A_2725 = arith.constant 0 : index
    %get3A_2726 = vector.load %arg1[%get3A_2723, %get3A_2724, %get3A_2725] : memref<8x72x128xf32, #tpu.memory_space<vmem>>, vector<1x24x128xf32>
    %get3A_2727 = vector.shape_cast %get3A_2726 : vector<1x24x128xf32> to vector<24x128xf32>
    %div3A_2728 = arith.constant 2.000000e+00 : f32
    %div3A_2729 = vector.broadcast %div3A_2728 : f32 to vector<24x128xf32>
    %div3A_2730 = arith.divf %get3A_2727, %div3A_2729 : vector<24x128xf32>
    %sub3A_2731 = arith.subf %get3A_2722, %div3A_2730 : vector<24x128xf32>
    %get3A_2732 = arith.constant 1 : index
    %get3A_2733 = arith.constant 48 : index
    %get3A_2734 = arith.constant 0 : index
    %get3A_2735 = vector.load %arg1[%get3A_2732, %get3A_2733, %get3A_2734] : memref<8x72x128xf32, #tpu.memory_space<vmem>>, vector<1x24x128xf32>
    %get3A_2736 = vector.shape_cast %get3A_2735 : vector<1x24x128xf32> to vector<24x128xf32>
    %get3A_2737 = arith.constant 3 : index
    %get3A_2738 = arith.constant 48 : index
    %get3A_2739 = arith.constant 0 : index
    %get3A_2740 = vector.load %arg1[%get3A_2737, %get3A_2738, %get3A_2739] : memref<8x72x128xf32, #tpu.memory_space<vmem>>, vector<1x24x128xf32>
    %get3A_2741 = vector.shape_cast %get3A_2740 : vector<1x24x128xf32> to vector<24x128xf32>
    %div3A_2742 = arith.constant 2.000000e+00 : f32
    %div3A_2743 = vector.broadcast %div3A_2742 : f32 to vector<24x128xf32>
    %div3A_2744 = arith.divf %get3A_2741, %div3A_2743 : vector<24x128xf32>
    %add3A_2745 = arith.addf %get3A_2736, %div3A_2744 : vector<24x128xf32>
    %min3A_2746 = arith.minimumf %add3A_2681, %add3A_2717 : vector<24x128xf32>
    %max3A_2747 = arith.maximumf %sub3A_2677, %sub3A_2703 : vector<24x128xf32>
    %sub3A_2748 = arith.subf %min3A_2746, %max3A_2747 : vector<24x128xf32>
    %jit3A_2749 = arith.constant 0.000000e+00 : f32
    %max3A_2750 = vector.broadcast %jit3A_2749 : f32 to vector<24x128xf32>
    %max3A_2751 = arith.maximumf %max3A_2750, %sub3A_2748 : vector<24x128xf32>
    %min3A_2752 = arith.minimumf %add3A_2689, %add3A_2745 : vector<24x128xf32>
    %max3A_2753 = arith.maximumf %sub3A_2685, %sub3A_2731 : vector<24x128xf32>
    %sub3A_2754 = arith.subf %min3A_2752, %max3A_2753 : vector<24x128xf32>
    %jit3A_2755 = arith.constant 0.000000e+00 : f32
    %max3A_2756 = vector.broadcast %jit3A_2755 : f32 to vector<24x128xf32>
    %max3A_2757 = arith.maximumf %max3A_2756, %sub3A_2754 : vector<24x128xf32>
    %mul3A_2758 = arith.mulf %max3A_2751, %max3A_2757 : vector<24x128xf32>
    %sub3A_2759 = arith.subf %add3A_2681, %sub3A_2677 : vector<24x128xf32>
    %sub3A_2760 = arith.subf %add3A_2689, %sub3A_2685 : vector<24x128xf32>
    %add3A_2761 = arith.constant 1.000000e-07 : f32
    %add3A_2762 = vector.broadcast %add3A_2761 : f32 to vector<24x128xf32>
    %add3A_2763 = arith.addf %sub3A_2760, %add3A_2762 : vector<24x128xf32>
    %sub3A_2764 = arith.subf %add3A_2717, %sub3A_2703 : vector<24x128xf32>
    %sub3A_2765 = arith.subf %add3A_2745, %sub3A_2731 : vector<24x128xf32>
    %add3A_2766 = arith.constant 1.000000e-07 : f32
    %add3A_2767 = vector.broadcast %add3A_2766 : f32 to vector<24x128xf32>
    %add3A_2768 = arith.addf %sub3A_2765, %add3A_2767 : vector<24x128xf32>
    %mul3A_2769 = arith.mulf %sub3A_2759, %add3A_2763 : vector<24x128xf32>
    %mul3A_2770 = arith.mulf %sub3A_2764, %add3A_2768 : vector<24x128xf32>
    %add3A_2771 = arith.addf %mul3A_2769, %mul3A_2770 : vector<24x128xf32>
    %sub3A_2772 = arith.subf %add3A_2771, %mul3A_2758 : vector<24x128xf32>
    %add3A_2773 = arith.constant 1.000000e-07 : f32
    %add3A_2774 = vector.broadcast %add3A_2773 : f32 to vector<24x128xf32>
    %add3A_2775 = arith.addf %sub3A_2772, %add3A_2774 : vector<24x128xf32>
    %div3A_2776 = arith.divf %mul3A_2758, %add3A_2775 : vector<24x128xf32>
    %max3A_2777 = arith.maximumf %add3A_2681, %add3A_2717 : vector<24x128xf32>
    %min3A_2778 = arith.minimumf %sub3A_2677, %sub3A_2703 : vector<24x128xf32>
    %sub3A_2779 = arith.subf %max3A_2777, %min3A_2778 : vector<24x128xf32>
    %max3A_2780 = arith.maximumf %add3A_2689, %add3A_2745 : vector<24x128xf32>
    %min3A_2781 = arith.minimumf %sub3A_2685, %sub3A_2731 : vector<24x128xf32>
    %sub3A_2782 = arith.subf %max3A_2780, %min3A_2781 : vector<24x128xf32>
    %integer_pow3A_2783 = arith.mulf %sub3A_2779, %sub3A_2779 : vector<24x128xf32>
    %integer_pow3A_2784 = arith.mulf %sub3A_2782, %sub3A_2782 : vector<24x128xf32>
    %add3A_2785 = arith.addf %integer_pow3A_2783, %integer_pow3A_2784 : vector<24x128xf32>
    %add3A_2786 = arith.constant 1.000000e-07 : f32
    %add3A_2787 = vector.broadcast %add3A_2786 : f32 to vector<24x128xf32>
    %add3A_2788 = arith.addf %add3A_2785, %add3A_2787 : vector<24x128xf32>
    %add3A_2789 = arith.addf %sub3A_2703, %add3A_2717 : vector<24x128xf32>
    %sub3A_2790 = arith.subf %add3A_2789, %sub3A_2677 : vector<24x128xf32>
    %sub3A_2791 = arith.subf %sub3A_2790, %add3A_2681 : vector<24x128xf32>
    %integer_pow3A_2792 = arith.mulf %sub3A_2791, %sub3A_2791 : vector<24x128xf32>
    %add3A_2793 = arith.addf %sub3A_2731, %add3A_2745 : vector<24x128xf32>
    %sub3A_2794 = arith.subf %add3A_2793, %sub3A_2685 : vector<24x128xf32>
    %sub3A_2795 = arith.subf %sub3A_2794, %add3A_2689 : vector<24x128xf32>
    %integer_pow3A_2796 = arith.mulf %sub3A_2795, %sub3A_2795 : vector<24x128xf32>
    %add3A_2797 = arith.addf %integer_pow3A_2792, %integer_pow3A_2796 : vector<24x128xf32>
    %div3A_2798 = arith.constant 4.000000e+00 : f32
    %div3A_2799 = vector.broadcast %div3A_2798 : f32 to vector<24x128xf32>
    %div3A_2800 = arith.divf %add3A_2797, %div3A_2799 : vector<24x128xf32>
    %div3A_2801 = arith.divf %sub3A_2764, %add3A_2768 : vector<24x128xf32>
    %gt3A_2802 = arith.constant 2.41421366 : f32
    %gt3A_2803 = vector.broadcast %gt3A_2802 : f32 to vector<24x128xf32>
    %gt3A_2804 = arith.cmpf ogt, %div3A_2801, %gt3A_2803 : vector<24x128xf32>
    %gt3A_2805 = arith.constant 0.414213568 : f32
    %gt3A_2806 = vector.broadcast %gt3A_2805 : f32 to vector<24x128xf32>
    %gt3A_2807 = arith.cmpf ogt, %div3A_2801, %gt3A_2806 : vector<24x128xf32>
    %max3A_2808 = arith.constant 1.000000e-30 : f32
    %max3A_2809 = vector.broadcast %max3A_2808 : f32 to vector<24x128xf32>
    %max3A_2810 = arith.maximumf %div3A_2801, %max3A_2809 : vector<24x128xf32>
    %div3A_2811 = arith.constant -1.000000e+00 : f32
    %div3A_2812 = vector.broadcast %div3A_2811 : f32 to vector<24x128xf32>
    %div3A_2813 = arith.divf %div3A_2812, %max3A_2810 : vector<24x128xf32>
    %sub3A_2814 = arith.constant 1.000000e+00 : f32
    %sub3A_2815 = vector.broadcast %sub3A_2814 : f32 to vector<24x128xf32>
    %sub3A_2816 = arith.subf %div3A_2801, %sub3A_2815 : vector<24x128xf32>
    %add3A_2817 = arith.constant 1.000000e+00 : f32
    %add3A_2818 = vector.broadcast %add3A_2817 : f32 to vector<24x128xf32>
    %add3A_2819 = arith.addf %div3A_2801, %add3A_2818 : vector<24x128xf32>
    %div3A_2820 = arith.divf %sub3A_2816, %add3A_2819 : vector<24x128xf32>
    %select_n3A_2821 = arith.select %gt3A_2807, %div3A_2820, %div3A_2801 : vector<24x128xi1>, vector<24x128xf32>
    %select_n3A_2822 = arith.select %gt3A_2804, %div3A_2813, %select_n3A_2821 : vector<24x128xi1>, vector<24x128xf32>
    %jit3A_2823 = arith.constant 0.785398185 : f32
    %jit3A_2824 = arith.constant 0.000000e+00 : f32
    %broadcast_in_dim3A_2825 = vector.broadcast %jit3A_2823 : f32 to vector<24x128xf32>
    %broadcast_in_dim3A_2826 = vector.broadcast %jit3A_2824 : f32 to vector<24x128xf32>
    %select_n3A_2827 = arith.select %gt3A_2807, %broadcast_in_dim3A_2825, %broadcast_in_dim3A_2826 : vector<24x128xi1>, vector<24x128xf32>
    %jit3A_2828 = arith.constant 1.57079637 : f32
    %broadcast_in_dim3A_2829 = vector.broadcast %jit3A_2828 : f32 to vector<24x128xf32>
    %select_n3A_2830 = arith.select %gt3A_2804, %broadcast_in_dim3A_2829, %select_n3A_2827 : vector<24x128xi1>, vector<24x128xf32>
    %mul3A_2831 = arith.mulf %select_n3A_2822, %select_n3A_2822 : vector<24x128xf32>
    %mul3A_2832 = arith.constant 0.0805374458 : f32
    %mul3A_2833 = vector.broadcast %mul3A_2832 : f32 to vector<24x128xf32>
    %mul3A_2834 = arith.mulf %mul3A_2833, %mul3A_2831 : vector<24x128xf32>
    %sub3A_2835 = arith.constant 0.138776854 : f32
    %sub3A_2836 = vector.broadcast %sub3A_2835 : f32 to vector<24x128xf32>
    %sub3A_2837 = arith.subf %mul3A_2834, %sub3A_2836 : vector<24x128xf32>
    %mul3A_2838 = arith.mulf %sub3A_2837, %mul3A_2831 : vector<24x128xf32>
    %add3A_2839 = arith.constant 0.199777111 : f32
    %add3A_2840 = vector.broadcast %add3A_2839 : f32 to vector<24x128xf32>
    %add3A_2841 = arith.addf %mul3A_2838, %add3A_2840 : vector<24x128xf32>
    %mul3A_2842 = arith.mulf %add3A_2841, %mul3A_2831 : vector<24x128xf32>
    %sub3A_2843 = arith.constant 0.333329499 : f32
    %sub3A_2844 = vector.broadcast %sub3A_2843 : f32 to vector<24x128xf32>
    %sub3A_2845 = arith.subf %mul3A_2842, %sub3A_2844 : vector<24x128xf32>
    %mul3A_2846 = arith.mulf %sub3A_2845, %mul3A_2831 : vector<24x128xf32>
    %mul3A_2847 = arith.mulf %mul3A_2846, %select_n3A_2822 : vector<24x128xf32>
    %add3A_2848 = arith.addf %mul3A_2847, %select_n3A_2822 : vector<24x128xf32>
    %add3A_2849 = arith.addf %select_n3A_2830, %add3A_2848 : vector<24x128xf32>
    %div3A_2850 = arith.divf %sub3A_2759, %add3A_2763 : vector<24x128xf32>
    %gt3A_2851 = arith.constant 2.41421366 : f32
    %gt3A_2852 = vector.broadcast %gt3A_2851 : f32 to vector<24x128xf32>
    %gt3A_2853 = arith.cmpf ogt, %div3A_2850, %gt3A_2852 : vector<24x128xf32>
    %gt3A_2854 = arith.constant 0.414213568 : f32
    %gt3A_2855 = vector.broadcast %gt3A_2854 : f32 to vector<24x128xf32>
    %gt3A_2856 = arith.cmpf ogt, %div3A_2850, %gt3A_2855 : vector<24x128xf32>
    %max3A_2857 = arith.constant 1.000000e-30 : f32
    %max3A_2858 = vector.broadcast %max3A_2857 : f32 to vector<24x128xf32>
    %max3A_2859 = arith.maximumf %div3A_2850, %max3A_2858 : vector<24x128xf32>
    %div3A_2860 = arith.constant -1.000000e+00 : f32
    %div3A_2861 = vector.broadcast %div3A_2860 : f32 to vector<24x128xf32>
    %div3A_2862 = arith.divf %div3A_2861, %max3A_2859 : vector<24x128xf32>
    %sub3A_2863 = arith.constant 1.000000e+00 : f32
    %sub3A_2864 = vector.broadcast %sub3A_2863 : f32 to vector<24x128xf32>
    %sub3A_2865 = arith.subf %div3A_2850, %sub3A_2864 : vector<24x128xf32>
    %add3A_2866 = arith.constant 1.000000e+00 : f32
    %add3A_2867 = vector.broadcast %add3A_2866 : f32 to vector<24x128xf32>
    %add3A_2868 = arith.addf %div3A_2850, %add3A_2867 : vector<24x128xf32>
    %div3A_2869 = arith.divf %sub3A_2865, %add3A_2868 : vector<24x128xf32>
    %select_n3A_2870 = arith.select %gt3A_2856, %div3A_2869, %div3A_2850 : vector<24x128xi1>, vector<24x128xf32>
    %select_n3A_2871 = arith.select %gt3A_2853, %div3A_2862, %select_n3A_2870 : vector<24x128xi1>, vector<24x128xf32>
    %jit3A_2872 = arith.constant 0.785398185 : f32
    %jit3A_2873 = arith.constant 0.000000e+00 : f32
    %broadcast_in_dim3A_2874 = vector.broadcast %jit3A_2872 : f32 to vector<24x128xf32>
    %broadcast_in_dim3A_2875 = vector.broadcast %jit3A_2873 : f32 to vector<24x128xf32>
    %select_n3A_2876 = arith.select %gt3A_2856, %broadcast_in_dim3A_2874, %broadcast_in_dim3A_2875 : vector<24x128xi1>, vector<24x128xf32>
    %jit3A_2877 = arith.constant 1.57079637 : f32
    %broadcast_in_dim3A_2878 = vector.broadcast %jit3A_2877 : f32 to vector<24x128xf32>
    %select_n3A_2879 = arith.select %gt3A_2853, %broadcast_in_dim3A_2878, %select_n3A_2876 : vector<24x128xi1>, vector<24x128xf32>
    %mul3A_2880 = arith.mulf %select_n3A_2871, %select_n3A_2871 : vector<24x128xf32>
    %mul3A_2881 = arith.constant 0.0805374458 : f32
    %mul3A_2882 = vector.broadcast %mul3A_2881 : f32 to vector<24x128xf32>
    %mul3A_2883 = arith.mulf %mul3A_2882, %mul3A_2880 : vector<24x128xf32>
    %sub3A_2884 = arith.constant 0.138776854 : f32
    %sub3A_2885 = vector.broadcast %sub3A_2884 : f32 to vector<24x128xf32>
    %sub3A_2886 = arith.subf %mul3A_2883, %sub3A_2885 : vector<24x128xf32>
    %mul3A_2887 = arith.mulf %sub3A_2886, %mul3A_2880 : vector<24x128xf32>
    %add3A_2888 = arith.constant 0.199777111 : f32
    %add3A_2889 = vector.broadcast %add3A_2888 : f32 to vector<24x128xf32>
    %add3A_2890 = arith.addf %mul3A_2887, %add3A_2889 : vector<24x128xf32>
    %mul3A_2891 = arith.mulf %add3A_2890, %mul3A_2880 : vector<24x128xf32>
    %sub3A_2892 = arith.constant 0.333329499 : f32
    %sub3A_2893 = vector.broadcast %sub3A_2892 : f32 to vector<24x128xf32>
    %sub3A_2894 = arith.subf %mul3A_2891, %sub3A_2893 : vector<24x128xf32>
    %mul3A_2895 = arith.mulf %sub3A_2894, %mul3A_2880 : vector<24x128xf32>
    %mul3A_2896 = arith.mulf %mul3A_2895, %select_n3A_2871 : vector<24x128xf32>
    %add3A_2897 = arith.addf %mul3A_2896, %select_n3A_2871 : vector<24x128xf32>
    %add3A_2898 = arith.addf %select_n3A_2879, %add3A_2897 : vector<24x128xf32>
    %sub3A_2899 = arith.subf %add3A_2849, %add3A_2898 : vector<24x128xf32>
    %integer_pow3A_2900 = arith.mulf %sub3A_2899, %sub3A_2899 : vector<24x128xf32>
    %mul3A_2901 = arith.constant 0.405284733 : f32
    %mul3A_2902 = vector.broadcast %mul3A_2901 : f32 to vector<24x128xf32>
    %mul3A_2903 = arith.mulf %mul3A_2902, %integer_pow3A_2900 : vector<24x128xf32>
    %sub3A_2904 = arith.subf %mul3A_2903, %div3A_2776 : vector<24x128xf32>
    %add3A_2905 = arith.constant 1.00000012 : f32
    %add3A_2906 = vector.broadcast %add3A_2905 : f32 to vector<24x128xf32>
    %add3A_2907 = arith.addf %sub3A_2904, %add3A_2906 : vector<24x128xf32>
    %div3A_2908 = arith.divf %mul3A_2903, %add3A_2907 : vector<24x128xf32>
    %div3A_2909 = arith.divf %div3A_2800, %add3A_2788 : vector<24x128xf32>
    %mul3A_2910 = arith.mulf %mul3A_2903, %div3A_2908 : vector<24x128xf32>
    %add3A_2911 = arith.addf %div3A_2909, %mul3A_2910 : vector<24x128xf32>
    %sub3A_2912 = arith.subf %div3A_2776, %add3A_2911 : vector<24x128xf32>
    %reduce_sum3A_2913 = arith.constant dense<0.000000e+00> : vector<128xf32>
    %reduce_sum3A_2914 = vector.multi_reduction <add>, %get3A_2581, %reduce_sum3A_2913 [0] : vector<24x128xf32> to vector<128xf32>
    %broadcast_in_dim3A_2915 = vector.shape_cast %reduce_sum3A_2914 : vector<128xf32> to vector<1x128xf32>
    %sub3A_2916 = arith.constant 1.000000e+00 : f32
    %sub3A_2917 = vector.broadcast %sub3A_2916 : f32 to vector<24x128xf32>
    %sub3A_2918 = arith.subf %sub3A_2917, %sub3A_2912 : vector<24x128xf32>
    %mul3A_2919 = arith.mulf %sub3A_2918, %get3A_2581 : vector<24x128xf32>
    %reduce_sum3A_2920 = arith.constant dense<0.000000e+00> : vector<128xf32>
    %reduce_sum3A_2921 = vector.multi_reduction <add>, %mul3A_2919, %reduce_sum3A_2920 [0] : vector<24x128xf32> to vector<128xf32>
    %broadcast_in_dim3A_2922 = vector.shape_cast %reduce_sum3A_2921 : vector<128xf32> to vector<1x128xf32>
    %slice3A_2923 = vector.extract_strided_slice %sub3A {offsets = [48, 0], sizes = [24, 128], strides = [1, 1]} : vector<72x128xf32> to vector<24x128xf32>
    %mul3A_2924 = arith.mulf %slice3A_2923, %get3A_2581 : vector<24x128xf32>
    %reduce_sum3A_2925 = arith.constant dense<0.000000e+00> : vector<128xf32>
    %reduce_sum3A_2926 = vector.multi_reduction <add>, %mul3A_2924, %reduce_sum3A_2925 [0] : vector<24x128xf32> to vector<128xf32>
    %broadcast_in_dim3A_2927 = vector.shape_cast %reduce_sum3A_2926 : vector<128xf32> to vector<1x128xf32>
    %get3A_2928 = arith.constant 4 : index
    %get3A_2929 = arith.constant 48 : index
    %get3A_2930 = arith.constant 0 : index
    %get3A_2931 = vector.load %arg0[%get3A_2928, %get3A_2929, %get3A_2930] : memref<85x72x128xf32, #tpu.memory_space<vmem>>, vector<1x24x128xf32>
    %get3A_2932 = vector.shape_cast %get3A_2931 : vector<1x24x128xf32> to vector<24x128xf32>
    %jit3A_2933 = arith.constant 0.000000e+00 : f32
    %max3A_2934 = vector.broadcast %jit3A_2933 : f32 to vector<24x128xf32>
    %max3A_2935 = arith.maximumf %max3A_2934, %div3A_2776 : vector<24x128xf32>
    %mul3A_2936 = arith.mulf %get3A_2932, %max3A_2935 : vector<24x128xf32>
    %mul3A_2937 = arith.mulf %mul3A_2936, %get3A_2581 : vector<24x128xf32>
    %reduce_sum3A_2938 = arith.constant dense<0.000000e+00> : vector<128xf32>
    %reduce_sum3A_2939 = vector.multi_reduction <add>, %mul3A_2937, %reduce_sum3A_2938 [0] : vector<24x128xf32> to vector<128xf32>
    %broadcast_in_dim3A_2940 = vector.shape_cast %reduce_sum3A_2939 : vector<128xf32> to vector<1x128xf32>
    %broadcast_in_dim3A_2941 = arith.constant 0.000000e+00 : f32
    %broadcast_in_dim3A_2942 = vector.broadcast %broadcast_in_dim3A_2941 : f32 to vector<4x128xf32>
    %concatenate3A = tpu.concatenate %broadcast_in_dim3A_2188, %broadcast_in_dim3A_2195, %broadcast_in_dim3A_2199, %broadcast_in_dim3A_2212, %broadcast_in_dim3A_2551, %broadcast_in_dim3A_2558, %broadcast_in_dim3A_2563, %broadcast_in_dim3A_2576, %broadcast_in_dim3A_2915, %broadcast_in_dim3A_2922, %broadcast_in_dim3A_2927, %broadcast_in_dim3A_2940, %broadcast_in_dim3A_2942 in 0 : vector<1x128xf32>, vector<1x128xf32>, vector<1x128xf32>, vector<1x128xf32>, vector<1x128xf32>, vector<1x128xf32>, vector<1x128xf32>, vector<1x128xf32>, vector<1x128xf32>, vector<1x128xf32>, vector<1x128xf32>, vector<1x128xf32>, vector<4x128xf32> -> vector<16x128xf32>
    %swap3A = arith.constant 0 : index
    %swap3A_2943 = arith.constant 0 : index
    %swap3A_2944 = vector.load %arg2[%swap3A, %swap3A_2943] : memref<16x128xf32, #tpu.memory_space<vmem>>, vector<16x128xf32>
    tpu.vector_store %arg2[%swap3A, %swap3A_2943], %concatenate3A {strides = array<i32>} : memref<16x128xf32, #tpu.memory_space<vmem>>, vector<16x128xf32>,
    return
  }
}

</mosaic_0001>

<sc_bundles>
// kernel: kernel.5.cloned.1.call-start
scs
__scs_entry_jumppad:
0x0: {  	(pc) =	sbr.rel $0x88, $3  }
0x1: {  	(tag) =	ssettag $0x0;
	lr =	simm.s32 $0x1  }
0x2: {  	[smem:$0x3F9D] =	sst lr;
	_ =	strace $0xD0000000  }
0x3: {  	_ = 	snop  }
0x4: {  	_ = 	snop  }
0x5: {  	_ = 	snop  }
0x6: {  	_ = 	snop  }
0x7: {  	_ = 	snop  }
__scs_overlays_trampoline_lowered:
0x8: {  	[smem:$0x3FAC] =	sst s0  }
0x9: {  	[smem:$0x3FAD] =	sst s1  }
0xa: {  	[smem:$0x3FAE] =	sst s2  }
0xb: {  	[smem:$0x3FAF] =	sst s3  }
0xc: {  	[smem:$0x3FB0] =	sst s4  }
0xd: {  	[smem:$0x3FB1] =	sst s5  }
0xe: {  	[smem:$0x3FB2] =	sst s6  }
0xf: {  	[smem:$0x3FB3] =	sst s7  }
0x10: {  	[smem:$0x3FB4] =	sst s8  }
0x11: {  	[smem:$0x3FB5] =	sst s9;
	s0 =	simm.s32 @!p0 $0x0  }
0x12: {  	s1 =	sld [smem:$0x3F9B];
	s0 =	simm.s32 @p0 $0x1  }
0x13: {  	[smem:$0x3FB6] =	sst s0;
	s0 =	simm.s32 @!p1 $0x0  }
0x14: {  	s2 =	sld [smem:$0x3F9A];
	s0 =	simm.s32 @p1 $0x1  }
0x15: {  	[smem:$0x3FB7] =	sst s0;
	s0 =	simm.s32 @!p2 $0x0  }
0x16: {  	s3 =	sld [smem:$0x3FDB];
	s0 =	simm.s32 @p2 $0x1  }
0x17: {  	s4 =	simm.s32 $0x1BF5;
	[smem:$0x3FB9] =	sst s0  }
0x18: {  	s0 =	sld [smem:$0x3F9C];
	_ =	swait.ge [sflag:s4], $0x0  }
0x19: {  	s7 =	sld [smem:$0x3F9D]  }
0x1a: {  	s8 =	sadd.s32 $0xFFFFE003, lr  }
0x1b: {  	s9 =	sadd.s32 $0xFFFFFEF7, lr;
	s5 =	simm.s32 $0xFFFFFFFF;
	p2 =	slt.u32 s8, $0xFFFFF086  }
0x1c: {  	p1 =	slt.u32 s9, $0xF7A;
	s5 =	simm.s32 @!p2 $0x0  }
0x1d: {  	s5 =	simm.s32 @p1 $0x1;
	p0 =	seq.s32 s7, s2  }
0x1e: {  	s7 =	smul.u32 @!p0 $0xF7A, s2;
	p2 =	seq.s32 @!p0 s5, $0x0  }
0x1f: {  	s9 =	smul.u32 $0xF7A, s1;
	s8 =	simm.s32 @!p0 $0x1BF5;
	p2 =	por !p2, p0  }
0x20: {  	[sflag:s8] =	ssyncset.s32 @!p0 $0xFFFFF086;
	s6 =	sadd.s32 @!p0 s3, s7;
	s7 =	simm.s32 @!p0 $0x108  }
0x21: {  	s3 =	sadd.s32 s3, s9;
	s6 =	sadd.s32 @!p0 $0x88, s6;
	s7 =	simm.s32 @p2 $0x1082  }
0x22: {  	[simem:s7], [sflag:s8] =	dma.local @!p0 [hbm:s6], $0xF7A  }
0x23: {  	s9 =	sor.u32 $0xD0000000, s2;
	s6 =	simm.s32 $0x108;
	_ =	swait.ge @!p0 [sflag:s8], $0x0  }
0x24: {  	s3 =	sadd.s32 $0x88, s3;
	s6 =	simm.s32 @!p1 $0x1082;
	[sflag:s4] =	ssyncset.s32 $0xFFFFF086  }
0x25: {  	[simem:s6], [sflag:s4] =	dma.local [hbm:s3], $0xF7A  }
0x26: {  	[smem:$0x3F9D] =	sst s1;
	(tag) =	ssettag s2;
	_ =	strace s9  }
0x27: {  	s1 =	sld [smem:$0x3FAD]  }
0x28: {  	s2 =	sld [smem:$0x3FAE]  }
0x29: {  	s4 =	sld [smem:$0x3FB0]  }
0x2a: {  	p0 =	seq.s32 s5, $0x0;
	s5 =	sld [smem:$0x3FB1]  }
0x2b: {  	s6 =	sld [smem:$0x3FB2]  }
0x2c: {  	s7 =	sld [smem:$0x3FB3]  }
0x2d: {  	s3 =	simm.s32 $0x108;
	s8 =	sld [smem:$0x3FB4]  }
0x2e: {  	s3 =	simm.s32 @!p0 $0x1082;
	s9 =	sld [smem:$0x3FB5]  }
0x2f: {  	lr =	sadd.s32 s0, s3;
	s0 =	sld [smem:$0x3FAC]  }
0x30: {  	s3 =	sld [smem:$0x3FAF]  }
0x31: {  	[smem:$0x3FB8] =	sst s10  }
0x32: {  	s10 =	sld [smem:$0x3FB6];
	_ =	sdelay $0x3  }
0x33: {  	p0 =	seq.s32 s10, $0x1;
	s10 =	sld [smem:$0x3FB8];
	_ =	sdelay $0x3  }
0x34: {  	[smem:$0x3FB8] =	sst s10  }
0x35: {  	s10 =	sld [smem:$0x3FB7];
	_ =	sdelay $0x3  }
0x36: {  	p1 =	seq.s32 s10, $0x1;
	s10 =	sld [smem:$0x3FB8];
	_ =	sdelay $0x3  }
0x37: {  	[smem:$0x3FB8] =	sst s10  }
0x38: {  	s10 =	sld [smem:$0x3FB9]  }
0x39: {  	_ = 	snop;
	(pc) =	sbr.ind lr, $3  }
0x3a: {  	_ = 	snop  }
0x3b: {  	_ = 	snop  }
0x3c: {  	p2 =	seq.s32 s10, $0x1;
	s10 =	sld [smem:$0x3FB8]  }
0x3d: {  	_ =	shalt  }
0x3e: {  	_ =	shalt  }
0x3f: {  	_ =	shalt  }
0x40: {  	_ =	shalt  }
0x41: {  	_ =	shalt  }
0x42: {  	_ =	shalt  }
0x43: {  	_ =	shalt  }
0x44: {  	_ =	shalt  }
0x45: {  	_ =	shalt  }
0x46: {  	_ =	shalt  }
0x47: {  	_ =	shalt  }
0x48: {  	_ =	shalt  }
0x49: {  	_ =	shalt  }
0x4a: {  	_ =	shalt  }
0x4b: {  	_ =	shalt  }
0x4c: {  	_ =	shalt  }
0x4d: {  	_ =	shalt  }
0x4e: {  	_ =	shalt  }
0x4f: {  	_ =	shalt  }
0x50: {  	_ =	shalt  }
0x51: {  	_ =	shalt  }
0x52: {  	_ =	shalt  }
0x53: {  	_ =	shalt  }
0x54: {  	_ =	shalt  }
0x55: {  	_ =	shalt  }
0x56: {  	_ =	shalt  }
0x57: {  	_ =	shalt  }
0x58: {  	_ =	shalt  }
0x59: {  	_ =	shalt  }
0x5a: {  	_ =	shalt  }
0x5b: {  	_ =	shalt  }
0x5c: {  	_ =	shalt  }
0x5d: {  	_ =	shalt  }
0x5e: {  	_ =	shalt  }
0x5f: {  	_ =	shalt  }
0x60: {  	_ =	shalt  }
0x61: {  	_ =	shalt  }
0x62: {  	_ =	shalt  }
0x63: {  	_ =	shalt  }
0x64: {  	_ =	shalt  }
0x65: {  	_ =	shalt  }
0x66: {  	_ =	shalt  }
0x67: {  	_ =	shalt  }
0x68: {  	_ =	shalt  }
0x69: {  	_ =	shalt  }
0x6a: {  	_ =	shalt  }
0x6b: {  	_ =	shalt  }
0x6c: {  	_ =	shalt  }
0x6d: {  	_ =	shalt  }
0x6e: {  	_ =	shalt  }
0x6f: {  	_ =	shalt  }
0x70: {  	_ =	shalt  }
0x71: {  	_ =	shalt  }
0x72: {  	_ =	shalt  }
0x73: {  	_ =	shalt  }
0x74: {  	_ =	shalt  }
0x75: {  	_ =	shalt  }
0x76: {  	_ =	shalt  }
0x77: {  	_ =	shalt  }
0x78: {  	_ =	shalt  }
0x79: {  	_ =	shalt  }
0x7a: {  	_ =	shalt  }
0x7b: {  	_ =	shalt  }
0x7c: {  	_ =	shalt  }
0x7d: {  	_ =	shalt  }
0x7e: {  	_ =	shalt  }
0x7f: {  	_ =	shalt  }
0x80: {  	_ =	shalt  }
0x81: {  	_ =	shalt  }
0x82: {  	_ =	shalt  }
0x83: {  	_ =	shalt  }
0x84: {  	_ =	shalt  }
0x85: {  	_ =	shalt  }
0x86: {  	_ =	shalt  }
0x87: {  	_ =	shalt  }
.Lfunc_end0:
.L_simem_size_0:
called_computation_lowered:
.L_overlay_start_0:
0x88: {  	s2 =	sld [smem:$0x3FD9]  }
0x89: {  	s3 =	sld [smem:$0x3FFE];
	_ =	sdelay $0x1  }
0x8a: {  	s1 =	srdreg.scid  }
0x8b: {  	s0 =	sand.u32 $0x1, s1  }
0x8c: {  	s17 =	sshll.u32 s0, $0xA;
	s2 =	sadd.s32 s3, s2  }
0x8d: {  	s2 =	sadd.s32 s2, s17  }
0x8e: {  	[smem:$0x3FC4] =	sst s2  }
0x8f: {  	_ = 	snop  }
0x90: {  	s2 =	sld [smem:$0x3FC9]  }
0x91: {  	s18 =	sld [smem:$0x3FC8]  }
0x92: {  	s4 =	sld [smem:$0x3FC7];
	(tm) =	ssettm $0x1  }
0x93: {  	s5 =	sld [smem:$0x3FFB];
	_ =	sdelay $0x3  }
0x94: {  	_ =	strace s5  }
0x95: {  	s5 =	sld [smem:$0x3FFC];
	_ =	sdelay $0x3  }
0x96: {  	_ =	strace s5  }
0x97: {  	s5 =	sld [smem:$0x3FFD];
	_ =	sdelay $0x3  }
0x98: {  	_ =	strace s5  }
0x99: {  	_ =	strace $0x8FFFFFFF  }
0x9a: {  	s19 =	sld [smem:$0x3FDB];
	_ =	sdelay $0x1  }
0x9b: {  	s6 =	simm.s32 $_scs_section_size  }
0x9c: {  	s7 =	simm.s32 $_size__tile_overlayer_lowered;
	s8 =	simm.s32 $_tile_overlayer_lowered  }
0x9d: {  	s22 =	simm.s32 $0x1BFF;
	s21 =	sshll.u32 s8, $0x1;
	s5 =	sadd.s32 s6, s19  }
0x9e: {  	s9 =	simm.s32 $0x0;
	s20 =	sshll.u32 s7, $0x1;
	s7 =	sadd.s32 s21, s5  }
0x9f: {  	[timem:s9], [sflag:s22] =	dma.local [hbm:s7], s20  }
0xa0: {  	_ =	swait.ge [sflag:s22], s20  }
0xa1: {  	s6 =	ssub.s32 $0x0, s20;
	[sflag:s22] =	ssyncset.done $0x0  }
0xa2: {  	[sflag:s22] =	ssyncadd.s32 s6;
	_ =	sdelay $0x1  }
0xa3: {  	s23 =	simm.s32 $0x1B8B  }
0xa4: {  	_ =	swait.ge [sflag:s23], $0x1  }
0xa5: {  	[sflag:s23] =	ssyncset.done $0x0  }
0xa6: {  	s25 =	simm.s32 $0x1B8E;
	s24 =	sld [smem:$0x3FFE];
	[sflag:s23] =	ssyncadd.s32 $0xFFFFFFFF  }
0xa7: {  	s26 =	simm.s32 $execute0_lowered;
	[smem:$0x3FD2] =	sst s25  }
0xa8: {  	s7 =	sshll.u32 s26, $0x1;
	_ =	strace $0x80000046;
	[dreg:$0x1] =	wrdreg $0xFFFFFFFF  }
0xa9: {  	s28 =	simm.s32 $_size_execute0_lowered;
	s5 =	sadd.s32 s5, s7;
	[dreg:$0x0] =	wrdreg $0x0  }
0xaa: {  	s7 =	sshll.u32 s28, $0x1;
	[dreg:$0x2] =	wrdreg s5  }
0xab: {  	[dreg:$0x3] =	wrdreg s7  }
0xac: {  	[dreg:$0x4] =	wrdreg $0xC0  }
0xad: {  	_ =	task [dreg:s9], $0x5FFFF  }
0xae: {  	[dreg:$0x1] =	wrdreg $0xFFFFFFFF  }
0xaf: {  	[dreg:$0x0] =	wrdreg $0x60  }
0xb0: {  	[dreg:$0x2] =	wrdreg s2  }
0xb1: {  	[dreg:$0x3] =	wrdreg s18  }
0xb2: {  	[dreg:$0x4] =	wrdreg s4  }
0xb3: {  	[dreg:$0x5] =	wrdreg s24  }
0xb4: {  	[dreg:$0x6] =	wrdreg $0x9  }
0xb5: {  	_ =	task.clear_ibuf [dreg:s9], $0x7FFFF;
	_ =	strace $0x90000046  }
0xb6: {  	s29 =	simm.s32 $0x9;
	_ =	strace $0x80000048  }
0xb7: {  	_ =	swait.ge [sflag:s29], $0x1  }
0xb8: {  	[sflag:s29] =	ssyncadd.s32 $0xFFFFFFFF  }
0xb9: {  	_ =	strace $0x90000048  }
0xba: {  	_ =	sfence  }
0xbb: {  	s30 =	sld [smem:$0x0];
	_ =	sdelay $0x2  }
0xbc: {  	s31 =	sshll.u32 s1, $0xD;
	s1 =	sshrl.u32 s1, $0x2  }
0xbd: {  	s3 =	sand.u32 $0x4000, s31;
	s1 =	sadd.s32 s1, s30  }
0xbe: {  	s0 =	sor.u32 s3, s0;
	s1 =	sshll.u32 s1, $0x11  }
0xbf: {  	s0 =	sor.u32 s1, s0  }
0xc0: {  	s0 =	sadd.s32 $0x8F2B, s0  }
0xc1: {  	[sflag:s0] =	ssyncadd.remote.s32 $0x1  }
0xc2: {  	_ =	sfence.sel $0xFFFF  }
0xc3: {  	[dreg:$0x0] =	wrdreg $0xFFFFFFFF;
	(pc) =	sbr.abs _section_cstart, $3  }
0xc4: {  	[dreg:$0x1] =	wrdreg $0xFFFFFFFF  }
0xc5: {  	_ =	task.clear_ibuf [dreg:s9], $0x2FFFF;
	_ =	strace $0x9FFFFFFF  }
0xc6: {  	(tm) =	ssettm $0x7FFFFFFF  }
0xc7: {  	_ =	shalt  }
tec
execute0_lowered:
.L_overlay_start_1:
0x0: {  	(tag) =	ssettag $0x1  }
0x1: {  	s1 =	rddreg [dreg:$0x0]  }
0x2: {  	s2 =	rddreg [dreg:$0x1]  }
0x3: {  	s3 =	srdreg.scid;
	s4 =	rddreg [dreg:$0x2]  }
0x4: {  	s0 =	stileid.u32;
	s7 =	rddreg [dreg:$0x3];
	s5 =	simm.s32 $0x0  }
0x5: {  	s13 =	simm.s32 $0x2;
	s6 =	sand.u32 $0x1, s3;
	s30 =	sshll.u32 s0, $0x1  }
0x6: {  	s14 =	simm.s32 $0x1;
	s15 =	simm.s32 $0x80;
	s8 =	sor.u32 s6, s30  }
0x7: {  	s16 =	simm.s32 $0x0;
	s6 =	ssub.s32 $0x2, s6;
	s9 =	smul.u32 $0xC, s8  }
0x8: {  	[smem:$0x7FF] =	sst s5;
	s8 =	smul.u32 $0x600, s8;
	s31 =	sshrl.u32 s6, $0x1  }
0x9: {  	s3 =	rddreg [dreg:$0x4];
	_ =	strace $0x80000047;
	s12 =	ssub.s32 s6, s31  }
0xa: {  	s10 =	sadd.s32 s9, s7;
	s11 =	sadd.s32 s8, s7;
	s12 =	smax.u32 s12, $0x1  }
0xb: {  	s6 =	sadd.s32 $0x5600, s10;
	s7 =	sadd.s32 $0x5800, s11;
	s8 =	sadd.s32 $0x5200, s10  }
0xc: {  	v0 =	vlaneseq.u32;
	s9 =	sadd.s32 $0x11800, s11;
	s10 =	sadd.s32 $0x5400, s10;
	s11 =	sadd.s32 $0x1D800, s11  }
.LBB2_1:
0xd: {  	[tilespmem:s5], [sflag:$0x2] =	stream.linear.gather [hbm4b:s6+s5], $0x60, $0x38;
	[tilespmem:$0x3080] =	vst v63  }
0xe: {  	_ =	swait.ge [sflag:s13], $0x60  }
0xf: {  	[sflag:s13] =	ssyncset.done $0x0  }
0x10: {  	[sflag:s13] =	ssyncadd.s32 $0xFFFFFFA0  }
0x11: {  	v1 =	vld [tilespmem:$0x0];
	_ =	sdelay $0x2  }
0x12: {  	v2 =	vmov s5  }
0x13: {  	vm0 =	veq.s32 v2, v0  }
0x14: {  	v2 =	vnsel vm0, $0x0, v1  }
0x15: {  	(xrf0) =	vadd.scan.msk.s32 $0xffff, v2;
	_ =	sdelay $0x5  }
0x16: {  	v2, _, _ =	vpop (xrf0)  }
0x17: {  	(v2sf) =	vpush v2, $0xF  }
0x18: {  	s17 =	simm.s32 $0x1  }
0x19: {  	v2 =	vmov s17  }
0x1a: {  	vm12 =	veq.s32 v2, v0  }
0x1b: {  	s29 =	simm.s32 $0x2;
	v3 =	vnsel vm12, $0x0, v1  }
0x1c: {  	s30 =	simm.s32 $0x3;
	v2 =	vmov s29;
	(xrf0) =	vadd.scan.msk.s32 $0xffff, v3  }
0x1d: {  	vm13 =	veq.s32 v2, v0;
	v2 =	vmov s30  }
0x1e: {  	v3 =	vnsel vm13, $0x0, v1;
	vm14 =	veq.s32 v2, v0  }
0x1f: {  	(xrf0) =	vadd.scan.msk.s32 $0xffff, v3;
	v2 =	vnsel vm14, $0x0, v1  }
0x20: {  	(xrf0) =	vadd.scan.msk.s32 $0xffff, v2;
	_ =	sdelay $0x1  }
0x21: {  	s18 =	simm.s32 $0x4;
	v2, _, _ =	vpop (xrf0)  }
0x22: {  	v3 =	vmov s18;
	(v2sf) =	vpush v2, $0xF;
	_ =	sdelay $0x1  }
0x23: {  	v2, _, _ =	vpop (xrf0)  }
0x24: {  	vm15 =	veq.s32 v3, v0;
	v3, _, _ =	vpop (xrf0);
	s31 =	spop (v2sf);
	(v2sf) =	vpush v2, $0xF  }
0x25: {  	(v2sf) =	vpush v3, $0xF;
	_ =	sdelay $0x4  }
0x26: {  	s17 =	sshll.u32 s31, $0x4  }
0x27: {  	v2 =	vnsel vm15, $0x0, v1;
	s17 =	sand.u32 $0x1FFFFFF0, s17  }
0x28: {  	(xrf0) =	vadd.scan.msk.s32 $0xffff, v2;
	s17 =	sadd.s32 s1, s17  }
0x29: {  	[tilespmem:s15], [sflag:$0x1] =	stream.linear.gather [hbm4b:s17+s5], $0x80, $0x38;
	[tilespmem:$0x3080] =	vst v63  }
0x2a: {  	s18 =	simm.s32 $0x5;
	s17 =	simm.s32 $0x80  }
.LBB2_2:
0x2b: {  	v2 =	vmov s18;
	p0 =	sne.s32 s18, $0xF;
	s18 =	sadd.s32 $0x1, s18  }
.Ltmp0:
0x2c: {  	vm0 =	veq.s32 v2, v0;
	s19 =	spop (v2sf);
	(pc) =	sbr.rel @p0 .LBB2_2-.Ltmp0, $4  }
0x2d: {  	v3 =	vnsel vm0, $0x0, v1;
	s19 =	sshll.u32 s19, $0x4  }
0x2e: {  	(xrf0) =	vadd.scan.msk.s32 $0xffff, v3;
	v2, _, _ =	vpop (xrf0);
	s19 =	sand.u32 $0x1FFFFFF0, s19  }
0x2f: {  	s17 =	sadd.s32 $0x80, s17;
	(v2sf) =	vpush v2, $0xF;
	s19 =	sadd.s32 s1, s19  }
0x30: {  	[tilespmem:s17], [sflag:$0x1] =	stream.linear.gather [hbm4b:s19+s5], $0x80, $0x38;
	[tilespmem:$0x3080] =	vst v63  }
0x31: {  	_ =	sdelay $0x2  }
0x32: {  	v1, _, _ =	vpop (xrf0)  }
0x33: {  	s18 =	spop (v2sf);
	(v2sf) =	vpush v1, $0xF;
	_ =	sdelay $0x1  }
0x34: {  	s18 =	sshll.u32 s18, $0x4  }
0x35: {  	s18 =	sand.u32 $0x1FFFFFF0, s18  }
0x36: {  	s17 =	sadd.s32 $0x80, s17;
	s21 =	spop (v2sf);
	s18 =	sadd.s32 s1, s18  }
0x37: {  	[tilespmem:s17], [sflag:$0x1] =	stream.linear.gather [hbm4b:s18+s5], $0x80, $0x38;
	[tilespmem:$0x3080] =	vst v63  }
0x38: {  	s18 =	sshll.u32 s21, $0x4  }
0x39: {  	s18 =	sand.u32 $0x1FFFFFF0, s18  }
0x3a: {  	s17 =	sadd.s32 $0x80, s17;
	s18 =	sadd.s32 s1, s18  }
0x3b: {  	[tilespmem:s17], [sflag:$0x1] =	stream.linear.gather [hbm4b:s18+s5], $0x80, $0x38;
	[tilespmem:$0x3080] =	vst v63  }
0x3c: {  	s22 =	spop (v2sf)  }
0x3d: {  	s18 =	sshll.u32 s22, $0x4  }
0x3e: {  	s18 =	sand.u32 $0x1FFFFFF0, s18  }
0x3f: {  	s17 =	sadd.s32 $0x80, s17;
	s18 =	sadd.s32 s1, s18  }
0x40: {  	[tilespmem:s17], [sflag:$0x1] =	stream.linear.gather [hbm4b:s18+s5], $0x80, $0x38;
	[tilespmem:$0x3080] =	vst v63  }
0x41: {  	s23 =	spop (v2sf)  }
0x42: {  	s18 =	sshll.u32 s23, $0x4  }
0x43: {  	s18 =	sand.u32 $0x1FFFFFF0, s18  }
0x44: {  	s17 =	sadd.s32 $0x80, s17;
	s18 =	sadd.s32 s1, s18  }
0x45: {  	[tilespmem:s17], [sflag:$0x1] =	stream.linear.gather [hbm4b:s18+s5], $0x80, $0x38;
	[tilespmem:$0x3080] =	vst v63  }
0x46: {  	_ =	swait.ge [sflag:s14], $0x800  }
0x47: {  	[sflag:s14] =	ssyncset.done $0x0  }
0x48: {  	[sflag:s14] =	ssyncadd.s32 $0xFFFFF800  }
0x49: {  	v1 =	vld [tilespmem:$0x10];
	_ =	sdelay $0x1  }
0x4a: {  	s24 =	simm.s32 $0x0  }
0x4b: {  	v2 =	vmov s24  }
0x4c: {  	vm0 =	veq.s32 v2, v0  }
0x4d: {  	v2 =	vnsel vm0, $0x0, v1  }
0x4e: {  	(xrf0) =	vadd.scan.msk.s32 $0xffff, v2;
	_ =	sdelay $0x5  }
0x4f: {  	v2, _, _ =	vpop (xrf0)  }
0x50: {  	s25 =	simm.s32 $0x1;
	(v2sf) =	vpush v2, $0xF  }
0x51: {  	v2 =	vmov s25  }
0x52: {  	vm12 =	veq.s32 v2, v0  }
0x53: {  	s26 =	simm.s32 $0x2;
	v3 =	vnsel vm12, $0x0, v1  }
0x54: {  	s28 =	simm.s32 $0x3;
	v2 =	vmov s26;
	(xrf0) =	vadd.scan.msk.s32 $0xffff, v3  }
0x55: {  	vm13 =	veq.s32 v2, v0;
	v2 =	vmov s28  }
0x56: {  	v3 =	vnsel vm13, $0x0, v1;
	vm14 =	veq.s32 v2, v0  }
0x57: {  	(xrf0) =	vadd.scan.msk.s32 $0xffff, v3;
	v2 =	vnsel vm14, $0x0, v1  }
0x58: {  	(xrf0) =	vadd.scan.msk.s32 $0xffff, v2;
	_ =	sdelay $0x1  }
0x59: {  	s30 =	simm.s32 $0x4;
	v2, _, _ =	vpop (xrf0)  }
0x5a: {  	v3 =	vmov s30;
	(v2sf) =	vpush v2, $0xF;
	_ =	sdelay $0x1  }
0x5b: {  	v2, _, _ =	vpop (xrf0)  }
0x5c: {  	vm15 =	veq.s32 v3, v0;
	(v2sf) =	vpush v2, $0xF;
	v3, _, _ =	vpop (xrf0)  }
0x5d: {  	s29 =	spop (v2sf);
	(v2sf) =	vpush v3, $0xF;
	_ =	sdelay $0x5  }
0x5e: {  	v2 =	vnsel vm15, $0x0, v1;
	s17 =	sshll.u32 s29, $0x4  }
0x5f: {  	(xrf0) =	vadd.scan.msk.s32 $0xffff, v2;
	s19 =	sand.u32 $0x1FFFFFF0, s17  }
0x60: {  	s18 =	simm.s32 $0x5;
	s17 =	simm.s32 $0x880;
	s31 =	sadd.s32 s1, s19  }
0x61: {  	[tilespmem:s17], [sflag:$0x1] =	stream.linear.gather [hbm4b:s31+s5], $0x80, $0x38;
	[tilespmem:$0x3080] =	vst v63  }
.LBB2_4:
0x62: {  	v2 =	vmov s18;
	p0 =	sne.s32 s18, $0xF;
	s18 =	sadd.s32 $0x1, s18  }
.Ltmp1:
0x63: {  	vm0 =	veq.s32 v2, v0;
	s19 =	spop (v2sf);
	(pc) =	sbr.rel @p0 .LBB2_4-.Ltmp1, $4  }
0x64: {  	v3 =	vnsel vm0, $0x0, v1;
	s19 =	sshll.u32 s19, $0x4  }
0x65: {  	(xrf0) =	vadd.scan.msk.s32 $0xffff, v3;
	v2, _, _ =	vpop (xrf0);
	s19 =	sand.u32 $0x1FFFFFF0, s19  }
0x66: {  	s17 =	sadd.s32 $0x80, s17;
	(v2sf) =	vpush v2, $0xF;
	s19 =	sadd.s32 s1, s19  }
0x67: {  	[tilespmem:s17], [sflag:$0x1] =	stream.linear.gather [hbm4b:s19+s5], $0x80, $0x38;
	[tilespmem:$0x3080] =	vst v63  }
0x68: {  	_ =	sdelay $0x2  }
0x69: {  	v1, _, _ =	vpop (xrf0)  }
0x6a: {  	s18 =	spop (v2sf);
	(v2sf) =	vpush v1, $0xF;
	_ =	sdelay $0x1  }
0x6b: {  	s18 =	sshll.u32 s18, $0x4  }
0x6c: {  	s18 =	sand.u32 $0x1FFFFFF0, s18  }
0x6d: {  	s17 =	sadd.s32 $0x80, s17;
	s21 =	spop (v2sf);
	s18 =	sadd.s32 s1, s18  }
0x6e: {  	[tilespmem:s17], [sflag:$0x1] =	stream.linear.gather [hbm4b:s18+s5], $0x80, $0x38;
	[tilespmem:$0x3080] =	vst v63  }
0x6f: {  	s18 =	sshll.u32 s21, $0x4  }
0x70: {  	s18 =	sand.u32 $0x1FFFFFF0, s18  }
0x71: {  	s17 =	sadd.s32 $0x80, s17;
	s18 =	sadd.s32 s1, s18  }
0x72: {  	[tilespmem:s17], [sflag:$0x1] =	stream.linear.gather [hbm4b:s18+s5], $0x80, $0x38;
	[tilespmem:$0x3080] =	vst v63  }
0x73: {  	s22 =	spop (v2sf)  }
0x74: {  	s18 =	sshll.u32 s22, $0x4  }
0x75: {  	s18 =	sand.u32 $0x1FFFFFF0, s18  }
0x76: {  	s17 =	sadd.s32 $0x80, s17;
	s18 =	sadd.s32 s1, s18  }
0x77: {  	[tilespmem:s17], [sflag:$0x1] =	stream.linear.gather [hbm4b:s18+s5], $0x80, $0x38;
	[tilespmem:$0x3080] =	vst v63  }
0x78: {  	s23 =	spop (v2sf)  }
0x79: {  	s18 =	sshll.u32 s23, $0x4  }
0x7a: {  	s18 =	sand.u32 $0x1FFFFFF0, s18  }
0x7b: {  	s17 =	sadd.s32 $0x80, s17;
	s18 =	sadd.s32 s1, s18  }
0x7c: {  	[tilespmem:s17], [sflag:$0x1] =	stream.linear.gather [hbm4b:s18+s5], $0x80, $0x38;
	[tilespmem:$0x3080] =	vst v63  }
0x7d: {  	_ =	swait.ge [sflag:s14], $0x800  }
0x7e: {  	[sflag:s14] =	ssyncset.done $0x0  }
0x7f: {  	[sflag:s14] =	ssyncadd.s32 $0xFFFFF800  }
0x80: {  	v1 =	vld [tilespmem:$0x20];
	_ =	sdelay $0x1  }
0x81: {  	s24 =	simm.s32 $0x0  }
0x82: {  	v2 =	vmov s24  }
0x83: {  	vm0 =	veq.s32 v2, v0  }
0x84: {  	v2 =	vnsel vm0, $0x0, v1  }
0x85: {  	(xrf0) =	vadd.scan.msk.s32 $0xffff, v2;
	_ =	sdelay $0x5  }
0x86: {  	v2, _, _ =	vpop (xrf0)  }
0x87: {  	s25 =	simm.s32 $0x1;
	(v2sf) =	vpush v2, $0xF  }
0x88: {  	v2 =	vmov s25  }
0x89: {  	vm12 =	veq.s32 v2, v0  }
0x8a: {  	s26 =	simm.s32 $0x2;
	v3 =	vnsel vm12, $0x0, v1  }
0x8b: {  	s28 =	simm.s32 $0x3;
	v2 =	vmov s26;
	(xrf0) =	vadd.scan.msk.s32 $0xffff, v3  }
0x8c: {  	vm13 =	veq.s32 v2, v0;
	v2 =	vmov s28  }
0x8d: {  	v3 =	vnsel vm13, $0x0, v1;
	vm14 =	veq.s32 v2, v0  }
0x8e: {  	(xrf0) =	vadd.scan.msk.s32 $0xffff, v3;
	v2 =	vnsel vm14, $0x0, v1  }
0x8f: {  	(xrf0) =	vadd.scan.msk.s32 $0xffff, v2;
	_ =	sdelay $0x1  }
0x90: {  	s30 =	simm.s32 $0x4;
	v2, _, _ =	vpop (xrf0)  }
0x91: {  	v3 =	vmov s30;
	(v2sf) =	vpush v2, $0xF;
	_ =	sdelay $0x1  }
0x92: {  	v2, _, _ =	vpop (xrf0)  }
0x93: {  	vm15 =	veq.s32 v3, v0;
	(v2sf) =	vpush v2, $0xF;
	v3, _, _ =	vpop (xrf0)  }
0x94: {  	s29 =	spop (v2sf);
	(v2sf) =	vpush v3, $0xF;
	_ =	sdelay $0x5  }
0x95: {  	v2 =	vnsel vm15, $0x0, v1;
	s17 =	sshll.u32 s29, $0x4  }
0x96: {  	(xrf0) =	vadd.scan.msk.s32 $0xffff, v2;
	s19 =	sand.u32 $0x1FFFFFF0, s17  }
0x97: {  	s18 =	simm.s32 $0x5;
	s17 =	simm.s32 $0x1080;
	s31 =	sadd.s32 s1, s19  }
0x98: {  	[tilespmem:s17], [sflag:$0x1] =	stream.linear.gather [hbm4b:s31+s5], $0x80, $0x38;
	[tilespmem:$0x3080] =	vst v63  }
.LBB2_6:
0x99: {  	v2 =	vmov s18;
	p0 =	sne.s32 s18, $0xF;
	s18 =	sadd.s32 $0x1, s18  }
.Ltmp2:
0x9a: {  	vm0 =	veq.s32 v2, v0;
	s19 =	spop (v2sf);
	(pc) =	sbr.rel @p0 .LBB2_6-.Ltmp2, $4  }
0x9b: {  	v3 =	vnsel vm0, $0x0, v1;
	s19 =	sshll.u32 s19, $0x4  }
0x9c: {  	(xrf0) =	vadd.scan.msk.s32 $0xffff, v3;
	v2, _, _ =	vpop (xrf0);
	s19 =	sand.u32 $0x1FFFFFF0, s19  }
0x9d: {  	s17 =	sadd.s32 $0x80, s17;
	(v2sf) =	vpush v2, $0xF;
	s19 =	sadd.s32 s1, s19  }
0x9e: {  	[tilespmem:s17], [sflag:$0x1] =	stream.linear.gather [hbm4b:s19+s5], $0x80, $0x38;
	[tilespmem:$0x3080] =	vst v63  }
0x9f: {  	_ =	sdelay $0x2  }
0xa0: {  	v1, _, _ =	vpop (xrf0)  }
0xa1: {  	s18 =	spop (v2sf);
	(v2sf) =	vpush v1, $0xF;
	_ =	sdelay $0x1  }
0xa2: {  	s18 =	sshll.u32 s18, $0x4  }
0xa3: {  	s18 =	sand.u32 $0x1FFFFFF0, s18  }
0xa4: {  	s17 =	sadd.s32 $0x80, s17;
	s21 =	spop (v2sf);
	s18 =	sadd.s32 s1, s18  }
0xa5: {  	[tilespmem:s17], [sflag:$0x1] =	stream.linear.gather [hbm4b:s18+s5], $0x80, $0x38;
	[tilespmem:$0x3080] =	vst v63  }
0xa6: {  	s18 =	sshll.u32 s21, $0x4  }
0xa7: {  	s18 =	sand.u32 $0x1FFFFFF0, s18  }
0xa8: {  	s17 =	sadd.s32 $0x80, s17;
	s18 =	sadd.s32 s1, s18  }
0xa9: {  	[tilespmem:s17], [sflag:$0x1] =	stream.linear.gather [hbm4b:s18+s5], $0x80, $0x38;
	[tilespmem:$0x3080] =	vst v63  }
0xaa: {  	s22 =	spop (v2sf)  }
0xab: {  	s18 =	sshll.u32 s22, $0x4  }
0xac: {  	s18 =	sand.u32 $0x1FFFFFF0, s18  }
0xad: {  	s17 =	sadd.s32 $0x80, s17;
	s18 =	sadd.s32 s1, s18  }
0xae: {  	[tilespmem:s17], [sflag:$0x1] =	stream.linear.gather [hbm4b:s18+s5], $0x80, $0x38;
	[tilespmem:$0x3080] =	vst v63  }
0xaf: {  	s23 =	spop (v2sf)  }
0xb0: {  	s18 =	sshll.u32 s23, $0x4  }
0xb1: {  	s18 =	sand.u32 $0x1FFFFFF0, s18  }
0xb2: {  	s17 =	sadd.s32 $0x80, s17;
	s18 =	sadd.s32 s1, s18  }
0xb3: {  	[tilespmem:s17], [sflag:$0x1] =	stream.linear.gather [hbm4b:s18+s5], $0x80, $0x38;
	[tilespmem:$0x3080] =	vst v63  }
0xb4: {  	_ =	swait.ge [sflag:s14], $0x800  }
0xb5: {  	[sflag:s14] =	ssyncset.done $0x0  }
0xb6: {  	[sflag:s14] =	ssyncadd.s32 $0xFFFFF800  }
0xb7: {  	v1 =	vld [tilespmem:$0x30];
	_ =	sdelay $0x1  }
0xb8: {  	s24 =	simm.s32 $0x0  }
0xb9: {  	v2 =	vmov s24  }
0xba: {  	vm0 =	veq.s32 v2, v0  }
0xbb: {  	v2 =	vnsel vm0, $0x0, v1  }
0xbc: {  	(xrf0) =	vadd.scan.msk.s32 $0xffff, v2;
	_ =	sdelay $0x5  }
0xbd: {  	v2, _, _ =	vpop (xrf0)  }
0xbe: {  	s25 =	simm.s32 $0x1;
	(v2sf) =	vpush v2, $0xF  }
0xbf: {  	v2 =	vmov s25  }
0xc0: {  	vm12 =	veq.s32 v2, v0  }
0xc1: {  	s26 =	simm.s32 $0x2;
	v3 =	vnsel vm12, $0x0, v1  }
0xc2: {  	s28 =	simm.s32 $0x3;
	v2 =	vmov s26;
	(xrf0) =	vadd.scan.msk.s32 $0xffff, v3  }
0xc3: {  	vm13 =	veq.s32 v2, v0;
	v2 =	vmov s28  }
0xc4: {  	v3 =	vnsel vm13, $0x0, v1;
	vm14 =	veq.s32 v2, v0  }
0xc5: {  	(xrf0) =	vadd.scan.msk.s32 $0xffff, v3;
	v2 =	vnsel vm14, $0x0, v1  }
0xc6: {  	(xrf0) =	vadd.scan.msk.s32 $0xffff, v2;
	_ =	sdelay $0x1  }
0xc7: {  	s30 =	simm.s32 $0x4;
	v2, _, _ =	vpop (xrf0)  }
0xc8: {  	v3 =	vmov s30;
	(v2sf) =	vpush v2, $0xF;
	_ =	sdelay $0x1  }
0xc9: {  	v2, _, _ =	vpop (xrf0)  }
0xca: {  	vm15 =	veq.s32 v3, v0;
	(v2sf) =	vpush v2, $0xF;
	v3, _, _ =	vpop (xrf0)  }
0xcb: {  	s29 =	spop (v2sf);
	(v2sf) =	vpush v3, $0xF;
	_ =	sdelay $0x5  }
0xcc: {  	v2 =	vnsel vm15, $0x0, v1;
	s17 =	sshll.u32 s29, $0x4  }
0xcd: {  	(xrf0) =	vadd.scan.msk.s32 $0xffff, v2;
	s19 =	sand.u32 $0x1FFFFFF0, s17  }
0xce: {  	s18 =	simm.s32 $0x5;
	s17 =	simm.s32 $0x1880;
	s31 =	sadd.s32 s1, s19  }
0xcf: {  	[tilespmem:s17], [sflag:$0x1] =	stream.linear.gather [hbm4b:s31+s5], $0x80, $0x38;
	[tilespmem:$0x3080] =	vst v63  }
.LBB2_8:
0xd0: {  	v2 =	vmov s18;
	p0 =	sne.s32 s18, $0xF;
	s18 =	sadd.s32 $0x1, s18  }
.Ltmp3:
0xd1: {  	vm0 =	veq.s32 v2, v0;
	s19 =	spop (v2sf);
	(pc) =	sbr.rel @p0 .LBB2_8-.Ltmp3, $4  }
0xd2: {  	v3 =	vnsel vm0, $0x0, v1;
	s19 =	sshll.u32 s19, $0x4  }
0xd3: {  	(xrf0) =	vadd.scan.msk.s32 $0xffff, v3;
	v2, _, _ =	vpop (xrf0);
	s19 =	sand.u32 $0x1FFFFFF0, s19  }
0xd4: {  	s17 =	sadd.s32 $0x80, s17;
	(v2sf) =	vpush v2, $0xF;
	s19 =	sadd.s32 s1, s19  }
0xd5: {  	[tilespmem:s17], [sflag:$0x1] =	stream.linear.gather [hbm4b:s19+s5], $0x80, $0x38;
	[tilespmem:$0x3080] =	vst v63  }
0xd6: {  	_ =	sdelay $0x2  }
0xd7: {  	v1, _, _ =	vpop (xrf0)  }
0xd8: {  	s18 =	spop (v2sf);
	(v2sf) =	vpush v1, $0xF;
	_ =	sdelay $0x1  }
0xd9: {  	s18 =	sshll.u32 s18, $0x4  }
0xda: {  	s18 =	sand.u32 $0x1FFFFFF0, s18  }
0xdb: {  	s17 =	sadd.s32 $0x80, s17;
	s21 =	spop (v2sf);
	s18 =	sadd.s32 s1, s18  }
0xdc: {  	[tilespmem:s17], [sflag:$0x1] =	stream.linear.gather [hbm4b:s18+s5], $0x80, $0x38;
	[tilespmem:$0x3080] =	vst v63  }
0xdd: {  	s18 =	sshll.u32 s21, $0x4  }
0xde: {  	s18 =	sand.u32 $0x1FFFFFF0, s18  }
0xdf: {  	s17 =	sadd.s32 $0x80, s17;
	s18 =	sadd.s32 s1, s18  }
0xe0: {  	[tilespmem:s17], [sflag:$0x1] =	stream.linear.gather [hbm4b:s18+s5], $0x80, $0x38;
	[tilespmem:$0x3080] =	vst v63  }
0xe1: {  	s22 =	spop (v2sf)  }
0xe2: {  	s18 =	sshll.u32 s22, $0x4  }
0xe3: {  	s18 =	sand.u32 $0x1FFFFFF0, s18  }
0xe4: {  	s17 =	sadd.s32 $0x80, s17;
	s18 =	sadd.s32 s1, s18  }
0xe5: {  	[tilespmem:s17], [sflag:$0x1] =	stream.linear.gather [hbm4b:s18+s5], $0x80, $0x38;
	[tilespmem:$0x3080] =	vst v63  }
0xe6: {  	s23 =	spop (v2sf)  }
0xe7: {  	s18 =	sshll.u32 s23, $0x4  }
0xe8: {  	s18 =	sand.u32 $0x1FFFFFF0, s18  }
0xe9: {  	s17 =	sadd.s32 $0x80, s17;
	s18 =	sadd.s32 s1, s18  }
0xea: {  	[tilespmem:s17], [sflag:$0x1] =	stream.linear.gather [hbm4b:s18+s5], $0x80, $0x38;
	[tilespmem:$0x3080] =	vst v63  }
0xeb: {  	_ =	swait.ge [sflag:s14], $0x800  }
0xec: {  	[sflag:s14] =	ssyncset.done $0x0  }
0xed: {  	[sflag:s14] =	ssyncadd.s32 $0xFFFFF800  }
0xee: {  	v1 =	vld [tilespmem:$0x40];
	_ =	sdelay $0x1  }
0xef: {  	s24 =	simm.s32 $0x0  }
0xf0: {  	v2 =	vmov s24  }
0xf1: {  	vm0 =	veq.s32 v2, v0  }
0xf2: {  	v2 =	vnsel vm0, $0x0, v1  }
0xf3: {  	(xrf0) =	vadd.scan.msk.s32 $0xffff, v2;
	_ =	sdelay $0x5  }
0xf4: {  	v2, _, _ =	vpop (xrf0)  }
0xf5: {  	s25 =	simm.s32 $0x1;
	(v2sf) =	vpush v2, $0xF  }
0xf6: {  	v2 =	vmov s25  }
0xf7: {  	vm12 =	veq.s32 v2, v0  }
0xf8: {  	s26 =	simm.s32 $0x2;
	v3 =	vnsel vm12, $0x0, v1  }
0xf9: {  	s28 =	simm.s32 $0x3;
	v2 =	vmov s26;
	(xrf0) =	vadd.scan.msk.s32 $0xffff, v3  }
0xfa: {  	vm13 =	veq.s32 v2, v0;
	v2 =	vmov s28  }
0xfb: {  	v3 =	vnsel vm13, $0x0, v1;
	vm14 =	veq.s32 v2, v0  }
0xfc: {  	(xrf0) =	vadd.scan.msk.s32 $0xffff, v3;
	v2 =	vnsel vm14, $0x0, v1  }
0xfd: {  	(xrf0) =	vadd.scan.msk.s32 $0xffff, v2;
	_ =	sdelay $0x1  }
0xfe: {  	s30 =	simm.s32 $0x4;
	v2, _, _ =	vpop (xrf0)  }
0xff: {  	v3 =	vmov s30;
	(v2sf) =	vpush v2, $0xF;
	_ =	sdelay $0x1  }
0x100: {  	v2, _, _ =	vpop (xrf0)  }
0x101: {  	vm15 =	veq.s32 v3, v0;
	(v2sf) =	vpush v2, $0xF;
	v3, _, _ =	vpop (xrf0)  }
0x102: {  	s29 =	spop (v2sf);
	(v2sf) =	vpush v3, $0xF;
	_ =	sdelay $0x5  }
0x103: {  	v2 =	vnsel vm15, $0x0, v1;
	s17 =	sshll.u32 s29, $0x4  }
0x104: {  	(xrf0) =	vadd.scan.msk.s32 $0xffff, v2;
	s19 =	sand.u32 $0x1FFFFFF0, s17  }
0x105: {  	s18 =	simm.s32 $0x5;
	s17 =	simm.s32 $0x2080;
	s31 =	sadd.s32 s1, s19  }
0x106: {  	[tilespmem:s17], [sflag:$0x1] =	stream.linear.gather [hbm4b:s31+s5], $0x80, $0x38;
	[tilespmem:$0x3080] =	vst v63  }
.LBB2_10:
0x107: {  	v2 =	vmov s18;
	p0 =	sne.s32 s18, $0xF;
	s18 =	sadd.s32 $0x1, s18  }
.Ltmp4:
0x108: {  	vm0 =	veq.s32 v2, v0;
	s19 =	spop (v2sf);
	(pc) =	sbr.rel @p0 .LBB2_10-.Ltmp4, $4  }
0x109: {  	v3 =	vnsel vm0, $0x0, v1;
	s19 =	sshll.u32 s19, $0x4  }
0x10a: {  	(xrf0) =	vadd.scan.msk.s32 $0xffff, v3;
	v2, _, _ =	vpop (xrf0);
	s19 =	sand.u32 $0x1FFFFFF0, s19  }
0x10b: {  	s17 =	sadd.s32 $0x80, s17;
	(v2sf) =	vpush v2, $0xF;
	s19 =	sadd.s32 s1, s19  }
0x10c: {  	[tilespmem:s17], [sflag:$0x1] =	stream.linear.gather [hbm4b:s19+s5], $0x80, $0x38;
	[tilespmem:$0x3080] =	vst v63  }
0x10d: {  	_ =	sdelay $0x2  }
0x10e: {  	v1, _, _ =	vpop (xrf0)  }
0x10f: {  	s18 =	spop (v2sf);
	(v2sf) =	vpush v1, $0xF;
	_ =	sdelay $0x1  }
0x110: {  	s18 =	sshll.u32 s18, $0x4  }
0x111: {  	s18 =	sand.u32 $0x1FFFFFF0, s18  }
0x112: {  	s17 =	sadd.s32 $0x80, s17;
	s21 =	spop (v2sf);
	s18 =	sadd.s32 s1, s18  }
0x113: {  	[tilespmem:s17], [sflag:$0x1] =	stream.linear.gather [hbm4b:s18+s5], $0x80, $0x38;
	[tilespmem:$0x3080] =	vst v63  }
0x114: {  	s18 =	sshll.u32 s21, $0x4  }
0x115: {  	s18 =	sand.u32 $0x1FFFFFF0, s18  }
0x116: {  	s17 =	sadd.s32 $0x80, s17;
	s18 =	sadd.s32 s1, s18  }
0x117: {  	[tilespmem:s17], [sflag:$0x1] =	stream.linear.gather [hbm4b:s18+s5], $0x80, $0x38;
	[tilespmem:$0x3080] =	vst v63  }
0x118: {  	s22 =	spop (v2sf)  }
0x119: {  	s18 =	sshll.u32 s22, $0x4  }
0x11a: {  	s18 =	sand.u32 $0x1FFFFFF0, s18  }
0x11b: {  	s17 =	sadd.s32 $0x80, s17;
	s18 =	sadd.s32 s1, s18  }
0x11c: {  	[tilespmem:s17], [sflag:$0x1] =	stream.linear.gather [hbm4b:s18+s5], $0x80, $0x38;
	[tilespmem:$0x3080] =	vst v63  }
0x11d: {  	s23 =	spop (v2sf)  }
0x11e: {  	s18 =	sshll.u32 s23, $0x4  }
0x11f: {  	s18 =	sand.u32 $0x1FFFFFF0, s18  }
0x120: {  	s17 =	sadd.s32 $0x80, s17;
	s18 =	sadd.s32 s1, s18  }
0x121: {  	[tilespmem:s17], [sflag:$0x1] =	stream.linear.gather [hbm4b:s18+s5], $0x80, $0x38;
	[tilespmem:$0x3080] =	vst v63  }
0x122: {  	_ =	swait.ge [sflag:s14], $0x800  }
0x123: {  	[sflag:s14] =	ssyncset.done $0x0  }
0x124: {  	[sflag:s14] =	ssyncadd.s32 $0xFFFFF800  }
0x125: {  	v1 =	vld [tilespmem:$0x50];
	_ =	sdelay $0x1  }
0x126: {  	s24 =	simm.s32 $0x0  }
0x127: {  	v2 =	vmov s24  }
0x128: {  	vm0 =	veq.s32 v2, v0  }
0x129: {  	v2 =	vnsel vm0, $0x0, v1  }
0x12a: {  	(xrf0) =	vadd.scan.msk.s32 $0xffff, v2;
	_ =	sdelay $0x5  }
0x12b: {  	v2, _, _ =	vpop (xrf0)  }
0x12c: {  	s25 =	simm.s32 $0x1;
	(v2sf) =	vpush v2, $0xF  }
0x12d: {  	v2 =	vmov s25  }
0x12e: {  	vm12 =	veq.s32 v2, v0  }
0x12f: {  	s26 =	simm.s32 $0x2;
	v3 =	vnsel vm12, $0x0, v1  }
0x130: {  	s28 =	simm.s32 $0x3;
	v2 =	vmov s26;
	(xrf0) =	vadd.scan.msk.s32 $0xffff, v3  }
0x131: {  	vm13 =	veq.s32 v2, v0;
	v2 =	vmov s28  }
0x132: {  	v3 =	vnsel vm13, $0x0, v1;
	vm14 =	veq.s32 v2, v0  }
0x133: {  	(xrf0) =	vadd.scan.msk.s32 $0xffff, v3;
	v2 =	vnsel vm14, $0x0, v1  }
0x134: {  	(xrf0) =	vadd.scan.msk.s32 $0xffff, v2;
	_ =	sdelay $0x1  }
0x135: {  	s30 =	simm.s32 $0x4;
	v2, _, _ =	vpop (xrf0)  }
0x136: {  	v3 =	vmov s30;
	(v2sf) =	vpush v2, $0xF;
	_ =	sdelay $0x1  }
0x137: {  	v2, _, _ =	vpop (xrf0)  }
0x138: {  	vm15 =	veq.s32 v3, v0;
	(v2sf) =	vpush v2, $0xF;
	v3, _, _ =	vpop (xrf0)  }
0x139: {  	s29 =	spop (v2sf);
	(v2sf) =	vpush v3, $0xF;
	_ =	sdelay $0x5  }
0x13a: {  	v2 =	vnsel vm15, $0x0, v1;
	s17 =	sshll.u32 s29, $0x4  }
0x13b: {  	(xrf0) =	vadd.scan.msk.s32 $0xffff, v2;
	s19 =	sand.u32 $0x1FFFFFF0, s17  }
0x13c: {  	s18 =	simm.s32 $0x5;
	s17 =	simm.s32 $0x2880;
	s31 =	sadd.s32 s1, s19  }
0x13d: {  	[tilespmem:s17], [sflag:$0x1] =	stream.linear.gather [hbm4b:s31+s5], $0x80, $0x38;
	[tilespmem:$0x3080] =	vst v63  }
.LBB2_12:
0x13e: {  	v2 =	vmov s18;
	p0 =	sne.s32 s18, $0xF;
	s18 =	sadd.s32 $0x1, s18  }
.Ltmp5:
0x13f: {  	vm0 =	veq.s32 v2, v0;
	s19 =	spop (v2sf);
	(pc) =	sbr.rel @p0 .LBB2_12-.Ltmp5, $4  }
0x140: {  	v3 =	vnsel vm0, $0x0, v1;
	s19 =	sshll.u32 s19, $0x4  }
0x141: {  	(xrf0) =	vadd.scan.msk.s32 $0xffff, v3;
	v2, _, _ =	vpop (xrf0);
	s19 =	sand.u32 $0x1FFFFFF0, s19  }
0x142: {  	s17 =	sadd.s32 $0x80, s17;
	(v2sf) =	vpush v2, $0xF;
	s19 =	sadd.s32 s1, s19  }
0x143: {  	[tilespmem:s17], [sflag:$0x1] =	stream.linear.gather [hbm4b:s19+s5], $0x80, $0x38;
	[tilespmem:$0x3080] =	vst v63  }
0x144: {  	_ =	sdelay $0x2  }
0x145: {  	v1, _, _ =	vpop (xrf0)  }
0x146: {  	s18 =	spop (v2sf);
	(v2sf) =	vpush v1, $0xF;
	_ =	sdelay $0x1  }
0x147: {  	s18 =	sshll.u32 s18, $0x4  }
0x148: {  	s18 =	sand.u32 $0x1FFFFFF0, s18  }
0x149: {  	s17 =	sadd.s32 $0x80, s17;
	s23 =	spop (v2sf);
	s18 =	sadd.s32 s1, s18  }
0x14a: {  	[tilespmem:s17], [sflag:$0x1] =	stream.linear.gather [hbm4b:s18+s5], $0x80, $0x38;
	[tilespmem:$0x3080] =	vst v63  }
0x14b: {  	s18 =	sshll.u32 s23, $0x4  }
0x14c: {  	s18 =	sand.u32 $0x1FFFFFF0, s18  }
0x14d: {  	s17 =	sadd.s32 $0x80, s17;
	s18 =	sadd.s32 s1, s18  }
0x14e: {  	[tilespmem:s17], [sflag:$0x1] =	stream.linear.gather [hbm4b:s18+s5], $0x80, $0x38;
	[tilespmem:$0x3080] =	vst v63  }
0x14f: {  	s24 =	spop (v2sf)  }
0x150: {  	s18 =	sshll.u32 s24, $0x4  }
0x151: {  	s18 =	sand.u32 $0x1FFFFFF0, s18  }
0x152: {  	s17 =	sadd.s32 $0x80, s17;
	s18 =	sadd.s32 s1, s18  }
0x153: {  	[tilespmem:s17], [sflag:$0x1] =	stream.linear.gather [hbm4b:s18+s5], $0x80, $0x38;
	[tilespmem:$0x3080] =	vst v63  }
0x154: {  	s25 =	spop (v2sf)  }
0x155: {  	s18 =	sshll.u32 s25, $0x4  }
0x156: {  	s18 =	sand.u32 $0x1FFFFFF0, s18  }
0x157: {  	s17 =	sadd.s32 $0x80, s17;
	s18 =	sadd.s32 s1, s18  }
0x158: {  	[tilespmem:s17], [sflag:$0x1] =	stream.linear.gather [hbm4b:s18+s5], $0x80, $0x38;
	[tilespmem:$0x3080] =	vst v63  }
0x159: {  	_ =	swait.ge [sflag:s14], $0x800  }
0x15a: {  	[sflag:s14] =	ssyncset.done $0x0  }
0x15b: {  	s26 =	simm.s32 $0x0;
	s17 =	simm.s32 $0x80;
	[sflag:s14] =	ssyncadd.s32 $0xFFFFF800  }
0x15c: {  	[hbm4b:s7+s26] =	stream.linear.scatter [tilespmem:s17], [sflag:$0x2], $0x3000, $0x38;
	[tilespmem:$0x3080] =	vst v63  }
0x15d: {  	_ =	swait.ge [sflag:s13], $0x3000  }
0x15e: {  	[sflag:s13] =	ssyncset.done $0x0  }
0x15f: {  	[sflag:s13] =	ssyncadd.s32 $0xFFFFD000  }
0x160: {  	[tilespmem:s26], [sflag:$0x2] =	stream.linear.gather [hbm4b:s8+s26], $0x60, $0x38;
	[tilespmem:$0x3080] =	vst v63  }
0x161: {  	_ =	swait.ge [sflag:s13], $0x60  }
0x162: {  	[sflag:s13] =	ssyncset.done $0x0  }
0x163: {  	[sflag:s13] =	ssyncadd.s32 $0xFFFFFFA0  }
0x164: {  	v1 =	vld [tilespmem:$0x0];
	_ =	sdelay $0x2  }
0x165: {  	v2 =	vmov s26  }
0x166: {  	vm0 =	veq.s32 v2, v0  }
0x167: {  	v2 =	vnsel vm0, $0x0, v1  }
0x168: {  	(xrf0) =	vadd.scan.msk.s32 $0xffff, v2;
	_ =	sdelay $0x5  }
0x169: {  	v2, _, _ =	vpop (xrf0)  }
0x16a: {  	s28 =	simm.s32 $0x1;
	(v2sf) =	vpush v2, $0xF  }
0x16b: {  	v2 =	vmov s28  }
0x16c: {  	vm12 =	veq.s32 v2, v0  }
0x16d: {  	s29 =	simm.s32 $0x2;
	v3 =	vnsel vm12, $0x0, v1  }
0x16e: {  	s30 =	simm.s32 $0x3;
	v2 =	vmov s29;
	(xrf0) =	vadd.scan.msk.s32 $0xffff, v3  }
0x16f: {  	vm13 =	veq.s32 v2, v0;
	v2 =	vmov s30  }
0x170: {  	v3 =	vnsel vm13, $0x0, v1;
	vm14 =	veq.s32 v2, v0  }
0x171: {  	(xrf0) =	vadd.scan.msk.s32 $0xffff, v3;
	v2 =	vnsel vm14, $0x0, v1  }
0x172: {  	(xrf0) =	vadd.scan.msk.s32 $0xffff, v2;
	_ =	sdelay $0x1  }
0x173: {  	s19 =	simm.s32 $0x4;
	v2, _, _ =	vpop (xrf0)  }
0x174: {  	v3 =	vmov s19;
	(v2sf) =	vpush v2, $0xF;
	_ =	sdelay $0x1  }
0x175: {  	v2, _, _ =	vpop (xrf0)  }
0x176: {  	vm15 =	veq.s32 v3, v0;
	(v2sf) =	vpush v2, $0xF;
	v3, _, _ =	vpop (xrf0)  }
0x177: {  	s31 =	spop (v2sf);
	(v2sf) =	vpush v3, $0xF;
	_ =	sdelay $0x4  }
0x178: {  	s18 =	sshll.u32 s31, $0x4  }
0x179: {  	v2 =	vnsel vm15, $0x0, v1;
	s18 =	sand.u32 $0x1FFFFFF0, s18  }
0x17a: {  	(xrf0) =	vadd.scan.msk.s32 $0xffff, v2;
	s18 =	sadd.s32 s2, s18  }
0x17b: {  	[tilespmem:s17], [sflag:$0x1] =	stream.linear.gather [hbm4b:s18+s5], $0x80, $0x38;
	[tilespmem:$0x3080] =	vst v63  }
0x17c: {  	s18 =	simm.s32 $0x5  }
.LBB2_14:
0x17d: {  	v2 =	vmov s18;
	p0 =	sne.s32 s18, $0xF;
	s18 =	sadd.s32 $0x1, s18  }
.Ltmp6:
0x17e: {  	vm0 =	veq.s32 v2, v0;
	s19 =	spop (v2sf);
	(pc) =	sbr.rel @p0 .LBB2_14-.Ltmp6, $4  }
0x17f: {  	v3 =	vnsel vm0, $0x0, v1;
	s19 =	sshll.u32 s19, $0x4  }
0x180: {  	(xrf0) =	vadd.scan.msk.s32 $0xffff, v3;
	v2, _, _ =	vpop (xrf0);
	s19 =	sand.u32 $0x1FFFFFF0, s19  }
0x181: {  	s17 =	sadd.s32 $0x80, s17;
	(v2sf) =	vpush v2, $0xF;
	s19 =	sadd.s32 s2, s19  }
0x182: {  	[tilespmem:s17], [sflag:$0x1] =	stream.linear.gather [hbm4b:s19+s5], $0x80, $0x38;
	[tilespmem:$0x3080] =	vst v63  }
0x183: {  	_ =	sdelay $0x2  }
0x184: {  	v1, _, _ =	vpop (xrf0)  }
0x185: {  	s18 =	spop (v2sf);
	(v2sf) =	vpush v1, $0xF;
	_ =	sdelay $0x1  }
0x186: {  	s18 =	sshll.u32 s18, $0x4  }
0x187: {  	s18 =	sand.u32 $0x1FFFFFF0, s18  }
0x188: {  	s17 =	sadd.s32 $0x80, s17;
	s21 =	spop (v2sf);
	s18 =	sadd.s32 s2, s18  }
0x189: {  	[tilespmem:s17], [sflag:$0x1] =	stream.linear.gather [hbm4b:s18+s5], $0x80, $0x38;
	[tilespmem:$0x3080] =	vst v63  }
0x18a: {  	s18 =	sshll.u32 s21, $0x4  }
0x18b: {  	s18 =	sand.u32 $0x1FFFFFF0, s18  }
0x18c: {  	s17 =	sadd.s32 $0x80, s17;
	s18 =	sadd.s32 s2, s18  }
0x18d: {  	[tilespmem:s17], [sflag:$0x1] =	stream.linear.gather [hbm4b:s18+s5], $0x80, $0x38;
	[tilespmem:$0x3080] =	vst v63  }
0x18e: {  	s22 =	spop (v2sf)  }
0x18f: {  	s18 =	sshll.u32 s22, $0x4  }
0x190: {  	s18 =	sand.u32 $0x1FFFFFF0, s18  }
0x191: {  	s17 =	sadd.s32 $0x80, s17;
	s18 =	sadd.s32 s2, s18  }
0x192: {  	[tilespmem:s17], [sflag:$0x1] =	stream.linear.gather [hbm4b:s18+s5], $0x80, $0x38;
	[tilespmem:$0x3080] =	vst v63  }
0x193: {  	s23 =	spop (v2sf)  }
0x194: {  	s18 =	sshll.u32 s23, $0x4  }
0x195: {  	s18 =	sand.u32 $0x1FFFFFF0, s18  }
0x196: {  	s17 =	sadd.s32 $0x80, s17;
	s18 =	sadd.s32 s2, s18  }
0x197: {  	[tilespmem:s17], [sflag:$0x1] =	stream.linear.gather [hbm4b:s18+s5], $0x80, $0x38;
	[tilespmem:$0x3080] =	vst v63  }
0x198: {  	_ =	swait.ge [sflag:s14], $0x800  }
0x199: {  	[sflag:s14] =	ssyncset.done $0x0  }
0x19a: {  	[sflag:s14] =	ssyncadd.s32 $0xFFFFF800  }
0x19b: {  	v1 =	vld [tilespmem:$0x10];
	_ =	sdelay $0x1  }
0x19c: {  	s24 =	simm.s32 $0x0  }
0x19d: {  	v2 =	vmov s24  }
0x19e: {  	vm0 =	veq.s32 v2, v0  }
0x19f: {  	v2 =	vnsel vm0, $0x0, v1  }
0x1a0: {  	(xrf0) =	vadd.scan.msk.s32 $0xffff, v2;
	_ =	sdelay $0x5  }
0x1a1: {  	v2, _, _ =	vpop (xrf0)  }
0x1a2: {  	s25 =	simm.s32 $0x1;
	(v2sf) =	vpush v2, $0xF  }
0x1a3: {  	v2 =	vmov s25  }
0x1a4: {  	vm12 =	veq.s32 v2, v0  }
0x1a5: {  	s26 =	simm.s32 $0x2;
	v3 =	vnsel vm12, $0x0, v1  }
0x1a6: {  	s28 =	simm.s32 $0x3;
	v2 =	vmov s26;
	(xrf0) =	vadd.scan.msk.s32 $0xffff, v3  }
0x1a7: {  	vm13 =	veq.s32 v2, v0;
	v2 =	vmov s28  }
0x1a8: {  	v3 =	vnsel vm13, $0x0, v1;
	vm14 =	veq.s32 v2, v0  }
0x1a9: {  	(xrf0) =	vadd.scan.msk.s32 $0xffff, v3;
	v2 =	vnsel vm14, $0x0, v1  }
0x1aa: {  	(xrf0) =	vadd.scan.msk.s32 $0xffff, v2;
	_ =	sdelay $0x1  }
0x1ab: {  	s30 =	simm.s32 $0x4;
	v2, _, _ =	vpop (xrf0)  }
0x1ac: {  	v3 =	vmov s30;
	(v2sf) =	vpush v2, $0xF;
	_ =	sdelay $0x1  }
0x1ad: {  	v2, _, _ =	vpop (xrf0)  }
0x1ae: {  	vm15 =	veq.s32 v3, v0;
	(v2sf) =	vpush v2, $0xF;
	v3, _, _ =	vpop (xrf0)  }
0x1af: {  	s29 =	spop (v2sf);
	(v2sf) =	vpush v3, $0xF;
	_ =	sdelay $0x5  }
0x1b0: {  	v2 =	vnsel vm15, $0x0, v1;
	s17 =	sshll.u32 s29, $0x4  }
0x1b1: {  	(xrf0) =	vadd.scan.msk.s32 $0xffff, v2;
	s19 =	sand.u32 $0x1FFFFFF0, s17  }
0x1b2: {  	s18 =	simm.s32 $0x5;
	s17 =	simm.s32 $0x880;
	s31 =	sadd.s32 s2, s19  }
0x1b3: {  	[tilespmem:s17], [sflag:$0x1] =	stream.linear.gather [hbm4b:s31+s5], $0x80, $0x38;
	[tilespmem:$0x3080] =	vst v63  }
.LBB2_16:
0x1b4: {  	v2 =	vmov s18;
	p0 =	sne.s32 s18, $0xF;
	s18 =	sadd.s32 $0x1, s18  }
.Ltmp7:
0x1b5: {  	vm0 =	veq.s32 v2, v0;
	s19 =	spop (v2sf);
	(pc) =	sbr.rel @p0 .LBB2_16-.Ltmp7, $4  }
0x1b6: {  	v3 =	vnsel vm0, $0x0, v1;
	s19 =	sshll.u32 s19, $0x4  }
0x1b7: {  	(xrf0) =	vadd.scan.msk.s32 $0xffff, v3;
	v2, _, _ =	vpop (xrf0);
	s19 =	sand.u32 $0x1FFFFFF0, s19  }
0x1b8: {  	s17 =	sadd.s32 $0x80, s17;
	(v2sf) =	vpush v2, $0xF;
	s19 =	sadd.s32 s2, s19  }
0x1b9: {  	[tilespmem:s17], [sflag:$0x1] =	stream.linear.gather [hbm4b:s19+s5], $0x80, $0x38;
	[tilespmem:$0x3080] =	vst v63  }
0x1ba: {  	_ =	sdelay $0x2  }
0x1bb: {  	v1, _, _ =	vpop (xrf0)  }
0x1bc: {  	s18 =	spop (v2sf);
	(v2sf) =	vpush v1, $0xF;
	_ =	sdelay $0x1  }
0x1bd: {  	s18 =	sshll.u32 s18, $0x4  }
0x1be: {  	s18 =	sand.u32 $0x1FFFFFF0, s18  }
0x1bf: {  	s17 =	sadd.s32 $0x80, s17;
	s21 =	spop (v2sf);
	s18 =	sadd.s32 s2, s18  }
0x1c0: {  	[tilespmem:s17], [sflag:$0x1] =	stream.linear.gather [hbm4b:s18+s5], $0x80, $0x38;
	[tilespmem:$0x3080] =	vst v63  }
0x1c1: {  	s18 =	sshll.u32 s21, $0x4  }
0x1c2: {  	s18 =	sand.u32 $0x1FFFFFF0, s18  }
0x1c3: {  	s17 =	sadd.s32 $0x80, s17;
	s18 =	sadd.s32 s2, s18  }
0x1c4: {  	[tilespmem:s17], [sflag:$0x1] =	stream.linear.gather [hbm4b:s18+s5], $0x80, $0x38;
	[tilespmem:$0x3080] =	vst v63  }
0x1c5: {  	s22 =	spop (v2sf)  }
0x1c6: {  	s18 =	sshll.u32 s22, $0x4  }
0x1c7: {  	s18 =	sand.u32 $0x1FFFFFF0, s18  }
0x1c8: {  	s17 =	sadd.s32 $0x80, s17;
	s18 =	sadd.s32 s2, s18  }
0x1c9: {  	[tilespmem:s17], [sflag:$0x1] =	stream.linear.gather [hbm4b:s18+s5], $0x80, $0x38;
	[tilespmem:$0x3080] =	vst v63  }
0x1ca: {  	s23 =	spop (v2sf)  }
0x1cb: {  	s18 =	sshll.u32 s23, $0x4  }
0x1cc: {  	s18 =	sand.u32 $0x1FFFFFF0, s18  }
0x1cd: {  	s17 =	sadd.s32 $0x80, s17;
	s18 =	sadd.s32 s2, s18  }
0x1ce: {  	[tilespmem:s17], [sflag:$0x1] =	stream.linear.gather [hbm4b:s18+s5], $0x80, $0x38;
	[tilespmem:$0x3080] =	vst v63  }
0x1cf: {  	_ =	swait.ge [sflag:s14], $0x800  }
0x1d0: {  	[sflag:s14] =	ssyncset.done $0x0  }
0x1d1: {  	[sflag:s14] =	ssyncadd.s32 $0xFFFFF800  }
0x1d2: {  	v1 =	vld [tilespmem:$0x20];
	_ =	sdelay $0x1  }
0x1d3: {  	s24 =	simm.s32 $0x0  }
0x1d4: {  	v2 =	vmov s24  }
0x1d5: {  	vm0 =	veq.s32 v2, v0  }
0x1d6: {  	v2 =	vnsel vm0, $0x0, v1  }
0x1d7: {  	(xrf0) =	vadd.scan.msk.s32 $0xffff, v2;
	_ =	sdelay $0x5  }
0x1d8: {  	v2, _, _ =	vpop (xrf0)  }
0x1d9: {  	s25 =	simm.s32 $0x1;
	(v2sf) =	vpush v2, $0xF  }
0x1da: {  	v2 =	vmov s25  }
0x1db: {  	vm12 =	veq.s32 v2, v0  }
0x1dc: {  	s26 =	simm.s32 $0x2;
	v3 =	vnsel vm12, $0x0, v1  }
0x1dd: {  	s28 =	simm.s32 $0x3;
	v2 =	vmov s26;
	(xrf0) =	vadd.scan.msk.s32 $0xffff, v3  }
0x1de: {  	vm13 =	veq.s32 v2, v0;
	v2 =	vmov s28  }
0x1df: {  	v3 =	vnsel vm13, $0x0, v1;
	vm14 =	veq.s32 v2, v0  }
0x1e0: {  	(xrf0) =	vadd.scan.msk.s32 $0xffff, v3;
	v2 =	vnsel vm14, $0x0, v1  }
0x1e1: {  	(xrf0) =	vadd.scan.msk.s32 $0xffff, v2;
	_ =	sdelay $0x1  }
0x1e2: {  	s30 =	simm.s32 $0x4;
	v2, _, _ =	vpop (xrf0)  }
0x1e3: {  	v3 =	vmov s30;
	(v2sf) =	vpush v2, $0xF;
	_ =	sdelay $0x1  }
0x1e4: {  	v2, _, _ =	vpop (xrf0)  }
0x1e5: {  	vm15 =	veq.s32 v3, v0;
	(v2sf) =	vpush v2, $0xF;
	v3, _, _ =	vpop (xrf0)  }
0x1e6: {  	s29 =	spop (v2sf);
	(v2sf) =	vpush v3, $0xF;
	_ =	sdelay $0x5  }
0x1e7: {  	v2 =	vnsel vm15, $0x0, v1;
	s17 =	sshll.u32 s29, $0x4  }
0x1e8: {  	(xrf0) =	vadd.scan.msk.s32 $0xffff, v2;
	s19 =	sand.u32 $0x1FFFFFF0, s17  }
0x1e9: {  	s18 =	simm.s32 $0x5;
	s17 =	simm.s32 $0x1080;
	s31 =	sadd.s32 s2, s19  }
0x1ea: {  	[tilespmem:s17], [sflag:$0x1] =	stream.linear.gather [hbm4b:s31+s5], $0x80, $0x38;
	[tilespmem:$0x3080] =	vst v63  }
.LBB2_18:
0x1eb: {  	v2 =	vmov s18;
	p0 =	sne.s32 s18, $0xF;
	s18 =	sadd.s32 $0x1, s18  }
.Ltmp8:
0x1ec: {  	vm0 =	veq.s32 v2, v0;
	s19 =	spop (v2sf);
	(pc) =	sbr.rel @p0 .LBB2_18-.Ltmp8, $4  }
0x1ed: {  	v3 =	vnsel vm0, $0x0, v1;
	s19 =	sshll.u32 s19, $0x4  }
0x1ee: {  	(xrf0) =	vadd.scan.msk.s32 $0xffff, v3;
	v2, _, _ =	vpop (xrf0);
	s19 =	sand.u32 $0x1FFFFFF0, s19  }
0x1ef: {  	s17 =	sadd.s32 $0x80, s17;
	(v2sf) =	vpush v2, $0xF;
	s19 =	sadd.s32 s2, s19  }
0x1f0: {  	[tilespmem:s17], [sflag:$0x1] =	stream.linear.gather [hbm4b:s19+s5], $0x80, $0x38;
	[tilespmem:$0x3080] =	vst v63  }
0x1f1: {  	_ =	sdelay $0x2  }
0x1f2: {  	v1, _, _ =	vpop (xrf0)  }
0x1f3: {  	s18 =	spop (v2sf);
	(v2sf) =	vpush v1, $0xF;
	_ =	sdelay $0x1  }
0x1f4: {  	s18 =	sshll.u32 s18, $0x4  }
0x1f5: {  	s18 =	sand.u32 $0x1FFFFFF0, s18  }
0x1f6: {  	s17 =	sadd.s32 $0x80, s17;
	s21 =	spop (v2sf);
	s18 =	sadd.s32 s2, s18  }
0x1f7: {  	[tilespmem:s17], [sflag:$0x1] =	stream.linear.gather [hbm4b:s18+s5], $0x80, $0x38;
	[tilespmem:$0x3080] =	vst v63  }
0x1f8: {  	s18 =	sshll.u32 s21, $0x4  }
0x1f9: {  	s18 =	sand.u32 $0x1FFFFFF0, s18  }
0x1fa: {  	s17 =	sadd.s32 $0x80, s17;
	s18 =	sadd.s32 s2, s18  }
0x1fb: {  	[tilespmem:s17], [sflag:$0x1] =	stream.linear.gather [hbm4b:s18+s5], $0x80, $0x38;
	[tilespmem:$0x3080] =	vst v63  }
0x1fc: {  	s22 =	spop (v2sf)  }
0x1fd: {  	s18 =	sshll.u32 s22, $0x4  }
0x1fe: {  	s18 =	sand.u32 $0x1FFFFFF0, s18  }
0x1ff: {  	s17 =	sadd.s32 $0x80, s17;
	s18 =	sadd.s32 s2, s18  }
0x200: {  	[tilespmem:s17], [sflag:$0x1] =	stream.linear.gather [hbm4b:s18+s5], $0x80, $0x38;
	[tilespmem:$0x3080] =	vst v63  }
0x201: {  	s23 =	spop (v2sf)  }
0x202: {  	s18 =	sshll.u32 s23, $0x4  }
0x203: {  	s18 =	sand.u32 $0x1FFFFFF0, s18  }
0x204: {  	s17 =	sadd.s32 $0x80, s17;
	s18 =	sadd.s32 s2, s18  }
0x205: {  	[tilespmem:s17], [sflag:$0x1] =	stream.linear.gather [hbm4b:s18+s5], $0x80, $0x38;
	[tilespmem:$0x3080] =	vst v63  }
0x206: {  	_ =	swait.ge [sflag:s14], $0x800  }
0x207: {  	[sflag:s14] =	ssyncset.done $0x0  }
0x208: {  	[sflag:s14] =	ssyncadd.s32 $0xFFFFF800  }
0x209: {  	v1 =	vld [tilespmem:$0x30];
	_ =	sdelay $0x1  }
0x20a: {  	s24 =	simm.s32 $0x0  }
0x20b: {  	v2 =	vmov s24  }
0x20c: {  	vm0 =	veq.s32 v2, v0  }
0x20d: {  	v2 =	vnsel vm0, $0x0, v1  }
0x20e: {  	(xrf0) =	vadd.scan.msk.s32 $0xffff, v2;
	_ =	sdelay $0x5  }
0x20f: {  	v2, _, _ =	vpop (xrf0)  }
0x210: {  	s25 =	simm.s32 $0x1;
	(v2sf) =	vpush v2, $0xF  }
0x211: {  	v2 =	vmov s25  }
0x212: {  	vm12 =	veq.s32 v2, v0  }
0x213: {  	s26 =	simm.s32 $0x2;
	v3 =	vnsel vm12, $0x0, v1  }
0x214: {  	s28 =	simm.s32 $0x3;
	v2 =	vmov s26;
	(xrf0) =	vadd.scan.msk.s32 $0xffff, v3  }
0x215: {  	vm13 =	veq.s32 v2, v0;
	v2 =	vmov s28  }
0x216: {  	v3 =	vnsel vm13, $0x0, v1;
	vm14 =	veq.s32 v2, v0  }
0x217: {  	(xrf0) =	vadd.scan.msk.s32 $0xffff, v3;
	v2 =	vnsel vm14, $0x0, v1  }
0x218: {  	(xrf0) =	vadd.scan.msk.s32 $0xffff, v2;
	_ =	sdelay $0x1  }
0x219: {  	s30 =	simm.s32 $0x4;
	v2, _, _ =	vpop (xrf0)  }
0x21a: {  	v3 =	vmov s30;
	(v2sf) =	vpush v2, $0xF;
	_ =	sdelay $0x1  }
0x21b: {  	v2, _, _ =	vpop (xrf0)  }
0x21c: {  	vm15 =	veq.s32 v3, v0;
	(v2sf) =	vpush v2, $0xF;
	v3, _, _ =	vpop (xrf0)  }
0x21d: {  	s29 =	spop (v2sf);
	(v2sf) =	vpush v3, $0xF;
	_ =	sdelay $0x5  }
0x21e: {  	v2 =	vnsel vm15, $0x0, v1;
	s17 =	sshll.u32 s29, $0x4  }
0x21f: {  	(xrf0) =	vadd.scan.msk.s32 $0xffff, v2;
	s19 =	sand.u32 $0x1FFFFFF0, s17  }
0x220: {  	s18 =	simm.s32 $0x5;
	s17 =	simm.s32 $0x1880;
	s31 =	sadd.s32 s2, s19  }
0x221: {  	[tilespmem:s17], [sflag:$0x1] =	stream.linear.gather [hbm4b:s31+s5], $0x80, $0x38;
	[tilespmem:$0x3080] =	vst v63  }
.LBB2_20:
0x222: {  	v2 =	vmov s18;
	p0 =	sne.s32 s18, $0xF;
	s18 =	sadd.s32 $0x1, s18  }
.Ltmp9:
0x223: {  	vm0 =	veq.s32 v2, v0;
	s19 =	spop (v2sf);
	(pc) =	sbr.rel @p0 .LBB2_20-.Ltmp9, $4  }
0x224: {  	v3 =	vnsel vm0, $0x0, v1;
	s19 =	sshll.u32 s19, $0x4  }
0x225: {  	(xrf0) =	vadd.scan.msk.s32 $0xffff, v3;
	v2, _, _ =	vpop (xrf0);
	s19 =	sand.u32 $0x1FFFFFF0, s19  }
0x226: {  	s17 =	sadd.s32 $0x80, s17;
	(v2sf) =	vpush v2, $0xF;
	s19 =	sadd.s32 s2, s19  }
0x227: {  	[tilespmem:s17], [sflag:$0x1] =	stream.linear.gather [hbm4b:s19+s5], $0x80, $0x38;
	[tilespmem:$0x3080] =	vst v63  }
0x228: {  	_ =	sdelay $0x2  }
0x229: {  	v1, _, _ =	vpop (xrf0)  }
0x22a: {  	s18 =	spop (v2sf);
	(v2sf) =	vpush v1, $0xF;
	_ =	sdelay $0x1  }
0x22b: {  	s18 =	sshll.u32 s18, $0x4  }
0x22c: {  	s18 =	sand.u32 $0x1FFFFFF0, s18  }
0x22d: {  	s17 =	sadd.s32 $0x80, s17;
	s21 =	spop (v2sf);
	s18 =	sadd.s32 s2, s18  }
0x22e: {  	[tilespmem:s17], [sflag:$0x1] =	stream.linear.gather [hbm4b:s18+s5], $0x80, $0x38;
	[tilespmem:$0x3080] =	vst v63  }
0x22f: {  	s18 =	sshll.u32 s21, $0x4  }
0x230: {  	s18 =	sand.u32 $0x1FFFFFF0, s18  }
0x231: {  	s17 =	sadd.s32 $0x80, s17;
	s18 =	sadd.s32 s2, s18  }
0x232: {  	[tilespmem:s17], [sflag:$0x1] =	stream.linear.gather [hbm4b:s18+s5], $0x80, $0x38;
	[tilespmem:$0x3080] =	vst v63  }
0x233: {  	s22 =	spop (v2sf)  }
0x234: {  	s18 =	sshll.u32 s22, $0x4  }
0x235: {  	s18 =	sand.u32 $0x1FFFFFF0, s18  }
0x236: {  	s17 =	sadd.s32 $0x80, s17;
	s18 =	sadd.s32 s2, s18  }
0x237: {  	[tilespmem:s17], [sflag:$0x1] =	stream.linear.gather [hbm4b:s18+s5], $0x80, $0x38;
	[tilespmem:$0x3080] =	vst v63  }
0x238: {  	s23 =	spop (v2sf)  }
0x239: {  	s18 =	sshll.u32 s23, $0x4  }
0x23a: {  	s18 =	sand.u32 $0x1FFFFFF0, s18  }
0x23b: {  	s17 =	sadd.s32 $0x80, s17;
	s18 =	sadd.s32 s2, s18  }
0x23c: {  	[tilespmem:s17], [sflag:$0x1] =	stream.linear.gather [hbm4b:s18+s5], $0x80, $0x38;
	[tilespmem:$0x3080] =	vst v63  }
0x23d: {  	_ =	swait.ge [sflag:s14], $0x800  }
0x23e: {  	[sflag:s14] =	ssyncset.done $0x0  }
0x23f: {  	[sflag:s14] =	ssyncadd.s32 $0xFFFFF800  }
0x240: {  	v1 =	vld [tilespmem:$0x40];
	_ =	sdelay $0x1  }
0x241: {  	s24 =	simm.s32 $0x0  }
0x242: {  	v2 =	vmov s24  }
0x243: {  	vm0 =	veq.s32 v2, v0  }
0x244: {  	v2 =	vnsel vm0, $0x0, v1  }
0x245: {  	(xrf0) =	vadd.scan.msk.s32 $0xffff, v2;
	_ =	sdelay $0x5  }
0x246: {  	v2, _, _ =	vpop (xrf0)  }
0x247: {  	s25 =	simm.s32 $0x1;
	(v2sf) =	vpush v2, $0xF  }
0x248: {  	v2 =	vmov s25  }
0x249: {  	vm12 =	veq.s32 v2, v0  }
0x24a: {  	s26 =	simm.s32 $0x2;
	v3 =	vnsel vm12, $0x0, v1  }
0x24b: {  	s28 =	simm.s32 $0x3;
	v2 =	vmov s26;
	(xrf0) =	vadd.scan.msk.s32 $0xffff, v3  }
0x24c: {  	vm13 =	veq.s32 v2, v0;
	v2 =	vmov s28  }
0x24d: {  	v3 =	vnsel vm13, $0x0, v1;
	vm14 =	veq.s32 v2, v0  }
0x24e: {  	(xrf0) =	vadd.scan.msk.s32 $0xffff, v3;
	v2 =	vnsel vm14, $0x0, v1  }
0x24f: {  	(xrf0) =	vadd.scan.msk.s32 $0xffff, v2;
	_ =	sdelay $0x1  }
0x250: {  	s30 =	simm.s32 $0x4;
	v2, _, _ =	vpop (xrf0)  }
0x251: {  	v3 =	vmov s30;
	(v2sf) =	vpush v2, $0xF;
	_ =	sdelay $0x1  }
0x252: {  	v2, _, _ =	vpop (xrf0)  }
0x253: {  	vm15 =	veq.s32 v3, v0;
	(v2sf) =	vpush v2, $0xF;
	v3, _, _ =	vpop (xrf0)  }
0x254: {  	s29 =	spop (v2sf);
	(v2sf) =	vpush v3, $0xF;
	_ =	sdelay $0x5  }
0x255: {  	v2 =	vnsel vm15, $0x0, v1;
	s17 =	sshll.u32 s29, $0x4  }
0x256: {  	(xrf0) =	vadd.scan.msk.s32 $0xffff, v2;
	s19 =	sand.u32 $0x1FFFFFF0, s17  }
0x257: {  	s18 =	simm.s32 $0x5;
	s17 =	simm.s32 $0x2080;
	s31 =	sadd.s32 s2, s19  }
0x258: {  	[tilespmem:s17], [sflag:$0x1] =	stream.linear.gather [hbm4b:s31+s5], $0x80, $0x38;
	[tilespmem:$0x3080] =	vst v63  }
.LBB2_22:
0x259: {  	v2 =	vmov s18;
	p0 =	sne.s32 s18, $0xF;
	s18 =	sadd.s32 $0x1, s18  }
.Ltmp10:
0x25a: {  	vm0 =	veq.s32 v2, v0;
	s19 =	spop (v2sf);
	(pc) =	sbr.rel @p0 .LBB2_22-.Ltmp10, $4  }
0x25b: {  	v3 =	vnsel vm0, $0x0, v1;
	s19 =	sshll.u32 s19, $0x4  }
0x25c: {  	(xrf0) =	vadd.scan.msk.s32 $0xffff, v3;
	v2, _, _ =	vpop (xrf0);
	s19 =	sand.u32 $0x1FFFFFF0, s19  }
0x25d: {  	s17 =	sadd.s32 $0x80, s17;
	(v2sf) =	vpush v2, $0xF;
	s19 =	sadd.s32 s2, s19  }
0x25e: {  	[tilespmem:s17], [sflag:$0x1] =	stream.linear.gather [hbm4b:s19+s5], $0x80, $0x38;
	[tilespmem:$0x3080] =	vst v63  }
0x25f: {  	_ =	sdelay $0x2  }
0x260: {  	v1, _, _ =	vpop (xrf0)  }
0x261: {  	s18 =	spop (v2sf);
	(v2sf) =	vpush v1, $0xF;
	_ =	sdelay $0x1  }
0x262: {  	s18 =	sshll.u32 s18, $0x4  }
0x263: {  	s18 =	sand.u32 $0x1FFFFFF0, s18  }
0x264: {  	s17 =	sadd.s32 $0x80, s17;
	s21 =	spop (v2sf);
	s18 =	sadd.s32 s2, s18  }
0x265: {  	[tilespmem:s17], [sflag:$0x1] =	stream.linear.gather [hbm4b:s18+s5], $0x80, $0x38;
	[tilespmem:$0x3080] =	vst v63  }
0x266: {  	s18 =	sshll.u32 s21, $0x4  }
0x267: {  	s18 =	sand.u32 $0x1FFFFFF0, s18  }
0x268: {  	s17 =	sadd.s32 $0x80, s17;
	s18 =	sadd.s32 s2, s18  }
0x269: {  	[tilespmem:s17], [sflag:$0x1] =	stream.linear.gather [hbm4b:s18+s5], $0x80, $0x38;
	[tilespmem:$0x3080] =	vst v63  }
0x26a: {  	s22 =	spop (v2sf)  }
0x26b: {  	s18 =	sshll.u32 s22, $0x4  }
0x26c: {  	s18 =	sand.u32 $0x1FFFFFF0, s18  }
0x26d: {  	s17 =	sadd.s32 $0x80, s17;
	s18 =	sadd.s32 s2, s18  }
0x26e: {  	[tilespmem:s17], [sflag:$0x1] =	stream.linear.gather [hbm4b:s18+s5], $0x80, $0x38;
	[tilespmem:$0x3080] =	vst v63  }
0x26f: {  	s23 =	spop (v2sf)  }
0x270: {  	s18 =	sshll.u32 s23, $0x4  }
0x271: {  	s18 =	sand.u32 $0x1FFFFFF0, s18  }
0x272: {  	s17 =	sadd.s32 $0x80, s17;
	s18 =	sadd.s32 s2, s18  }
0x273: {  	[tilespmem:s17], [sflag:$0x1] =	stream.linear.gather [hbm4b:s18+s5], $0x80, $0x38;
	[tilespmem:$0x3080] =	vst v63  }
0x274: {  	_ =	swait.ge [sflag:s14], $0x800  }
0x275: {  	[sflag:s14] =	ssyncset.done $0x0  }
0x276: {  	[sflag:s14] =	ssyncadd.s32 $0xFFFFF800  }
0x277: {  	v1 =	vld [tilespmem:$0x50];
	_ =	sdelay $0x1  }
0x278: {  	s24 =	simm.s32 $0x0  }
0x279: {  	v2 =	vmov s24  }
0x27a: {  	vm0 =	veq.s32 v2, v0  }
0x27b: {  	v2 =	vnsel vm0, $0x0, v1  }
0x27c: {  	(xrf0) =	vadd.scan.msk.s32 $0xffff, v2;
	_ =	sdelay $0x5  }
0x27d: {  	v2, _, _ =	vpop (xrf0)  }
0x27e: {  	s25 =	simm.s32 $0x1;
	(v2sf) =	vpush v2, $0xF  }
0x27f: {  	v2 =	vmov s25  }
0x280: {  	vm12 =	veq.s32 v2, v0  }
0x281: {  	s26 =	simm.s32 $0x2;
	v3 =	vnsel vm12, $0x0, v1  }
0x282: {  	s28 =	simm.s32 $0x3;
	v2 =	vmov s26;
	(xrf0) =	vadd.scan.msk.s32 $0xffff, v3  }
0x283: {  	vm13 =	veq.s32 v2, v0;
	v2 =	vmov s28  }
0x284: {  	v3 =	vnsel vm13, $0x0, v1;
	vm14 =	veq.s32 v2, v0  }
0x285: {  	(xrf0) =	vadd.scan.msk.s32 $0xffff, v3;
	v2 =	vnsel vm14, $0x0, v1  }
0x286: {  	(xrf0) =	vadd.scan.msk.s32 $0xffff, v2;
	_ =	sdelay $0x1  }
0x287: {  	s30 =	simm.s32 $0x4;
	v2, _, _ =	vpop (xrf0)  }
0x288: {  	v3 =	vmov s30;
	(v2sf) =	vpush v2, $0xF;
	_ =	sdelay $0x1  }
0x289: {  	v2, _, _ =	vpop (xrf0)  }
0x28a: {  	vm15 =	veq.s32 v3, v0;
	(v2sf) =	vpush v2, $0xF;
	v3, _, _ =	vpop (xrf0)  }
0x28b: {  	s29 =	spop (v2sf);
	(v2sf) =	vpush v3, $0xF;
	_ =	sdelay $0x5  }
0x28c: {  	v2 =	vnsel vm15, $0x0, v1;
	s17 =	sshll.u32 s29, $0x4  }
0x28d: {  	(xrf0) =	vadd.scan.msk.s32 $0xffff, v2;
	s19 =	sand.u32 $0x1FFFFFF0, s17  }
0x28e: {  	s18 =	simm.s32 $0x5;
	s17 =	simm.s32 $0x2880;
	s31 =	sadd.s32 s2, s19  }
0x28f: {  	[tilespmem:s17], [sflag:$0x1] =	stream.linear.gather [hbm4b:s31+s5], $0x80, $0x38;
	[tilespmem:$0x3080] =	vst v63  }
.LBB2_24:
0x290: {  	v2 =	vmov s18;
	p0 =	sne.s32 s18, $0xF;
	s18 =	sadd.s32 $0x1, s18  }
.Ltmp11:
0x291: {  	vm0 =	veq.s32 v2, v0;
	s19 =	spop (v2sf);
	(pc) =	sbr.rel @p0 .LBB2_24-.Ltmp11, $4  }
0x292: {  	v3 =	vnsel vm0, $0x0, v1;
	s19 =	sshll.u32 s19, $0x4  }
0x293: {  	(xrf0) =	vadd.scan.msk.s32 $0xffff, v3;
	v2, _, _ =	vpop (xrf0);
	s19 =	sand.u32 $0x1FFFFFF0, s19  }
0x294: {  	s17 =	sadd.s32 $0x80, s17;
	(v2sf) =	vpush v2, $0xF;
	s19 =	sadd.s32 s2, s19  }
0x295: {  	[tilespmem:s17], [sflag:$0x1] =	stream.linear.gather [hbm4b:s19+s5], $0x80, $0x38;
	[tilespmem:$0x3080] =	vst v63  }
0x296: {  	_ =	sdelay $0x2  }
0x297: {  	v1, _, _ =	vpop (xrf0)  }
0x298: {  	s18 =	spop (v2sf);
	(v2sf) =	vpush v1, $0xF;
	_ =	sdelay $0x1  }
0x299: {  	s18 =	sshll.u32 s18, $0x4  }
0x29a: {  	s18 =	sand.u32 $0x1FFFFFF0, s18  }
0x29b: {  	s17 =	sadd.s32 $0x80, s17;
	s23 =	spop (v2sf);
	s18 =	sadd.s32 s2, s18  }
0x29c: {  	[tilespmem:s17], [sflag:$0x1] =	stream.linear.gather [hbm4b:s18+s5], $0x80, $0x38;
	[tilespmem:$0x3080] =	vst v63  }
0x29d: {  	s18 =	sshll.u32 s23, $0x4  }
0x29e: {  	s18 =	sand.u32 $0x1FFFFFF0, s18  }
0x29f: {  	s17 =	sadd.s32 $0x80, s17;
	s18 =	sadd.s32 s2, s18  }
0x2a0: {  	[tilespmem:s17], [sflag:$0x1] =	stream.linear.gather [hbm4b:s18+s5], $0x80, $0x38;
	[tilespmem:$0x3080] =	vst v63  }
0x2a1: {  	s24 =	spop (v2sf)  }
0x2a2: {  	s18 =	sshll.u32 s24, $0x4  }
0x2a3: {  	s18 =	sand.u32 $0x1FFFFFF0, s18  }
0x2a4: {  	s17 =	sadd.s32 $0x80, s17;
	s18 =	sadd.s32 s2, s18  }
0x2a5: {  	[tilespmem:s17], [sflag:$0x1] =	stream.linear.gather [hbm4b:s18+s5], $0x80, $0x38;
	[tilespmem:$0x3080] =	vst v63  }
0x2a6: {  	s25 =	spop (v2sf)  }
0x2a7: {  	s18 =	sshll.u32 s25, $0x4  }
0x2a8: {  	s18 =	sand.u32 $0x1FFFFFF0, s18  }
0x2a9: {  	s17 =	sadd.s32 $0x80, s17;
	s18 =	sadd.s32 s2, s18  }
0x2aa: {  	[tilespmem:s17], [sflag:$0x1] =	stream.linear.gather [hbm4b:s18+s5], $0x80, $0x38;
	[tilespmem:$0x3080] =	vst v63  }
0x2ab: {  	_ =	swait.ge [sflag:s14], $0x800  }
0x2ac: {  	[sflag:s14] =	ssyncset.done $0x0  }
0x2ad: {  	s26 =	simm.s32 $0x0;
	s17 =	simm.s32 $0x80;
	[sflag:s14] =	ssyncadd.s32 $0xFFFFF800  }
0x2ae: {  	[hbm4b:s9+s26] =	stream.linear.scatter [tilespmem:s17], [sflag:$0x2], $0x3000, $0x38;
	[tilespmem:$0x3080] =	vst v63  }
0x2af: {  	_ =	swait.ge [sflag:s13], $0x3000  }
0x2b0: {  	[sflag:s13] =	ssyncset.done $0x0  }
0x2b1: {  	[sflag:s13] =	ssyncadd.s32 $0xFFFFD000  }
0x2b2: {  	[tilespmem:s26], [sflag:$0x2] =	stream.linear.gather [hbm4b:s10+s26], $0x60, $0x38;
	[tilespmem:$0x3080] =	vst v63  }
0x2b3: {  	_ =	swait.ge [sflag:s13], $0x60  }
0x2b4: {  	[sflag:s13] =	ssyncset.done $0x0  }
0x2b5: {  	[sflag:s13] =	ssyncadd.s32 $0xFFFFFFA0  }
0x2b6: {  	v1 =	vld [tilespmem:$0x0];
	_ =	sdelay $0x2  }
0x2b7: {  	v2 =	vmov s26  }
0x2b8: {  	vm0 =	veq.s32 v2, v0  }
0x2b9: {  	v2 =	vnsel vm0, $0x0, v1  }
0x2ba: {  	(xrf0) =	vadd.scan.msk.s32 $0xffff, v2;
	_ =	sdelay $0x5  }
0x2bb: {  	v2, _, _ =	vpop (xrf0)  }
0x2bc: {  	s28 =	simm.s32 $0x1;
	(v2sf) =	vpush v2, $0xF  }
0x2bd: {  	v2 =	vmov s28  }
0x2be: {  	vm12 =	veq.s32 v2, v0  }
0x2bf: {  	s29 =	simm.s32 $0x2;
	v3 =	vnsel vm12, $0x0, v1  }
0x2c0: {  	s30 =	simm.s32 $0x3;
	v2 =	vmov s29;
	(xrf0) =	vadd.scan.msk.s32 $0xffff, v3  }
0x2c1: {  	vm13 =	veq.s32 v2, v0;
	v2 =	vmov s30  }
0x2c2: {  	v3 =	vnsel vm13, $0x0, v1;
	vm14 =	veq.s32 v2, v0  }
0x2c3: {  	(xrf0) =	vadd.scan.msk.s32 $0xffff, v3;
	v2 =	vnsel vm14, $0x0, v1  }
0x2c4: {  	(xrf0) =	vadd.scan.msk.s32 $0xffff, v2;
	_ =	sdelay $0x1  }
0x2c5: {  	s19 =	simm.s32 $0x4;
	v2, _, _ =	vpop (xrf0)  }
0x2c6: {  	v3 =	vmov s19;
	(v2sf) =	vpush v2, $0xF;
	_ =	sdelay $0x1  }
0x2c7: {  	v2, _, _ =	vpop (xrf0)  }
0x2c8: {  	vm15 =	veq.s32 v3, v0;
	(v2sf) =	vpush v2, $0xF;
	v3, _, _ =	vpop (xrf0)  }
0x2c9: {  	s31 =	spop (v2sf);
	(v2sf) =	vpush v3, $0xF;
	_ =	sdelay $0x4  }
0x2ca: {  	s18 =	sshll.u32 s31, $0x4  }
0x2cb: {  	v2 =	vnsel vm15, $0x0, v1;
	s18 =	sand.u32 $0x1FFFFFF0, s18  }
0x2cc: {  	(xrf0) =	vadd.scan.msk.s32 $0xffff, v2;
	s18 =	sadd.s32 s4, s18  }
0x2cd: {  	[tilespmem:s17], [sflag:$0x1] =	stream.linear.gather [hbm4b:s18+s5], $0x80, $0x38;
	[tilespmem:$0x3080] =	vst v63  }
0x2ce: {  	s18 =	simm.s32 $0x5  }
.LBB2_26:
0x2cf: {  	v2 =	vmov s18;
	p0 =	sne.s32 s18, $0xF;
	s18 =	sadd.s32 $0x1, s18  }
.Ltmp12:
0x2d0: {  	vm0 =	veq.s32 v2, v0;
	s19 =	spop (v2sf);
	(pc) =	sbr.rel @p0 .LBB2_26-.Ltmp12, $4  }
0x2d1: {  	v3 =	vnsel vm0, $0x0, v1;
	s19 =	sshll.u32 s19, $0x4  }
0x2d2: {  	(xrf0) =	vadd.scan.msk.s32 $0xffff, v3;
	v2, _, _ =	vpop (xrf0);
	s19 =	sand.u32 $0x1FFFFFF0, s19  }
0x2d3: {  	s17 =	sadd.s32 $0x80, s17;
	(v2sf) =	vpush v2, $0xF;
	s19 =	sadd.s32 s4, s19  }
0x2d4: {  	[tilespmem:s17], [sflag:$0x1] =	stream.linear.gather [hbm4b:s19+s5], $0x80, $0x38;
	[tilespmem:$0x3080] =	vst v63  }
0x2d5: {  	_ =	sdelay $0x2  }
0x2d6: {  	v1, _, _ =	vpop (xrf0)  }
0x2d7: {  	s18 =	spop (v2sf);
	(v2sf) =	vpush v1, $0xF;
	_ =	sdelay $0x1  }
0x2d8: {  	s18 =	sshll.u32 s18, $0x4  }
0x2d9: {  	s18 =	sand.u32 $0x1FFFFFF0, s18  }
0x2da: {  	s17 =	sadd.s32 $0x80, s17;
	s21 =	spop (v2sf);
	s18 =	sadd.s32 s4, s18  }
0x2db: {  	[tilespmem:s17], [sflag:$0x1] =	stream.linear.gather [hbm4b:s18+s5], $0x80, $0x38;
	[tilespmem:$0x3080] =	vst v63  }
0x2dc: {  	s18 =	sshll.u32 s21, $0x4  }
0x2dd: {  	s18 =	sand.u32 $0x1FFFFFF0, s18  }
0x2de: {  	s17 =	sadd.s32 $0x80, s17;
	s18 =	sadd.s32 s4, s18  }
0x2df: {  	[tilespmem:s17], [sflag:$0x1] =	stream.linear.gather [hbm4b:s18+s5], $0x80, $0x38;
	[tilespmem:$0x3080] =	vst v63  }
0x2e0: {  	s22 =	spop (v2sf)  }
0x2e1: {  	s18 =	sshll.u32 s22, $0x4  }
0x2e2: {  	s18 =	sand.u32 $0x1FFFFFF0, s18  }
0x2e3: {  	s17 =	sadd.s32 $0x80, s17;
	s18 =	sadd.s32 s4, s18  }
0x2e4: {  	[tilespmem:s17], [sflag:$0x1] =	stream.linear.gather [hbm4b:s18+s5], $0x80, $0x38;
	[tilespmem:$0x3080] =	vst v63  }
0x2e5: {  	s23 =	spop (v2sf)  }
0x2e6: {  	s18 =	sshll.u32 s23, $0x4  }
0x2e7: {  	s18 =	sand.u32 $0x1FFFFFF0, s18  }
0x2e8: {  	s17 =	sadd.s32 $0x80, s17;
	s18 =	sadd.s32 s4, s18  }
0x2e9: {  	[tilespmem:s17], [sflag:$0x1] =	stream.linear.gather [hbm4b:s18+s5], $0x80, $0x38;
	[tilespmem:$0x3080] =	vst v63  }
0x2ea: {  	_ =	swait.ge [sflag:s14], $0x800  }
0x2eb: {  	[sflag:s14] =	ssyncset.done $0x0  }
0x2ec: {  	[sflag:s14] =	ssyncadd.s32 $0xFFFFF800  }
0x2ed: {  	v1 =	vld [tilespmem:$0x10];
	_ =	sdelay $0x1  }
0x2ee: {  	s24 =	simm.s32 $0x0  }
0x2ef: {  	v2 =	vmov s24  }
0x2f0: {  	vm0 =	veq.s32 v2, v0  }
0x2f1: {  	v2 =	vnsel vm0, $0x0, v1  }
0x2f2: {  	(xrf0) =	vadd.scan.msk.s32 $0xffff, v2;
	_ =	sdelay $0x5  }
0x2f3: {  	v2, _, _ =	vpop (xrf0)  }
0x2f4: {  	s25 =	simm.s32 $0x1;
	(v2sf) =	vpush v2, $0xF  }
0x2f5: {  	v2 =	vmov s25  }
0x2f6: {  	vm12 =	veq.s32 v2, v0  }
0x2f7: {  	s26 =	simm.s32 $0x2;
	v3 =	vnsel vm12, $0x0, v1  }
0x2f8: {  	s28 =	simm.s32 $0x3;
	v2 =	vmov s26;
	(xrf0) =	vadd.scan.msk.s32 $0xffff, v3  }
0x2f9: {  	vm13 =	veq.s32 v2, v0;
	v2 =	vmov s28  }
0x2fa: {  	v3 =	vnsel vm13, $0x0, v1;
	vm14 =	veq.s32 v2, v0  }
0x2fb: {  	(xrf0) =	vadd.scan.msk.s32 $0xffff, v3;
	v2 =	vnsel vm14, $0x0, v1  }
0x2fc: {  	(xrf0) =	vadd.scan.msk.s32 $0xffff, v2;
	_ =	sdelay $0x1  }
0x2fd: {  	s30 =	simm.s32 $0x4;
	v2, _, _ =	vpop (xrf0)  }
0x2fe: {  	v3 =	vmov s30;
	(v2sf) =	vpush v2, $0xF;
	_ =	sdelay $0x1  }
0x2ff: {  	v2, _, _ =	vpop (xrf0)  }
0x300: {  	vm15 =	veq.s32 v3, v0;
	(v2sf) =	vpush v2, $0xF;
	v3, _, _ =	vpop (xrf0)  }
0x301: {  	s29 =	spop (v2sf);
	(v2sf) =	vpush v3, $0xF;
	_ =	sdelay $0x5  }
0x302: {  	v2 =	vnsel vm15, $0x0, v1;
	s17 =	sshll.u32 s29, $0x4  }
0x303: {  	(xrf0) =	vadd.scan.msk.s32 $0xffff, v2;
	s19 =	sand.u32 $0x1FFFFFF0, s17  }
0x304: {  	s18 =	simm.s32 $0x5;
	s17 =	simm.s32 $0x880;
	s31 =	sadd.s32 s4, s19  }
0x305: {  	[tilespmem:s17], [sflag:$0x1] =	stream.linear.gather [hbm4b:s31+s5], $0x80, $0x38;
	[tilespmem:$0x3080] =	vst v63  }
.LBB2_28:
0x306: {  	v2 =	vmov s18;
	p0 =	sne.s32 s18, $0xF;
	s18 =	sadd.s32 $0x1, s18  }
.Ltmp13:
0x307: {  	vm0 =	veq.s32 v2, v0;
	s19 =	spop (v2sf);
	(pc) =	sbr.rel @p0 .LBB2_28-.Ltmp13, $4  }
0x308: {  	v3 =	vnsel vm0, $0x0, v1;
	s19 =	sshll.u32 s19, $0x4  }
0x309: {  	(xrf0) =	vadd.scan.msk.s32 $0xffff, v3;
	v2, _, _ =	vpop (xrf0);
	s19 =	sand.u32 $0x1FFFFFF0, s19  }
0x30a: {  	s17 =	sadd.s32 $0x80, s17;
	(v2sf) =	vpush v2, $0xF;
	s19 =	sadd.s32 s4, s19  }
0x30b: {  	[tilespmem:s17], [sflag:$0x1] =	stream.linear.gather [hbm4b:s19+s5], $0x80, $0x38;
	[tilespmem:$0x3080] =	vst v63  }
0x30c: {  	_ =	sdelay $0x2  }
0x30d: {  	v1, _, _ =	vpop (xrf0)  }
0x30e: {  	s18 =	spop (v2sf);
	(v2sf) =	vpush v1, $0xF;
	_ =	sdelay $0x1  }
0x30f: {  	s18 =	sshll.u32 s18, $0x4  }
0x310: {  	s18 =	sand.u32 $0x1FFFFFF0, s18  }
0x311: {  	s17 =	sadd.s32 $0x80, s17;
	s21 =	spop (v2sf);
	s18 =	sadd.s32 s4, s18  }
0x312: {  	[tilespmem:s17], [sflag:$0x1] =	stream.linear.gather [hbm4b:s18+s5], $0x80, $0x38;
	[tilespmem:$0x3080] =	vst v63  }
0x313: {  	s18 =	sshll.u32 s21, $0x4  }
0x314: {  	s18 =	sand.u32 $0x1FFFFFF0, s18  }
0x315: {  	s17 =	sadd.s32 $0x80, s17;
	s18 =	sadd.s32 s4, s18  }
0x316: {  	[tilespmem:s17], [sflag:$0x1] =	stream.linear.gather [hbm4b:s18+s5], $0x80, $0x38;
	[tilespmem:$0x3080] =	vst v63  }
0x317: {  	s22 =	spop (v2sf)  }
0x318: {  	s18 =	sshll.u32 s22, $0x4  }
0x319: {  	s18 =	sand.u32 $0x1FFFFFF0, s18  }
0x31a: {  	s17 =	sadd.s32 $0x80, s17;
	s18 =	sadd.s32 s4, s18  }
0x31b: {  	[tilespmem:s17], [sflag:$0x1] =	stream.linear.gather [hbm4b:s18+s5], $0x80, $0x38;
	[tilespmem:$0x3080] =	vst v63  }
0x31c: {  	s23 =	spop (v2sf)  }
0x31d: {  	s18 =	sshll.u32 s23, $0x4  }
0x31e: {  	s18 =	sand.u32 $0x1FFFFFF0, s18  }
0x31f: {  	s17 =	sadd.s32 $0x80, s17;
	s18 =	sadd.s32 s4, s18  }
0x320: {  	[tilespmem:s17], [sflag:$0x1] =	stream.linear.gather [hbm4b:s18+s5], $0x80, $0x38;
	[tilespmem:$0x3080] =	vst v63  }
0x321: {  	_ =	swait.ge [sflag:s14], $0x800  }
0x322: {  	[sflag:s14] =	ssyncset.done $0x0  }
0x323: {  	[sflag:s14] =	ssyncadd.s32 $0xFFFFF800  }
0x324: {  	v1 =	vld [tilespmem:$0x20];
	_ =	sdelay $0x1  }
0x325: {  	s24 =	simm.s32 $0x0  }
0x326: {  	v2 =	vmov s24  }
0x327: {  	vm0 =	veq.s32 v2, v0  }
0x328: {  	v2 =	vnsel vm0, $0x0, v1  }
0x329: {  	(xrf0) =	vadd.scan.msk.s32 $0xffff, v2;
	_ =	sdelay $0x5  }
0x32a: {  	v2, _, _ =	vpop (xrf0)  }
0x32b: {  	s25 =	simm.s32 $0x1;
	(v2sf) =	vpush v2, $0xF  }
0x32c: {  	v2 =	vmov s25  }
0x32d: {  	vm12 =	veq.s32 v2, v0  }
0x32e: {  	s26 =	simm.s32 $0x2;
	v3 =	vnsel vm12, $0x0, v1  }
0x32f: {  	s28 =	simm.s32 $0x3;
	v2 =	vmov s26;
	(xrf0) =	vadd.scan.msk.s32 $0xffff, v3  }
0x330: {  	vm13 =	veq.s32 v2, v0;
	v2 =	vmov s28  }
0x331: {  	v3 =	vnsel vm13, $0x0, v1;
	vm14 =	veq.s32 v2, v0  }
0x332: {  	(xrf0) =	vadd.scan.msk.s32 $0xffff, v3;
	v2 =	vnsel vm14, $0x0, v1  }
0x333: {  	(xrf0) =	vadd.scan.msk.s32 $0xffff, v2;
	_ =	sdelay $0x1  }
0x334: {  	s30 =	simm.s32 $0x4;
	v2, _, _ =	vpop (xrf0)  }
0x335: {  	v3 =	vmov s30;
	(v2sf) =	vpush v2, $0xF;
	_ =	sdelay $0x1  }
0x336: {  	v2, _, _ =	vpop (xrf0)  }
0x337: {  	vm15 =	veq.s32 v3, v0;
	(v2sf) =	vpush v2, $0xF;
	v3, _, _ =	vpop (xrf0)  }
0x338: {  	s29 =	spop (v2sf);
	(v2sf) =	vpush v3, $0xF;
	_ =	sdelay $0x5  }
0x339: {  	v2 =	vnsel vm15, $0x0, v1;
	s17 =	sshll.u32 s29, $0x4  }
0x33a: {  	(xrf0) =	vadd.scan.msk.s32 $0xffff, v2;
	s19 =	sand.u32 $0x1FFFFFF0, s17  }
0x33b: {  	s18 =	simm.s32 $0x5;
	s17 =	simm.s32 $0x1080;
	s31 =	sadd.s32 s4, s19  }
0x33c: {  	[tilespmem:s17], [sflag:$0x1] =	stream.linear.gather [hbm4b:s31+s5], $0x80, $0x38;
	[tilespmem:$0x3080] =	vst v63  }
.LBB2_30:
0x33d: {  	v2 =	vmov s18;
	p0 =	sne.s32 s18, $0xF;
	s18 =	sadd.s32 $0x1, s18  }
.Ltmp14:
0x33e: {  	vm0 =	veq.s32 v2, v0;
	s19 =	spop (v2sf);
	(pc) =	sbr.rel @p0 .LBB2_30-.Ltmp14, $4  }
0x33f: {  	v3 =	vnsel vm0, $0x0, v1;
	s19 =	sshll.u32 s19, $0x4  }
0x340: {  	(xrf0) =	vadd.scan.msk.s32 $0xffff, v3;
	v2, _, _ =	vpop (xrf0);
	s19 =	sand.u32 $0x1FFFFFF0, s19  }
0x341: {  	s17 =	sadd.s32 $0x80, s17;
	(v2sf) =	vpush v2, $0xF;
	s19 =	sadd.s32 s4, s19  }
0x342: {  	[tilespmem:s17], [sflag:$0x1] =	stream.linear.gather [hbm4b:s19+s5], $0x80, $0x38;
	[tilespmem:$0x3080] =	vst v63  }
0x343: {  	_ =	sdelay $0x2  }
0x344: {  	v1, _, _ =	vpop (xrf0)  }
0x345: {  	s18 =	spop (v2sf);
	(v2sf) =	vpush v1, $0xF;
	_ =	sdelay $0x1  }
0x346: {  	s18 =	sshll.u32 s18, $0x4  }
0x347: {  	s18 =	sand.u32 $0x1FFFFFF0, s18  }
0x348: {  	s17 =	sadd.s32 $0x80, s17;
	s21 =	spop (v2sf);
	s18 =	sadd.s32 s4, s18  }
0x349: {  	[tilespmem:s17], [sflag:$0x1] =	stream.linear.gather [hbm4b:s18+s5], $0x80, $0x38;
	[tilespmem:$0x3080] =	vst v63  }
0x34a: {  	s18 =	sshll.u32 s21, $0x4  }
0x34b: {  	s18 =	sand.u32 $0x1FFFFFF0, s18  }
0x34c: {  	s17 =	sadd.s32 $0x80, s17;
	s18 =	sadd.s32 s4, s18  }
0x34d: {  	[tilespmem:s17], [sflag:$0x1] =	stream.linear.gather [hbm4b:s18+s5], $0x80, $0x38;
	[tilespmem:$0x3080] =	vst v63  }
0x34e: {  	s22 =	spop (v2sf)  }
0x34f: {  	s18 =	sshll.u32 s22, $0x4  }
0x350: {  	s18 =	sand.u32 $0x1FFFFFF0, s18  }
0x351: {  	s17 =	sadd.s32 $0x80, s17;
	s18 =	sadd.s32 s4, s18  }
0x352: {  	[tilespmem:s17], [sflag:$0x1] =	stream.linear.gather [hbm4b:s18+s5], $0x80, $0x38;
	[tilespmem:$0x3080] =	vst v63  }
0x353: {  	s23 =	spop (v2sf)  }
0x354: {  	s18 =	sshll.u32 s23, $0x4  }
0x355: {  	s18 =	sand.u32 $0x1FFFFFF0, s18  }
0x356: {  	s17 =	sadd.s32 $0x80, s17;
	s18 =	sadd.s32 s4, s18  }
0x357: {  	[tilespmem:s17], [sflag:$0x1] =	stream.linear.gather [hbm4b:s18+s5], $0x80, $0x38;
	[tilespmem:$0x3080] =	vst v63  }
0x358: {  	_ =	swait.ge [sflag:s14], $0x800  }
0x359: {  	[sflag:s14] =	ssyncset.done $0x0  }
0x35a: {  	[sflag:s14] =	ssyncadd.s32 $0xFFFFF800  }
0x35b: {  	v1 =	vld [tilespmem:$0x30];
	_ =	sdelay $0x1  }
0x35c: {  	s24 =	simm.s32 $0x0  }
0x35d: {  	v2 =	vmov s24  }
0x35e: {  	vm0 =	veq.s32 v2, v0  }
0x35f: {  	v2 =	vnsel vm0, $0x0, v1  }
0x360: {  	(xrf0) =	vadd.scan.msk.s32 $0xffff, v2;
	_ =	sdelay $0x5  }
0x361: {  	v2, _, _ =	vpop (xrf0)  }
0x362: {  	s25 =	simm.s32 $0x1;
	(v2sf) =	vpush v2, $0xF  }
0x363: {  	v2 =	vmov s25  }
0x364: {  	vm12 =	veq.s32 v2, v0  }
0x365: {  	s26 =	simm.s32 $0x2;
	v3 =	vnsel vm12, $0x0, v1  }
0x366: {  	s28 =	simm.s32 $0x3;
	v2 =	vmov s26;
	(xrf0) =	vadd.scan.msk.s32 $0xffff, v3  }
0x367: {  	vm13 =	veq.s32 v2, v0;
	v2 =	vmov s28  }
0x368: {  	v3 =	vnsel vm13, $0x0, v1;
	vm14 =	veq.s32 v2, v0  }
0x369: {  	(xrf0) =	vadd.scan.msk.s32 $0xffff, v3;
	v2 =	vnsel vm14, $0x0, v1  }
0x36a: {  	(xrf0) =	vadd.scan.msk.s32 $0xffff, v2;
	_ =	sdelay $0x1  }
0x36b: {  	s30 =	simm.s32 $0x4;
	v2, _, _ =	vpop (xrf0)  }
0x36c: {  	v3 =	vmov s30;
	(v2sf) =	vpush v2, $0xF;
	_ =	sdelay $0x1  }
0x36d: {  	v2, _, _ =	vpop (xrf0)  }
0x36e: {  	vm15 =	veq.s32 v3, v0;
	(v2sf) =	vpush v2, $0xF;
	v3, _, _ =	vpop (xrf0)  }
0x36f: {  	s29 =	spop (v2sf);
	(v2sf) =	vpush v3, $0xF;
	_ =	sdelay $0x5  }
0x370: {  	v2 =	vnsel vm15, $0x0, v1;
	s17 =	sshll.u32 s29, $0x4  }
0x371: {  	(xrf0) =	vadd.scan.msk.s32 $0xffff, v2;
	s19 =	sand.u32 $0x1FFFFFF0, s17  }
0x372: {  	s18 =	simm.s32 $0x5;
	s17 =	simm.s32 $0x1880;
	s31 =	sadd.s32 s4, s19  }
0x373: {  	[tilespmem:s17], [sflag:$0x1] =	stream.linear.gather [hbm4b:s31+s5], $0x80, $0x38;
	[tilespmem:$0x3080] =	vst v63  }
.LBB2_32:
0x374: {  	v2 =	vmov s18;
	p0 =	sne.s32 s18, $0xF;
	s18 =	sadd.s32 $0x1, s18  }
.Ltmp15:
0x375: {  	vm0 =	veq.s32 v2, v0;
	s19 =	spop (v2sf);
	(pc) =	sbr.rel @p0 .LBB2_32-.Ltmp15, $4  }
0x376: {  	v3 =	vnsel vm0, $0x0, v1;
	s19 =	sshll.u32 s19, $0x4  }
0x377: {  	(xrf0) =	vadd.scan.msk.s32 $0xffff, v3;
	v2, _, _ =	vpop (xrf0);
	s19 =	sand.u32 $0x1FFFFFF0, s19  }
0x378: {  	s17 =	sadd.s32 $0x80, s17;
	(v2sf) =	vpush v2, $0xF;
	s19 =	sadd.s32 s4, s19  }
0x379: {  	[tilespmem:s17], [sflag:$0x1] =	stream.linear.gather [hbm4b:s19+s5], $0x80, $0x38;
	[tilespmem:$0x3080] =	vst v63  }
0x37a: {  	_ =	sdelay $0x2  }
0x37b: {  	v1, _, _ =	vpop (xrf0)  }
0x37c: {  	s18 =	spop (v2sf);
	(v2sf) =	vpush v1, $0xF;
	_ =	sdelay $0x1  }
0x37d: {  	s18 =	sshll.u32 s18, $0x4  }
0x37e: {  	s18 =	sand.u32 $0x1FFFFFF0, s18  }
0x37f: {  	s17 =	sadd.s32 $0x80, s17;
	s21 =	spop (v2sf);
	s18 =	sadd.s32 s4, s18  }
0x380: {  	[tilespmem:s17], [sflag:$0x1] =	stream.linear.gather [hbm4b:s18+s5], $0x80, $0x38;
	[tilespmem:$0x3080] =	vst v63  }
0x381: {  	s18 =	sshll.u32 s21, $0x4  }
0x382: {  	s18 =	sand.u32 $0x1FFFFFF0, s18  }
0x383: {  	s17 =	sadd.s32 $0x80, s17;
	s18 =	sadd.s32 s4, s18  }
0x384: {  	[tilespmem:s17], [sflag:$0x1] =	stream.linear.gather [hbm4b:s18+s5], $0x80, $0x38;
	[tilespmem:$0x3080] =	vst v63  }
0x385: {  	s22 =	spop (v2sf)  }
0x386: {  	s18 =	sshll.u32 s22, $0x4  }
0x387: {  	s18 =	sand.u32 $0x1FFFFFF0, s18  }
0x388: {  	s17 =	sadd.s32 $0x80, s17;
	s18 =	sadd.s32 s4, s18  }
0x389: {  	[tilespmem:s17], [sflag:$0x1] =	stream.linear.gather [hbm4b:s18+s5], $0x80, $0x38;
	[tilespmem:$0x3080] =	vst v63  }
0x38a: {  	s23 =	spop (v2sf)  }
0x38b: {  	s18 =	sshll.u32 s23, $0x4  }
0x38c: {  	s18 =	sand.u32 $0x1FFFFFF0, s18  }
0x38d: {  	s17 =	sadd.s32 $0x80, s17;
	s18 =	sadd.s32 s4, s18  }
0x38e: {  	[tilespmem:s17], [sflag:$0x1] =	stream.linear.gather [hbm4b:s18+s5], $0x80, $0x38;
	[tilespmem:$0x3080] =	vst v63  }
0x38f: {  	_ =	swait.ge [sflag:s14], $0x800  }
0x390: {  	[sflag:s14] =	ssyncset.done $0x0  }
0x391: {  	[sflag:s14] =	ssyncadd.s32 $0xFFFFF800  }
0x392: {  	v1 =	vld [tilespmem:$0x40];
	_ =	sdelay $0x1  }
0x393: {  	s24 =	simm.s32 $0x0  }
0x394: {  	v2 =	vmov s24  }
0x395: {  	vm0 =	veq.s32 v2, v0  }
0x396: {  	v2 =	vnsel vm0, $0x0, v1  }
0x397: {  	(xrf0) =	vadd.scan.msk.s32 $0xffff, v2;
	_ =	sdelay $0x5  }
0x398: {  	v2, _, _ =	vpop (xrf0)  }
0x399: {  	s25 =	simm.s32 $0x1;
	(v2sf) =	vpush v2, $0xF  }
0x39a: {  	v2 =	vmov s25  }
0x39b: {  	vm12 =	veq.s32 v2, v0  }
0x39c: {  	s26 =	simm.s32 $0x2;
	v3 =	vnsel vm12, $0x0, v1  }
0x39d: {  	s28 =	simm.s32 $0x3;
	v2 =	vmov s26;
	(xrf0) =	vadd.scan.msk.s32 $0xffff, v3  }
0x39e: {  	vm13 =	veq.s32 v2, v0;
	v2 =	vmov s28  }
0x39f: {  	v3 =	vnsel vm13, $0x0, v1;
	vm14 =	veq.s32 v2, v0  }
0x3a0: {  	(xrf0) =	vadd.scan.msk.s32 $0xffff, v3;
	v2 =	vnsel vm14, $0x0, v1  }
0x3a1: {  	(xrf0) =	vadd.scan.msk.s32 $0xffff, v2;
	_ =	sdelay $0x1  }
0x3a2: {  	s30 =	simm.s32 $0x4;
	v2, _, _ =	vpop (xrf0)  }
0x3a3: {  	v3 =	vmov s30;
	(v2sf) =	vpush v2, $0xF;
	_ =	sdelay $0x1  }
0x3a4: {  	v2, _, _ =	vpop (xrf0)  }
0x3a5: {  	vm15 =	veq.s32 v3, v0;
	(v2sf) =	vpush v2, $0xF;
	v3, _, _ =	vpop (xrf0)  }
0x3a6: {  	s29 =	spop (v2sf);
	(v2sf) =	vpush v3, $0xF;
	_ =	sdelay $0x5  }
0x3a7: {  	v2 =	vnsel vm15, $0x0, v1;
	s17 =	sshll.u32 s29, $0x4  }
0x3a8: {  	(xrf0) =	vadd.scan.msk.s32 $0xffff, v2;
	s19 =	sand.u32 $0x1FFFFFF0, s17  }
0x3a9: {  	s18 =	simm.s32 $0x5;
	s17 =	simm.s32 $0x2080;
	s31 =	sadd.s32 s4, s19  }
0x3aa: {  	[tilespmem:s17], [sflag:$0x1] =	stream.linear.gather [hbm4b:s31+s5], $0x80, $0x38;
	[tilespmem:$0x3080] =	vst v63  }
.LBB2_34:
0x3ab: {  	v2 =	vmov s18;
	p0 =	sne.s32 s18, $0xF;
	s18 =	sadd.s32 $0x1, s18  }
.Ltmp16:
0x3ac: {  	vm0 =	veq.s32 v2, v0;
	s19 =	spop (v2sf);
	(pc) =	sbr.rel @p0 .LBB2_34-.Ltmp16, $4  }
0x3ad: {  	v3 =	vnsel vm0, $0x0, v1;
	s19 =	sshll.u32 s19, $0x4  }
0x3ae: {  	(xrf0) =	vadd.scan.msk.s32 $0xffff, v3;
	v2, _, _ =	vpop (xrf0);
	s19 =	sand.u32 $0x1FFFFFF0, s19  }
0x3af: {  	s17 =	sadd.s32 $0x80, s17;
	(v2sf) =	vpush v2, $0xF;
	s19 =	sadd.s32 s4, s19  }
0x3b0: {  	[tilespmem:s17], [sflag:$0x1] =	stream.linear.gather [hbm4b:s19+s5], $0x80, $0x38;
	[tilespmem:$0x3080] =	vst v63  }
0x3b1: {  	_ =	sdelay $0x2  }
0x3b2: {  	v1, _, _ =	vpop (xrf0)  }
0x3b3: {  	s18 =	spop (v2sf);
	(v2sf) =	vpush v1, $0xF;
	_ =	sdelay $0x1  }
0x3b4: {  	s18 =	sshll.u32 s18, $0x4  }
0x3b5: {  	s18 =	sand.u32 $0x1FFFFFF0, s18  }
0x3b6: {  	s17 =	sadd.s32 $0x80, s17;
	s21 =	spop (v2sf);
	s18 =	sadd.s32 s4, s18  }
0x3b7: {  	[tilespmem:s17], [sflag:$0x1] =	stream.linear.gather [hbm4b:s18+s5], $0x80, $0x38;
	[tilespmem:$0x3080] =	vst v63  }
0x3b8: {  	s18 =	sshll.u32 s21, $0x4  }
0x3b9: {  	s18 =	sand.u32 $0x1FFFFFF0, s18  }
0x3ba: {  	s17 =	sadd.s32 $0x80, s17;
	s18 =	sadd.s32 s4, s18  }
0x3bb: {  	[tilespmem:s17], [sflag:$0x1] =	stream.linear.gather [hbm4b:s18+s5], $0x80, $0x38;
	[tilespmem:$0x3080] =	vst v63  }
0x3bc: {  	s22 =	spop (v2sf)  }
0x3bd: {  	s18 =	sshll.u32 s22, $0x4  }
0x3be: {  	s18 =	sand.u32 $0x1FFFFFF0, s18  }
0x3bf: {  	s17 =	sadd.s32 $0x80, s17;
	s18 =	sadd.s32 s4, s18  }
0x3c0: {  	[tilespmem:s17], [sflag:$0x1] =	stream.linear.gather [hbm4b:s18+s5], $0x80, $0x38;
	[tilespmem:$0x3080] =	vst v63  }
0x3c1: {  	s23 =	spop (v2sf)  }
0x3c2: {  	s18 =	sshll.u32 s23, $0x4  }
0x3c3: {  	s18 =	sand.u32 $0x1FFFFFF0, s18  }
0x3c4: {  	s17 =	sadd.s32 $0x80, s17;
	s18 =	sadd.s32 s4, s18  }
0x3c5: {  	[tilespmem:s17], [sflag:$0x1] =	stream.linear.gather [hbm4b:s18+s5], $0x80, $0x38;
	[tilespmem:$0x3080] =	vst v63  }
0x3c6: {  	_ =	swait.ge [sflag:s14], $0x800  }
0x3c7: {  	[sflag:s14] =	ssyncset.done $0x0  }
0x3c8: {  	[sflag:s14] =	ssyncadd.s32 $0xFFFFF800  }
0x3c9: {  	v1 =	vld [tilespmem:$0x50];
	_ =	sdelay $0x1  }
0x3ca: {  	s24 =	simm.s32 $0x0  }
0x3cb: {  	v2 =	vmov s24  }
0x3cc: {  	vm0 =	veq.s32 v2, v0  }
0x3cd: {  	v2 =	vnsel vm0, $0x0, v1  }
0x3ce: {  	(xrf0) =	vadd.scan.msk.s32 $0xffff, v2;
	_ =	sdelay $0x5  }
0x3cf: {  	v2, _, _ =	vpop (xrf0)  }
0x3d0: {  	s25 =	simm.s32 $0x1;
	(v2sf) =	vpush v2, $0xF  }
0x3d1: {  	v2 =	vmov s25  }
0x3d2: {  	vm12 =	veq.s32 v2, v0  }
0x3d3: {  	s26 =	simm.s32 $0x2;
	v3 =	vnsel vm12, $0x0, v1  }
0x3d4: {  	s28 =	simm.s32 $0x3;
	v2 =	vmov s26;
	(xrf0) =	vadd.scan.msk.s32 $0xffff, v3  }
0x3d5: {  	vm13 =	veq.s32 v2, v0;
	v2 =	vmov s28  }
0x3d6: {  	v3 =	vnsel vm13, $0x0, v1;
	vm14 =	veq.s32 v2, v0  }
0x3d7: {  	(xrf0) =	vadd.scan.msk.s32 $0xffff, v3;
	v2 =	vnsel vm14, $0x0, v1  }
0x3d8: {  	(xrf0) =	vadd.scan.msk.s32 $0xffff, v2;
	_ =	sdelay $0x1  }
0x3d9: {  	s30 =	simm.s32 $0x4;
	v2, _, _ =	vpop (xrf0)  }
0x3da: {  	v3 =	vmov s30;
	(v2sf) =	vpush v2, $0xF;
	_ =	sdelay $0x1  }
0x3db: {  	v2, _, _ =	vpop (xrf0)  }
0x3dc: {  	vm15 =	veq.s32 v3, v0;
	(v2sf) =	vpush v2, $0xF;
	v3, _, _ =	vpop (xrf0)  }
0x3dd: {  	s29 =	spop (v2sf);
	(v2sf) =	vpush v3, $0xF;
	_ =	sdelay $0x5  }
0x3de: {  	v2 =	vnsel vm15, $0x0, v1;
	s17 =	sshll.u32 s29, $0x4  }
0x3df: {  	(xrf0) =	vadd.scan.msk.s32 $0xffff, v2;
	s19 =	sand.u32 $0x1FFFFFF0, s17  }
0x3e0: {  	s18 =	simm.s32 $0x5;
	s17 =	simm.s32 $0x2880;
	s31 =	sadd.s32 s4, s19  }
0x3e1: {  	[tilespmem:s17], [sflag:$0x1] =	stream.linear.gather [hbm4b:s31+s5], $0x80, $0x38;
	[tilespmem:$0x3080] =	vst v63  }
.LBB2_36:
0x3e2: {  	v2 =	vmov s18;
	p0 =	sne.s32 s18, $0xF;
	s18 =	sadd.s32 $0x1, s18  }
.Ltmp17:
0x3e3: {  	vm0 =	veq.s32 v2, v0;
	s19 =	spop (v2sf);
	(pc) =	sbr.rel @p0 .LBB2_36-.Ltmp17, $4  }
0x3e4: {  	v3 =	vnsel vm0, $0x0, v1;
	s19 =	sshll.u32 s19, $0x4  }
0x3e5: {  	(xrf0) =	vadd.scan.msk.s32 $0xffff, v3;
	v2, _, _ =	vpop (xrf0);
	s19 =	sand.u32 $0x1FFFFFF0, s19  }
0x3e6: {  	s17 =	sadd.s32 $0x80, s17;
	(v2sf) =	vpush v2, $0xF;
	s19 =	sadd.s32 s4, s19  }
0x3e7: {  	[tilespmem:s17], [sflag:$0x1] =	stream.linear.gather [hbm4b:s19+s5], $0x80, $0x38;
	[tilespmem:$0x3080] =	vst v63  }
0x3e8: {  	_ =	sdelay $0x2  }
0x3e9: {  	v1, _, _ =	vpop (xrf0)  }
0x3ea: {  	s18 =	spop (v2sf);
	(v2sf) =	vpush v1, $0xF;
	_ =	sdelay $0x1  }
0x3eb: {  	s18 =	sshll.u32 s18, $0x4  }
0x3ec: {  	s18 =	sand.u32 $0x1FFFFFF0, s18  }
0x3ed: {  	s17 =	sadd.s32 $0x80, s17;
	s29 =	spop (v2sf);
	s18 =	sadd.s32 s4, s18  }
0x3ee: {  	[tilespmem:s17], [sflag:$0x1] =	stream.linear.gather [hbm4b:s18+s5], $0x80, $0x38;
	[tilespmem:$0x3080] =	vst v63  }
0x3ef: {  	s18 =	sshll.u32 s29, $0x4  }
0x3f0: {  	s18 =	sand.u32 $0x1FFFFFF0, s18  }
0x3f1: {  	s17 =	sadd.s32 $0x80, s17;
	s18 =	sadd.s32 s4, s18  }
0x3f2: {  	[tilespmem:s17], [sflag:$0x1] =	stream.linear.gather [hbm4b:s18+s5], $0x80, $0x38;
	[tilespmem:$0x3080] =	vst v63  }
0x3f3: {  	s30 =	spop (v2sf)  }
0x3f4: {  	s18 =	sshll.u32 s30, $0x4  }
0x3f5: {  	s18 =	sand.u32 $0x1FFFFFF0, s18  }
0x3f6: {  	s17 =	sadd.s32 $0x80, s17;
	s18 =	sadd.s32 s4, s18  }
0x3f7: {  	[tilespmem:s17], [sflag:$0x1] =	stream.linear.gather [hbm4b:s18+s5], $0x80, $0x38;
	[tilespmem:$0x3080] =	vst v63  }
0x3f8: {  	s31 =	spop (v2sf)  }
0x3f9: {  	s18 =	sshll.u32 s31, $0x4  }
0x3fa: {  	s18 =	sand.u32 $0x1FFFFFF0, s18  }
0x3fb: {  	s17 =	sadd.s32 $0x80, s17;
	s18 =	sadd.s32 s4, s18  }
0x3fc: {  	[tilespmem:s17], [sflag:$0x1] =	stream.linear.gather [hbm4b:s18+s5], $0x80, $0x38;
	[tilespmem:$0x3080] =	vst v63  }
0x3fd: {  	s16 =	sadd.s32 $0x1, s16;
	_ =	swait.ge [sflag:s14], $0x800  }
0x3fe: {  	p0 =	sne.s32 s16, s12;
	[sflag:s14] =	ssyncset.done $0x0  }
.Ltmp18:
0x3ff: {  	[sflag:s14] =	ssyncadd.s32 $0xFFFFF800;
	(pc) =	sbr.rel @p0 .LBB2_1-.Ltmp18, $4  }
0x400: {  	[hbm4b:s11+s5] =	stream.linear.scatter [tilespmem:s15], [sflag:$0x2], $0x3000, $0x38;
	[tilespmem:$0x3080] =	vst v63  }
0x401: {  	_ =	swait.ge [sflag:s13], $0x3000  }
0x402: {  	[sflag:s13] =	ssyncset.done $0x0  }
0x403: {  	[sflag:s13] =	ssyncadd.s32 $0xFFFFD000  }
0x404: {  	_ =	sfence.sel $0x180000  }
0x405: {  	[bflag:$0x0] =	sbarrier.arrive $0xFFFF  }
0x406: {  	p0 =	sne.s32 s0, $0x0;
	_ =	strace $0x90000047  }
0x407: {  	s0 =	sadd.s32 @!p0 $0x100000, s3;
	[bflag:$0x2] =	sbarrier.arrive $0xFFFF  }
0x408: {  	[sflag:s0] =	ssyncadd.tile.s32 @!p0 $0x1;
	_ =	shalt  }
.Lfunc_end2:
_tile_overlayer_lowered:
.L_overlay_start_2:
0x409: {  	(tag) =	ssettag $0x2  }
0x40a: {  	s0 =	rddreg [dreg:$0x0];
	s2 =	stileid.u32  }
0x40b: {  	s1 =	rddreg [dreg:$0x1];
	p0 =	sne.s32 s2, $0x0  }
0x40c: {  	s3 =	rddreg [dreg:$0x2];
	[bflag:$0x3] =	sbarrier.arrive $0xFFFF;
	s2 =	simm.s32 @!p0 $0x1C02  }
0x40d: {  	[timem:s3], [sflag:s2] =	dma.local @!p0 [hbm:s0], s1  }
0x40e: {  	s0 =	simm.s32 @!p0 $0x2  }
0x40f: {  	_ =	swait.ge @!p0 [sflag:s0], s1  }
0x410: {  	s1 =	ssub.s32 @!p0 $0x0, s1;
	[sflag:s0] =	ssyncset.done @!p0 $0x0  }
0x411: {  	[sflag:s0] =	ssyncadd.s32 @!p0 s1  }
0x412: {  	[bflag:$0x3] =	sbarrier.arrive $0xFFFF  }
0x413: {  	_ =	shalt  }

</sc_bundles>
